<compile_context>
chip_gen: v7x
topology: tpu7x:2x2x1
jax: 0.10.2.dev20260603
libtpu: 0.0.44.dev20260713+nightly
codegen_flags: <defaults>
</compile_context>

<pallas_src>
import functools

import jax
import jax.numpy as jnp
from jax import lax
from jax.experimental import pallas as pl
from jax.experimental.pallas import tpu as pltpu
from jax.experimental.pallas import tpu_sc as plsc

D = 128
NC, NS, L = 2, 16, 16
NW = NC * NS
CHUNK = 128
G = 80
HALF = 40
EPAD = NW * G * CHUNK
GD = EPAD // NS // CHUNK
NPAD = 10240
RPS = NPAD // NS
BLK = 512


def _mesh():
    return plsc.VectorSubcoreMesh(
        core_axis_name="c", subcore_axis_name="s",
        num_cores=NC, num_subcores=NS)


def _fill2d(ref, nrows, ncols, val):
    def rbody(i, _):
        def cbody(j, _):
            ref[i, pl.ds(j * L, L)] = jnp.full((L,), val, jnp.float32)
            return 0
        return lax.fori_loop(0, ncols // L, cbody, 0)
    lax.fori_loop(0, nrows, rbody, 0)


def _sc_degree(e2):
    @functools.partial(
        pl.kernel,
        out_type=jax.ShapeDtypeStruct((NC, NPAD, D), jnp.float32),
        mesh=_mesh(),
        scratch_types=[
            pltpu.VMEM((GD // 2,), jnp.int32),
            pltpu.VMEM((GD, CHUNK), jnp.int32),
            pltpu.VMEM((CHUNK, D), jnp.float32),
            pltpu.VMEM_SHARED((NPAD, D), jnp.float32),
            pltpu.SemaphoreType.DMA,
        ],
    )
    def k(e_hbm, out_hbm, cidx_v, idx_v, ones_v, acc_sh, semi):
        c = lax.axis_index("c")
        s = lax.axis_index("s")
        _fill2d(ones_v, CHUNK, D, 0.0)
        for j in range(RPS // CHUNK):
            pltpu.sync_copy(ones_v,
                            acc_sh.at[pl.ds(s * RPS + j * CHUNK, CHUNK)])
        hh = GD // 2
        base = c * NW * G + s * GD
        for h in range(2):
            def cb(j, _):
                cidx_v[pl.ds(j * L, L)] = lax.iota(jnp.int32, L) + (
                    base + h * hh + j * L)
                return 0
            lax.fori_loop(0, hh // L, cb, 0)
            pltpu.async_copy(e_hbm.at[cidx_v],
                             idx_v.at[pl.ds(h * hh, hh)], semi).wait()
        _fill2d(ones_v, CHUNK, D, 1.0)
        plsc.subcore_barrier()

        def body(g, _):
            pltpu.sync_copy(ones_v, acc_sh.at[idx_v.at[g]], add=True)
            return 0
        lax.fori_loop(0, GD, body, 0)
        plsc.subcore_barrier()
        for j in range(RPS // CHUNK):
            off = s * RPS + j * CHUNK
            pltpu.sync_copy(acc_sh.at[pl.ds(off, CHUNK)], ones_v)
            pltpu.sync_copy(ones_v, out_hbm.at[c].at[pl.ds(off, CHUNK)])

    return k(e2)


def _sc_edgepass(table, e2):
    nbuf = 2

    @functools.partial(
        pl.kernel,
        out_type=jax.ShapeDtypeStruct((NC, NPAD, D), jnp.float32),
        mesh=_mesh(),
        scratch_types=[
            pltpu.VMEM((2 * HALF,), jnp.int32),
            pltpu.VMEM((2 * HALF, CHUNK), jnp.int32),
            pltpu.VMEM((nbuf, CHUNK, D), jnp.float32),
            pltpu.VMEM_SHARED((NPAD, D), jnp.float32),
            pltpu.SemaphoreType.DMA((nbuf,)),
            pltpu.SemaphoreType.DMA,
        ],
    )
    def k(t_hbm, e_hbm, out_hbm, cidx_v, sidx_v, rows_v, acc_sh, sem, semi):
        c = lax.axis_index("c")
        s = lax.axis_index("s")
        w = c * NS + s

        vz = rows_v.at[0]
        _fill2d(vz, CHUNK, D, 0.0)
        for j in range(RPS // CHUNK):
            pltpu.sync_copy(vz, acc_sh.at[pl.ds(s * RPS + j * CHUNK, CHUNK)])
        plsc.subcore_barrier()

        def load_half(h):
            sb = w * G + h * HALF
            db = NW * G + w * G + h * HALF

            def cb(j, _):
                gi = lax.iota(jnp.int32, L) + j * L
                val = jnp.where(gi < HALF, sb + gi, db + (gi - HALF))
                cidx_v[pl.ds(j * L, L)] = val
                return 0
            lax.fori_loop(0, 2 * HALF // L, cb, 0)
            pltpu.async_copy(e_hbm.at[cidx_v], sidx_v, semi).wait()

        def gather(g, b):
            pltpu.async_copy(t_hbm.at[sidx_v.at[g]], rows_v.at[b], sem.at[b])

        def gwait(b):
            pltpu.make_async_copy(
                t_hbm.at[sidx_v.at[0]], rows_v.at[b], sem.at[b]).wait()

        for h in range(G // HALF):
            load_half(h)
            gather(0, 0)

            def body(g, _):
                b = lax.rem(g, nbuf)
                gather(lax.rem(g + 1, HALF), lax.rem(g + 1, nbuf))
                gwait(b)
                pltpu.sync_copy(rows_v.at[b], acc_sh.at[sidx_v.at[HALF + g]],
                                add=True)
                return 0
            lax.fori_loop(0, HALF, body, 0)
            gwait(HALF % nbuf)

        plsc.subcore_barrier()
        for j in range(RPS // CHUNK):
            off = s * RPS + j * CHUNK
            b = rows_v.at[j % nbuf]
            pltpu.sync_copy(acc_sh.at[pl.ds(off, CHUNK)], b)
            pltpu.sync_copy(b, out_hbm.at[c].at[pl.ds(off, CHUNK)])

    return k(table, e2)


def _tc_norms_mm(dsrc, ddst, x_p, W1):
    def body(ds_ref, dd_ref, x_ref, w_ref, ns_ref, nd_ref, t_ref):
        dsv = ds_ref[...]
        nsv = jnp.where(dsv > 0, lax.rsqrt(jnp.maximum(dsv, 1.0)), 0.0)
        ddv = dd_ref[...]
        ndv = jnp.where(ddv > 0, lax.rsqrt(jnp.maximum(ddv, 1.0)), 0.0)
        ns_ref[...] = nsv
        nd_ref[...] = ndv
        t_ref[...] = jnp.dot(x_ref[...], w_ref[...],
                             preferred_element_type=jnp.float32) * nsv

    return pl.pallas_call(
        body,
        grid=(NPAD // BLK,),
        in_specs=[
            pl.BlockSpec((BLK, 1), lambda i: (i, 0)),
            pl.BlockSpec((BLK, 1), lambda i: (i, 0)),
            pl.BlockSpec((BLK, D), lambda i: (i, 0)),
            pl.BlockSpec((D, D), lambda i: (0, 0)),
        ],
        out_specs=[
            pl.BlockSpec((BLK, 1), lambda i: (i, 0)),
            pl.BlockSpec((BLK, 1), lambda i: (i, 0)),
            pl.BlockSpec((BLK, D), lambda i: (i, 0)),
        ],
        out_shape=[
            jax.ShapeDtypeStruct((NPAD, 1), jnp.float32),
            jax.ShapeDtypeStruct((NPAD, 1), jnp.float32),
            jax.ShapeDtypeStruct((NPAD, D), jnp.float32),
        ],
    )(dsrc, ddst, x_p, W1)


def _tc_boundary(p, nd, b, W, ns):
    def body(p_ref, nd_ref, b_ref, w_ref, ns_ref, h_ref, t_ref):
        agg = p_ref[0] + p_ref[1]
        h = jnp.maximum(agg * nd_ref[...] + b_ref[...], 0.0)
        h_ref[...] = h
        t_ref[...] = jnp.dot(h, w_ref[...],
                             preferred_element_type=jnp.float32) * ns_ref[...]

    return pl.pallas_call(
        body,
        grid=(NPAD // BLK,),
        in_specs=[
            pl.BlockSpec((NC, BLK, D), lambda i: (0, i, 0)),
            pl.BlockSpec((BLK, 1), lambda i: (i, 0)),
            pl.BlockSpec((1, D), lambda i: (0, 0)),
            pl.BlockSpec((D, D), lambda i: (0, 0)),
            pl.BlockSpec((BLK, 1), lambda i: (i, 0)),
        ],
        out_specs=[
            pl.BlockSpec((BLK, D), lambda i: (i, 0)),
            pl.BlockSpec((BLK, D), lambda i: (i, 0)),
        ],
        out_shape=[
            jax.ShapeDtypeStruct((NPAD, D), jnp.float32),
            jax.ShapeDtypeStruct((NPAD, D), jnp.float32),
        ],
    )(p, nd, b, W, ns)


def _tc_final(p, nd, b):
    def body(p_ref, nd_ref, b_ref, h_ref):
        agg = p_ref[0] + p_ref[1]
        h_ref[...] = agg * nd_ref[...] + b_ref[...]

    return pl.pallas_call(
        body,
        grid=(NPAD // BLK,),
        in_specs=[
            pl.BlockSpec((NC, BLK, D), lambda i: (0, i, 0)),
            pl.BlockSpec((BLK, 1), lambda i: (i, 0)),
            pl.BlockSpec((1, D), lambda i: (0, 0)),
        ],
        out_specs=pl.BlockSpec((BLK, D), lambda i: (i, 0)),
        out_shape=jax.ShapeDtypeStruct((NPAD, D), jnp.float32),
    )(p, nd, b)


def kernel(x, edge_index, W1, b1, W2, b2, W3, b3):
    n = x.shape[0]
    e = edge_index.shape[1]
    src = edge_index[0].astype(jnp.int32)
    dst = edge_index[1].astype(jnp.int32)
    padv = n + (jnp.arange(EPAD - e, dtype=jnp.int32) % (NPAD - n))
    src_p = jnp.concatenate([src, padv])
    dst_p = jnp.concatenate([dst, padv])
    e2 = jnp.concatenate([src_p.reshape(NW * G, CHUNK),
                          dst_p.reshape(NW * G, CHUNK)])
    x_p = jnp.concatenate([x, jnp.zeros((NPAD - n, D), jnp.float32)])

    deg2 = _sc_degree(e2)
    dsrc = deg2[0, :, 0:1]
    ddst = deg2[1, :, 0:1]
    ns_, nd_, t1 = _tc_norms_mm(dsrc, ddst, x_p, W1)
    p1 = _sc_edgepass(t1, e2)
    h1, t2 = _tc_boundary(p1, nd_, b1.reshape(1, D), W2, ns_)
    p2 = _sc_edgepass(t2, e2)
    h2, t3 = _tc_boundary(p2, nd_, b2.reshape(1, D), W3, ns_)
    p3 = _sc_edgepass(t3, e2)
    h3 = _tc_final(p3, nd_, b3.reshape(1, D))
    return (x, h1[:n], h2[:n], h3[:n])

# --- scband reference (transcript-rebuilt; emitter-appended) ---
"""Pipeline reference for scband-gcn-60610578482005 (READ-ONLY COPY).

The authoritative reference and input builder live on the scoring server;
editing this copy changes nothing except your own understanding.
"""

import jax, jax.numpy as jnp
import numpy as np

N = 10000
E = 320000
D = 128


def setup_inputs(seed: int = 0) -> dict:
    key = jax.random.key(seed)
    ks = jax.random.split(key, 8)
    x = jax.random.normal(ks[0], (N, D), dtype=jnp.float32)
    edge_index = jax.random.randint(ks[1], (2, E), 0, N)
    scale = 1.0 / np.sqrt(D)
    W1 = jax.random.normal(ks[2], (D, D), dtype=jnp.float32) * scale
    b1 = jnp.zeros((D,), dtype=jnp.float32)
    W2 = jax.random.normal(ks[3], (D, D), dtype=jnp.float32) * scale
    b2 = jnp.zeros((D,), dtype=jnp.float32)
    W3 = jax.random.normal(ks[4], (D, D), dtype=jnp.float32) * scale
    b3 = jnp.zeros((D,), dtype=jnp.float32)
    return {"x": x, "edge_index": edge_index, "W1": W1, "b1": b1, "W2": W2, "b2": b2, "W3": W3, "b3": b3}


def _graph_conv(x, src, dst, W, b):
    # DGL GraphConv with norm='both': out = D_in^{-1/2} A (D_out^{-1/2} (X W)) + b
    ones = jnp.ones((src.shape[0],), dtype=jnp.float32)
    out_deg = jax.ops.segment_sum(ones, src, num_segments=N)
    in_deg = jax.ops.segment_sum(ones, dst, num_segments=N)
    norm_src = jnp.where(out_deg > 0, 1.0 / jnp.sqrt(jnp.maximum(out_deg, 1.0)), 0.0)
    norm_dst = jnp.where(in_deg > 0, 1.0 / jnp.sqrt(jnp.maximum(in_deg, 1.0)), 0.0)
    h = x @ W
    m = jnp.take(h, src, axis=0) * norm_src[src][:, None]
    agg = jax.ops.segment_sum(m, dst, num_segments=N)
    return agg * norm_dst[:, None] + b


def reference(x, edge_index, W1, b1, W2, b2, W3, b3):
    src = edge_index[0]
    dst = edge_index[1]
    outputs = [x]
    h = jax.nn.relu(_graph_conv(x, src, dst, W1, b1))
    outputs.append(h)
    h = jax.nn.relu(_graph_conv(h, src, dst, W2, b2))
    outputs.append(h)
    h = _graph_conv(h, src, dst, W3, b3)
    outputs.append(h)
    return tuple(outputs)

if __name__ == "__main__":
    import jax
    _d = setup_inputs()
    print(jax.jit(kernel)(*tuple(_d.values())))

</pallas_src>

<mosaic_0001>
#map = affine_map<(d0, d1) -> (0, 0)>
#map1 = affine_map<(d0, d1) -> (0, 0, 0)>
module attributes {stable_mosaic.version = 14 : i64} {
  func.func @k(%arg0: i32, %arg1: i32, %arg2: memref<10240x128xf32, #tpu.memory_space<hbm>>, %arg3: memref<5120x128xi32, #tpu.memory_space<hbm>>, %arg4: memref<2x10240x128xf32, #tpu.memory_space<hbm>>, %arg5: memref<80xi32, #tpu.memory_space<vmem>>, %arg6: memref<80x128xi32, #tpu.memory_space<vmem>>, %arg7: memref<2x128x128xf32, #tpu.memory_space<vmem>>, %arg8: memref<10240x128xf32, #tpu.memory_space<vmem_shared>>, %arg9: memref<2x!tpu.dma_semaphore, #tpu.memory_space<semaphore_mem>>, %arg10: memref<!tpu.dma_semaphore, #tpu.memory_space<semaphore_mem>>) attributes {dimension_semantics = [#tpu.dimension_semantics<core_parallel>, #tpu.dimension_semantics<subcore_parallel>], iteration_bounds = array<i64: 2, 16>, scalar_prefetch = 0 : i64, scratch_operands = 6 : i64, tpu.core_type = #tpu.core_type<sc_vector_subcore>, window_params = [{transform_indices = #map}, {transform_indices = #map}, {transform_indices = #map1}]} {
    %mul3A = arith.constant 16 : i32
    %mul3A_0 = arith.muli %arg0, %mul3A : i32
    %add3A = arith.addi %mul3A_0, %arg1 : i32
    %scan3A = arith.constant 0 : i32
    %scan3A_1 = arith.constant 0 : i32
    %scan3A_2 = arith.constant 0 : i32
    %scan3A_3 = arith.constant 128 : i32
    %scan3A_4 = arith.addi %scan3A_2, %scan3A_3 : i32
    %scan3A_5 = arith.constant 1 : i32
    %scan3A_6 = scf.for %scan3A_181 = %scan3A_2 to %scan3A_4 step %scan3A_5 iter_args(%scan3A_182 = %scan3A_1) -> (i32)  : i32 {
      %scan3A_183 = arith.constant 0 : i32
      %scan3A_184 = arith.constant 0 : i32
      %scan3A_185 = arith.constant 8 : i32
      %scan3A_186 = arith.addi %scan3A_184, %scan3A_185 : i32
      %scan3A_187 = arith.constant 1 : i32
      %scan3A_188 = scf.for %scan3A_190 = %scan3A_184 to %scan3A_186 step %scan3A_187 iter_args(%scan3A_191 = %scan3A_183) -> (i32)  : i32 {
        %broadcast_in_dim3A = arith.constant 0.000000e+00 : f32
        %broadcast_in_dim3A_192 = vector.broadcast %broadcast_in_dim3A : f32 to vector<16xf32>
        %mul3A_193 = arith.constant 16 : i32
        %mul3A_194 = arith.muli %scan3A_190, %mul3A_193 : i32
        %swap3A = arith.constant 0 : i32
        %swap3A_195 = arith.constant 0 : i32
        %swap3A_196 = tpu.memref_slice %arg7[%scan3A, %swap3A, %swap3A_195] : memref<2x128x128xf32, #tpu.memory_space<vmem>> -> memref<1x128x128xf32, #tpu.memory_space<vmem>>
        %swap3A_197 = tpu.memref_squeeze %swap3A_196 : memref<1x128x128xf32, #tpu.memory_space<vmem>> -> memref<128x128xf32, #tpu.memory_space<vmem>>
        %swap3A_198 = arith.index_cast %scan3A_181 : i32 to index
        %swap3A_199 = arith.index_cast %mul3A_194 : i32 to index
        %swap3A_200 = tpu.vector_load %swap3A_197[%swap3A_198, %swap3A_199] {strides = array<i32>} : memref<128x128xf32, #tpu.memory_space<vmem>>, vector<1x16xf32>,
        %swap3A_201 = vector.shape_cast %swap3A_200 : vector<1x16xf32> to vector<16xf32>
        %swap3A_202 = vector.shape_cast %broadcast_in_dim3A_192 : vector<16xf32> to vector<1x16xf32>
        tpu.vector_store %swap3A_197[%swap3A_198, %swap3A_199], %swap3A_202 {strides = array<i32>} : memref<128x128xf32, #tpu.memory_space<vmem>>, vector<1x16xf32>,
        %scan3A_203 = arith.constant 0 : i32
        scf.yield %scan3A_203 : i32
      }
      %scan3A_189 = arith.constant 8 : i32
      scf.yield %scan3A_188 : i32
    }
    %scan3A_7 = arith.constant 128 : i32
    %mul3A_8 = arith.constant 640 : i32
    %mul3A_9 = arith.muli %arg1, %mul3A_8 : i32
    %add3A_10 = arith.constant 0 : i32
    %add3A_11 = arith.addi %mul3A_9, %add3A_10 : i32
    %run_scoped3A = arith.constant 0 : i32
    "tpu.region"() ({
      %run_scoped3A_181 = tpu.sem_alloc : memref<!tpu.dma_semaphore, #tpu.memory_space<semaphore_mem>>
      %dma_start3A_182 = arith.constant 0 : i32
      %dma_start3A_183 = arith.constant 0 : i32
      %dma_start3A_184 = tpu.memref_slice %arg7[%run_scoped3A, %dma_start3A_182, %dma_start3A_183] : memref<2x128x128xf32, #tpu.memory_space<vmem>> -> memref<1x128x128xf32, #tpu.memory_space<vmem>>
      %dma_start3A_185 = tpu.memref_squeeze %dma_start3A_184 : memref<1x128x128xf32, #tpu.memory_space<vmem>> -> memref<128x128xf32, #tpu.memory_space<vmem>>
      %dma_start3A_186 = arith.constant 0 : i32
      %dma_start3A_187 = tpu.memref_slice %arg8[%add3A_11, %dma_start3A_186] : memref<10240x128xf32, #tpu.memory_space<vmem_shared>> -> memref<128x128xf32, #tpu.memory_space<vmem_shared>>
      %dma_start3A_188 = arith.constant 0 : i32
      %dma_start3A_189 = tpu.memref_slice %arg8[%add3A_11, %dma_start3A_188] : memref<10240x128xf32, #tpu.memory_space<vmem_shared>> -> memref<128x128xf32, #tpu.memory_space<vmem_shared>>
      %dma_start3A_190 = arith.constant 0 : i32
      %dma_start3A_191 = arith.constant 0 : i32
      %dma_start3A_192 = tpu.memref_slice %arg7[%run_scoped3A, %dma_start3A_190, %dma_start3A_191] : memref<2x128x128xf32, #tpu.memory_space<vmem>> -> memref<1x128x128xf32, #tpu.memory_space<vmem>>
      %dma_start3A_193 = tpu.memref_squeeze %dma_start3A_192 : memref<1x128x128xf32, #tpu.memory_space<vmem>> -> memref<128x128xf32, #tpu.memory_space<vmem>>
      tpu.enqueue_dma source(%dma_start3A_193 : memref<128x128xf32, #tpu.memory_space<vmem>>) target(%dma_start3A_189 : memref<128x128xf32, #tpu.memory_space<vmem_shared>>) target_semaphore(%run_scoped3A_181 : memref<!tpu.dma_semaphore, #tpu.memory_space<semaphore_mem>>)
      %dma_wait3A_194 = arith.constant 0 : i32
      %dma_wait3A_195 = arith.constant 0 : i32
      %dma_wait3A_196 = tpu.memref_slice %arg7[%run_scoped3A, %dma_wait3A_194, %dma_wait3A_195] : memref<2x128x128xf32, #tpu.memory_space<vmem>> -> memref<1x128x128xf32, #tpu.memory_space<vmem>>
      %dma_wait3A_197 = tpu.memref_squeeze %dma_wait3A_196 : memref<1x128x128xf32, #tpu.memory_space<vmem>> -> memref<128x128xf32, #tpu.memory_space<vmem>>
      %dma_wait3A_198 = arith.constant 0 : i32
      %dma_wait3A_199 = tpu.memref_slice %arg8[%add3A_11, %dma_wait3A_198] : memref<10240x128xf32, #tpu.memory_space<vmem_shared>> -> memref<128x128xf32, #tpu.memory_space<vmem_shared>>
      %dma_wait3A_200 = arith.constant 0 : i32
      %dma_wait3A_201 = tpu.memref_slice %arg8[%add3A_11, %dma_wait3A_200] : memref<10240x128xf32, #tpu.memory_space<vmem_shared>> -> memref<128x128xf32, #tpu.memory_space<vmem_shared>>
      %dma_wait3A_202 = arith.constant 0 : i32
      %dma_wait3A_203 = arith.constant 0 : i32
      %dma_wait3A_204 = tpu.memref_slice %arg7[%run_scoped3A, %dma_wait3A_202, %dma_wait3A_203] : memref<2x128x128xf32, #tpu.memory_space<vmem>> -> memref<1x128x128xf32, #tpu.memory_space<vmem>>
      %dma_wait3A_205 = tpu.memref_squeeze %dma_wait3A_204 : memref<1x128x128xf32, #tpu.memory_space<vmem>> -> memref<128x128xf32, #tpu.memory_space<vmem>>
      tpu.wait_dma2 semaphore(%run_scoped3A_181 : memref<!tpu.dma_semaphore, #tpu.memory_space<semaphore_mem>>) src(%dma_wait3A_205 : memref<128x128xf32, #tpu.memory_space<vmem>>) dst(%dma_wait3A_201 : memref<128x128xf32, #tpu.memory_space<vmem_shared>>)
      tpu.yield
    }) : () -> ()
    %mul3A_12 = arith.constant 640 : i32
    %mul3A_13 = arith.muli %arg1, %mul3A_12 : i32
    %add3A_14 = arith.constant 128 : i32
    %add3A_15 = arith.addi %mul3A_13, %add3A_14 : i32
    %run_scoped3A_16 = arith.constant 0 : i32
    "tpu.region"() ({
      %run_scoped3A_181 = tpu.sem_alloc : memref<!tpu.dma_semaphore, #tpu.memory_space<semaphore_mem>>
      %dma_start3A_182 = arith.constant 0 : i32
      %dma_start3A_183 = arith.constant 0 : i32
      %dma_start3A_184 = tpu.memref_slice %arg7[%run_scoped3A_16, %dma_start3A_182, %dma_start3A_183] : memref<2x128x128xf32, #tpu.memory_space<vmem>> -> memref<1x128x128xf32, #tpu.memory_space<vmem>>
      %dma_start3A_185 = tpu.memref_squeeze %dma_start3A_184 : memref<1x128x128xf32, #tpu.memory_space<vmem>> -> memref<128x128xf32, #tpu.memory_space<vmem>>
      %dma_start3A_186 = arith.constant 0 : i32
      %dma_start3A_187 = tpu.memref_slice %arg8[%add3A_15, %dma_start3A_186] : memref<10240x128xf32, #tpu.memory_space<vmem_shared>> -> memref<128x128xf32, #tpu.memory_space<vmem_shared>>
      %dma_start3A_188 = arith.constant 0 : i32
      %dma_start3A_189 = tpu.memref_slice %arg8[%add3A_15, %dma_start3A_188] : memref<10240x128xf32, #tpu.memory_space<vmem_shared>> -> memref<128x128xf32, #tpu.memory_space<vmem_shared>>
      %dma_start3A_190 = arith.constant 0 : i32
      %dma_start3A_191 = arith.constant 0 : i32
      %dma_start3A_192 = tpu.memref_slice %arg7[%run_scoped3A_16, %dma_start3A_190, %dma_start3A_191] : memref<2x128x128xf32, #tpu.memory_space<vmem>> -> memref<1x128x128xf32, #tpu.memory_space<vmem>>
      %dma_start3A_193 = tpu.memref_squeeze %dma_start3A_192 : memref<1x128x128xf32, #tpu.memory_space<vmem>> -> memref<128x128xf32, #tpu.memory_space<vmem>>
      tpu.enqueue_dma source(%dma_start3A_193 : memref<128x128xf32, #tpu.memory_space<vmem>>) target(%dma_start3A_189 : memref<128x128xf32, #tpu.memory_space<vmem_shared>>) target_semaphore(%run_scoped3A_181 : memref<!tpu.dma_semaphore, #tpu.memory_space<semaphore_mem>>)
      %dma_wait3A_194 = arith.constant 0 : i32
      %dma_wait3A_195 = arith.constant 0 : i32
      %dma_wait3A_196 = tpu.memref_slice %arg7[%run_scoped3A_16, %dma_wait3A_194, %dma_wait3A_195] : memref<2x128x128xf32, #tpu.memory_space<vmem>> -> memref<1x128x128xf32, #tpu.memory_space<vmem>>
      %dma_wait3A_197 = tpu.memref_squeeze %dma_wait3A_196 : memref<1x128x128xf32, #tpu.memory_space<vmem>> -> memref<128x128xf32, #tpu.memory_space<vmem>>
      %dma_wait3A_198 = arith.constant 0 : i32
      %dma_wait3A_199 = tpu.memref_slice %arg8[%add3A_15, %dma_wait3A_198] : memref<10240x128xf32, #tpu.memory_space<vmem_shared>> -> memref<128x128xf32, #tpu.memory_space<vmem_shared>>
      %dma_wait3A_200 = arith.constant 0 : i32
      %dma_wait3A_201 = tpu.memref_slice %arg8[%add3A_15, %dma_wait3A_200] : memref<10240x128xf32, #tpu.memory_space<vmem_shared>> -> memref<128x128xf32, #tpu.memory_space<vmem_shared>>
      %dma_wait3A_202 = arith.constant 0 : i32
      %dma_wait3A_203 = arith.constant 0 : i32
      %dma_wait3A_204 = tpu.memref_slice %arg7[%run_scoped3A_16, %dma_wait3A_202, %dma_wait3A_203] : memref<2x128x128xf32, #tpu.memory_space<vmem>> -> memref<1x128x128xf32, #tpu.memory_space<vmem>>
      %dma_wait3A_205 = tpu.memref_squeeze %dma_wait3A_204 : memref<1x128x128xf32, #tpu.memory_space<vmem>> -> memref<128x128xf32, #tpu.memory_space<vmem>>
      tpu.wait_dma2 semaphore(%run_scoped3A_181 : memref<!tpu.dma_semaphore, #tpu.memory_space<semaphore_mem>>) src(%dma_wait3A_205 : memref<128x128xf32, #tpu.memory_space<vmem>>) dst(%dma_wait3A_201 : memref<128x128xf32, #tpu.memory_space<vmem_shared>>)
      tpu.yield
    }) : () -> ()
    %mul3A_17 = arith.constant 640 : i32
    %mul3A_18 = arith.muli %arg1, %mul3A_17 : i32
    %add3A_19 = arith.constant 256 : i32
    %add3A_20 = arith.addi %mul3A_18, %add3A_19 : i32
    %run_scoped3A_21 = arith.constant 0 : i32
    "tpu.region"() ({
      %run_scoped3A_181 = tpu.sem_alloc : memref<!tpu.dma_semaphore, #tpu.memory_space<semaphore_mem>>
      %dma_start3A_182 = arith.constant 0 : i32
      %dma_start3A_183 = arith.constant 0 : i32
      %dma_start3A_184 = tpu.memref_slice %arg7[%run_scoped3A_21, %dma_start3A_182, %dma_start3A_183] : memref<2x128x128xf32, #tpu.memory_space<vmem>> -> memref<1x128x128xf32, #tpu.memory_space<vmem>>
      %dma_start3A_185 = tpu.memref_squeeze %dma_start3A_184 : memref<1x128x128xf32, #tpu.memory_space<vmem>> -> memref<128x128xf32, #tpu.memory_space<vmem>>
      %dma_start3A_186 = arith.constant 0 : i32
      %dma_start3A_187 = tpu.memref_slice %arg8[%add3A_20, %dma_start3A_186] : memref<10240x128xf32, #tpu.memory_space<vmem_shared>> -> memref<128x128xf32, #tpu.memory_space<vmem_shared>>
      %dma_start3A_188 = arith.constant 0 : i32
      %dma_start3A_189 = tpu.memref_slice %arg8[%add3A_20, %dma_start3A_188] : memref<10240x128xf32, #tpu.memory_space<vmem_shared>> -> memref<128x128xf32, #tpu.memory_space<vmem_shared>>
      %dma_start3A_190 = arith.constant 0 : i32
      %dma_start3A_191 = arith.constant 0 : i32
      %dma_start3A_192 = tpu.memref_slice %arg7[%run_scoped3A_21, %dma_start3A_190, %dma_start3A_191] : memref<2x128x128xf32, #tpu.memory_space<vmem>> -> memref<1x128x128xf32, #tpu.memory_space<vmem>>
      %dma_start3A_193 = tpu.memref_squeeze %dma_start3A_192 : memref<1x128x128xf32, #tpu.memory_space<vmem>> -> memref<128x128xf32, #tpu.memory_space<vmem>>
      tpu.enqueue_dma source(%dma_start3A_193 : memref<128x128xf32, #tpu.memory_space<vmem>>) target(%dma_start3A_189 : memref<128x128xf32, #tpu.memory_space<vmem_shared>>) target_semaphore(%run_scoped3A_181 : memref<!tpu.dma_semaphore, #tpu.memory_space<semaphore_mem>>)
      %dma_wait3A_194 = arith.constant 0 : i32
      %dma_wait3A_195 = arith.constant 0 : i32
      %dma_wait3A_196 = tpu.memref_slice %arg7[%run_scoped3A_21, %dma_wait3A_194, %dma_wait3A_195] : memref<2x128x128xf32, #tpu.memory_space<vmem>> -> memref<1x128x128xf32, #tpu.memory_space<vmem>>
      %dma_wait3A_197 = tpu.memref_squeeze %dma_wait3A_196 : memref<1x128x128xf32, #tpu.memory_space<vmem>> -> memref<128x128xf32, #tpu.memory_space<vmem>>
      %dma_wait3A_198 = arith.constant 0 : i32
      %dma_wait3A_199 = tpu.memref_slice %arg8[%add3A_20, %dma_wait3A_198] : memref<10240x128xf32, #tpu.memory_space<vmem_shared>> -> memref<128x128xf32, #tpu.memory_space<vmem_shared>>
      %dma_wait3A_200 = arith.constant 0 : i32
      %dma_wait3A_201 = tpu.memref_slice %arg8[%add3A_20, %dma_wait3A_200] : memref<10240x128xf32, #tpu.memory_space<vmem_shared>> -> memref<128x128xf32, #tpu.memory_space<vmem_shared>>
      %dma_wait3A_202 = arith.constant 0 : i32
      %dma_wait3A_203 = arith.constant 0 : i32
      %dma_wait3A_204 = tpu.memref_slice %arg7[%run_scoped3A_21, %dma_wait3A_202, %dma_wait3A_203] : memref<2x128x128xf32, #tpu.memory_space<vmem>> -> memref<1x128x128xf32, #tpu.memory_space<vmem>>
      %dma_wait3A_205 = tpu.memref_squeeze %dma_wait3A_204 : memref<1x128x128xf32, #tpu.memory_space<vmem>> -> memref<128x128xf32, #tpu.memory_space<vmem>>
      tpu.wait_dma2 semaphore(%run_scoped3A_181 : memref<!tpu.dma_semaphore, #tpu.memory_space<semaphore_mem>>) src(%dma_wait3A_205 : memref<128x128xf32, #tpu.memory_space<vmem>>) dst(%dma_wait3A_201 : memref<128x128xf32, #tpu.memory_space<vmem_shared>>)
      tpu.yield
    }) : () -> ()
    %mul3A_22 = arith.constant 640 : i32
    %mul3A_23 = arith.muli %arg1, %mul3A_22 : i32
    %add3A_24 = arith.constant 384 : i32
    %add3A_25 = arith.addi %mul3A_23, %add3A_24 : i32
    %run_scoped3A_26 = arith.constant 0 : i32
    "tpu.region"() ({
      %run_scoped3A_181 = tpu.sem_alloc : memref<!tpu.dma_semaphore, #tpu.memory_space<semaphore_mem>>
      %dma_start3A_182 = arith.constant 0 : i32
      %dma_start3A_183 = arith.constant 0 : i32
      %dma_start3A_184 = tpu.memref_slice %arg7[%run_scoped3A_26, %dma_start3A_182, %dma_start3A_183] : memref<2x128x128xf32, #tpu.memory_space<vmem>> -> memref<1x128x128xf32, #tpu.memory_space<vmem>>
      %dma_start3A_185 = tpu.memref_squeeze %dma_start3A_184 : memref<1x128x128xf32, #tpu.memory_space<vmem>> -> memref<128x128xf32, #tpu.memory_space<vmem>>
      %dma_start3A_186 = arith.constant 0 : i32
      %dma_start3A_187 = tpu.memref_slice %arg8[%add3A_25, %dma_start3A_186] : memref<10240x128xf32, #tpu.memory_space<vmem_shared>> -> memref<128x128xf32, #tpu.memory_space<vmem_shared>>
      %dma_start3A_188 = arith.constant 0 : i32
      %dma_start3A_189 = tpu.memref_slice %arg8[%add3A_25, %dma_start3A_188] : memref<10240x128xf32, #tpu.memory_space<vmem_shared>> -> memref<128x128xf32, #tpu.memory_space<vmem_shared>>
      %dma_start3A_190 = arith.constant 0 : i32
      %dma_start3A_191 = arith.constant 0 : i32
      %dma_start3A_192 = tpu.memref_slice %arg7[%run_scoped3A_26, %dma_start3A_190, %dma_start3A_191] : memref<2x128x128xf32, #tpu.memory_space<vmem>> -> memref<1x128x128xf32, #tpu.memory_space<vmem>>
      %dma_start3A_193 = tpu.memref_squeeze %dma_start3A_192 : memref<1x128x128xf32, #tpu.memory_space<vmem>> -> memref<128x128xf32, #tpu.memory_space<vmem>>
      tpu.enqueue_dma source(%dma_start3A_193 : memref<128x128xf32, #tpu.memory_space<vmem>>) target(%dma_start3A_189 : memref<128x128xf32, #tpu.memory_space<vmem_shared>>) target_semaphore(%run_scoped3A_181 : memref<!tpu.dma_semaphore, #tpu.memory_space<semaphore_mem>>)
      %dma_wait3A_194 = arith.constant 0 : i32
      %dma_wait3A_195 = arith.constant 0 : i32
      %dma_wait3A_196 = tpu.memref_slice %arg7[%run_scoped3A_26, %dma_wait3A_194, %dma_wait3A_195] : memref<2x128x128xf32, #tpu.memory_space<vmem>> -> memref<1x128x128xf32, #tpu.memory_space<vmem>>
      %dma_wait3A_197 = tpu.memref_squeeze %dma_wait3A_196 : memref<1x128x128xf32, #tpu.memory_space<vmem>> -> memref<128x128xf32, #tpu.memory_space<vmem>>
      %dma_wait3A_198 = arith.constant 0 : i32
      %dma_wait3A_199 = tpu.memref_slice %arg8[%add3A_25, %dma_wait3A_198] : memref<10240x128xf32, #tpu.memory_space<vmem_shared>> -> memref<128x128xf32, #tpu.memory_space<vmem_shared>>
      %dma_wait3A_200 = arith.constant 0 : i32
      %dma_wait3A_201 = tpu.memref_slice %arg8[%add3A_25, %dma_wait3A_200] : memref<10240x128xf32, #tpu.memory_space<vmem_shared>> -> memref<128x128xf32, #tpu.memory_space<vmem_shared>>
      %dma_wait3A_202 = arith.constant 0 : i32
      %dma_wait3A_203 = arith.constant 0 : i32
      %dma_wait3A_204 = tpu.memref_slice %arg7[%run_scoped3A_26, %dma_wait3A_202, %dma_wait3A_203] : memref<2x128x128xf32, #tpu.memory_space<vmem>> -> memref<1x128x128xf32, #tpu.memory_space<vmem>>
      %dma_wait3A_205 = tpu.memref_squeeze %dma_wait3A_204 : memref<1x128x128xf32, #tpu.memory_space<vmem>> -> memref<128x128xf32, #tpu.memory_space<vmem>>
      tpu.wait_dma2 semaphore(%run_scoped3A_181 : memref<!tpu.dma_semaphore, #tpu.memory_space<semaphore_mem>>) src(%dma_wait3A_205 : memref<128x128xf32, #tpu.memory_space<vmem>>) dst(%dma_wait3A_201 : memref<128x128xf32, #tpu.memory_space<vmem_shared>>)
      tpu.yield
    }) : () -> ()
    %mul3A_27 = arith.constant 640 : i32
    %mul3A_28 = arith.muli %arg1, %mul3A_27 : i32
    %add3A_29 = arith.constant 512 : i32
    %add3A_30 = arith.addi %mul3A_28, %add3A_29 : i32
    %run_scoped3A_31 = arith.constant 0 : i32
    "tpu.region"() ({
      %run_scoped3A_181 = tpu.sem_alloc : memref<!tpu.dma_semaphore, #tpu.memory_space<semaphore_mem>>
      %dma_start3A_182 = arith.constant 0 : i32
      %dma_start3A_183 = arith.constant 0 : i32
      %dma_start3A_184 = tpu.memref_slice %arg7[%run_scoped3A_31, %dma_start3A_182, %dma_start3A_183] : memref<2x128x128xf32, #tpu.memory_space<vmem>> -> memref<1x128x128xf32, #tpu.memory_space<vmem>>
      %dma_start3A_185 = tpu.memref_squeeze %dma_start3A_184 : memref<1x128x128xf32, #tpu.memory_space<vmem>> -> memref<128x128xf32, #tpu.memory_space<vmem>>
      %dma_start3A_186 = arith.constant 0 : i32
      %dma_start3A_187 = tpu.memref_slice %arg8[%add3A_30, %dma_start3A_186] : memref<10240x128xf32, #tpu.memory_space<vmem_shared>> -> memref<128x128xf32, #tpu.memory_space<vmem_shared>>
      %dma_start3A_188 = arith.constant 0 : i32
      %dma_start3A_189 = tpu.memref_slice %arg8[%add3A_30, %dma_start3A_188] : memref<10240x128xf32, #tpu.memory_space<vmem_shared>> -> memref<128x128xf32, #tpu.memory_space<vmem_shared>>
      %dma_start3A_190 = arith.constant 0 : i32
      %dma_start3A_191 = arith.constant 0 : i32
      %dma_start3A_192 = tpu.memref_slice %arg7[%run_scoped3A_31, %dma_start3A_190, %dma_start3A_191] : memref<2x128x128xf32, #tpu.memory_space<vmem>> -> memref<1x128x128xf32, #tpu.memory_space<vmem>>
      %dma_start3A_193 = tpu.memref_squeeze %dma_start3A_192 : memref<1x128x128xf32, #tpu.memory_space<vmem>> -> memref<128x128xf32, #tpu.memory_space<vmem>>
      tpu.enqueue_dma source(%dma_start3A_193 : memref<128x128xf32, #tpu.memory_space<vmem>>) target(%dma_start3A_189 : memref<128x128xf32, #tpu.memory_space<vmem_shared>>) target_semaphore(%run_scoped3A_181 : memref<!tpu.dma_semaphore, #tpu.memory_space<semaphore_mem>>)
      %dma_wait3A_194 = arith.constant 0 : i32
      %dma_wait3A_195 = arith.constant 0 : i32
      %dma_wait3A_196 = tpu.memref_slice %arg7[%run_scoped3A_31, %dma_wait3A_194, %dma_wait3A_195] : memref<2x128x128xf32, #tpu.memory_space<vmem>> -> memref<1x128x128xf32, #tpu.memory_space<vmem>>
      %dma_wait3A_197 = tpu.memref_squeeze %dma_wait3A_196 : memref<1x128x128xf32, #tpu.memory_space<vmem>> -> memref<128x128xf32, #tpu.memory_space<vmem>>
      %dma_wait3A_198 = arith.constant 0 : i32
      %dma_wait3A_199 = tpu.memref_slice %arg8[%add3A_30, %dma_wait3A_198] : memref<10240x128xf32, #tpu.memory_space<vmem_shared>> -> memref<128x128xf32, #tpu.memory_space<vmem_shared>>
      %dma_wait3A_200 = arith.constant 0 : i32
      %dma_wait3A_201 = tpu.memref_slice %arg8[%add3A_30, %dma_wait3A_200] : memref<10240x128xf32, #tpu.memory_space<vmem_shared>> -> memref<128x128xf32, #tpu.memory_space<vmem_shared>>
      %dma_wait3A_202 = arith.constant 0 : i32
      %dma_wait3A_203 = arith.constant 0 : i32
      %dma_wait3A_204 = tpu.memref_slice %arg7[%run_scoped3A_31, %dma_wait3A_202, %dma_wait3A_203] : memref<2x128x128xf32, #tpu.memory_space<vmem>> -> memref<1x128x128xf32, #tpu.memory_space<vmem>>
      %dma_wait3A_205 = tpu.memref_squeeze %dma_wait3A_204 : memref<1x128x128xf32, #tpu.memory_space<vmem>> -> memref<128x128xf32, #tpu.memory_space<vmem>>
      tpu.wait_dma2 semaphore(%run_scoped3A_181 : memref<!tpu.dma_semaphore, #tpu.memory_space<semaphore_mem>>) src(%dma_wait3A_205 : memref<128x128xf32, #tpu.memory_space<vmem>>) dst(%dma_wait3A_201 : memref<128x128xf32, #tpu.memory_space<vmem_shared>>)
      tpu.yield
    }) : () -> ()
    %barrier3A = arith.constant 0 : index
    tpu.barrier barrier_id(%barrier3A)
    %mul3A_32 = arith.constant 80 : i32
    %mul3A_33 = arith.muli %add3A, %mul3A_32 : i32
    %add3A_34 = arith.constant 0 : i32
    %add3A_35 = arith.addi %mul3A_33, %add3A_34 : i32
    %mul3A_36 = arith.constant 80 : i32
    %mul3A_37 = arith.muli %add3A, %mul3A_36 : i32
    %add3A_38 = arith.constant 2560 : i32
    %add3A_39 = arith.addi %add3A_38, %mul3A_37 : i32
    %add3A_40 = arith.constant 0 : i32
    %add3A_41 = arith.addi %add3A_39, %add3A_40 : i32
    %scan3A_42 = arith.constant 0 : i32
    %scan3A_43 = arith.constant 0 : i32
    %scan3A_44 = arith.constant 5 : i32
    %scan3A_45 = arith.addi %scan3A_43, %scan3A_44 : i32
    %scan3A_46 = arith.constant 1 : i32
    %scan3A_47 = scf.for %scan3A_181 = %scan3A_43 to %scan3A_45 step %scan3A_46 iter_args(%scan3A_182 = %scan3A_42) -> (i32)  : i32 {
      %iota3A = tpu.iota {dimensions = array<i32: 0>} : vector<16xi32>
      %mul3A_183 = arith.constant 16 : i32
      %mul3A_184 = arith.muli %scan3A_181, %mul3A_183 : i32
      %add3A_185 = vector.broadcast %mul3A_184 : i32 to vector<16xi32>
      %add3A_186 = arith.addi %iota3A, %add3A_185 : vector<16xi32>
      %lt3A = arith.constant 40 : i32
      %lt3A_187 = vector.broadcast %lt3A : i32 to vector<16xi32>
      %lt3A_188 = arith.cmpi slt, %add3A_186, %lt3A_187 : vector<16xi32>
      %add3A_189 = vector.broadcast %add3A_35 : i32 to vector<16xi32>
      %add3A_190 = arith.addi %add3A_189, %add3A_186 : vector<16xi32>
      %sub3A = arith.constant 40 : i32
      %sub3A_191 = vector.broadcast %sub3A : i32 to vector<16xi32>
      %sub3A_192 = arith.subi %add3A_186, %sub3A_191 : vector<16xi32>
      %add3A_193 = vector.broadcast %add3A_41 : i32 to vector<16xi32>
      %add3A_194 = arith.addi %add3A_193, %sub3A_192 : vector<16xi32>
      %select_n3A = arith.select %lt3A_188, %add3A_190, %add3A_194 : vector<16xi1>, vector<16xi32>
      %mul3A_195 = arith.constant 16 : i32
      %mul3A_196 = arith.muli %scan3A_181, %mul3A_195 : i32
      %swap3A = arith.index_cast %mul3A_196 : i32 to index
      %swap3A_197 = tpu.vector_load %arg5[%swap3A] {strides = array<i32>} : memref<80xi32, #tpu.memory_space<vmem>>, vector<16xi32>,
      %swap3A_198 = vector.shape_cast %swap3A_197 : vector<16xi32> to vector<16xi32>
      %swap3A_199 = vector.shape_cast %select_n3A : vector<16xi32> to vector<16xi32>
      tpu.vector_store %arg5[%swap3A], %swap3A_199 {strides = array<i32>} : memref<80xi32, #tpu.memory_space<vmem>>, vector<16xi32>,
      %scan3A_200 = arith.constant 0 : i32
      scf.yield %scan3A_200 : i32
    }
    %scan3A_48 = arith.constant 5 : i32
    %dma_start3A = arith.constant 0 : i32
    %dma_start3A_49 = arith.constant 0 : i32
    %dma_start3A_50 = tpu.memref_slice %arg3[%dma_start3A, %dma_start3A_49] : memref<5120x128xi32, #tpu.memory_space<hbm>> -> memref<5120x128xi32, #tpu.memory_space<hbm>>
    tpu.enqueue_indirect_dma source(%dma_start3A_50 : memref<5120x128xi32, #tpu.memory_space<hbm>>) target(%arg6 : memref<80x128xi32, #tpu.memory_space<vmem>>) offsets(%arg5 : memref<80xi32, #tpu.memory_space<vmem>>) semaphore(%arg10 : memref<!tpu.dma_semaphore, #tpu.memory_space<semaphore_mem>>)
    %dma_wait3A = arith.constant 0 : i32
    %dma_wait3A_51 = arith.constant 0 : i32
    %dma_wait3A_52 = tpu.memref_slice %arg3[%dma_wait3A, %dma_wait3A_51] : memref<5120x128xi32, #tpu.memory_space<hbm>> -> memref<5120x128xi32, #tpu.memory_space<hbm>>
    tpu.wait_indirect_dma semaphore(%arg10 : memref<!tpu.dma_semaphore, #tpu.memory_space<semaphore_mem>>) src(%dma_wait3A_52 : memref<5120x128xi32, #tpu.memory_space<hbm>>) dst(%arg6 : memref<80x128xi32, #tpu.memory_space<vmem>>)
    %dma_start3A_53 = arith.constant 0 : i32
    %dma_start3A_54 = arith.constant 0 : i32
    %dma_start3A_55 = arith.constant 0 : i32
    %dma_start3A_56 = arith.constant 0 : i32
    %dma_start3A_57 = arith.constant 0 : i32
    %dma_start3A_58 = tpu.memref_slice %arg7[%dma_start3A_54, %dma_start3A_56, %dma_start3A_57] : memref<2x128x128xf32, #tpu.memory_space<vmem>> -> memref<1x128x128xf32, #tpu.memory_space<vmem>>
    %dma_start3A_59 = tpu.memref_squeeze %dma_start3A_58 : memref<1x128x128xf32, #tpu.memory_space<vmem>> -> memref<128x128xf32, #tpu.memory_space<vmem>>
    %dma_start3A_60 = arith.constant 0 : i32
    %dma_start3A_61 = tpu.memref_slice %arg6[%dma_start3A_53, %dma_start3A_60] : memref<80x128xi32, #tpu.memory_space<vmem>> -> memref<1x128xi32, #tpu.memory_space<vmem>>
    %dma_start3A_62 = tpu.memref_squeeze %dma_start3A_61 : memref<1x128xi32, #tpu.memory_space<vmem>> -> memref<128xi32, #tpu.memory_space<vmem>>
    %dma_start3A_63 = arith.constant 0 : i32
    %dma_start3A_64 = arith.constant 0 : i32
    %dma_start3A_65 = tpu.memref_slice %arg2[%dma_start3A_63, %dma_start3A_64] : memref<10240x128xf32, #tpu.memory_space<hbm>> -> memref<10240x128xf32, #tpu.memory_space<hbm>>
    %dma_start3A_66 = tpu.memref_slice %arg9[%dma_start3A_55] : memref<2x!tpu.dma_semaphore, #tpu.memory_space<semaphore_mem>> -> memref<1x!tpu.dma_semaphore, #tpu.memory_space<semaphore_mem>>
    %dma_start3A_67 = tpu.memref_squeeze %dma_start3A_66 : memref<1x!tpu.dma_semaphore, #tpu.memory_space<semaphore_mem>> -> memref<!tpu.dma_semaphore, #tpu.memory_space<semaphore_mem>>
    tpu.enqueue_indirect_dma source(%dma_start3A_65 : memref<10240x128xf32, #tpu.memory_space<hbm>>) target(%dma_start3A_59 : memref<128x128xf32, #tpu.memory_space<vmem>>) offsets(%dma_start3A_62 : memref<128xi32, #tpu.memory_space<vmem>>) semaphore(%dma_start3A_67 : memref<!tpu.dma_semaphore, #tpu.memory_space<semaphore_mem>>)
    %scan3A_68 = arith.constant 0 : i32
    %scan3A_69 = arith.constant 0 : i32
    %scan3A_70 = arith.constant 40 : i32
    %scan3A_71 = arith.addi %scan3A_69, %scan3A_70 : i32
    %scan3A_72 = arith.constant 1 : i32
    %scan3A_73 = scf.for %scan3A_181 = %scan3A_69 to %scan3A_71 step %scan3A_72 iter_args(%scan3A_182 = %scan3A_68) -> (i32)  : i32 {
      %rem3A = arith.constant 2 : i32
      %rem3A_183 = arith.remsi %scan3A_181, %rem3A : i32
      %add3A_184 = arith.constant 1 : i32
      %add3A_185 = arith.addi %scan3A_181, %add3A_184 : i32
      %rem3A_186 = arith.constant 40 : i32
      %rem3A_187 = arith.remsi %add3A_185, %rem3A_186 : i32
      %add3A_188 = arith.constant 1 : i32
      %add3A_189 = arith.addi %scan3A_181, %add3A_188 : i32
      %rem3A_190 = arith.constant 2 : i32
      %rem3A_191 = arith.remsi %add3A_189, %rem3A_190 : i32
      %dma_start3A_192 = arith.constant 0 : i32
      %dma_start3A_193 = arith.constant 0 : i32
      %dma_start3A_194 = tpu.memref_slice %arg7[%rem3A_191, %dma_start3A_192, %dma_start3A_193] : memref<2x128x128xf32, #tpu.memory_space<vmem>> -> memref<1x128x128xf32, #tpu.memory_space<vmem>>
      %dma_start3A_195 = tpu.memref_squeeze %dma_start3A_194 : memref<1x128x128xf32, #tpu.memory_space<vmem>> -> memref<128x128xf32, #tpu.memory_space<vmem>>
      %dma_start3A_196 = arith.constant 0 : i32
      %dma_start3A_197 = tpu.memref_slice %arg6[%rem3A_187, %dma_start3A_196] : memref<80x128xi32, #tpu.memory_space<vmem>> -> memref<1x128xi32, #tpu.memory_space<vmem>>
      %dma_start3A_198 = tpu.memref_squeeze %dma_start3A_197 : memref<1x128xi32, #tpu.memory_space<vmem>> -> memref<128xi32, #tpu.memory_space<vmem>>
      %dma_start3A_199 = arith.constant 0 : i32
      %dma_start3A_200 = arith.constant 0 : i32
      %dma_start3A_201 = tpu.memref_slice %arg2[%dma_start3A_199, %dma_start3A_200] : memref<10240x128xf32, #tpu.memory_space<hbm>> -> memref<10240x128xf32, #tpu.memory_space<hbm>>
      %dma_start3A_202 = tpu.memref_slice %arg9[%rem3A_191] : memref<2x!tpu.dma_semaphore, #tpu.memory_space<semaphore_mem>> -> memref<1x!tpu.dma_semaphore, #tpu.memory_space<semaphore_mem>>
      %dma_start3A_203 = tpu.memref_squeeze %dma_start3A_202 : memref<1x!tpu.dma_semaphore, #tpu.memory_space<semaphore_mem>> -> memref<!tpu.dma_semaphore, #tpu.memory_space<semaphore_mem>>
      tpu.enqueue_indirect_dma source(%dma_start3A_201 : memref<10240x128xf32, #tpu.memory_space<hbm>>) target(%dma_start3A_195 : memref<128x128xf32, #tpu.memory_space<vmem>>) offsets(%dma_start3A_198 : memref<128xi32, #tpu.memory_space<vmem>>) semaphore(%dma_start3A_203 : memref<!tpu.dma_semaphore, #tpu.memory_space<semaphore_mem>>)
      %dma_wait3A_204 = arith.constant 0 : i32
      %dma_wait3A_205 = arith.constant 0 : i32
      %dma_wait3A_206 = arith.constant 0 : i32
      %dma_wait3A_207 = tpu.memref_slice %arg7[%rem3A_183, %dma_wait3A_205, %dma_wait3A_206] : memref<2x128x128xf32, #tpu.memory_space<vmem>> -> memref<1x128x128xf32, #tpu.memory_space<vmem>>
      %dma_wait3A_208 = tpu.memref_squeeze %dma_wait3A_207 : memref<1x128x128xf32, #tpu.memory_space<vmem>> -> memref<128x128xf32, #tpu.memory_space<vmem>>
      %dma_wait3A_209 = arith.constant 0 : i32
      %dma_wait3A_210 = tpu.memref_slice %arg6[%dma_wait3A_204, %dma_wait3A_209] : memref<80x128xi32, #tpu.memory_space<vmem>> -> memref<1x128xi32, #tpu.memory_space<vmem>>
      %dma_wait3A_211 = tpu.memref_squeeze %dma_wait3A_210 : memref<1x128xi32, #tpu.memory_space<vmem>> -> memref<128xi32, #tpu.memory_space<vmem>>
      %dma_wait3A_212 = arith.constant 0 : i32
      %dma_wait3A_213 = arith.constant 0 : i32
      %dma_wait3A_214 = tpu.memref_slice %arg2[%dma_wait3A_212, %dma_wait3A_213] : memref<10240x128xf32, #tpu.memory_space<hbm>> -> memref<10240x128xf32, #tpu.memory_space<hbm>>
      %dma_wait3A_215 = tpu.memref_slice %arg9[%rem3A_183] : memref<2x!tpu.dma_semaphore, #tpu.memory_space<semaphore_mem>> -> memref<1x!tpu.dma_semaphore, #tpu.memory_space<semaphore_mem>>
      %dma_wait3A_216 = tpu.memref_squeeze %dma_wait3A_215 : memref<1x!tpu.dma_semaphore, #tpu.memory_space<semaphore_mem>> -> memref<!tpu.dma_semaphore, #tpu.memory_space<semaphore_mem>>
      tpu.wait_indirect_dma semaphore(%dma_wait3A_216 : memref<!tpu.dma_semaphore, #tpu.memory_space<semaphore_mem>>) src(%dma_wait3A_214 : memref<10240x128xf32, #tpu.memory_space<hbm>>) dst(%dma_wait3A_208 : memref<128x128xf32, #tpu.memory_space<vmem>>)
      %add3A_217 = arith.constant 40 : i32
      %add3A_218 = arith.addi %add3A_217, %scan3A_181 : i32
      "tpu.region"() ({
        %run_scoped3A_220 = tpu.sem_alloc : memref<!tpu.dma_semaphore, #tpu.memory_space<semaphore_mem>>
        %dma_start3A_221 = arith.constant 0 : i32
        %dma_start3A_222 = arith.constant 0 : i32
        %dma_start3A_223 = tpu.memref_slice %arg7[%rem3A_183, %dma_start3A_221, %dma_start3A_222] : memref<2x128x128xf32, #tpu.memory_space<vmem>> -> memref<1x128x128xf32, #tpu.memory_space<vmem>>
        %dma_start3A_224 = tpu.memref_squeeze %dma_start3A_223 : memref<1x128x128xf32, #tpu.memory_space<vmem>> -> memref<128x128xf32, #tpu.memory_space<vmem>>
        %dma_start3A_225 = arith.constant 0 : i32
        %dma_start3A_226 = tpu.memref_slice %arg6[%add3A_218, %dma_start3A_225] : memref<80x128xi32, #tpu.memory_space<vmem>> -> memref<1x128xi32, #tpu.memory_space<vmem>>
        %dma_start3A_227 = tpu.memref_squeeze %dma_start3A_226 : memref<1x128xi32, #tpu.memory_space<vmem>> -> memref<128xi32, #tpu.memory_space<vmem>>
        %dma_start3A_228 = arith.constant 0 : i32
        %dma_start3A_229 = arith.constant 0 : i32
        %dma_start3A_230 = tpu.memref_slice %arg8[%dma_start3A_228, %dma_start3A_229] : memref<10240x128xf32, #tpu.memory_space<vmem_shared>> -> memref<10240x128xf32, #tpu.memory_space<vmem_shared>>
        tpu.enqueue_indirect_dma source(%dma_start3A_224 : memref<128x128xf32, #tpu.memory_space<vmem>>) target(%dma_start3A_230 : memref<10240x128xf32, #tpu.memory_space<vmem_shared>>) offsets(%dma_start3A_227 : memref<128xi32, #tpu.memory_space<vmem>>) semaphore(%run_scoped3A_220 : memref<!tpu.dma_semaphore, #tpu.memory_space<semaphore_mem>>) {add = true}
        %dma_wait3A_231 = arith.constant 0 : i32
        %dma_wait3A_232 = arith.constant 0 : i32
        %dma_wait3A_233 = tpu.memref_slice %arg7[%rem3A_183, %dma_wait3A_231, %dma_wait3A_232] : memref<2x128x128xf32, #tpu.memory_space<vmem>> -> memref<1x128x128xf32, #tpu.memory_space<vmem>>
        %dma_wait3A_234 = tpu.memref_squeeze %dma_wait3A_233 : memref<1x128x128xf32, #tpu.memory_space<vmem>> -> memref<128x128xf32, #tpu.memory_space<vmem>>
        %dma_wait3A_235 = arith.constant 0 : i32
        %dma_wait3A_236 = tpu.memref_slice %arg6[%add3A_218, %dma_wait3A_235] : memref<80x128xi32, #tpu.memory_space<vmem>> -> memref<1x128xi32, #tpu.memory_space<vmem>>
        %dma_wait3A_237 = tpu.memref_squeeze %dma_wait3A_236 : memref<1x128xi32, #tpu.memory_space<vmem>> -> memref<128xi32, #tpu.memory_space<vmem>>
        %dma_wait3A_238 = arith.constant 0 : i32
        %dma_wait3A_239 = arith.constant 0 : i32
        %dma_wait3A_240 = tpu.memref_slice %arg8[%dma_wait3A_238, %dma_wait3A_239] : memref<10240x128xf32, #tpu.memory_space<vmem_shared>> -> memref<10240x128xf32, #tpu.memory_space<vmem_shared>>
        tpu.wait_indirect_dma semaphore(%run_scoped3A_220 : memref<!tpu.dma_semaphore, #tpu.memory_space<semaphore_mem>>) src(%dma_wait3A_234 : memref<128x128xf32, #tpu.memory_space<vmem>>) dst(%dma_wait3A_240 : memref<10240x128xf32, #tpu.memory_space<vmem_shared>>)
        tpu.yield
      }) : () -> ()
      %scan3A_219 = arith.constant 0 : i32
      scf.yield %scan3A_219 : i32
    }
    %scan3A_74 = arith.constant 40 : i32
    %dma_wait3A_75 = arith.constant 0 : i32
    %dma_wait3A_76 = arith.constant 0 : i32
    %dma_wait3A_77 = arith.constant 0 : i32
    %dma_wait3A_78 = arith.constant 0 : i32
    %dma_wait3A_79 = arith.constant 0 : i32
    %dma_wait3A_80 = tpu.memref_slice %arg7[%dma_wait3A_76, %dma_wait3A_78, %dma_wait3A_79] : memref<2x128x128xf32, #tpu.memory_space<vmem>> -> memref<1x128x128xf32, #tpu.memory_space<vmem>>
    %dma_wait3A_81 = tpu.memref_squeeze %dma_wait3A_80 : memref<1x128x128xf32, #tpu.memory_space<vmem>> -> memref<128x128xf32, #tpu.memory_space<vmem>>
    %dma_wait3A_82 = arith.constant 0 : i32
    %dma_wait3A_83 = tpu.memref_slice %arg6[%dma_wait3A_75, %dma_wait3A_82] : memref<80x128xi32, #tpu.memory_space<vmem>> -> memref<1x128xi32, #tpu.memory_space<vmem>>
    %dma_wait3A_84 = tpu.memref_squeeze %dma_wait3A_83 : memref<1x128xi32, #tpu.memory_space<vmem>> -> memref<128xi32, #tpu.memory_space<vmem>>
    %dma_wait3A_85 = arith.constant 0 : i32
    %dma_wait3A_86 = arith.constant 0 : i32
    %dma_wait3A_87 = tpu.memref_slice %arg2[%dma_wait3A_85, %dma_wait3A_86] : memref<10240x128xf32, #tpu.memory_space<hbm>> -> memref<10240x128xf32, #tpu.memory_space<hbm>>
    %dma_wait3A_88 = tpu.memref_slice %arg9[%dma_wait3A_77] : memref<2x!tpu.dma_semaphore, #tpu.memory_space<semaphore_mem>> -> memref<1x!tpu.dma_semaphore, #tpu.memory_space<semaphore_mem>>
    %dma_wait3A_89 = tpu.memref_squeeze %dma_wait3A_88 : memref<1x!tpu.dma_semaphore, #tpu.memory_space<semaphore_mem>> -> memref<!tpu.dma_semaphore, #tpu.memory_space<semaphore_mem>>
    tpu.wait_indirect_dma semaphore(%dma_wait3A_89 : memref<!tpu.dma_semaphore, #tpu.memory_space<semaphore_mem>>) src(%dma_wait3A_87 : memref<10240x128xf32, #tpu.memory_space<hbm>>) dst(%dma_wait3A_81 : memref<128x128xf32, #tpu.memory_space<vmem>>)
    %mul3A_90 = arith.constant 80 : i32
    %mul3A_91 = arith.muli %add3A, %mul3A_90 : i32
    %add3A_92 = arith.constant 40 : i32
    %add3A_93 = arith.addi %mul3A_91, %add3A_92 : i32
    %mul3A_94 = arith.constant 80 : i32
    %mul3A_95 = arith.muli %add3A, %mul3A_94 : i32
    %add3A_96 = arith.constant 2560 : i32
    %add3A_97 = arith.addi %add3A_96, %mul3A_95 : i32
    %add3A_98 = arith.constant 40 : i32
    %add3A_99 = arith.addi %add3A_97, %add3A_98 : i32
    %scan3A_100 = arith.constant 0 : i32
    %scan3A_101 = arith.constant 0 : i32
    %scan3A_102 = arith.constant 5 : i32
    %scan3A_103 = arith.addi %scan3A_101, %scan3A_102 : i32
    %scan3A_104 = arith.constant 1 : i32
    %scan3A_105 = scf.for %scan3A_181 = %scan3A_101 to %scan3A_103 step %scan3A_104 iter_args(%scan3A_182 = %scan3A_100) -> (i32)  : i32 {
      %iota3A = tpu.iota {dimensions = array<i32: 0>} : vector<16xi32>
      %mul3A_183 = arith.constant 16 : i32
      %mul3A_184 = arith.muli %scan3A_181, %mul3A_183 : i32
      %add3A_185 = vector.broadcast %mul3A_184 : i32 to vector<16xi32>
      %add3A_186 = arith.addi %iota3A, %add3A_185 : vector<16xi32>
      %lt3A = arith.constant 40 : i32
      %lt3A_187 = vector.broadcast %lt3A : i32 to vector<16xi32>
      %lt3A_188 = arith.cmpi slt, %add3A_186, %lt3A_187 : vector<16xi32>
      %add3A_189 = vector.broadcast %add3A_93 : i32 to vector<16xi32>
      %add3A_190 = arith.addi %add3A_189, %add3A_186 : vector<16xi32>
      %sub3A = arith.constant 40 : i32
      %sub3A_191 = vector.broadcast %sub3A : i32 to vector<16xi32>
      %sub3A_192 = arith.subi %add3A_186, %sub3A_191 : vector<16xi32>
      %add3A_193 = vector.broadcast %add3A_99 : i32 to vector<16xi32>
      %add3A_194 = arith.addi %add3A_193, %sub3A_192 : vector<16xi32>
      %select_n3A = arith.select %lt3A_188, %add3A_190, %add3A_194 : vector<16xi1>, vector<16xi32>
      %mul3A_195 = arith.constant 16 : i32
      %mul3A_196 = arith.muli %scan3A_181, %mul3A_195 : i32
      %swap3A = arith.index_cast %mul3A_196 : i32 to index
      %swap3A_197 = tpu.vector_load %arg5[%swap3A] {strides = array<i32>} : memref<80xi32, #tpu.memory_space<vmem>>, vector<16xi32>,
      %swap3A_198 = vector.shape_cast %swap3A_197 : vector<16xi32> to vector<16xi32>
      %swap3A_199 = vector.shape_cast %select_n3A : vector<16xi32> to vector<16xi32>
      tpu.vector_store %arg5[%swap3A], %swap3A_199 {strides = array<i32>} : memref<80xi32, #tpu.memory_space<vmem>>, vector<16xi32>,
      %scan3A_200 = arith.constant 0 : i32
      scf.yield %scan3A_200 : i32
    }
    %scan3A_106 = arith.constant 5 : i32
    %dma_start3A_107 = arith.constant 0 : i32
    %dma_start3A_108 = arith.constant 0 : i32
    %dma_start3A_109 = tpu.memref_slice %arg3[%dma_start3A_107, %dma_start3A_108] : memref<5120x128xi32, #tpu.memory_space<hbm>> -> memref<5120x128xi32, #tpu.memory_space<hbm>>
    tpu.enqueue_indirect_dma source(%dma_start3A_109 : memref<5120x128xi32, #tpu.memory_space<hbm>>) target(%arg6 : memref<80x128xi32, #tpu.memory_space<vmem>>) offsets(%arg5 : memref<80xi32, #tpu.memory_space<vmem>>) semaphore(%arg10 : memref<!tpu.dma_semaphore, #tpu.memory_space<semaphore_mem>>)
    %dma_wait3A_110 = arith.constant 0 : i32
    %dma_wait3A_111 = arith.constant 0 : i32
    %dma_wait3A_112 = tpu.memref_slice %arg3[%dma_wait3A_110, %dma_wait3A_111] : memref<5120x128xi32, #tpu.memory_space<hbm>> -> memref<5120x128xi32, #tpu.memory_space<hbm>>
    tpu.wait_indirect_dma semaphore(%arg10 : memref<!tpu.dma_semaphore, #tpu.memory_space<semaphore_mem>>) src(%dma_wait3A_112 : memref<5120x128xi32, #tpu.memory_space<hbm>>) dst(%arg6 : memref<80x128xi32, #tpu.memory_space<vmem>>)
    %dma_start3A_113 = arith.constant 0 : i32
    %dma_start3A_114 = arith.constant 0 : i32
    %dma_start3A_115 = arith.constant 0 : i32
    %dma_start3A_116 = arith.constant 0 : i32
    %dma_start3A_117 = arith.constant 0 : i32
    %dma_start3A_118 = tpu.memref_slice %arg7[%dma_start3A_114, %dma_start3A_116, %dma_start3A_117] : memref<2x128x128xf32, #tpu.memory_space<vmem>> -> memref<1x128x128xf32, #tpu.memory_space<vmem>>
    %dma_start3A_119 = tpu.memref_squeeze %dma_start3A_118 : memref<1x128x128xf32, #tpu.memory_space<vmem>> -> memref<128x128xf32, #tpu.memory_space<vmem>>
    %dma_start3A_120 = arith.constant 0 : i32
    %dma_start3A_121 = tpu.memref_slice %arg6[%dma_start3A_113, %dma_start3A_120] : memref<80x128xi32, #tpu.memory_space<vmem>> -> memref<1x128xi32, #tpu.memory_space<vmem>>
    %dma_start3A_122 = tpu.memref_squeeze %dma_start3A_121 : memref<1x128xi32, #tpu.memory_space<vmem>> -> memref<128xi32, #tpu.memory_space<vmem>>
    %dma_start3A_123 = arith.constant 0 : i32
    %dma_start3A_124 = arith.constant 0 : i32
    %dma_start3A_125 = tpu.memref_slice %arg2[%dma_start3A_123, %dma_start3A_124] : memref<10240x128xf32, #tpu.memory_space<hbm>> -> memref<10240x128xf32, #tpu.memory_space<hbm>>
    %dma_start3A_126 = tpu.memref_slice %arg9[%dma_start3A_115] : memref<2x!tpu.dma_semaphore, #tpu.memory_space<semaphore_mem>> -> memref<1x!tpu.dma_semaphore, #tpu.memory_space<semaphore_mem>>
    %dma_start3A_127 = tpu.memref_squeeze %dma_start3A_126 : memref<1x!tpu.dma_semaphore, #tpu.memory_space<semaphore_mem>> -> memref<!tpu.dma_semaphore, #tpu.memory_space<semaphore_mem>>
    tpu.enqueue_indirect_dma source(%dma_start3A_125 : memref<10240x128xf32, #tpu.memory_space<hbm>>) target(%dma_start3A_119 : memref<128x128xf32, #tpu.memory_space<vmem>>) offsets(%dma_start3A_122 : memref<128xi32, #tpu.memory_space<vmem>>) semaphore(%dma_start3A_127 : memref<!tpu.dma_semaphore, #tpu.memory_space<semaphore_mem>>)
    %scan3A_128 = arith.constant 0 : i32
    %scan3A_129 = arith.constant 0 : i32
    %scan3A_130 = arith.constant 40 : i32
    %scan3A_131 = arith.addi %scan3A_129, %scan3A_130 : i32
    %scan3A_132 = arith.constant 1 : i32
    %scan3A_133 = scf.for %scan3A_181 = %scan3A_129 to %scan3A_131 step %scan3A_132 iter_args(%scan3A_182 = %scan3A_128) -> (i32)  : i32 {
      %rem3A = arith.constant 2 : i32
      %rem3A_183 = arith.remsi %scan3A_181, %rem3A : i32
      %add3A_184 = arith.constant 1 : i32
      %add3A_185 = arith.addi %scan3A_181, %add3A_184 : i32
      %rem3A_186 = arith.constant 40 : i32
      %rem3A_187 = arith.remsi %add3A_185, %rem3A_186 : i32
      %add3A_188 = arith.constant 1 : i32
      %add3A_189 = arith.addi %scan3A_181, %add3A_188 : i32
      %rem3A_190 = arith.constant 2 : i32
      %rem3A_191 = arith.remsi %add3A_189, %rem3A_190 : i32
      %dma_start3A_192 = arith.constant 0 : i32
      %dma_start3A_193 = arith.constant 0 : i32
      %dma_start3A_194 = tpu.memref_slice %arg7[%rem3A_191, %dma_start3A_192, %dma_start3A_193] : memref<2x128x128xf32, #tpu.memory_space<vmem>> -> memref<1x128x128xf32, #tpu.memory_space<vmem>>
      %dma_start3A_195 = tpu.memref_squeeze %dma_start3A_194 : memref<1x128x128xf32, #tpu.memory_space<vmem>> -> memref<128x128xf32, #tpu.memory_space<vmem>>
      %dma_start3A_196 = arith.constant 0 : i32
      %dma_start3A_197 = tpu.memref_slice %arg6[%rem3A_187, %dma_start3A_196] : memref<80x128xi32, #tpu.memory_space<vmem>> -> memref<1x128xi32, #tpu.memory_space<vmem>>
      %dma_start3A_198 = tpu.memref_squeeze %dma_start3A_197 : memref<1x128xi32, #tpu.memory_space<vmem>> -> memref<128xi32, #tpu.memory_space<vmem>>
      %dma_start3A_199 = arith.constant 0 : i32
      %dma_start3A_200 = arith.constant 0 : i32
      %dma_start3A_201 = tpu.memref_slice %arg2[%dma_start3A_199, %dma_start3A_200] : memref<10240x128xf32, #tpu.memory_space<hbm>> -> memref<10240x128xf32, #tpu.memory_space<hbm>>
      %dma_start3A_202 = tpu.memref_slice %arg9[%rem3A_191] : memref<2x!tpu.dma_semaphore, #tpu.memory_space<semaphore_mem>> -> memref<1x!tpu.dma_semaphore, #tpu.memory_space<semaphore_mem>>
      %dma_start3A_203 = tpu.memref_squeeze %dma_start3A_202 : memref<1x!tpu.dma_semaphore, #tpu.memory_space<semaphore_mem>> -> memref<!tpu.dma_semaphore, #tpu.memory_space<semaphore_mem>>
      tpu.enqueue_indirect_dma source(%dma_start3A_201 : memref<10240x128xf32, #tpu.memory_space<hbm>>) target(%dma_start3A_195 : memref<128x128xf32, #tpu.memory_space<vmem>>) offsets(%dma_start3A_198 : memref<128xi32, #tpu.memory_space<vmem>>) semaphore(%dma_start3A_203 : memref<!tpu.dma_semaphore, #tpu.memory_space<semaphore_mem>>)
      %dma_wait3A_204 = arith.constant 0 : i32
      %dma_wait3A_205 = arith.constant 0 : i32
      %dma_wait3A_206 = arith.constant 0 : i32
      %dma_wait3A_207 = tpu.memref_slice %arg7[%rem3A_183, %dma_wait3A_205, %dma_wait3A_206] : memref<2x128x128xf32, #tpu.memory_space<vmem>> -> memref<1x128x128xf32, #tpu.memory_space<vmem>>
      %dma_wait3A_208 = tpu.memref_squeeze %dma_wait3A_207 : memref<1x128x128xf32, #tpu.memory_space<vmem>> -> memref<128x128xf32, #tpu.memory_space<vmem>>
      %dma_wait3A_209 = arith.constant 0 : i32
      %dma_wait3A_210 = tpu.memref_slice %arg6[%dma_wait3A_204, %dma_wait3A_209] : memref<80x128xi32, #tpu.memory_space<vmem>> -> memref<1x128xi32, #tpu.memory_space<vmem>>
      %dma_wait3A_211 = tpu.memref_squeeze %dma_wait3A_210 : memref<1x128xi32, #tpu.memory_space<vmem>> -> memref<128xi32, #tpu.memory_space<vmem>>
      %dma_wait3A_212 = arith.constant 0 : i32
      %dma_wait3A_213 = arith.constant 0 : i32
      %dma_wait3A_214 = tpu.memref_slice %arg2[%dma_wait3A_212, %dma_wait3A_213] : memref<10240x128xf32, #tpu.memory_space<hbm>> -> memref<10240x128xf32, #tpu.memory_space<hbm>>
      %dma_wait3A_215 = tpu.memref_slice %arg9[%rem3A_183] : memref<2x!tpu.dma_semaphore, #tpu.memory_space<semaphore_mem>> -> memref<1x!tpu.dma_semaphore, #tpu.memory_space<semaphore_mem>>
      %dma_wait3A_216 = tpu.memref_squeeze %dma_wait3A_215 : memref<1x!tpu.dma_semaphore, #tpu.memory_space<semaphore_mem>> -> memref<!tpu.dma_semaphore, #tpu.memory_space<semaphore_mem>>
      tpu.wait_indirect_dma semaphore(%dma_wait3A_216 : memref<!tpu.dma_semaphore, #tpu.memory_space<semaphore_mem>>) src(%dma_wait3A_214 : memref<10240x128xf32, #tpu.memory_space<hbm>>) dst(%dma_wait3A_208 : memref<128x128xf32, #tpu.memory_space<vmem>>)
      %add3A_217 = arith.constant 40 : i32
      %add3A_218 = arith.addi %add3A_217, %scan3A_181 : i32
      "tpu.region"() ({
        %run_scoped3A_220 = tpu.sem_alloc : memref<!tpu.dma_semaphore, #tpu.memory_space<semaphore_mem>>
        %dma_start3A_221 = arith.constant 0 : i32
        %dma_start3A_222 = arith.constant 0 : i32
        %dma_start3A_223 = tpu.memref_slice %arg7[%rem3A_183, %dma_start3A_221, %dma_start3A_222] : memref<2x128x128xf32, #tpu.memory_space<vmem>> -> memref<1x128x128xf32, #tpu.memory_space<vmem>>
        %dma_start3A_224 = tpu.memref_squeeze %dma_start3A_223 : memref<1x128x128xf32, #tpu.memory_space<vmem>> -> memref<128x128xf32, #tpu.memory_space<vmem>>
        %dma_start3A_225 = arith.constant 0 : i32
        %dma_start3A_226 = tpu.memref_slice %arg6[%add3A_218, %dma_start3A_225] : memref<80x128xi32, #tpu.memory_space<vmem>> -> memref<1x128xi32, #tpu.memory_space<vmem>>
        %dma_start3A_227 = tpu.memref_squeeze %dma_start3A_226 : memref<1x128xi32, #tpu.memory_space<vmem>> -> memref<128xi32, #tpu.memory_space<vmem>>
        %dma_start3A_228 = arith.constant 0 : i32
        %dma_start3A_229 = arith.constant 0 : i32
        %dma_start3A_230 = tpu.memref_slice %arg8[%dma_start3A_228, %dma_start3A_229] : memref<10240x128xf32, #tpu.memory_space<vmem_shared>> -> memref<10240x128xf32, #tpu.memory_space<vmem_shared>>
        tpu.enqueue_indirect_dma source(%dma_start3A_224 : memref<128x128xf32, #tpu.memory_space<vmem>>) target(%dma_start3A_230 : memref<10240x128xf32, #tpu.memory_space<vmem_shared>>) offsets(%dma_start3A_227 : memref<128xi32, #tpu.memory_space<vmem>>) semaphore(%run_scoped3A_220 : memref<!tpu.dma_semaphore, #tpu.memory_space<semaphore_mem>>) {add = true}
        %dma_wait3A_231 = arith.constant 0 : i32
        %dma_wait3A_232 = arith.constant 0 : i32
        %dma_wait3A_233 = tpu.memref_slice %arg7[%rem3A_183, %dma_wait3A_231, %dma_wait3A_232] : memref<2x128x128xf32, #tpu.memory_space<vmem>> -> memref<1x128x128xf32, #tpu.memory_space<vmem>>
        %dma_wait3A_234 = tpu.memref_squeeze %dma_wait3A_233 : memref<1x128x128xf32, #tpu.memory_space<vmem>> -> memref<128x128xf32, #tpu.memory_space<vmem>>
        %dma_wait3A_235 = arith.constant 0 : i32
        %dma_wait3A_236 = tpu.memref_slice %arg6[%add3A_218, %dma_wait3A_235] : memref<80x128xi32, #tpu.memory_space<vmem>> -> memref<1x128xi32, #tpu.memory_space<vmem>>
        %dma_wait3A_237 = tpu.memref_squeeze %dma_wait3A_236 : memref<1x128xi32, #tpu.memory_space<vmem>> -> memref<128xi32, #tpu.memory_space<vmem>>
        %dma_wait3A_238 = arith.constant 0 : i32
        %dma_wait3A_239 = arith.constant 0 : i32
        %dma_wait3A_240 = tpu.memref_slice %arg8[%dma_wait3A_238, %dma_wait3A_239] : memref<10240x128xf32, #tpu.memory_space<vmem_shared>> -> memref<10240x128xf32, #tpu.memory_space<vmem_shared>>
        tpu.wait_indirect_dma semaphore(%run_scoped3A_220 : memref<!tpu.dma_semaphore, #tpu.memory_space<semaphore_mem>>) src(%dma_wait3A_234 : memref<128x128xf32, #tpu.memory_space<vmem>>) dst(%dma_wait3A_240 : memref<10240x128xf32, #tpu.memory_space<vmem_shared>>)
        tpu.yield
      }) : () -> ()
      %scan3A_219 = arith.constant 0 : i32
      scf.yield %scan3A_219 : i32
    }
    %scan3A_134 = arith.constant 40 : i32
    %dma_wait3A_135 = arith.constant 0 : i32
    %dma_wait3A_136 = arith.constant 0 : i32
    %dma_wait3A_137 = arith.constant 0 : i32
    %dma_wait3A_138 = arith.constant 0 : i32
    %dma_wait3A_139 = arith.constant 0 : i32
    %dma_wait3A_140 = tpu.memref_slice %arg7[%dma_wait3A_136, %dma_wait3A_138, %dma_wait3A_139] : memref<2x128x128xf32, #tpu.memory_space<vmem>> -> memref<1x128x128xf32, #tpu.memory_space<vmem>>
    %dma_wait3A_141 = tpu.memref_squeeze %dma_wait3A_140 : memref<1x128x128xf32, #tpu.memory_space<vmem>> -> memref<128x128xf32, #tpu.memory_space<vmem>>
    %dma_wait3A_142 = arith.constant 0 : i32
    %dma_wait3A_143 = tpu.memref_slice %arg6[%dma_wait3A_135, %dma_wait3A_142] : memref<80x128xi32, #tpu.memory_space<vmem>> -> memref<1x128xi32, #tpu.memory_space<vmem>>
    %dma_wait3A_144 = tpu.memref_squeeze %dma_wait3A_143 : memref<1x128xi32, #tpu.memory_space<vmem>> -> memref<128xi32, #tpu.memory_space<vmem>>
    %dma_wait3A_145 = arith.constant 0 : i32
    %dma_wait3A_146 = arith.constant 0 : i32
    %dma_wait3A_147 = tpu.memref_slice %arg2[%dma_wait3A_145, %dma_wait3A_146] : memref<10240x128xf32, #tpu.memory_space<hbm>> -> memref<10240x128xf32, #tpu.memory_space<hbm>>
    %dma_wait3A_148 = tpu.memref_slice %arg9[%dma_wait3A_137] : memref<2x!tpu.dma_semaphore, #tpu.memory_space<semaphore_mem>> -> memref<1x!tpu.dma_semaphore, #tpu.memory_space<semaphore_mem>>
    %dma_wait3A_149 = tpu.memref_squeeze %dma_wait3A_148 : memref<1x!tpu.dma_semaphore, #tpu.memory_space<semaphore_mem>> -> memref<!tpu.dma_semaphore, #tpu.memory_space<semaphore_mem>>
    tpu.wait_indirect_dma semaphore(%dma_wait3A_149 : memref<!tpu.dma_semaphore, #tpu.memory_space<semaphore_mem>>) src(%dma_wait3A_147 : memref<10240x128xf32, #tpu.memory_space<hbm>>) dst(%dma_wait3A_141 : memref<128x128xf32, #tpu.memory_space<vmem>>)
    %barrier3A_150 = arith.constant 0 : index
    tpu.barrier barrier_id(%barrier3A_150)
    %mul3A_151 = arith.constant 640 : i32
    %mul3A_152 = arith.muli %arg1, %mul3A_151 : i32
    %add3A_153 = arith.constant 0 : i32
    %add3A_154 = arith.addi %mul3A_152, %add3A_153 : i32
    %run_scoped3A_155 = arith.constant 0 : i32
    "tpu.region"() ({
      %run_scoped3A_181 = tpu.sem_alloc : memref<!tpu.dma_semaphore, #tpu.memory_space<semaphore_mem>>
      %dma_start3A_182 = arith.constant 0 : i32
      %dma_start3A_183 = arith.constant 0 : i32
      %dma_start3A_184 = tpu.memref_slice %arg7[%run_scoped3A_155, %dma_start3A_182, %dma_start3A_183] : memref<2x128x128xf32, #tpu.memory_space<vmem>> -> memref<1x128x128xf32, #tpu.memory_space<vmem>>
      %dma_start3A_185 = tpu.memref_squeeze %dma_start3A_184 : memref<1x128x128xf32, #tpu.memory_space<vmem>> -> memref<128x128xf32, #tpu.memory_space<vmem>>
      %dma_start3A_186 = arith.constant 0 : i32
      %dma_start3A_187 = tpu.memref_slice %arg8[%add3A_154, %dma_start3A_186] : memref<10240x128xf32, #tpu.memory_space<vmem_shared>> -> memref<128x128xf32, #tpu.memory_space<vmem_shared>>
      %dma_start3A_188 = arith.constant 0 : i32
      %dma_start3A_189 = arith.constant 0 : i32
      %dma_start3A_190 = tpu.memref_slice %arg7[%run_scoped3A_155, %dma_start3A_188, %dma_start3A_189] : memref<2x128x128xf32, #tpu.memory_space<vmem>> -> memref<1x128x128xf32, #tpu.memory_space<vmem>>
      %dma_start3A_191 = tpu.memref_squeeze %dma_start3A_190 : memref<1x128x128xf32, #tpu.memory_space<vmem>> -> memref<128x128xf32, #tpu.memory_space<vmem>>
      %dma_start3A_192 = arith.constant 0 : i32
      %dma_start3A_193 = tpu.memref_slice %arg8[%add3A_154, %dma_start3A_192] : memref<10240x128xf32, #tpu.memory_space<vmem_shared>> -> memref<128x128xf32, #tpu.memory_space<vmem_shared>>
      tpu.enqueue_dma source(%dma_start3A_193 : memref<128x128xf32, #tpu.memory_space<vmem_shared>>) target(%dma_start3A_191 : memref<128x128xf32, #tpu.memory_space<vmem>>) target_semaphore(%run_scoped3A_181 : memref<!tpu.dma_semaphore, #tpu.memory_space<semaphore_mem>>)
      %dma_wait3A_194 = arith.constant 0 : i32
      %dma_wait3A_195 = arith.constant 0 : i32
      %dma_wait3A_196 = tpu.memref_slice %arg7[%run_scoped3A_155, %dma_wait3A_194, %dma_wait3A_195] : memref<2x128x128xf32, #tpu.memory_space<vmem>> -> memref<1x128x128xf32, #tpu.memory_space<vmem>>
      %dma_wait3A_197 = tpu.memref_squeeze %dma_wait3A_196 : memref<1x128x128xf32, #tpu.memory_space<vmem>> -> memref<128x128xf32, #tpu.memory_space<vmem>>
      %dma_wait3A_198 = arith.constant 0 : i32
      %dma_wait3A_199 = tpu.memref_slice %arg8[%add3A_154, %dma_wait3A_198] : memref<10240x128xf32, #tpu.memory_space<vmem_shared>> -> memref<128x128xf32, #tpu.memory_space<vmem_shared>>
      %dma_wait3A_200 = arith.constant 0 : i32
      %dma_wait3A_201 = arith.constant 0 : i32
      %dma_wait3A_202 = tpu.memref_slice %arg7[%run_scoped3A_155, %dma_wait3A_200, %dma_wait3A_201] : memref<2x128x128xf32, #tpu.memory_space<vmem>> -> memref<1x128x128xf32, #tpu.memory_space<vmem>>
      %dma_wait3A_203 = tpu.memref_squeeze %dma_wait3A_202 : memref<1x128x128xf32, #tpu.memory_space<vmem>> -> memref<128x128xf32, #tpu.memory_space<vmem>>
      %dma_wait3A_204 = arith.constant 0 : i32
      %dma_wait3A_205 = tpu.memref_slice %arg8[%add3A_154, %dma_wait3A_204] : memref<10240x128xf32, #tpu.memory_space<vmem_shared>> -> memref<128x128xf32, #tpu.memory_space<vmem_shared>>
      tpu.wait_dma2 semaphore(%run_scoped3A_181 : memref<!tpu.dma_semaphore, #tpu.memory_space<semaphore_mem>>) src(%dma_wait3A_205 : memref<128x128xf32, #tpu.memory_space<vmem_shared>>) dst(%dma_wait3A_203 : memref<128x128xf32, #tpu.memory_space<vmem>>)
      tpu.yield
    }) : () -> ()
    %run_scoped3A_156 = arith.constant 0 : i32
    "tpu.region"() ({
      %run_scoped3A_181 = tpu.sem_alloc : memref<!tpu.dma_semaphore, #tpu.memory_space<semaphore_mem>>
      %dma_start3A_182 = arith.constant 0 : i32
      %dma_start3A_183 = arith.constant 0 : i32
      %dma_start3A_184 = tpu.memref_slice %arg7[%run_scoped3A_156, %dma_start3A_182, %dma_start3A_183] : memref<2x128x128xf32, #tpu.memory_space<vmem>> -> memref<1x128x128xf32, #tpu.memory_space<vmem>>
      %dma_start3A_185 = tpu.memref_squeeze %dma_start3A_184 : memref<1x128x128xf32, #tpu.memory_space<vmem>> -> memref<128x128xf32, #tpu.memory_space<vmem>>
      %dma_start3A_186 = arith.constant 0 : i32
      %dma_start3A_187 = arith.constant 0 : i32
      %dma_start3A_188 = tpu.memref_slice %arg4[%arg0, %dma_start3A_186, %dma_start3A_187] : memref<2x10240x128xf32, #tpu.memory_space<hbm>> -> memref<1x10240x128xf32, #tpu.memory_space<hbm>>
      %dma_start3A_189 = tpu.memref_squeeze %dma_start3A_188 : memref<1x10240x128xf32, #tpu.memory_space<hbm>> -> memref<10240x128xf32, #tpu.memory_space<hbm>>
      %dma_start3A_190 = arith.constant 0 : i32
      %dma_start3A_191 = tpu.memref_slice %dma_start3A_189[%add3A_154, %dma_start3A_190] : memref<10240x128xf32, #tpu.memory_space<hbm>> -> memref<128x128xf32, #tpu.memory_space<hbm>>
      %dma_start3A_192 = arith.constant 0 : i32
      %dma_start3A_193 = arith.constant 0 : i32
      %dma_start3A_194 = tpu.memref_slice %arg4[%arg0, %dma_start3A_192, %dma_start3A_193] : memref<2x10240x128xf32, #tpu.memory_space<hbm>> -> memref<1x10240x128xf32, #tpu.memory_space<hbm>>
      %dma_start3A_195 = tpu.memref_squeeze %dma_start3A_194 : memref<1x10240x128xf32, #tpu.memory_space<hbm>> -> memref<10240x128xf32, #tpu.memory_space<hbm>>
      %dma_start3A_196 = arith.constant 0 : i32
      %dma_start3A_197 = tpu.memref_slice %dma_start3A_195[%add3A_154, %dma_start3A_196] : memref<10240x128xf32, #tpu.memory_space<hbm>> -> memref<128x128xf32, #tpu.memory_space<hbm>>
      %dma_start3A_198 = arith.constant 0 : i32
      %dma_start3A_199 = arith.constant 0 : i32
      %dma_start3A_200 = tpu.memref_slice %arg7[%run_scoped3A_156, %dma_start3A_198, %dma_start3A_199] : memref<2x128x128xf32, #tpu.memory_space<vmem>> -> memref<1x128x128xf32, #tpu.memory_space<vmem>>
      %dma_start3A_201 = tpu.memref_squeeze %dma_start3A_200 : memref<1x128x128xf32, #tpu.memory_space<vmem>> -> memref<128x128xf32, #tpu.memory_space<vmem>>
      tpu.enqueue_dma source(%dma_start3A_201 : memref<128x128xf32, #tpu.memory_space<vmem>>) target(%dma_start3A_197 : memref<128x128xf32, #tpu.memory_space<hbm>>) target_semaphore(%run_scoped3A_181 : memref<!tpu.dma_semaphore, #tpu.memory_space<semaphore_mem>>)
      %dma_wait3A_202 = arith.constant 0 : i32
      %dma_wait3A_203 = arith.constant 0 : i32
      %dma_wait3A_204 = tpu.memref_slice %arg7[%run_scoped3A_156, %dma_wait3A_202, %dma_wait3A_203] : memref<2x128x128xf32, #tpu.memory_space<vmem>> -> memref<1x128x128xf32, #tpu.memory_space<vmem>>
      %dma_wait3A_205 = tpu.memref_squeeze %dma_wait3A_204 : memref<1x128x128xf32, #tpu.memory_space<vmem>> -> memref<128x128xf32, #tpu.memory_space<vmem>>
      %dma_wait3A_206 = arith.constant 0 : i32
      %dma_wait3A_207 = arith.constant 0 : i32
      %dma_wait3A_208 = tpu.memref_slice %arg4[%arg0, %dma_wait3A_206, %dma_wait3A_207] : memref<2x10240x128xf32, #tpu.memory_space<hbm>> -> memref<1x10240x128xf32, #tpu.memory_space<hbm>>
      %dma_wait3A_209 = tpu.memref_squeeze %dma_wait3A_208 : memref<1x10240x128xf32, #tpu.memory_space<hbm>> -> memref<10240x128xf32, #tpu.memory_space<hbm>>
      %dma_wait3A_210 = arith.constant 0 : i32
      %dma_wait3A_211 = tpu.memref_slice %dma_wait3A_209[%add3A_154, %dma_wait3A_210] : memref<10240x128xf32, #tpu.memory_space<hbm>> -> memref<128x128xf32, #tpu.memory_space<hbm>>
      %dma_wait3A_212 = arith.constant 0 : i32
      %dma_wait3A_213 = arith.constant 0 : i32
      %dma_wait3A_214 = tpu.memref_slice %arg4[%arg0, %dma_wait3A_212, %dma_wait3A_213] : memref<2x10240x128xf32, #tpu.memory_space<hbm>> -> memref<1x10240x128xf32, #tpu.memory_space<hbm>>
      %dma_wait3A_215 = tpu.memref_squeeze %dma_wait3A_214 : memref<1x10240x128xf32, #tpu.memory_space<hbm>> -> memref<10240x128xf32, #tpu.memory_space<hbm>>
      %dma_wait3A_216 = arith.constant 0 : i32
      %dma_wait3A_217 = tpu.memref_slice %dma_wait3A_215[%add3A_154, %dma_wait3A_216] : memref<10240x128xf32, #tpu.memory_space<hbm>> -> memref<128x128xf32, #tpu.memory_space<hbm>>
      %dma_wait3A_218 = arith.constant 0 : i32
      %dma_wait3A_219 = arith.constant 0 : i32
      %dma_wait3A_220 = tpu.memref_slice %arg7[%run_scoped3A_156, %dma_wait3A_218, %dma_wait3A_219] : memref<2x128x128xf32, #tpu.memory_space<vmem>> -> memref<1x128x128xf32, #tpu.memory_space<vmem>>
      %dma_wait3A_221 = tpu.memref_squeeze %dma_wait3A_220 : memref<1x128x128xf32, #tpu.memory_space<vmem>> -> memref<128x128xf32, #tpu.memory_space<vmem>>
      tpu.wait_dma2 semaphore(%run_scoped3A_181 : memref<!tpu.dma_semaphore, #tpu.memory_space<semaphore_mem>>) src(%dma_wait3A_221 : memref<128x128xf32, #tpu.memory_space<vmem>>) dst(%dma_wait3A_217 : memref<128x128xf32, #tpu.memory_space<hbm>>)
      tpu.yield
    }) : () -> ()
    %mul3A_157 = arith.constant 640 : i32
    %mul3A_158 = arith.muli %arg1, %mul3A_157 : i32
    %add3A_159 = arith.constant 128 : i32
    %add3A_160 = arith.addi %mul3A_158, %add3A_159 : i32
    %run_scoped3A_161 = arith.constant 1 : i32
    "tpu.region"() ({
      %run_scoped3A_181 = tpu.sem_alloc : memref<!tpu.dma_semaphore, #tpu.memory_space<semaphore_mem>>
      %dma_start3A_182 = arith.constant 0 : i32
      %dma_start3A_183 = arith.constant 0 : i32
      %dma_start3A_184 = tpu.memref_slice %arg7[%run_scoped3A_161, %dma_start3A_182, %dma_start3A_183] : memref<2x128x128xf32, #tpu.memory_space<vmem>> -> memref<1x128x128xf32, #tpu.memory_space<vmem>>
      %dma_start3A_185 = tpu.memref_squeeze %dma_start3A_184 : memref<1x128x128xf32, #tpu.memory_space<vmem>> -> memref<128x128xf32, #tpu.memory_space<vmem>>
      %dma_start3A_186 = arith.constant 0 : i32
      %dma_start3A_187 = tpu.memref_slice %arg8[%add3A_160, %dma_start3A_186] : memref<10240x128xf32, #tpu.memory_space<vmem_shared>> -> memref<128x128xf32, #tpu.memory_space<vmem_shared>>
      %dma_start3A_188 = arith.constant 0 : i32
      %dma_start3A_189 = arith.constant 0 : i32
      %dma_start3A_190 = tpu.memref_slice %arg7[%run_scoped3A_161, %dma_start3A_188, %dma_start3A_189] : memref<2x128x128xf32, #tpu.memory_space<vmem>> -> memref<1x128x128xf32, #tpu.memory_space<vmem>>
      %dma_start3A_191 = tpu.memref_squeeze %dma_start3A_190 : memref<1x128x128xf32, #tpu.memory_space<vmem>> -> memref<128x128xf32, #tpu.memory_space<vmem>>
      %dma_start3A_192 = arith.constant 0 : i32
      %dma_start3A_193 = tpu.memref_slice %arg8[%add3A_160, %dma_start3A_192] : memref<10240x128xf32, #tpu.memory_space<vmem_shared>> -> memref<128x128xf32, #tpu.memory_space<vmem_shared>>
      tpu.enqueue_dma source(%dma_start3A_193 : memref<128x128xf32, #tpu.memory_space<vmem_shared>>) target(%dma_start3A_191 : memref<128x128xf32, #tpu.memory_space<vmem>>) target_semaphore(%run_scoped3A_181 : memref<!tpu.dma_semaphore, #tpu.memory_space<semaphore_mem>>)
      %dma_wait3A_194 = arith.constant 0 : i32
      %dma_wait3A_195 = arith.constant 0 : i32
      %dma_wait3A_196 = tpu.memref_slice %arg7[%run_scoped3A_161, %dma_wait3A_194, %dma_wait3A_195] : memref<2x128x128xf32, #tpu.memory_space<vmem>> -> memref<1x128x128xf32, #tpu.memory_space<vmem>>
      %dma_wait3A_197 = tpu.memref_squeeze %dma_wait3A_196 : memref<1x128x128xf32, #tpu.memory_space<vmem>> -> memref<128x128xf32, #tpu.memory_space<vmem>>
      %dma_wait3A_198 = arith.constant 0 : i32
      %dma_wait3A_199 = tpu.memref_slice %arg8[%add3A_160, %dma_wait3A_198] : memref<10240x128xf32, #tpu.memory_space<vmem_shared>> -> memref<128x128xf32, #tpu.memory_space<vmem_shared>>
      %dma_wait3A_200 = arith.constant 0 : i32
      %dma_wait3A_201 = arith.constant 0 : i32
      %dma_wait3A_202 = tpu.memref_slice %arg7[%run_scoped3A_161, %dma_wait3A_200, %dma_wait3A_201] : memref<2x128x128xf32, #tpu.memory_space<vmem>> -> memref<1x128x128xf32, #tpu.memory_space<vmem>>
      %dma_wait3A_203 = tpu.memref_squeeze %dma_wait3A_202 : memref<1x128x128xf32, #tpu.memory_space<vmem>> -> memref<128x128xf32, #tpu.memory_space<vmem>>
      %dma_wait3A_204 = arith.constant 0 : i32
      %dma_wait3A_205 = tpu.memref_slice %arg8[%add3A_160, %dma_wait3A_204] : memref<10240x128xf32, #tpu.memory_space<vmem_shared>> -> memref<128x128xf32, #tpu.memory_space<vmem_shared>>
      tpu.wait_dma2 semaphore(%run_scoped3A_181 : memref<!tpu.dma_semaphore, #tpu.memory_space<semaphore_mem>>) src(%dma_wait3A_205 : memref<128x128xf32, #tpu.memory_space<vmem_shared>>) dst(%dma_wait3A_203 : memref<128x128xf32, #tpu.memory_space<vmem>>)
      tpu.yield
    }) : () -> ()
    %run_scoped3A_162 = arith.constant 1 : i32
    "tpu.region"() ({
      %run_scoped3A_181 = tpu.sem_alloc : memref<!tpu.dma_semaphore, #tpu.memory_space<semaphore_mem>>
      %dma_start3A_182 = arith.constant 0 : i32
      %dma_start3A_183 = arith.constant 0 : i32
      %dma_start3A_184 = tpu.memref_slice %arg7[%run_scoped3A_162, %dma_start3A_182, %dma_start3A_183] : memref<2x128x128xf32, #tpu.memory_space<vmem>> -> memref<1x128x128xf32, #tpu.memory_space<vmem>>
      %dma_start3A_185 = tpu.memref_squeeze %dma_start3A_184 : memref<1x128x128xf32, #tpu.memory_space<vmem>> -> memref<128x128xf32, #tpu.memory_space<vmem>>
      %dma_start3A_186 = arith.constant 0 : i32
      %dma_start3A_187 = arith.constant 0 : i32
      %dma_start3A_188 = tpu.memref_slice %arg4[%arg0, %dma_start3A_186, %dma_start3A_187] : memref<2x10240x128xf32, #tpu.memory_space<hbm>> -> memref<1x10240x128xf32, #tpu.memory_space<hbm>>
      %dma_start3A_189 = tpu.memref_squeeze %dma_start3A_188 : memref<1x10240x128xf32, #tpu.memory_space<hbm>> -> memref<10240x128xf32, #tpu.memory_space<hbm>>
      %dma_start3A_190 = arith.constant 0 : i32
      %dma_start3A_191 = tpu.memref_slice %dma_start3A_189[%add3A_160, %dma_start3A_190] : memref<10240x128xf32, #tpu.memory_space<hbm>> -> memref<128x128xf32, #tpu.memory_space<hbm>>
      %dma_start3A_192 = arith.constant 0 : i32
      %dma_start3A_193 = arith.constant 0 : i32
      %dma_start3A_194 = tpu.memref_slice %arg4[%arg0, %dma_start3A_192, %dma_start3A_193] : memref<2x10240x128xf32, #tpu.memory_space<hbm>> -> memref<1x10240x128xf32, #tpu.memory_space<hbm>>
      %dma_start3A_195 = tpu.memref_squeeze %dma_start3A_194 : memref<1x10240x128xf32, #tpu.memory_space<hbm>> -> memref<10240x128xf32, #tpu.memory_space<hbm>>
      %dma_start3A_196 = arith.constant 0 : i32
      %dma_start3A_197 = tpu.memref_slice %dma_start3A_195[%add3A_160, %dma_start3A_196] : memref<10240x128xf32, #tpu.memory_space<hbm>> -> memref<128x128xf32, #tpu.memory_space<hbm>>
      %dma_start3A_198 = arith.constant 0 : i32
      %dma_start3A_199 = arith.constant 0 : i32
      %dma_start3A_200 = tpu.memref_slice %arg7[%run_scoped3A_162, %dma_start3A_198, %dma_start3A_199] : memref<2x128x128xf32, #tpu.memory_space<vmem>> -> memref<1x128x128xf32, #tpu.memory_space<vmem>>
      %dma_start3A_201 = tpu.memref_squeeze %dma_start3A_200 : memref<1x128x128xf32, #tpu.memory_space<vmem>> -> memref<128x128xf32, #tpu.memory_space<vmem>>
      tpu.enqueue_dma source(%dma_start3A_201 : memref<128x128xf32, #tpu.memory_space<vmem>>) target(%dma_start3A_197 : memref<128x128xf32, #tpu.memory_space<hbm>>) target_semaphore(%run_scoped3A_181 : memref<!tpu.dma_semaphore, #tpu.memory_space<semaphore_mem>>)
      %dma_wait3A_202 = arith.constant 0 : i32
      %dma_wait3A_203 = arith.constant 0 : i32
      %dma_wait3A_204 = tpu.memref_slice %arg7[%run_scoped3A_162, %dma_wait3A_202, %dma_wait3A_203] : memref<2x128x128xf32, #tpu.memory_space<vmem>> -> memref<1x128x128xf32, #tpu.memory_space<vmem>>
      %dma_wait3A_205 = tpu.memref_squeeze %dma_wait3A_204 : memref<1x128x128xf32, #tpu.memory_space<vmem>> -> memref<128x128xf32, #tpu.memory_space<vmem>>
      %dma_wait3A_206 = arith.constant 0 : i32
      %dma_wait3A_207 = arith.constant 0 : i32
      %dma_wait3A_208 = tpu.memref_slice %arg4[%arg0, %dma_wait3A_206, %dma_wait3A_207] : memref<2x10240x128xf32, #tpu.memory_space<hbm>> -> memref<1x10240x128xf32, #tpu.memory_space<hbm>>
      %dma_wait3A_209 = tpu.memref_squeeze %dma_wait3A_208 : memref<1x10240x128xf32, #tpu.memory_space<hbm>> -> memref<10240x128xf32, #tpu.memory_space<hbm>>
      %dma_wait3A_210 = arith.constant 0 : i32
      %dma_wait3A_211 = tpu.memref_slice %dma_wait3A_209[%add3A_160, %dma_wait3A_210] : memref<10240x128xf32, #tpu.memory_space<hbm>> -> memref<128x128xf32, #tpu.memory_space<hbm>>
      %dma_wait3A_212 = arith.constant 0 : i32
      %dma_wait3A_213 = arith.constant 0 : i32
      %dma_wait3A_214 = tpu.memref_slice %arg4[%arg0, %dma_wait3A_212, %dma_wait3A_213] : memref<2x10240x128xf32, #tpu.memory_space<hbm>> -> memref<1x10240x128xf32, #tpu.memory_space<hbm>>
      %dma_wait3A_215 = tpu.memref_squeeze %dma_wait3A_214 : memref<1x10240x128xf32, #tpu.memory_space<hbm>> -> memref<10240x128xf32, #tpu.memory_space<hbm>>
      %dma_wait3A_216 = arith.constant 0 : i32
      %dma_wait3A_217 = tpu.memref_slice %dma_wait3A_215[%add3A_160, %dma_wait3A_216] : memref<10240x128xf32, #tpu.memory_space<hbm>> -> memref<128x128xf32, #tpu.memory_space<hbm>>
      %dma_wait3A_218 = arith.constant 0 : i32
      %dma_wait3A_219 = arith.constant 0 : i32
      %dma_wait3A_220 = tpu.memref_slice %arg7[%run_scoped3A_162, %dma_wait3A_218, %dma_wait3A_219] : memref<2x128x128xf32, #tpu.memory_space<vmem>> -> memref<1x128x128xf32, #tpu.memory_space<vmem>>
      %dma_wait3A_221 = tpu.memref_squeeze %dma_wait3A_220 : memref<1x128x128xf32, #tpu.memory_space<vmem>> -> memref<128x128xf32, #tpu.memory_space<vmem>>
      tpu.wait_dma2 semaphore(%run_scoped3A_181 : memref<!tpu.dma_semaphore, #tpu.memory_space<semaphore_mem>>) src(%dma_wait3A_221 : memref<128x128xf32, #tpu.memory_space<vmem>>) dst(%dma_wait3A_217 : memref<128x128xf32, #tpu.memory_space<hbm>>)
      tpu.yield
    }) : () -> ()
    %mul3A_163 = arith.constant 640 : i32
    %mul3A_164 = arith.muli %arg1, %mul3A_163 : i32
    %add3A_165 = arith.constant 256 : i32
    %add3A_166 = arith.addi %mul3A_164, %add3A_165 : i32
    %run_scoped3A_167 = arith.constant 0 : i32
    "tpu.region"() ({
      %run_scoped3A_181 = tpu.sem_alloc : memref<!tpu.dma_semaphore, #tpu.memory_space<semaphore_mem>>
      %dma_start3A_182 = arith.constant 0 : i32
      %dma_start3A_183 = arith.constant 0 : i32
      %dma_start3A_184 = tpu.memref_slice %arg7[%run_scoped3A_167, %dma_start3A_182, %dma_start3A_183] : memref<2x128x128xf32, #tpu.memory_space<vmem>> -> memref<1x128x128xf32, #tpu.memory_space<vmem>>
      %dma_start3A_185 = tpu.memref_squeeze %dma_start3A_184 : memref<1x128x128xf32, #tpu.memory_space<vmem>> -> memref<128x128xf32, #tpu.memory_space<vmem>>
      %dma_start3A_186 = arith.constant 0 : i32
      %dma_start3A_187 = tpu.memref_slice %arg8[%add3A_166, %dma_start3A_186] : memref<10240x128xf32, #tpu.memory_space<vmem_shared>> -> memref<128x128xf32, #tpu.memory_space<vmem_shared>>
      %dma_start3A_188 = arith.constant 0 : i32
      %dma_start3A_189 = arith.constant 0 : i32
      %dma_start3A_190 = tpu.memref_slice %arg7[%run_scoped3A_167, %dma_start3A_188, %dma_start3A_189] : memref<2x128x128xf32, #tpu.memory_space<vmem>> -> memref<1x128x128xf32, #tpu.memory_space<vmem>>
      %dma_start3A_191 = tpu.memref_squeeze %dma_start3A_190 : memref<1x128x128xf32, #tpu.memory_space<vmem>> -> memref<128x128xf32, #tpu.memory_space<vmem>>
      %dma_start3A_192 = arith.constant 0 : i32
      %dma_start3A_193 = tpu.memref_slice %arg8[%add3A_166, %dma_start3A_192] : memref<10240x128xf32, #tpu.memory_space<vmem_shared>> -> memref<128x128xf32, #tpu.memory_space<vmem_shared>>
      tpu.enqueue_dma source(%dma_start3A_193 : memref<128x128xf32, #tpu.memory_space<vmem_shared>>) target(%dma_start3A_191 : memref<128x128xf32, #tpu.memory_space<vmem>>) target_semaphore(%run_scoped3A_181 : memref<!tpu.dma_semaphore, #tpu.memory_space<semaphore_mem>>)
      %dma_wait3A_194 = arith.constant 0 : i32
      %dma_wait3A_195 = arith.constant 0 : i32
      %dma_wait3A_196 = tpu.memref_slice %arg7[%run_scoped3A_167, %dma_wait3A_194, %dma_wait3A_195] : memref<2x128x128xf32, #tpu.memory_space<vmem>> -> memref<1x128x128xf32, #tpu.memory_space<vmem>>
      %dma_wait3A_197 = tpu.memref_squeeze %dma_wait3A_196 : memref<1x128x128xf32, #tpu.memory_space<vmem>> -> memref<128x128xf32, #tpu.memory_space<vmem>>
      %dma_wait3A_198 = arith.constant 0 : i32
      %dma_wait3A_199 = tpu.memref_slice %arg8[%add3A_166, %dma_wait3A_198] : memref<10240x128xf32, #tpu.memory_space<vmem_shared>> -> memref<128x128xf32, #tpu.memory_space<vmem_shared>>
      %dma_wait3A_200 = arith.constant 0 : i32
      %dma_wait3A_201 = arith.constant 0 : i32
      %dma_wait3A_202 = tpu.memref_slice %arg7[%run_scoped3A_167, %dma_wait3A_200, %dma_wait3A_201] : memref<2x128x128xf32, #tpu.memory_space<vmem>> -> memref<1x128x128xf32, #tpu.memory_space<vmem>>
      %dma_wait3A_203 = tpu.memref_squeeze %dma_wait3A_202 : memref<1x128x128xf32, #tpu.memory_space<vmem>> -> memref<128x128xf32, #tpu.memory_space<vmem>>
      %dma_wait3A_204 = arith.constant 0 : i32
      %dma_wait3A_205 = tpu.memref_slice %arg8[%add3A_166, %dma_wait3A_204] : memref<10240x128xf32, #tpu.memory_space<vmem_shared>> -> memref<128x128xf32, #tpu.memory_space<vmem_shared>>
      tpu.wait_dma2 semaphore(%run_scoped3A_181 : memref<!tpu.dma_semaphore, #tpu.memory_space<semaphore_mem>>) src(%dma_wait3A_205 : memref<128x128xf32, #tpu.memory_space<vmem_shared>>) dst(%dma_wait3A_203 : memref<128x128xf32, #tpu.memory_space<vmem>>)
      tpu.yield
    }) : () -> ()
    %run_scoped3A_168 = arith.constant 0 : i32
    "tpu.region"() ({
      %run_scoped3A_181 = tpu.sem_alloc : memref<!tpu.dma_semaphore, #tpu.memory_space<semaphore_mem>>
      %dma_start3A_182 = arith.constant 0 : i32
      %dma_start3A_183 = arith.constant 0 : i32
      %dma_start3A_184 = tpu.memref_slice %arg7[%run_scoped3A_168, %dma_start3A_182, %dma_start3A_183] : memref<2x128x128xf32, #tpu.memory_space<vmem>> -> memref<1x128x128xf32, #tpu.memory_space<vmem>>
      %dma_start3A_185 = tpu.memref_squeeze %dma_start3A_184 : memref<1x128x128xf32, #tpu.memory_space<vmem>> -> memref<128x128xf32, #tpu.memory_space<vmem>>
      %dma_start3A_186 = arith.constant 0 : i32
      %dma_start3A_187 = arith.constant 0 : i32
      %dma_start3A_188 = tpu.memref_slice %arg4[%arg0, %dma_start3A_186, %dma_start3A_187] : memref<2x10240x128xf32, #tpu.memory_space<hbm>> -> memref<1x10240x128xf32, #tpu.memory_space<hbm>>
      %dma_start3A_189 = tpu.memref_squeeze %dma_start3A_188 : memref<1x10240x128xf32, #tpu.memory_space<hbm>> -> memref<10240x128xf32, #tpu.memory_space<hbm>>
      %dma_start3A_190 = arith.constant 0 : i32
      %dma_start3A_191 = tpu.memref_slice %dma_start3A_189[%add3A_166, %dma_start3A_190] : memref<10240x128xf32, #tpu.memory_space<hbm>> -> memref<128x128xf32, #tpu.memory_space<hbm>>
      %dma_start3A_192 = arith.constant 0 : i32
      %dma_start3A_193 = arith.constant 0 : i32
      %dma_start3A_194 = tpu.memref_slice %arg4[%arg0, %dma_start3A_192, %dma_start3A_193] : memref<2x10240x128xf32, #tpu.memory_space<hbm>> -> memref<1x10240x128xf32, #tpu.memory_space<hbm>>
      %dma_start3A_195 = tpu.memref_squeeze %dma_start3A_194 : memref<1x10240x128xf32, #tpu.memory_space<hbm>> -> memref<10240x128xf32, #tpu.memory_space<hbm>>
      %dma_start3A_196 = arith.constant 0 : i32
      %dma_start3A_197 = tpu.memref_slice %dma_start3A_195[%add3A_166, %dma_start3A_196] : memref<10240x128xf32, #tpu.memory_space<hbm>> -> memref<128x128xf32, #tpu.memory_space<hbm>>
      %dma_start3A_198 = arith.constant 0 : i32
      %dma_start3A_199 = arith.constant 0 : i32
      %dma_start3A_200 = tpu.memref_slice %arg7[%run_scoped3A_168, %dma_start3A_198, %dma_start3A_199] : memref<2x128x128xf32, #tpu.memory_space<vmem>> -> memref<1x128x128xf32, #tpu.memory_space<vmem>>
      %dma_start3A_201 = tpu.memref_squeeze %dma_start3A_200 : memref<1x128x128xf32, #tpu.memory_space<vmem>> -> memref<128x128xf32, #tpu.memory_space<vmem>>
      tpu.enqueue_dma source(%dma_start3A_201 : memref<128x128xf32, #tpu.memory_space<vmem>>) target(%dma_start3A_197 : memref<128x128xf32, #tpu.memory_space<hbm>>) target_semaphore(%run_scoped3A_181 : memref<!tpu.dma_semaphore, #tpu.memory_space<semaphore_mem>>)
      %dma_wait3A_202 = arith.constant 0 : i32
      %dma_wait3A_203 = arith.constant 0 : i32
      %dma_wait3A_204 = tpu.memref_slice %arg7[%run_scoped3A_168, %dma_wait3A_202, %dma_wait3A_203] : memref<2x128x128xf32, #tpu.memory_space<vmem>> -> memref<1x128x128xf32, #tpu.memory_space<vmem>>
      %dma_wait3A_205 = tpu.memref_squeeze %dma_wait3A_204 : memref<1x128x128xf32, #tpu.memory_space<vmem>> -> memref<128x128xf32, #tpu.memory_space<vmem>>
      %dma_wait3A_206 = arith.constant 0 : i32
      %dma_wait3A_207 = arith.constant 0 : i32
      %dma_wait3A_208 = tpu.memref_slice %arg4[%arg0, %dma_wait3A_206, %dma_wait3A_207] : memref<2x10240x128xf32, #tpu.memory_space<hbm>> -> memref<1x10240x128xf32, #tpu.memory_space<hbm>>
      %dma_wait3A_209 = tpu.memref_squeeze %dma_wait3A_208 : memref<1x10240x128xf32, #tpu.memory_space<hbm>> -> memref<10240x128xf32, #tpu.memory_space<hbm>>
      %dma_wait3A_210 = arith.constant 0 : i32
      %dma_wait3A_211 = tpu.memref_slice %dma_wait3A_209[%add3A_166, %dma_wait3A_210] : memref<10240x128xf32, #tpu.memory_space<hbm>> -> memref<128x128xf32, #tpu.memory_space<hbm>>
      %dma_wait3A_212 = arith.constant 0 : i32
      %dma_wait3A_213 = arith.constant 0 : i32
      %dma_wait3A_214 = tpu.memref_slice %arg4[%arg0, %dma_wait3A_212, %dma_wait3A_213] : memref<2x10240x128xf32, #tpu.memory_space<hbm>> -> memref<1x10240x128xf32, #tpu.memory_space<hbm>>
      %dma_wait3A_215 = tpu.memref_squeeze %dma_wait3A_214 : memref<1x10240x128xf32, #tpu.memory_space<hbm>> -> memref<10240x128xf32, #tpu.memory_space<hbm>>
      %dma_wait3A_216 = arith.constant 0 : i32
      %dma_wait3A_217 = tpu.memref_slice %dma_wait3A_215[%add3A_166, %dma_wait3A_216] : memref<10240x128xf32, #tpu.memory_space<hbm>> -> memref<128x128xf32, #tpu.memory_space<hbm>>
      %dma_wait3A_218 = arith.constant 0 : i32
      %dma_wait3A_219 = arith.constant 0 : i32
      %dma_wait3A_220 = tpu.memref_slice %arg7[%run_scoped3A_168, %dma_wait3A_218, %dma_wait3A_219] : memref<2x128x128xf32, #tpu.memory_space<vmem>> -> memref<1x128x128xf32, #tpu.memory_space<vmem>>
      %dma_wait3A_221 = tpu.memref_squeeze %dma_wait3A_220 : memref<1x128x128xf32, #tpu.memory_space<vmem>> -> memref<128x128xf32, #tpu.memory_space<vmem>>
      tpu.wait_dma2 semaphore(%run_scoped3A_181 : memref<!tpu.dma_semaphore, #tpu.memory_space<semaphore_mem>>) src(%dma_wait3A_221 : memref<128x128xf32, #tpu.memory_space<vmem>>) dst(%dma_wait3A_217 : memref<128x128xf32, #tpu.memory_space<hbm>>)
      tpu.yield
    }) : () -> ()
    %mul3A_169 = arith.constant 640 : i32
    %mul3A_170 = arith.muli %arg1, %mul3A_169 : i32
    %add3A_171 = arith.constant 384 : i32
    %add3A_172 = arith.addi %mul3A_170, %add3A_171 : i32
    %run_scoped3A_173 = arith.constant 1 : i32
    "tpu.region"() ({
      %run_scoped3A_181 = tpu.sem_alloc : memref<!tpu.dma_semaphore, #tpu.memory_space<semaphore_mem>>
      %dma_start3A_182 = arith.constant 0 : i32
      %dma_start3A_183 = arith.constant 0 : i32
      %dma_start3A_184 = tpu.memref_slice %arg7[%run_scoped3A_173, %dma_start3A_182, %dma_start3A_183] : memref<2x128x128xf32, #tpu.memory_space<vmem>> -> memref<1x128x128xf32, #tpu.memory_space<vmem>>
      %dma_start3A_185 = tpu.memref_squeeze %dma_start3A_184 : memref<1x128x128xf32, #tpu.memory_space<vmem>> -> memref<128x128xf32, #tpu.memory_space<vmem>>
      %dma_start3A_186 = arith.constant 0 : i32
      %dma_start3A_187 = tpu.memref_slice %arg8[%add3A_172, %dma_start3A_186] : memref<10240x128xf32, #tpu.memory_space<vmem_shared>> -> memref<128x128xf32, #tpu.memory_space<vmem_shared>>
      %dma_start3A_188 = arith.constant 0 : i32
      %dma_start3A_189 = arith.constant 0 : i32
      %dma_start3A_190 = tpu.memref_slice %arg7[%run_scoped3A_173, %dma_start3A_188, %dma_start3A_189] : memref<2x128x128xf32, #tpu.memory_space<vmem>> -> memref<1x128x128xf32, #tpu.memory_space<vmem>>
      %dma_start3A_191 = tpu.memref_squeeze %dma_start3A_190 : memref<1x128x128xf32, #tpu.memory_space<vmem>> -> memref<128x128xf32, #tpu.memory_space<vmem>>
      %dma_start3A_192 = arith.constant 0 : i32
      %dma_start3A_193 = tpu.memref_slice %arg8[%add3A_172, %dma_start3A_192] : memref<10240x128xf32, #tpu.memory_space<vmem_shared>> -> memref<128x128xf32, #tpu.memory_space<vmem_shared>>
      tpu.enqueue_dma source(%dma_start3A_193 : memref<128x128xf32, #tpu.memory_space<vmem_shared>>) target(%dma_start3A_191 : memref<128x128xf32, #tpu.memory_space<vmem>>) target_semaphore(%run_scoped3A_181 : memref<!tpu.dma_semaphore, #tpu.memory_space<semaphore_mem>>)
      %dma_wait3A_194 = arith.constant 0 : i32
      %dma_wait3A_195 = arith.constant 0 : i32
      %dma_wait3A_196 = tpu.memref_slice %arg7[%run_scoped3A_173, %dma_wait3A_194, %dma_wait3A_195] : memref<2x128x128xf32, #tpu.memory_space<vmem>> -> memref<1x128x128xf32, #tpu.memory_space<vmem>>
      %dma_wait3A_197 = tpu.memref_squeeze %dma_wait3A_196 : memref<1x128x128xf32, #tpu.memory_space<vmem>> -> memref<128x128xf32, #tpu.memory_space<vmem>>
      %dma_wait3A_198 = arith.constant 0 : i32
      %dma_wait3A_199 = tpu.memref_slice %arg8[%add3A_172, %dma_wait3A_198] : memref<10240x128xf32, #tpu.memory_space<vmem_shared>> -> memref<128x128xf32, #tpu.memory_space<vmem_shared>>
      %dma_wait3A_200 = arith.constant 0 : i32
      %dma_wait3A_201 = arith.constant 0 : i32
      %dma_wait3A_202 = tpu.memref_slice %arg7[%run_scoped3A_173, %dma_wait3A_200, %dma_wait3A_201] : memref<2x128x128xf32, #tpu.memory_space<vmem>> -> memref<1x128x128xf32, #tpu.memory_space<vmem>>
      %dma_wait3A_203 = tpu.memref_squeeze %dma_wait3A_202 : memref<1x128x128xf32, #tpu.memory_space<vmem>> -> memref<128x128xf32, #tpu.memory_space<vmem>>
      %dma_wait3A_204 = arith.constant 0 : i32
      %dma_wait3A_205 = tpu.memref_slice %arg8[%add3A_172, %dma_wait3A_204] : memref<10240x128xf32, #tpu.memory_space<vmem_shared>> -> memref<128x128xf32, #tpu.memory_space<vmem_shared>>
      tpu.wait_dma2 semaphore(%run_scoped3A_181 : memref<!tpu.dma_semaphore, #tpu.memory_space<semaphore_mem>>) src(%dma_wait3A_205 : memref<128x128xf32, #tpu.memory_space<vmem_shared>>) dst(%dma_wait3A_203 : memref<128x128xf32, #tpu.memory_space<vmem>>)
      tpu.yield
    }) : () -> ()
    %run_scoped3A_174 = arith.constant 1 : i32
    "tpu.region"() ({
      %run_scoped3A_181 = tpu.sem_alloc : memref<!tpu.dma_semaphore, #tpu.memory_space<semaphore_mem>>
      %dma_start3A_182 = arith.constant 0 : i32
      %dma_start3A_183 = arith.constant 0 : i32
      %dma_start3A_184 = tpu.memref_slice %arg7[%run_scoped3A_174, %dma_start3A_182, %dma_start3A_183] : memref<2x128x128xf32, #tpu.memory_space<vmem>> -> memref<1x128x128xf32, #tpu.memory_space<vmem>>
      %dma_start3A_185 = tpu.memref_squeeze %dma_start3A_184 : memref<1x128x128xf32, #tpu.memory_space<vmem>> -> memref<128x128xf32, #tpu.memory_space<vmem>>
      %dma_start3A_186 = arith.constant 0 : i32
      %dma_start3A_187 = arith.constant 0 : i32
      %dma_start3A_188 = tpu.memref_slice %arg4[%arg0, %dma_start3A_186, %dma_start3A_187] : memref<2x10240x128xf32, #tpu.memory_space<hbm>> -> memref<1x10240x128xf32, #tpu.memory_space<hbm>>
      %dma_start3A_189 = tpu.memref_squeeze %dma_start3A_188 : memref<1x10240x128xf32, #tpu.memory_space<hbm>> -> memref<10240x128xf32, #tpu.memory_space<hbm>>
      %dma_start3A_190 = arith.constant 0 : i32
      %dma_start3A_191 = tpu.memref_slice %dma_start3A_189[%add3A_172, %dma_start3A_190] : memref<10240x128xf32, #tpu.memory_space<hbm>> -> memref<128x128xf32, #tpu.memory_space<hbm>>
      %dma_start3A_192 = arith.constant 0 : i32
      %dma_start3A_193 = arith.constant 0 : i32
      %dma_start3A_194 = tpu.memref_slice %arg4[%arg0, %dma_start3A_192, %dma_start3A_193] : memref<2x10240x128xf32, #tpu.memory_space<hbm>> -> memref<1x10240x128xf32, #tpu.memory_space<hbm>>
      %dma_start3A_195 = tpu.memref_squeeze %dma_start3A_194 : memref<1x10240x128xf32, #tpu.memory_space<hbm>> -> memref<10240x128xf32, #tpu.memory_space<hbm>>
      %dma_start3A_196 = arith.constant 0 : i32
      %dma_start3A_197 = tpu.memref_slice %dma_start3A_195[%add3A_172, %dma_start3A_196] : memref<10240x128xf32, #tpu.memory_space<hbm>> -> memref<128x128xf32, #tpu.memory_space<hbm>>
      %dma_start3A_198 = arith.constant 0 : i32
      %dma_start3A_199 = arith.constant 0 : i32
      %dma_start3A_200 = tpu.memref_slice %arg7[%run_scoped3A_174, %dma_start3A_198, %dma_start3A_199] : memref<2x128x128xf32, #tpu.memory_space<vmem>> -> memref<1x128x128xf32, #tpu.memory_space<vmem>>
      %dma_start3A_201 = tpu.memref_squeeze %dma_start3A_200 : memref<1x128x128xf32, #tpu.memory_space<vmem>> -> memref<128x128xf32, #tpu.memory_space<vmem>>
      tpu.enqueue_dma source(%dma_start3A_201 : memref<128x128xf32, #tpu.memory_space<vmem>>) target(%dma_start3A_197 : memref<128x128xf32, #tpu.memory_space<hbm>>) target_semaphore(%run_scoped3A_181 : memref<!tpu.dma_semaphore, #tpu.memory_space<semaphore_mem>>)
      %dma_wait3A_202 = arith.constant 0 : i32
      %dma_wait3A_203 = arith.constant 0 : i32
      %dma_wait3A_204 = tpu.memref_slice %arg7[%run_scoped3A_174, %dma_wait3A_202, %dma_wait3A_203] : memref<2x128x128xf32, #tpu.memory_space<vmem>> -> memref<1x128x128xf32, #tpu.memory_space<vmem>>
      %dma_wait3A_205 = tpu.memref_squeeze %dma_wait3A_204 : memref<1x128x128xf32, #tpu.memory_space<vmem>> -> memref<128x128xf32, #tpu.memory_space<vmem>>
      %dma_wait3A_206 = arith.constant 0 : i32
      %dma_wait3A_207 = arith.constant 0 : i32
      %dma_wait3A_208 = tpu.memref_slice %arg4[%arg0, %dma_wait3A_206, %dma_wait3A_207] : memref<2x10240x128xf32, #tpu.memory_space<hbm>> -> memref<1x10240x128xf32, #tpu.memory_space<hbm>>
      %dma_wait3A_209 = tpu.memref_squeeze %dma_wait3A_208 : memref<1x10240x128xf32, #tpu.memory_space<hbm>> -> memref<10240x128xf32, #tpu.memory_space<hbm>>
      %dma_wait3A_210 = arith.constant 0 : i32
      %dma_wait3A_211 = tpu.memref_slice %dma_wait3A_209[%add3A_172, %dma_wait3A_210] : memref<10240x128xf32, #tpu.memory_space<hbm>> -> memref<128x128xf32, #tpu.memory_space<hbm>>
      %dma_wait3A_212 = arith.constant 0 : i32
      %dma_wait3A_213 = arith.constant 0 : i32
      %dma_wait3A_214 = tpu.memref_slice %arg4[%arg0, %dma_wait3A_212, %dma_wait3A_213] : memref<2x10240x128xf32, #tpu.memory_space<hbm>> -> memref<1x10240x128xf32, #tpu.memory_space<hbm>>
      %dma_wait3A_215 = tpu.memref_squeeze %dma_wait3A_214 : memref<1x10240x128xf32, #tpu.memory_space<hbm>> -> memref<10240x128xf32, #tpu.memory_space<hbm>>
      %dma_wait3A_216 = arith.constant 0 : i32
      %dma_wait3A_217 = tpu.memref_slice %dma_wait3A_215[%add3A_172, %dma_wait3A_216] : memref<10240x128xf32, #tpu.memory_space<hbm>> -> memref<128x128xf32, #tpu.memory_space<hbm>>
      %dma_wait3A_218 = arith.constant 0 : i32
      %dma_wait3A_219 = arith.constant 0 : i32
      %dma_wait3A_220 = tpu.memref_slice %arg7[%run_scoped3A_174, %dma_wait3A_218, %dma_wait3A_219] : memref<2x128x128xf32, #tpu.memory_space<vmem>> -> memref<1x128x128xf32, #tpu.memory_space<vmem>>
      %dma_wait3A_221 = tpu.memref_squeeze %dma_wait3A_220 : memref<1x128x128xf32, #tpu.memory_space<vmem>> -> memref<128x128xf32, #tpu.memory_space<vmem>>
      tpu.wait_dma2 semaphore(%run_scoped3A_181 : memref<!tpu.dma_semaphore, #tpu.memory_space<semaphore_mem>>) src(%dma_wait3A_221 : memref<128x128xf32, #tpu.memory_space<vmem>>) dst(%dma_wait3A_217 : memref<128x128xf32, #tpu.memory_space<hbm>>)
      tpu.yield
    }) : () -> ()
    %mul3A_175 = arith.constant 640 : i32
    %mul3A_176 = arith.muli %arg1, %mul3A_175 : i32
    %add3A_177 = arith.constant 512 : i32
    %add3A_178 = arith.addi %mul3A_176, %add3A_177 : i32
    %run_scoped3A_179 = arith.constant 0 : i32
    "tpu.region"() ({
      %run_scoped3A_181 = tpu.sem_alloc : memref<!tpu.dma_semaphore, #tpu.memory_space<semaphore_mem>>
      %dma_start3A_182 = arith.constant 0 : i32
      %dma_start3A_183 = arith.constant 0 : i32
      %dma_start3A_184 = tpu.memref_slice %arg7[%run_scoped3A_179, %dma_start3A_182, %dma_start3A_183] : memref<2x128x128xf32, #tpu.memory_space<vmem>> -> memref<1x128x128xf32, #tpu.memory_space<vmem>>
      %dma_start3A_185 = tpu.memref_squeeze %dma_start3A_184 : memref<1x128x128xf32, #tpu.memory_space<vmem>> -> memref<128x128xf32, #tpu.memory_space<vmem>>
      %dma_start3A_186 = arith.constant 0 : i32
      %dma_start3A_187 = tpu.memref_slice %arg8[%add3A_178, %dma_start3A_186] : memref<10240x128xf32, #tpu.memory_space<vmem_shared>> -> memref<128x128xf32, #tpu.memory_space<vmem_shared>>
      %dma_start3A_188 = arith.constant 0 : i32
      %dma_start3A_189 = arith.constant 0 : i32
      %dma_start3A_190 = tpu.memref_slice %arg7[%run_scoped3A_179, %dma_start3A_188, %dma_start3A_189] : memref<2x128x128xf32, #tpu.memory_space<vmem>> -> memref<1x128x128xf32, #tpu.memory_space<vmem>>
      %dma_start3A_191 = tpu.memref_squeeze %dma_start3A_190 : memref<1x128x128xf32, #tpu.memory_space<vmem>> -> memref<128x128xf32, #tpu.memory_space<vmem>>
      %dma_start3A_192 = arith.constant 0 : i32
      %dma_start3A_193 = tpu.memref_slice %arg8[%add3A_178, %dma_start3A_192] : memref<10240x128xf32, #tpu.memory_space<vmem_shared>> -> memref<128x128xf32, #tpu.memory_space<vmem_shared>>
      tpu.enqueue_dma source(%dma_start3A_193 : memref<128x128xf32, #tpu.memory_space<vmem_shared>>) target(%dma_start3A_191 : memref<128x128xf32, #tpu.memory_space<vmem>>) target_semaphore(%run_scoped3A_181 : memref<!tpu.dma_semaphore, #tpu.memory_space<semaphore_mem>>)
      %dma_wait3A_194 = arith.constant 0 : i32
      %dma_wait3A_195 = arith.constant 0 : i32
      %dma_wait3A_196 = tpu.memref_slice %arg7[%run_scoped3A_179, %dma_wait3A_194, %dma_wait3A_195] : memref<2x128x128xf32, #tpu.memory_space<vmem>> -> memref<1x128x128xf32, #tpu.memory_space<vmem>>
      %dma_wait3A_197 = tpu.memref_squeeze %dma_wait3A_196 : memref<1x128x128xf32, #tpu.memory_space<vmem>> -> memref<128x128xf32, #tpu.memory_space<vmem>>
      %dma_wait3A_198 = arith.constant 0 : i32
      %dma_wait3A_199 = tpu.memref_slice %arg8[%add3A_178, %dma_wait3A_198] : memref<10240x128xf32, #tpu.memory_space<vmem_shared>> -> memref<128x128xf32, #tpu.memory_space<vmem_shared>>
      %dma_wait3A_200 = arith.constant 0 : i32
      %dma_wait3A_201 = arith.constant 0 : i32
      %dma_wait3A_202 = tpu.memref_slice %arg7[%run_scoped3A_179, %dma_wait3A_200, %dma_wait3A_201] : memref<2x128x128xf32, #tpu.memory_space<vmem>> -> memref<1x128x128xf32, #tpu.memory_space<vmem>>
      %dma_wait3A_203 = tpu.memref_squeeze %dma_wait3A_202 : memref<1x128x128xf32, #tpu.memory_space<vmem>> -> memref<128x128xf32, #tpu.memory_space<vmem>>
      %dma_wait3A_204 = arith.constant 0 : i32
      %dma_wait3A_205 = tpu.memref_slice %arg8[%add3A_178, %dma_wait3A_204] : memref<10240x128xf32, #tpu.memory_space<vmem_shared>> -> memref<128x128xf32, #tpu.memory_space<vmem_shared>>
      tpu.wait_dma2 semaphore(%run_scoped3A_181 : memref<!tpu.dma_semaphore, #tpu.memory_space<semaphore_mem>>) src(%dma_wait3A_205 : memref<128x128xf32, #tpu.memory_space<vmem_shared>>) dst(%dma_wait3A_203 : memref<128x128xf32, #tpu.memory_space<vmem>>)
      tpu.yield
    }) : () -> ()
    %run_scoped3A_180 = arith.constant 0 : i32
    "tpu.region"() ({
      %run_scoped3A_181 = tpu.sem_alloc : memref<!tpu.dma_semaphore, #tpu.memory_space<semaphore_mem>>
      %dma_start3A_182 = arith.constant 0 : i32
      %dma_start3A_183 = arith.constant 0 : i32
      %dma_start3A_184 = tpu.memref_slice %arg7[%run_scoped3A_180, %dma_start3A_182, %dma_start3A_183] : memref<2x128x128xf32, #tpu.memory_space<vmem>> -> memref<1x128x128xf32, #tpu.memory_space<vmem>>
      %dma_start3A_185 = tpu.memref_squeeze %dma_start3A_184 : memref<1x128x128xf32, #tpu.memory_space<vmem>> -> memref<128x128xf32, #tpu.memory_space<vmem>>
      %dma_start3A_186 = arith.constant 0 : i32
      %dma_start3A_187 = arith.constant 0 : i32
      %dma_start3A_188 = tpu.memref_slice %arg4[%arg0, %dma_start3A_186, %dma_start3A_187] : memref<2x10240x128xf32, #tpu.memory_space<hbm>> -> memref<1x10240x128xf32, #tpu.memory_space<hbm>>
      %dma_start3A_189 = tpu.memref_squeeze %dma_start3A_188 : memref<1x10240x128xf32, #tpu.memory_space<hbm>> -> memref<10240x128xf32, #tpu.memory_space<hbm>>
      %dma_start3A_190 = arith.constant 0 : i32
      %dma_start3A_191 = tpu.memref_slice %dma_start3A_189[%add3A_178, %dma_start3A_190] : memref<10240x128xf32, #tpu.memory_space<hbm>> -> memref<128x128xf32, #tpu.memory_space<hbm>>
      %dma_start3A_192 = arith.constant 0 : i32
      %dma_start3A_193 = arith.constant 0 : i32
      %dma_start3A_194 = tpu.memref_slice %arg4[%arg0, %dma_start3A_192, %dma_start3A_193] : memref<2x10240x128xf32, #tpu.memory_space<hbm>> -> memref<1x10240x128xf32, #tpu.memory_space<hbm>>
      %dma_start3A_195 = tpu.memref_squeeze %dma_start3A_194 : memref<1x10240x128xf32, #tpu.memory_space<hbm>> -> memref<10240x128xf32, #tpu.memory_space<hbm>>
      %dma_start3A_196 = arith.constant 0 : i32
      %dma_start3A_197 = tpu.memref_slice %dma_start3A_195[%add3A_178, %dma_start3A_196] : memref<10240x128xf32, #tpu.memory_space<hbm>> -> memref<128x128xf32, #tpu.memory_space<hbm>>
      %dma_start3A_198 = arith.constant 0 : i32
      %dma_start3A_199 = arith.constant 0 : i32
      %dma_start3A_200 = tpu.memref_slice %arg7[%run_scoped3A_180, %dma_start3A_198, %dma_start3A_199] : memref<2x128x128xf32, #tpu.memory_space<vmem>> -> memref<1x128x128xf32, #tpu.memory_space<vmem>>
      %dma_start3A_201 = tpu.memref_squeeze %dma_start3A_200 : memref<1x128x128xf32, #tpu.memory_space<vmem>> -> memref<128x128xf32, #tpu.memory_space<vmem>>
      tpu.enqueue_dma source(%dma_start3A_201 : memref<128x128xf32, #tpu.memory_space<vmem>>) target(%dma_start3A_197 : memref<128x128xf32, #tpu.memory_space<hbm>>) target_semaphore(%run_scoped3A_181 : memref<!tpu.dma_semaphore, #tpu.memory_space<semaphore_mem>>)
      %dma_wait3A_202 = arith.constant 0 : i32
      %dma_wait3A_203 = arith.constant 0 : i32
      %dma_wait3A_204 = tpu.memref_slice %arg7[%run_scoped3A_180, %dma_wait3A_202, %dma_wait3A_203] : memref<2x128x128xf32, #tpu.memory_space<vmem>> -> memref<1x128x128xf32, #tpu.memory_space<vmem>>
      %dma_wait3A_205 = tpu.memref_squeeze %dma_wait3A_204 : memref<1x128x128xf32, #tpu.memory_space<vmem>> -> memref<128x128xf32, #tpu.memory_space<vmem>>
      %dma_wait3A_206 = arith.constant 0 : i32
      %dma_wait3A_207 = arith.constant 0 : i32
      %dma_wait3A_208 = tpu.memref_slice %arg4[%arg0, %dma_wait3A_206, %dma_wait3A_207] : memref<2x10240x128xf32, #tpu.memory_space<hbm>> -> memref<1x10240x128xf32, #tpu.memory_space<hbm>>
      %dma_wait3A_209 = tpu.memref_squeeze %dma_wait3A_208 : memref<1x10240x128xf32, #tpu.memory_space<hbm>> -> memref<10240x128xf32, #tpu.memory_space<hbm>>
      %dma_wait3A_210 = arith.constant 0 : i32
      %dma_wait3A_211 = tpu.memref_slice %dma_wait3A_209[%add3A_178, %dma_wait3A_210] : memref<10240x128xf32, #tpu.memory_space<hbm>> -> memref<128x128xf32, #tpu.memory_space<hbm>>
      %dma_wait3A_212 = arith.constant 0 : i32
      %dma_wait3A_213 = arith.constant 0 : i32
      %dma_wait3A_214 = tpu.memref_slice %arg4[%arg0, %dma_wait3A_212, %dma_wait3A_213] : memref<2x10240x128xf32, #tpu.memory_space<hbm>> -> memref<1x10240x128xf32, #tpu.memory_space<hbm>>
      %dma_wait3A_215 = tpu.memref_squeeze %dma_wait3A_214 : memref<1x10240x128xf32, #tpu.memory_space<hbm>> -> memref<10240x128xf32, #tpu.memory_space<hbm>>
      %dma_wait3A_216 = arith.constant 0 : i32
      %dma_wait3A_217 = tpu.memref_slice %dma_wait3A_215[%add3A_178, %dma_wait3A_216] : memref<10240x128xf32, #tpu.memory_space<hbm>> -> memref<128x128xf32, #tpu.memory_space<hbm>>
      %dma_wait3A_218 = arith.constant 0 : i32
      %dma_wait3A_219 = arith.constant 0 : i32
      %dma_wait3A_220 = tpu.memref_slice %arg7[%run_scoped3A_180, %dma_wait3A_218, %dma_wait3A_219] : memref<2x128x128xf32, #tpu.memory_space<vmem>> -> memref<1x128x128xf32, #tpu.memory_space<vmem>>
      %dma_wait3A_221 = tpu.memref_squeeze %dma_wait3A_220 : memref<1x128x128xf32, #tpu.memory_space<vmem>> -> memref<128x128xf32, #tpu.memory_space<vmem>>
      tpu.wait_dma2 semaphore(%run_scoped3A_181 : memref<!tpu.dma_semaphore, #tpu.memory_space<semaphore_mem>>) src(%dma_wait3A_221 : memref<128x128xf32, #tpu.memory_space<vmem>>) dst(%dma_wait3A_217 : memref<128x128xf32, #tpu.memory_space<hbm>>)
      tpu.yield
    }) : () -> ()
    return
  }
}

#map = affine_map<(d0, d1) -> (0, 0)>
#map1 = affine_map<(d0, d1) -> (0, 0, 0)>
module attributes {stable_mosaic.version = 14 : i64} {
  func.func @k(%arg0: i32, %arg1: i32, %arg2: memref<5120x128xi32, #tpu.memory_space<hbm>>, %arg3: memref<2x10240x128xf32, #tpu.memory_space<hbm>>, %arg4: memref<80xi32, #tpu.memory_space<vmem>>, %arg5: memref<160x128xi32, #tpu.memory_space<vmem>>, %arg6: memref<128x128xf32, #tpu.memory_space<vmem>>, %arg7: memref<10240x128xf32, #tpu.memory_space<vmem_shared>>, %arg8: memref<!tpu.dma_semaphore, #tpu.memory_space<semaphore_mem>>) attributes {dimension_semantics = [#tpu.dimension_semantics<core_parallel>, #tpu.dimension_semantics<subcore_parallel>], iteration_bounds = array<i64: 2, 16>, scalar_prefetch = 0 : i64, scratch_operands = 5 : i64, tpu.core_type = #tpu.core_type<sc_vector_subcore>, window_params = [{transform_indices = #map}, {transform_indices = #map1}]} {
    %scan3A = arith.constant 0 : i32
    %scan3A_0 = arith.constant 0 : i32
    %scan3A_1 = arith.constant 128 : i32
    %scan3A_2 = arith.addi %scan3A_0, %scan3A_1 : i32
    %scan3A_3 = arith.constant 1 : i32
    %scan3A_4 = scf.for %scan3A_102 = %scan3A_0 to %scan3A_2 step %scan3A_3 iter_args(%scan3A_103 = %scan3A) -> (i32)  : i32 {
      %scan3A_104 = arith.constant 0 : i32
      %scan3A_105 = arith.constant 0 : i32
      %scan3A_106 = arith.constant 8 : i32
      %scan3A_107 = arith.addi %scan3A_105, %scan3A_106 : i32
      %scan3A_108 = arith.constant 1 : i32
      %scan3A_109 = scf.for %scan3A_111 = %scan3A_105 to %scan3A_107 step %scan3A_108 iter_args(%scan3A_112 = %scan3A_104) -> (i32)  : i32 {
        %broadcast_in_dim3A = arith.constant 0.000000e+00 : f32
        %broadcast_in_dim3A_113 = vector.broadcast %broadcast_in_dim3A : f32 to vector<16xf32>
        %mul3A_114 = arith.constant 16 : i32
        %mul3A_115 = arith.muli %scan3A_111, %mul3A_114 : i32
        %swap3A = arith.index_cast %scan3A_102 : i32 to index
        %swap3A_116 = arith.index_cast %mul3A_115 : i32 to index
        %swap3A_117 = tpu.vector_load %arg6[%swap3A, %swap3A_116] {strides = array<i32>} : memref<128x128xf32, #tpu.memory_space<vmem>>, vector<1x16xf32>,
        %swap3A_118 = vector.shape_cast %swap3A_117 : vector<1x16xf32> to vector<16xf32>
        %swap3A_119 = vector.shape_cast %broadcast_in_dim3A_113 : vector<16xf32> to vector<1x16xf32>
        tpu.vector_store %arg6[%swap3A, %swap3A_116], %swap3A_119 {strides = array<i32>} : memref<128x128xf32, #tpu.memory_space<vmem>>, vector<1x16xf32>,
        %scan3A_120 = arith.constant 0 : i32
        scf.yield %scan3A_120 : i32
      }
      %scan3A_110 = arith.constant 8 : i32
      scf.yield %scan3A_109 : i32
    }
    %scan3A_5 = arith.constant 128 : i32
    %mul3A = arith.constant 640 : i32
    %mul3A_6 = arith.muli %arg1, %mul3A : i32
    %add3A = arith.constant 0 : i32
    %add3A_7 = arith.addi %mul3A_6, %add3A : i32
    "tpu.region"() ({
      %run_scoped3A = tpu.sem_alloc : memref<!tpu.dma_semaphore, #tpu.memory_space<semaphore_mem>>
      %dma_start3A_102 = arith.constant 0 : i32
      %dma_start3A_103 = tpu.memref_slice %arg7[%add3A_7, %dma_start3A_102] : memref<10240x128xf32, #tpu.memory_space<vmem_shared>> -> memref<128x128xf32, #tpu.memory_space<vmem_shared>>
      %dma_start3A_104 = arith.constant 0 : i32
      %dma_start3A_105 = tpu.memref_slice %arg7[%add3A_7, %dma_start3A_104] : memref<10240x128xf32, #tpu.memory_space<vmem_shared>> -> memref<128x128xf32, #tpu.memory_space<vmem_shared>>
      tpu.enqueue_dma source(%arg6 : memref<128x128xf32, #tpu.memory_space<vmem>>) target(%dma_start3A_105 : memref<128x128xf32, #tpu.memory_space<vmem_shared>>) target_semaphore(%run_scoped3A : memref<!tpu.dma_semaphore, #tpu.memory_space<semaphore_mem>>)
      %dma_wait3A_106 = arith.constant 0 : i32
      %dma_wait3A_107 = tpu.memref_slice %arg7[%add3A_7, %dma_wait3A_106] : memref<10240x128xf32, #tpu.memory_space<vmem_shared>> -> memref<128x128xf32, #tpu.memory_space<vmem_shared>>
      %dma_wait3A_108 = arith.constant 0 : i32
      %dma_wait3A_109 = tpu.memref_slice %arg7[%add3A_7, %dma_wait3A_108] : memref<10240x128xf32, #tpu.memory_space<vmem_shared>> -> memref<128x128xf32, #tpu.memory_space<vmem_shared>>
      tpu.wait_dma2 semaphore(%run_scoped3A : memref<!tpu.dma_semaphore, #tpu.memory_space<semaphore_mem>>) src(%arg6 : memref<128x128xf32, #tpu.memory_space<vmem>>) dst(%dma_wait3A_109 : memref<128x128xf32, #tpu.memory_space<vmem_shared>>)
      tpu.yield
    }) : () -> ()
    %mul3A_8 = arith.constant 640 : i32
    %mul3A_9 = arith.muli %arg1, %mul3A_8 : i32
    %add3A_10 = arith.constant 128 : i32
    %add3A_11 = arith.addi %mul3A_9, %add3A_10 : i32
    "tpu.region"() ({
      %run_scoped3A = tpu.sem_alloc : memref<!tpu.dma_semaphore, #tpu.memory_space<semaphore_mem>>
      %dma_start3A_102 = arith.constant 0 : i32
      %dma_start3A_103 = tpu.memref_slice %arg7[%add3A_11, %dma_start3A_102] : memref<10240x128xf32, #tpu.memory_space<vmem_shared>> -> memref<128x128xf32, #tpu.memory_space<vmem_shared>>
      %dma_start3A_104 = arith.constant 0 : i32
      %dma_start3A_105 = tpu.memref_slice %arg7[%add3A_11, %dma_start3A_104] : memref<10240x128xf32, #tpu.memory_space<vmem_shared>> -> memref<128x128xf32, #tpu.memory_space<vmem_shared>>
      tpu.enqueue_dma source(%arg6 : memref<128x128xf32, #tpu.memory_space<vmem>>) target(%dma_start3A_105 : memref<128x128xf32, #tpu.memory_space<vmem_shared>>) target_semaphore(%run_scoped3A : memref<!tpu.dma_semaphore, #tpu.memory_space<semaphore_mem>>)
      %dma_wait3A_106 = arith.constant 0 : i32
      %dma_wait3A_107 = tpu.memref_slice %arg7[%add3A_11, %dma_wait3A_106] : memref<10240x128xf32, #tpu.memory_space<vmem_shared>> -> memref<128x128xf32, #tpu.memory_space<vmem_shared>>
      %dma_wait3A_108 = arith.constant 0 : i32
      %dma_wait3A_109 = tpu.memref_slice %arg7[%add3A_11, %dma_wait3A_108] : memref<10240x128xf32, #tpu.memory_space<vmem_shared>> -> memref<128x128xf32, #tpu.memory_space<vmem_shared>>
      tpu.wait_dma2 semaphore(%run_scoped3A : memref<!tpu.dma_semaphore, #tpu.memory_space<semaphore_mem>>) src(%arg6 : memref<128x128xf32, #tpu.memory_space<vmem>>) dst(%dma_wait3A_109 : memref<128x128xf32, #tpu.memory_space<vmem_shared>>)
      tpu.yield
    }) : () -> ()
    %mul3A_12 = arith.constant 640 : i32
    %mul3A_13 = arith.muli %arg1, %mul3A_12 : i32
    %add3A_14 = arith.constant 256 : i32
    %add3A_15 = arith.addi %mul3A_13, %add3A_14 : i32
    "tpu.region"() ({
      %run_scoped3A = tpu.sem_alloc : memref<!tpu.dma_semaphore, #tpu.memory_space<semaphore_mem>>
      %dma_start3A_102 = arith.constant 0 : i32
      %dma_start3A_103 = tpu.memref_slice %arg7[%add3A_15, %dma_start3A_102] : memref<10240x128xf32, #tpu.memory_space<vmem_shared>> -> memref<128x128xf32, #tpu.memory_space<vmem_shared>>
      %dma_start3A_104 = arith.constant 0 : i32
      %dma_start3A_105 = tpu.memref_slice %arg7[%add3A_15, %dma_start3A_104] : memref<10240x128xf32, #tpu.memory_space<vmem_shared>> -> memref<128x128xf32, #tpu.memory_space<vmem_shared>>
      tpu.enqueue_dma source(%arg6 : memref<128x128xf32, #tpu.memory_space<vmem>>) target(%dma_start3A_105 : memref<128x128xf32, #tpu.memory_space<vmem_shared>>) target_semaphore(%run_scoped3A : memref<!tpu.dma_semaphore, #tpu.memory_space<semaphore_mem>>)
      %dma_wait3A_106 = arith.constant 0 : i32
      %dma_wait3A_107 = tpu.memref_slice %arg7[%add3A_15, %dma_wait3A_106] : memref<10240x128xf32, #tpu.memory_space<vmem_shared>> -> memref<128x128xf32, #tpu.memory_space<vmem_shared>>
      %dma_wait3A_108 = arith.constant 0 : i32
      %dma_wait3A_109 = tpu.memref_slice %arg7[%add3A_15, %dma_wait3A_108] : memref<10240x128xf32, #tpu.memory_space<vmem_shared>> -> memref<128x128xf32, #tpu.memory_space<vmem_shared>>
      tpu.wait_dma2 semaphore(%run_scoped3A : memref<!tpu.dma_semaphore, #tpu.memory_space<semaphore_mem>>) src(%arg6 : memref<128x128xf32, #tpu.memory_space<vmem>>) dst(%dma_wait3A_109 : memref<128x128xf32, #tpu.memory_space<vmem_shared>>)
      tpu.yield
    }) : () -> ()
    %mul3A_16 = arith.constant 640 : i32
    %mul3A_17 = arith.muli %arg1, %mul3A_16 : i32
    %add3A_18 = arith.constant 384 : i32
    %add3A_19 = arith.addi %mul3A_17, %add3A_18 : i32
    "tpu.region"() ({
      %run_scoped3A = tpu.sem_alloc : memref<!tpu.dma_semaphore, #tpu.memory_space<semaphore_mem>>
      %dma_start3A_102 = arith.constant 0 : i32
      %dma_start3A_103 = tpu.memref_slice %arg7[%add3A_19, %dma_start3A_102] : memref<10240x128xf32, #tpu.memory_space<vmem_shared>> -> memref<128x128xf32, #tpu.memory_space<vmem_shared>>
      %dma_start3A_104 = arith.constant 0 : i32
      %dma_start3A_105 = tpu.memref_slice %arg7[%add3A_19, %dma_start3A_104] : memref<10240x128xf32, #tpu.memory_space<vmem_shared>> -> memref<128x128xf32, #tpu.memory_space<vmem_shared>>
      tpu.enqueue_dma source(%arg6 : memref<128x128xf32, #tpu.memory_space<vmem>>) target(%dma_start3A_105 : memref<128x128xf32, #tpu.memory_space<vmem_shared>>) target_semaphore(%run_scoped3A : memref<!tpu.dma_semaphore, #tpu.memory_space<semaphore_mem>>)
      %dma_wait3A_106 = arith.constant 0 : i32
      %dma_wait3A_107 = tpu.memref_slice %arg7[%add3A_19, %dma_wait3A_106] : memref<10240x128xf32, #tpu.memory_space<vmem_shared>> -> memref<128x128xf32, #tpu.memory_space<vmem_shared>>
      %dma_wait3A_108 = arith.constant 0 : i32
      %dma_wait3A_109 = tpu.memref_slice %arg7[%add3A_19, %dma_wait3A_108] : memref<10240x128xf32, #tpu.memory_space<vmem_shared>> -> memref<128x128xf32, #tpu.memory_space<vmem_shared>>
      tpu.wait_dma2 semaphore(%run_scoped3A : memref<!tpu.dma_semaphore, #tpu.memory_space<semaphore_mem>>) src(%arg6 : memref<128x128xf32, #tpu.memory_space<vmem>>) dst(%dma_wait3A_109 : memref<128x128xf32, #tpu.memory_space<vmem_shared>>)
      tpu.yield
    }) : () -> ()
    %mul3A_20 = arith.constant 640 : i32
    %mul3A_21 = arith.muli %arg1, %mul3A_20 : i32
    %add3A_22 = arith.constant 512 : i32
    %add3A_23 = arith.addi %mul3A_21, %add3A_22 : i32
    "tpu.region"() ({
      %run_scoped3A = tpu.sem_alloc : memref<!tpu.dma_semaphore, #tpu.memory_space<semaphore_mem>>
      %dma_start3A_102 = arith.constant 0 : i32
      %dma_start3A_103 = tpu.memref_slice %arg7[%add3A_23, %dma_start3A_102] : memref<10240x128xf32, #tpu.memory_space<vmem_shared>> -> memref<128x128xf32, #tpu.memory_space<vmem_shared>>
      %dma_start3A_104 = arith.constant 0 : i32
      %dma_start3A_105 = tpu.memref_slice %arg7[%add3A_23, %dma_start3A_104] : memref<10240x128xf32, #tpu.memory_space<vmem_shared>> -> memref<128x128xf32, #tpu.memory_space<vmem_shared>>
      tpu.enqueue_dma source(%arg6 : memref<128x128xf32, #tpu.memory_space<vmem>>) target(%dma_start3A_105 : memref<128x128xf32, #tpu.memory_space<vmem_shared>>) target_semaphore(%run_scoped3A : memref<!tpu.dma_semaphore, #tpu.memory_space<semaphore_mem>>)
      %dma_wait3A_106 = arith.constant 0 : i32
      %dma_wait3A_107 = tpu.memref_slice %arg7[%add3A_23, %dma_wait3A_106] : memref<10240x128xf32, #tpu.memory_space<vmem_shared>> -> memref<128x128xf32, #tpu.memory_space<vmem_shared>>
      %dma_wait3A_108 = arith.constant 0 : i32
      %dma_wait3A_109 = tpu.memref_slice %arg7[%add3A_23, %dma_wait3A_108] : memref<10240x128xf32, #tpu.memory_space<vmem_shared>> -> memref<128x128xf32, #tpu.memory_space<vmem_shared>>
      tpu.wait_dma2 semaphore(%run_scoped3A : memref<!tpu.dma_semaphore, #tpu.memory_space<semaphore_mem>>) src(%arg6 : memref<128x128xf32, #tpu.memory_space<vmem>>) dst(%dma_wait3A_109 : memref<128x128xf32, #tpu.memory_space<vmem_shared>>)
      tpu.yield
    }) : () -> ()
    %mul3A_24 = arith.constant 32 : i32
    %mul3A_25 = arith.muli %arg0, %mul3A_24 : i32
    %mul3A_26 = arith.constant 80 : i32
    %mul3A_27 = arith.muli %mul3A_25, %mul3A_26 : i32
    %mul3A_28 = arith.constant 160 : i32
    %mul3A_29 = arith.muli %arg1, %mul3A_28 : i32
    %add3A_30 = arith.addi %mul3A_27, %mul3A_29 : i32
    %scan3A_31 = arith.constant 0 : i32
    %scan3A_32 = arith.constant 0 : i32
    %scan3A_33 = arith.constant 5 : i32
    %scan3A_34 = arith.addi %scan3A_32, %scan3A_33 : i32
    %scan3A_35 = arith.constant 1 : i32
    %scan3A_36 = scf.for %scan3A_102 = %scan3A_32 to %scan3A_34 step %scan3A_35 iter_args(%scan3A_103 = %scan3A_31) -> (i32)  : i32 {
      %iota3A = tpu.iota {dimensions = array<i32: 0>} : vector<16xi32>
      %add3A_104 = arith.constant 0 : i32
      %add3A_105 = arith.addi %add3A_30, %add3A_104 : i32
      %mul3A_106 = arith.constant 16 : i32
      %mul3A_107 = arith.muli %scan3A_102, %mul3A_106 : i32
      %add3A_108 = arith.addi %add3A_105, %mul3A_107 : i32
      %add3A_109 = vector.broadcast %add3A_108 : i32 to vector<16xi32>
      %add3A_110 = arith.addi %iota3A, %add3A_109 : vector<16xi32>
      %mul3A_111 = arith.constant 16 : i32
      %mul3A_112 = arith.muli %scan3A_102, %mul3A_111 : i32
      %swap3A = arith.index_cast %mul3A_112 : i32 to index
      %swap3A_113 = tpu.vector_load %arg4[%swap3A] {strides = array<i32>} : memref<80xi32, #tpu.memory_space<vmem>>, vector<16xi32>,
      %swap3A_114 = vector.shape_cast %swap3A_113 : vector<16xi32> to vector<16xi32>
      %swap3A_115 = vector.shape_cast %add3A_110 : vector<16xi32> to vector<16xi32>
      tpu.vector_store %arg4[%swap3A], %swap3A_115 {strides = array<i32>} : memref<80xi32, #tpu.memory_space<vmem>>, vector<16xi32>,
      %scan3A_116 = arith.constant 0 : i32
      scf.yield %scan3A_116 : i32
    }
    %scan3A_37 = arith.constant 5 : i32
    %dma_start3A = arith.constant 0 : i32
    %dma_start3A_38 = arith.constant 0 : i32
    %dma_start3A_39 = tpu.memref_slice %arg5[%dma_start3A, %dma_start3A_38] : memref<160x128xi32, #tpu.memory_space<vmem>> -> memref<80x128xi32, #tpu.memory_space<vmem>>
    %dma_start3A_40 = arith.constant 0 : i32
    %dma_start3A_41 = arith.constant 0 : i32
    %dma_start3A_42 = tpu.memref_slice %arg2[%dma_start3A_40, %dma_start3A_41] : memref<5120x128xi32, #tpu.memory_space<hbm>> -> memref<5120x128xi32, #tpu.memory_space<hbm>>
    tpu.enqueue_indirect_dma source(%dma_start3A_42 : memref<5120x128xi32, #tpu.memory_space<hbm>>) target(%dma_start3A_39 : memref<80x128xi32, #tpu.memory_space<vmem>>) offsets(%arg4 : memref<80xi32, #tpu.memory_space<vmem>>) semaphore(%arg8 : memref<!tpu.dma_semaphore, #tpu.memory_space<semaphore_mem>>)
    %dma_wait3A = arith.constant 0 : i32
    %dma_wait3A_43 = arith.constant 0 : i32
    %dma_wait3A_44 = tpu.memref_slice %arg5[%dma_wait3A, %dma_wait3A_43] : memref<160x128xi32, #tpu.memory_space<vmem>> -> memref<80x128xi32, #tpu.memory_space<vmem>>
    %dma_wait3A_45 = arith.constant 0 : i32
    %dma_wait3A_46 = arith.constant 0 : i32
    %dma_wait3A_47 = tpu.memref_slice %arg2[%dma_wait3A_45, %dma_wait3A_46] : memref<5120x128xi32, #tpu.memory_space<hbm>> -> memref<5120x128xi32, #tpu.memory_space<hbm>>
    tpu.wait_indirect_dma semaphore(%arg8 : memref<!tpu.dma_semaphore, #tpu.memory_space<semaphore_mem>>) src(%dma_wait3A_47 : memref<5120x128xi32, #tpu.memory_space<hbm>>) dst(%dma_wait3A_44 : memref<80x128xi32, #tpu.memory_space<vmem>>)
    %scan3A_48 = arith.constant 0 : i32
    %scan3A_49 = arith.constant 0 : i32
    %scan3A_50 = arith.constant 5 : i32
    %scan3A_51 = arith.addi %scan3A_49, %scan3A_50 : i32
    %scan3A_52 = arith.constant 1 : i32
    %scan3A_53 = scf.for %scan3A_102 = %scan3A_49 to %scan3A_51 step %scan3A_52 iter_args(%scan3A_103 = %scan3A_48) -> (i32)  : i32 {
      %iota3A = tpu.iota {dimensions = array<i32: 0>} : vector<16xi32>
      %add3A_104 = arith.constant 80 : i32
      %add3A_105 = arith.addi %add3A_30, %add3A_104 : i32
      %mul3A_106 = arith.constant 16 : i32
      %mul3A_107 = arith.muli %scan3A_102, %mul3A_106 : i32
      %add3A_108 = arith.addi %add3A_105, %mul3A_107 : i32
      %add3A_109 = vector.broadcast %add3A_108 : i32 to vector<16xi32>
      %add3A_110 = arith.addi %iota3A, %add3A_109 : vector<16xi32>
      %mul3A_111 = arith.constant 16 : i32
      %mul3A_112 = arith.muli %scan3A_102, %mul3A_111 : i32
      %swap3A = arith.index_cast %mul3A_112 : i32 to index
      %swap3A_113 = tpu.vector_load %arg4[%swap3A] {strides = array<i32>} : memref<80xi32, #tpu.memory_space<vmem>>, vector<16xi32>,
      %swap3A_114 = vector.shape_cast %swap3A_113 : vector<16xi32> to vector<16xi32>
      %swap3A_115 = vector.shape_cast %add3A_110 : vector<16xi32> to vector<16xi32>
      tpu.vector_store %arg4[%swap3A], %swap3A_115 {strides = array<i32>} : memref<80xi32, #tpu.memory_space<vmem>>, vector<16xi32>,
      %scan3A_116 = arith.constant 0 : i32
      scf.yield %scan3A_116 : i32
    }
    %scan3A_54 = arith.constant 5 : i32
    %dma_start3A_55 = arith.constant 80 : i32
    %dma_start3A_56 = arith.constant 0 : i32
    %dma_start3A_57 = tpu.memref_slice %arg5[%dma_start3A_55, %dma_start3A_56] : memref<160x128xi32, #tpu.memory_space<vmem>> -> memref<80x128xi32, #tpu.memory_space<vmem>>
    %dma_start3A_58 = arith.constant 0 : i32
    %dma_start3A_59 = arith.constant 0 : i32
    %dma_start3A_60 = tpu.memref_slice %arg2[%dma_start3A_58, %dma_start3A_59] : memref<5120x128xi32, #tpu.memory_space<hbm>> -> memref<5120x128xi32, #tpu.memory_space<hbm>>
    tpu.enqueue_indirect_dma source(%dma_start3A_60 : memref<5120x128xi32, #tpu.memory_space<hbm>>) target(%dma_start3A_57 : memref<80x128xi32, #tpu.memory_space<vmem>>) offsets(%arg4 : memref<80xi32, #tpu.memory_space<vmem>>) semaphore(%arg8 : memref<!tpu.dma_semaphore, #tpu.memory_space<semaphore_mem>>)
    %dma_wait3A_61 = arith.constant 80 : i32
    %dma_wait3A_62 = arith.constant 0 : i32
    %dma_wait3A_63 = tpu.memref_slice %arg5[%dma_wait3A_61, %dma_wait3A_62] : memref<160x128xi32, #tpu.memory_space<vmem>> -> memref<80x128xi32, #tpu.memory_space<vmem>>
    %dma_wait3A_64 = arith.constant 0 : i32
    %dma_wait3A_65 = arith.constant 0 : i32
    %dma_wait3A_66 = tpu.memref_slice %arg2[%dma_wait3A_64, %dma_wait3A_65] : memref<5120x128xi32, #tpu.memory_space<hbm>> -> memref<5120x128xi32, #tpu.memory_space<hbm>>
    tpu.wait_indirect_dma semaphore(%arg8 : memref<!tpu.dma_semaphore, #tpu.memory_space<semaphore_mem>>) src(%dma_wait3A_66 : memref<5120x128xi32, #tpu.memory_space<hbm>>) dst(%dma_wait3A_63 : memref<80x128xi32, #tpu.memory_space<vmem>>)
    %scan3A_67 = arith.constant 0 : i32
    %scan3A_68 = arith.constant 0 : i32
    %scan3A_69 = arith.constant 128 : i32
    %scan3A_70 = arith.addi %scan3A_68, %scan3A_69 : i32
    %scan3A_71 = arith.constant 1 : i32
    %scan3A_72 = scf.for %scan3A_102 = %scan3A_68 to %scan3A_70 step %scan3A_71 iter_args(%scan3A_103 = %scan3A_67) -> (i32)  : i32 {
      %scan3A_104 = arith.constant 0 : i32
      %scan3A_105 = arith.constant 0 : i32
      %scan3A_106 = arith.constant 8 : i32
      %scan3A_107 = arith.addi %scan3A_105, %scan3A_106 : i32
      %scan3A_108 = arith.constant 1 : i32
      %scan3A_109 = scf.for %scan3A_111 = %scan3A_105 to %scan3A_107 step %scan3A_108 iter_args(%scan3A_112 = %scan3A_104) -> (i32)  : i32 {
        %broadcast_in_dim3A = arith.constant 1.000000e+00 : f32
        %broadcast_in_dim3A_113 = vector.broadcast %broadcast_in_dim3A : f32 to vector<16xf32>
        %mul3A_114 = arith.constant 16 : i32
        %mul3A_115 = arith.muli %scan3A_111, %mul3A_114 : i32
        %swap3A = arith.index_cast %scan3A_102 : i32 to index
        %swap3A_116 = arith.index_cast %mul3A_115 : i32 to index
        %swap3A_117 = tpu.vector_load %arg6[%swap3A, %swap3A_116] {strides = array<i32>} : memref<128x128xf32, #tpu.memory_space<vmem>>, vector<1x16xf32>,
        %swap3A_118 = vector.shape_cast %swap3A_117 : vector<1x16xf32> to vector<16xf32>
        %swap3A_119 = vector.shape_cast %broadcast_in_dim3A_113 : vector<16xf32> to vector<1x16xf32>
        tpu.vector_store %arg6[%swap3A, %swap3A_116], %swap3A_119 {strides = array<i32>} : memref<128x128xf32, #tpu.memory_space<vmem>>, vector<1x16xf32>,
        %scan3A_120 = arith.constant 0 : i32
        scf.yield %scan3A_120 : i32
      }
      %scan3A_110 = arith.constant 8 : i32
      scf.yield %scan3A_109 : i32
    }
    %scan3A_73 = arith.constant 128 : i32
    %barrier3A = arith.constant 0 : index
    tpu.barrier barrier_id(%barrier3A)
    %scan3A_74 = arith.constant 0 : i32
    %scan3A_75 = arith.constant 0 : i32
    %scan3A_76 = arith.constant 160 : i32
    %scan3A_77 = arith.addi %scan3A_75, %scan3A_76 : i32
    %scan3A_78 = arith.constant 1 : i32
    %scan3A_79 = scf.for %scan3A_102 = %scan3A_75 to %scan3A_77 step %scan3A_78 iter_args(%scan3A_103 = %scan3A_74) -> (i32)  : i32 {
      "tpu.region"() ({
        %run_scoped3A = tpu.sem_alloc : memref<!tpu.dma_semaphore, #tpu.memory_space<semaphore_mem>>
        %dma_start3A_105 = arith.constant 0 : i32
        %dma_start3A_106 = tpu.memref_slice %arg5[%scan3A_102, %dma_start3A_105] : memref<160x128xi32, #tpu.memory_space<vmem>> -> memref<1x128xi32, #tpu.memory_space<vmem>>
        %dma_start3A_107 = tpu.memref_squeeze %dma_start3A_106 : memref<1x128xi32, #tpu.memory_space<vmem>> -> memref<128xi32, #tpu.memory_space<vmem>>
        %dma_start3A_108 = arith.constant 0 : i32
        %dma_start3A_109 = arith.constant 0 : i32
        %dma_start3A_110 = tpu.memref_slice %arg7[%dma_start3A_108, %dma_start3A_109] : memref<10240x128xf32, #tpu.memory_space<vmem_shared>> -> memref<10240x128xf32, #tpu.memory_space<vmem_shared>>
        tpu.enqueue_indirect_dma source(%arg6 : memref<128x128xf32, #tpu.memory_space<vmem>>) target(%dma_start3A_110 : memref<10240x128xf32, #tpu.memory_space<vmem_shared>>) offsets(%dma_start3A_107 : memref<128xi32, #tpu.memory_space<vmem>>) semaphore(%run_scoped3A : memref<!tpu.dma_semaphore, #tpu.memory_space<semaphore_mem>>) {add = true}
        %dma_wait3A_111 = arith.constant 0 : i32
        %dma_wait3A_112 = tpu.memref_slice %arg5[%scan3A_102, %dma_wait3A_111] : memref<160x128xi32, #tpu.memory_space<vmem>> -> memref<1x128xi32, #tpu.memory_space<vmem>>
        %dma_wait3A_113 = tpu.memref_squeeze %dma_wait3A_112 : memref<1x128xi32, #tpu.memory_space<vmem>> -> memref<128xi32, #tpu.memory_space<vmem>>
        %dma_wait3A_114 = arith.constant 0 : i32
        %dma_wait3A_115 = arith.constant 0 : i32
        %dma_wait3A_116 = tpu.memref_slice %arg7[%dma_wait3A_114, %dma_wait3A_115] : memref<10240x128xf32, #tpu.memory_space<vmem_shared>> -> memref<10240x128xf32, #tpu.memory_space<vmem_shared>>
        tpu.wait_indirect_dma semaphore(%run_scoped3A : memref<!tpu.dma_semaphore, #tpu.memory_space<semaphore_mem>>) src(%arg6 : memref<128x128xf32, #tpu.memory_space<vmem>>) dst(%dma_wait3A_116 : memref<10240x128xf32, #tpu.memory_space<vmem_shared>>)
        tpu.yield
      }) : () -> ()
      %scan3A_104 = arith.constant 0 : i32
      scf.yield %scan3A_104 : i32
    }
    %scan3A_80 = arith.constant 160 : i32
    %barrier3A_81 = arith.constant 0 : index
    tpu.barrier barrier_id(%barrier3A_81)
    %mul3A_82 = arith.constant 640 : i32
    %mul3A_83 = arith.muli %arg1, %mul3A_82 : i32
    %add3A_84 = arith.constant 0 : i32
    %add3A_85 = arith.addi %mul3A_83, %add3A_84 : i32
    "tpu.region"() ({
      %run_scoped3A = tpu.sem_alloc : memref<!tpu.dma_semaphore, #tpu.memory_space<semaphore_mem>>
      %dma_start3A_102 = arith.constant 0 : i32
      %dma_start3A_103 = tpu.memref_slice %arg7[%add3A_85, %dma_start3A_102] : memref<10240x128xf32, #tpu.memory_space<vmem_shared>> -> memref<128x128xf32, #tpu.memory_space<vmem_shared>>
      %dma_start3A_104 = arith.constant 0 : i32
      %dma_start3A_105 = tpu.memref_slice %arg7[%add3A_85, %dma_start3A_104] : memref<10240x128xf32, #tpu.memory_space<vmem_shared>> -> memref<128x128xf32, #tpu.memory_space<vmem_shared>>
      tpu.enqueue_dma source(%dma_start3A_105 : memref<128x128xf32, #tpu.memory_space<vmem_shared>>) target(%arg6 : memref<128x128xf32, #tpu.memory_space<vmem>>) target_semaphore(%run_scoped3A : memref<!tpu.dma_semaphore, #tpu.memory_space<semaphore_mem>>)
      %dma_wait3A_106 = arith.constant 0 : i32
      %dma_wait3A_107 = tpu.memref_slice %arg7[%add3A_85, %dma_wait3A_106] : memref<10240x128xf32, #tpu.memory_space<vmem_shared>> -> memref<128x128xf32, #tpu.memory_space<vmem_shared>>
      %dma_wait3A_108 = arith.constant 0 : i32
      %dma_wait3A_109 = tpu.memref_slice %arg7[%add3A_85, %dma_wait3A_108] : memref<10240x128xf32, #tpu.memory_space<vmem_shared>> -> memref<128x128xf32, #tpu.memory_space<vmem_shared>>
      tpu.wait_dma2 semaphore(%run_scoped3A : memref<!tpu.dma_semaphore, #tpu.memory_space<semaphore_mem>>) src(%dma_wait3A_109 : memref<128x128xf32, #tpu.memory_space<vmem_shared>>) dst(%arg6 : memref<128x128xf32, #tpu.memory_space<vmem>>)
      tpu.yield
    }) : () -> ()
    "tpu.region"() ({
      %run_scoped3A = tpu.sem_alloc : memref<!tpu.dma_semaphore, #tpu.memory_space<semaphore_mem>>
      %dma_start3A_102 = arith.constant 0 : i32
      %dma_start3A_103 = arith.constant 0 : i32
      %dma_start3A_104 = tpu.memref_slice %arg3[%arg0, %dma_start3A_102, %dma_start3A_103] : memref<2x10240x128xf32, #tpu.memory_space<hbm>> -> memref<1x10240x128xf32, #tpu.memory_space<hbm>>
      %dma_start3A_105 = tpu.memref_squeeze %dma_start3A_104 : memref<1x10240x128xf32, #tpu.memory_space<hbm>> -> memref<10240x128xf32, #tpu.memory_space<hbm>>
      %dma_start3A_106 = arith.constant 0 : i32
      %dma_start3A_107 = tpu.memref_slice %dma_start3A_105[%add3A_85, %dma_start3A_106] : memref<10240x128xf32, #tpu.memory_space<hbm>> -> memref<128x128xf32, #tpu.memory_space<hbm>>
      %dma_start3A_108 = arith.constant 0 : i32
      %dma_start3A_109 = arith.constant 0 : i32
      %dma_start3A_110 = tpu.memref_slice %arg3[%arg0, %dma_start3A_108, %dma_start3A_109] : memref<2x10240x128xf32, #tpu.memory_space<hbm>> -> memref<1x10240x128xf32, #tpu.memory_space<hbm>>
      %dma_start3A_111 = tpu.memref_squeeze %dma_start3A_110 : memref<1x10240x128xf32, #tpu.memory_space<hbm>> -> memref<10240x128xf32, #tpu.memory_space<hbm>>
      %dma_start3A_112 = arith.constant 0 : i32
      %dma_start3A_113 = tpu.memref_slice %dma_start3A_111[%add3A_85, %dma_start3A_112] : memref<10240x128xf32, #tpu.memory_space<hbm>> -> memref<128x128xf32, #tpu.memory_space<hbm>>
      tpu.enqueue_dma source(%arg6 : memref<128x128xf32, #tpu.memory_space<vmem>>) target(%dma_start3A_113 : memref<128x128xf32, #tpu.memory_space<hbm>>) target_semaphore(%run_scoped3A : memref<!tpu.dma_semaphore, #tpu.memory_space<semaphore_mem>>)
      %dma_wait3A_114 = arith.constant 0 : i32
      %dma_wait3A_115 = arith.constant 0 : i32
      %dma_wait3A_116 = tpu.memref_slice %arg3[%arg0, %dma_wait3A_114, %dma_wait3A_115] : memref<2x10240x128xf32, #tpu.memory_space<hbm>> -> memref<1x10240x128xf32, #tpu.memory_space<hbm>>
      %dma_wait3A_117 = tpu.memref_squeeze %dma_wait3A_116 : memref<1x10240x128xf32, #tpu.memory_space<hbm>> -> memref<10240x128xf32, #tpu.memory_space<hbm>>
      %dma_wait3A_118 = arith.constant 0 : i32
      %dma_wait3A_119 = tpu.memref_slice %dma_wait3A_117[%add3A_85, %dma_wait3A_118] : memref<10240x128xf32, #tpu.memory_space<hbm>> -> memref<128x128xf32, #tpu.memory_space<hbm>>
      %dma_wait3A_120 = arith.constant 0 : i32
      %dma_wait3A_121 = arith.constant 0 : i32
      %dma_wait3A_122 = tpu.memref_slice %arg3[%arg0, %dma_wait3A_120, %dma_wait3A_121] : memref<2x10240x128xf32, #tpu.memory_space<hbm>> -> memref<1x10240x128xf32, #tpu.memory_space<hbm>>
      %dma_wait3A_123 = tpu.memref_squeeze %dma_wait3A_122 : memref<1x10240x128xf32, #tpu.memory_space<hbm>> -> memref<10240x128xf32, #tpu.memory_space<hbm>>
      %dma_wait3A_124 = arith.constant 0 : i32
      %dma_wait3A_125 = tpu.memref_slice %dma_wait3A_123[%add3A_85, %dma_wait3A_124] : memref<10240x128xf32, #tpu.memory_space<hbm>> -> memref<128x128xf32, #tpu.memory_space<hbm>>
      tpu.wait_dma2 semaphore(%run_scoped3A : memref<!tpu.dma_semaphore, #tpu.memory_space<semaphore_mem>>) src(%arg6 : memref<128x128xf32, #tpu.memory_space<vmem>>) dst(%dma_wait3A_125 : memref<128x128xf32, #tpu.memory_space<hbm>>)
      tpu.yield
    }) : () -> ()
    %mul3A_86 = arith.constant 640 : i32
    %mul3A_87 = arith.muli %arg1, %mul3A_86 : i32
    %add3A_88 = arith.constant 128 : i32
    %add3A_89 = arith.addi %mul3A_87, %add3A_88 : i32
    "tpu.region"() ({
      %run_scoped3A = tpu.sem_alloc : memref<!tpu.dma_semaphore, #tpu.memory_space<semaphore_mem>>
      %dma_start3A_102 = arith.constant 0 : i32
      %dma_start3A_103 = tpu.memref_slice %arg7[%add3A_89, %dma_start3A_102] : memref<10240x128xf32, #tpu.memory_space<vmem_shared>> -> memref<128x128xf32, #tpu.memory_space<vmem_shared>>
      %dma_start3A_104 = arith.constant 0 : i32
      %dma_start3A_105 = tpu.memref_slice %arg7[%add3A_89, %dma_start3A_104] : memref<10240x128xf32, #tpu.memory_space<vmem_shared>> -> memref<128x128xf32, #tpu.memory_space<vmem_shared>>
      tpu.enqueue_dma source(%dma_start3A_105 : memref<128x128xf32, #tpu.memory_space<vmem_shared>>) target(%arg6 : memref<128x128xf32, #tpu.memory_space<vmem>>) target_semaphore(%run_scoped3A : memref<!tpu.dma_semaphore, #tpu.memory_space<semaphore_mem>>)
      %dma_wait3A_106 = arith.constant 0 : i32
      %dma_wait3A_107 = tpu.memref_slice %arg7[%add3A_89, %dma_wait3A_106] : memref<10240x128xf32, #tpu.memory_space<vmem_shared>> -> memref<128x128xf32, #tpu.memory_space<vmem_shared>>
      %dma_wait3A_108 = arith.constant 0 : i32
      %dma_wait3A_109 = tpu.memref_slice %arg7[%add3A_89, %dma_wait3A_108] : memref<10240x128xf32, #tpu.memory_space<vmem_shared>> -> memref<128x128xf32, #tpu.memory_space<vmem_shared>>
      tpu.wait_dma2 semaphore(%run_scoped3A : memref<!tpu.dma_semaphore, #tpu.memory_space<semaphore_mem>>) src(%dma_wait3A_109 : memref<128x128xf32, #tpu.memory_space<vmem_shared>>) dst(%arg6 : memref<128x128xf32, #tpu.memory_space<vmem>>)
      tpu.yield
    }) : () -> ()
    "tpu.region"() ({
      %run_scoped3A = tpu.sem_alloc : memref<!tpu.dma_semaphore, #tpu.memory_space<semaphore_mem>>
      %dma_start3A_102 = arith.constant 0 : i32
      %dma_start3A_103 = arith.constant 0 : i32
      %dma_start3A_104 = tpu.memref_slice %arg3[%arg0, %dma_start3A_102, %dma_start3A_103] : memref<2x10240x128xf32, #tpu.memory_space<hbm>> -> memref<1x10240x128xf32, #tpu.memory_space<hbm>>
      %dma_start3A_105 = tpu.memref_squeeze %dma_start3A_104 : memref<1x10240x128xf32, #tpu.memory_space<hbm>> -> memref<10240x128xf32, #tpu.memory_space<hbm>>
      %dma_start3A_106 = arith.constant 0 : i32
      %dma_start3A_107 = tpu.memref_slice %dma_start3A_105[%add3A_89, %dma_start3A_106] : memref<10240x128xf32, #tpu.memory_space<hbm>> -> memref<128x128xf32, #tpu.memory_space<hbm>>
      %dma_start3A_108 = arith.constant 0 : i32
      %dma_start3A_109 = arith.constant 0 : i32
      %dma_start3A_110 = tpu.memref_slice %arg3[%arg0, %dma_start3A_108, %dma_start3A_109] : memref<2x10240x128xf32, #tpu.memory_space<hbm>> -> memref<1x10240x128xf32, #tpu.memory_space<hbm>>
      %dma_start3A_111 = tpu.memref_squeeze %dma_start3A_110 : memref<1x10240x128xf32, #tpu.memory_space<hbm>> -> memref<10240x128xf32, #tpu.memory_space<hbm>>
      %dma_start3A_112 = arith.constant 0 : i32
      %dma_start3A_113 = tpu.memref_slice %dma_start3A_111[%add3A_89, %dma_start3A_112] : memref<10240x128xf32, #tpu.memory_space<hbm>> -> memref<128x128xf32, #tpu.memory_space<hbm>>
      tpu.enqueue_dma source(%arg6 : memref<128x128xf32, #tpu.memory_space<vmem>>) target(%dma_start3A_113 : memref<128x128xf32, #tpu.memory_space<hbm>>) target_semaphore(%run_scoped3A : memref<!tpu.dma_semaphore, #tpu.memory_space<semaphore_mem>>)
      %dma_wait3A_114 = arith.constant 0 : i32
      %dma_wait3A_115 = arith.constant 0 : i32
      %dma_wait3A_116 = tpu.memref_slice %arg3[%arg0, %dma_wait3A_114, %dma_wait3A_115] : memref<2x10240x128xf32, #tpu.memory_space<hbm>> -> memref<1x10240x128xf32, #tpu.memory_space<hbm>>
      %dma_wait3A_117 = tpu.memref_squeeze %dma_wait3A_116 : memref<1x10240x128xf32, #tpu.memory_space<hbm>> -> memref<10240x128xf32, #tpu.memory_space<hbm>>
      %dma_wait3A_118 = arith.constant 0 : i32
      %dma_wait3A_119 = tpu.memref_slice %dma_wait3A_117[%add3A_89, %dma_wait3A_118] : memref<10240x128xf32, #tpu.memory_space<hbm>> -> memref<128x128xf32, #tpu.memory_space<hbm>>
      %dma_wait3A_120 = arith.constant 0 : i32
      %dma_wait3A_121 = arith.constant 0 : i32
      %dma_wait3A_122 = tpu.memref_slice %arg3[%arg0, %dma_wait3A_120, %dma_wait3A_121] : memref<2x10240x128xf32, #tpu.memory_space<hbm>> -> memref<1x10240x128xf32, #tpu.memory_space<hbm>>
      %dma_wait3A_123 = tpu.memref_squeeze %dma_wait3A_122 : memref<1x10240x128xf32, #tpu.memory_space<hbm>> -> memref<10240x128xf32, #tpu.memory_space<hbm>>
      %dma_wait3A_124 = arith.constant 0 : i32
      %dma_wait3A_125 = tpu.memref_slice %dma_wait3A_123[%add3A_89, %dma_wait3A_124] : memref<10240x128xf32, #tpu.memory_space<hbm>> -> memref<128x128xf32, #tpu.memory_space<hbm>>
      tpu.wait_dma2 semaphore(%run_scoped3A : memref<!tpu.dma_semaphore, #tpu.memory_space<semaphore_mem>>) src(%arg6 : memref<128x128xf32, #tpu.memory_space<vmem>>) dst(%dma_wait3A_125 : memref<128x128xf32, #tpu.memory_space<hbm>>)
      tpu.yield
    }) : () -> ()
    %mul3A_90 = arith.constant 640 : i32
    %mul3A_91 = arith.muli %arg1, %mul3A_90 : i32
    %add3A_92 = arith.constant 256 : i32
    %add3A_93 = arith.addi %mul3A_91, %add3A_92 : i32
    "tpu.region"() ({
      %run_scoped3A = tpu.sem_alloc : memref<!tpu.dma_semaphore, #tpu.memory_space<semaphore_mem>>
      %dma_start3A_102 = arith.constant 0 : i32
      %dma_start3A_103 = tpu.memref_slice %arg7[%add3A_93, %dma_start3A_102] : memref<10240x128xf32, #tpu.memory_space<vmem_shared>> -> memref<128x128xf32, #tpu.memory_space<vmem_shared>>
      %dma_start3A_104 = arith.constant 0 : i32
      %dma_start3A_105 = tpu.memref_slice %arg7[%add3A_93, %dma_start3A_104] : memref<10240x128xf32, #tpu.memory_space<vmem_shared>> -> memref<128x128xf32, #tpu.memory_space<vmem_shared>>
      tpu.enqueue_dma source(%dma_start3A_105 : memref<128x128xf32, #tpu.memory_space<vmem_shared>>) target(%arg6 : memref<128x128xf32, #tpu.memory_space<vmem>>) target_semaphore(%run_scoped3A : memref<!tpu.dma_semaphore, #tpu.memory_space<semaphore_mem>>)
      %dma_wait3A_106 = arith.constant 0 : i32
      %dma_wait3A_107 = tpu.memref_slice %arg7[%add3A_93, %dma_wait3A_106] : memref<10240x128xf32, #tpu.memory_space<vmem_shared>> -> memref<128x128xf32, #tpu.memory_space<vmem_shared>>
      %dma_wait3A_108 = arith.constant 0 : i32
      %dma_wait3A_109 = tpu.memref_slice %arg7[%add3A_93, %dma_wait3A_108] : memref<10240x128xf32, #tpu.memory_space<vmem_shared>> -> memref<128x128xf32, #tpu.memory_space<vmem_shared>>
      tpu.wait_dma2 semaphore(%run_scoped3A : memref<!tpu.dma_semaphore, #tpu.memory_space<semaphore_mem>>) src(%dma_wait3A_109 : memref<128x128xf32, #tpu.memory_space<vmem_shared>>) dst(%arg6 : memref<128x128xf32, #tpu.memory_space<vmem>>)
      tpu.yield
    }) : () -> ()
    "tpu.region"() ({
      %run_scoped3A = tpu.sem_alloc : memref<!tpu.dma_semaphore, #tpu.memory_space<semaphore_mem>>
      %dma_start3A_102 = arith.constant 0 : i32
      %dma_start3A_103 = arith.constant 0 : i32
      %dma_start3A_104 = tpu.memref_slice %arg3[%arg0, %dma_start3A_102, %dma_start3A_103] : memref<2x10240x128xf32, #tpu.memory_space<hbm>> -> memref<1x10240x128xf32, #tpu.memory_space<hbm>>
      %dma_start3A_105 = tpu.memref_squeeze %dma_start3A_104 : memref<1x10240x128xf32, #tpu.memory_space<hbm>> -> memref<10240x128xf32, #tpu.memory_space<hbm>>
      %dma_start3A_106 = arith.constant 0 : i32
      %dma_start3A_107 = tpu.memref_slice %dma_start3A_105[%add3A_93, %dma_start3A_106] : memref<10240x128xf32, #tpu.memory_space<hbm>> -> memref<128x128xf32, #tpu.memory_space<hbm>>
      %dma_start3A_108 = arith.constant 0 : i32
      %dma_start3A_109 = arith.constant 0 : i32
      %dma_start3A_110 = tpu.memref_slice %arg3[%arg0, %dma_start3A_108, %dma_start3A_109] : memref<2x10240x128xf32, #tpu.memory_space<hbm>> -> memref<1x10240x128xf32, #tpu.memory_space<hbm>>
      %dma_start3A_111 = tpu.memref_squeeze %dma_start3A_110 : memref<1x10240x128xf32, #tpu.memory_space<hbm>> -> memref<10240x128xf32, #tpu.memory_space<hbm>>
      %dma_start3A_112 = arith.constant 0 : i32
      %dma_start3A_113 = tpu.memref_slice %dma_start3A_111[%add3A_93, %dma_start3A_112] : memref<10240x128xf32, #tpu.memory_space<hbm>> -> memref<128x128xf32, #tpu.memory_space<hbm>>
      tpu.enqueue_dma source(%arg6 : memref<128x128xf32, #tpu.memory_space<vmem>>) target(%dma_start3A_113 : memref<128x128xf32, #tpu.memory_space<hbm>>) target_semaphore(%run_scoped3A : memref<!tpu.dma_semaphore, #tpu.memory_space<semaphore_mem>>)
      %dma_wait3A_114 = arith.constant 0 : i32
      %dma_wait3A_115 = arith.constant 0 : i32
      %dma_wait3A_116 = tpu.memref_slice %arg3[%arg0, %dma_wait3A_114, %dma_wait3A_115] : memref<2x10240x128xf32, #tpu.memory_space<hbm>> -> memref<1x10240x128xf32, #tpu.memory_space<hbm>>
      %dma_wait3A_117 = tpu.memref_squeeze %dma_wait3A_116 : memref<1x10240x128xf32, #tpu.memory_space<hbm>> -> memref<10240x128xf32, #tpu.memory_space<hbm>>
      %dma_wait3A_118 = arith.constant 0 : i32
      %dma_wait3A_119 = tpu.memref_slice %dma_wait3A_117[%add3A_93, %dma_wait3A_118] : memref<10240x128xf32, #tpu.memory_space<hbm>> -> memref<128x128xf32, #tpu.memory_space<hbm>>
      %dma_wait3A_120 = arith.constant 0 : i32
      %dma_wait3A_121 = arith.constant 0 : i32
      %dma_wait3A_122 = tpu.memref_slice %arg3[%arg0, %dma_wait3A_120, %dma_wait3A_121] : memref<2x10240x128xf32, #tpu.memory_space<hbm>> -> memref<1x10240x128xf32, #tpu.memory_space<hbm>>
      %dma_wait3A_123 = tpu.memref_squeeze %dma_wait3A_122 : memref<1x10240x128xf32, #tpu.memory_space<hbm>> -> memref<10240x128xf32, #tpu.memory_space<hbm>>
      %dma_wait3A_124 = arith.constant 0 : i32
      %dma_wait3A_125 = tpu.memref_slice %dma_wait3A_123[%add3A_93, %dma_wait3A_124] : memref<10240x128xf32, #tpu.memory_space<hbm>> -> memref<128x128xf32, #tpu.memory_space<hbm>>
      tpu.wait_dma2 semaphore(%run_scoped3A : memref<!tpu.dma_semaphore, #tpu.memory_space<semaphore_mem>>) src(%arg6 : memref<128x128xf32, #tpu.memory_space<vmem>>) dst(%dma_wait3A_125 : memref<128x128xf32, #tpu.memory_space<hbm>>)
      tpu.yield
    }) : () -> ()
    %mul3A_94 = arith.constant 640 : i32
    %mul3A_95 = arith.muli %arg1, %mul3A_94 : i32
    %add3A_96 = arith.constant 384 : i32
    %add3A_97 = arith.addi %mul3A_95, %add3A_96 : i32
    "tpu.region"() ({
      %run_scoped3A = tpu.sem_alloc : memref<!tpu.dma_semaphore, #tpu.memory_space<semaphore_mem>>
      %dma_start3A_102 = arith.constant 0 : i32
      %dma_start3A_103 = tpu.memref_slice %arg7[%add3A_97, %dma_start3A_102] : memref<10240x128xf32, #tpu.memory_space<vmem_shared>> -> memref<128x128xf32, #tpu.memory_space<vmem_shared>>
      %dma_start3A_104 = arith.constant 0 : i32
      %dma_start3A_105 = tpu.memref_slice %arg7[%add3A_97, %dma_start3A_104] : memref<10240x128xf32, #tpu.memory_space<vmem_shared>> -> memref<128x128xf32, #tpu.memory_space<vmem_shared>>
      tpu.enqueue_dma source(%dma_start3A_105 : memref<128x128xf32, #tpu.memory_space<vmem_shared>>) target(%arg6 : memref<128x128xf32, #tpu.memory_space<vmem>>) target_semaphore(%run_scoped3A : memref<!tpu.dma_semaphore, #tpu.memory_space<semaphore_mem>>)
      %dma_wait3A_106 = arith.constant 0 : i32
      %dma_wait3A_107 = tpu.memref_slice %arg7[%add3A_97, %dma_wait3A_106] : memref<10240x128xf32, #tpu.memory_space<vmem_shared>> -> memref<128x128xf32, #tpu.memory_space<vmem_shared>>
      %dma_wait3A_108 = arith.constant 0 : i32
      %dma_wait3A_109 = tpu.memref_slice %arg7[%add3A_97, %dma_wait3A_108] : memref<10240x128xf32, #tpu.memory_space<vmem_shared>> -> memref<128x128xf32, #tpu.memory_space<vmem_shared>>
      tpu.wait_dma2 semaphore(%run_scoped3A : memref<!tpu.dma_semaphore, #tpu.memory_space<semaphore_mem>>) src(%dma_wait3A_109 : memref<128x128xf32, #tpu.memory_space<vmem_shared>>) dst(%arg6 : memref<128x128xf32, #tpu.memory_space<vmem>>)
      tpu.yield
    }) : () -> ()
    "tpu.region"() ({
      %run_scoped3A = tpu.sem_alloc : memref<!tpu.dma_semaphore, #tpu.memory_space<semaphore_mem>>
      %dma_start3A_102 = arith.constant 0 : i32
      %dma_start3A_103 = arith.constant 0 : i32
      %dma_start3A_104 = tpu.memref_slice %arg3[%arg0, %dma_start3A_102, %dma_start3A_103] : memref<2x10240x128xf32, #tpu.memory_space<hbm>> -> memref<1x10240x128xf32, #tpu.memory_space<hbm>>
      %dma_start3A_105 = tpu.memref_squeeze %dma_start3A_104 : memref<1x10240x128xf32, #tpu.memory_space<hbm>> -> memref<10240x128xf32, #tpu.memory_space<hbm>>
      %dma_start3A_106 = arith.constant 0 : i32
      %dma_start3A_107 = tpu.memref_slice %dma_start3A_105[%add3A_97, %dma_start3A_106] : memref<10240x128xf32, #tpu.memory_space<hbm>> -> memref<128x128xf32, #tpu.memory_space<hbm>>
      %dma_start3A_108 = arith.constant 0 : i32
      %dma_start3A_109 = arith.constant 0 : i32
      %dma_start3A_110 = tpu.memref_slice %arg3[%arg0, %dma_start3A_108, %dma_start3A_109] : memref<2x10240x128xf32, #tpu.memory_space<hbm>> -> memref<1x10240x128xf32, #tpu.memory_space<hbm>>
      %dma_start3A_111 = tpu.memref_squeeze %dma_start3A_110 : memref<1x10240x128xf32, #tpu.memory_space<hbm>> -> memref<10240x128xf32, #tpu.memory_space<hbm>>
      %dma_start3A_112 = arith.constant 0 : i32
      %dma_start3A_113 = tpu.memref_slice %dma_start3A_111[%add3A_97, %dma_start3A_112] : memref<10240x128xf32, #tpu.memory_space<hbm>> -> memref<128x128xf32, #tpu.memory_space<hbm>>
      tpu.enqueue_dma source(%arg6 : memref<128x128xf32, #tpu.memory_space<vmem>>) target(%dma_start3A_113 : memref<128x128xf32, #tpu.memory_space<hbm>>) target_semaphore(%run_scoped3A : memref<!tpu.dma_semaphore, #tpu.memory_space<semaphore_mem>>)
      %dma_wait3A_114 = arith.constant 0 : i32
      %dma_wait3A_115 = arith.constant 0 : i32
      %dma_wait3A_116 = tpu.memref_slice %arg3[%arg0, %dma_wait3A_114, %dma_wait3A_115] : memref<2x10240x128xf32, #tpu.memory_space<hbm>> -> memref<1x10240x128xf32, #tpu.memory_space<hbm>>
      %dma_wait3A_117 = tpu.memref_squeeze %dma_wait3A_116 : memref<1x10240x128xf32, #tpu.memory_space<hbm>> -> memref<10240x128xf32, #tpu.memory_space<hbm>>
      %dma_wait3A_118 = arith.constant 0 : i32
      %dma_wait3A_119 = tpu.memref_slice %dma_wait3A_117[%add3A_97, %dma_wait3A_118] : memref<10240x128xf32, #tpu.memory_space<hbm>> -> memref<128x128xf32, #tpu.memory_space<hbm>>
      %dma_wait3A_120 = arith.constant 0 : i32
      %dma_wait3A_121 = arith.constant 0 : i32
      %dma_wait3A_122 = tpu.memref_slice %arg3[%arg0, %dma_wait3A_120, %dma_wait3A_121] : memref<2x10240x128xf32, #tpu.memory_space<hbm>> -> memref<1x10240x128xf32, #tpu.memory_space<hbm>>
      %dma_wait3A_123 = tpu.memref_squeeze %dma_wait3A_122 : memref<1x10240x128xf32, #tpu.memory_space<hbm>> -> memref<10240x128xf32, #tpu.memory_space<hbm>>
      %dma_wait3A_124 = arith.constant 0 : i32
      %dma_wait3A_125 = tpu.memref_slice %dma_wait3A_123[%add3A_97, %dma_wait3A_124] : memref<10240x128xf32, #tpu.memory_space<hbm>> -> memref<128x128xf32, #tpu.memory_space<hbm>>
      tpu.wait_dma2 semaphore(%run_scoped3A : memref<!tpu.dma_semaphore, #tpu.memory_space<semaphore_mem>>) src(%arg6 : memref<128x128xf32, #tpu.memory_space<vmem>>) dst(%dma_wait3A_125 : memref<128x128xf32, #tpu.memory_space<hbm>>)
      tpu.yield
    }) : () -> ()
    %mul3A_98 = arith.constant 640 : i32
    %mul3A_99 = arith.muli %arg1, %mul3A_98 : i32
    %add3A_100 = arith.constant 512 : i32
    %add3A_101 = arith.addi %mul3A_99, %add3A_100 : i32
    "tpu.region"() ({
      %run_scoped3A = tpu.sem_alloc : memref<!tpu.dma_semaphore, #tpu.memory_space<semaphore_mem>>
      %dma_start3A_102 = arith.constant 0 : i32
      %dma_start3A_103 = tpu.memref_slice %arg7[%add3A_101, %dma_start3A_102] : memref<10240x128xf32, #tpu.memory_space<vmem_shared>> -> memref<128x128xf32, #tpu.memory_space<vmem_shared>>
      %dma_start3A_104 = arith.constant 0 : i32
      %dma_start3A_105 = tpu.memref_slice %arg7[%add3A_101, %dma_start3A_104] : memref<10240x128xf32, #tpu.memory_space<vmem_shared>> -> memref<128x128xf32, #tpu.memory_space<vmem_shared>>
      tpu.enqueue_dma source(%dma_start3A_105 : memref<128x128xf32, #tpu.memory_space<vmem_shared>>) target(%arg6 : memref<128x128xf32, #tpu.memory_space<vmem>>) target_semaphore(%run_scoped3A : memref<!tpu.dma_semaphore, #tpu.memory_space<semaphore_mem>>)
      %dma_wait3A_106 = arith.constant 0 : i32
      %dma_wait3A_107 = tpu.memref_slice %arg7[%add3A_101, %dma_wait3A_106] : memref<10240x128xf32, #tpu.memory_space<vmem_shared>> -> memref<128x128xf32, #tpu.memory_space<vmem_shared>>
      %dma_wait3A_108 = arith.constant 0 : i32
      %dma_wait3A_109 = tpu.memref_slice %arg7[%add3A_101, %dma_wait3A_108] : memref<10240x128xf32, #tpu.memory_space<vmem_shared>> -> memref<128x128xf32, #tpu.memory_space<vmem_shared>>
      tpu.wait_dma2 semaphore(%run_scoped3A : memref<!tpu.dma_semaphore, #tpu.memory_space<semaphore_mem>>) src(%dma_wait3A_109 : memref<128x128xf32, #tpu.memory_space<vmem_shared>>) dst(%arg6 : memref<128x128xf32, #tpu.memory_space<vmem>>)
      tpu.yield
    }) : () -> ()
    "tpu.region"() ({
      %run_scoped3A = tpu.sem_alloc : memref<!tpu.dma_semaphore, #tpu.memory_space<semaphore_mem>>
      %dma_start3A_102 = arith.constant 0 : i32
      %dma_start3A_103 = arith.constant 0 : i32
      %dma_start3A_104 = tpu.memref_slice %arg3[%arg0, %dma_start3A_102, %dma_start3A_103] : memref<2x10240x128xf32, #tpu.memory_space<hbm>> -> memref<1x10240x128xf32, #tpu.memory_space<hbm>>
      %dma_start3A_105 = tpu.memref_squeeze %dma_start3A_104 : memref<1x10240x128xf32, #tpu.memory_space<hbm>> -> memref<10240x128xf32, #tpu.memory_space<hbm>>
      %dma_start3A_106 = arith.constant 0 : i32
      %dma_start3A_107 = tpu.memref_slice %dma_start3A_105[%add3A_101, %dma_start3A_106] : memref<10240x128xf32, #tpu.memory_space<hbm>> -> memref<128x128xf32, #tpu.memory_space<hbm>>
      %dma_start3A_108 = arith.constant 0 : i32
      %dma_start3A_109 = arith.constant 0 : i32
      %dma_start3A_110 = tpu.memref_slice %arg3[%arg0, %dma_start3A_108, %dma_start3A_109] : memref<2x10240x128xf32, #tpu.memory_space<hbm>> -> memref<1x10240x128xf32, #tpu.memory_space<hbm>>
      %dma_start3A_111 = tpu.memref_squeeze %dma_start3A_110 : memref<1x10240x128xf32, #tpu.memory_space<hbm>> -> memref<10240x128xf32, #tpu.memory_space<hbm>>
      %dma_start3A_112 = arith.constant 0 : i32
      %dma_start3A_113 = tpu.memref_slice %dma_start3A_111[%add3A_101, %dma_start3A_112] : memref<10240x128xf32, #tpu.memory_space<hbm>> -> memref<128x128xf32, #tpu.memory_space<hbm>>
      tpu.enqueue_dma source(%arg6 : memref<128x128xf32, #tpu.memory_space<vmem>>) target(%dma_start3A_113 : memref<128x128xf32, #tpu.memory_space<hbm>>) target_semaphore(%run_scoped3A : memref<!tpu.dma_semaphore, #tpu.memory_space<semaphore_mem>>)
      %dma_wait3A_114 = arith.constant 0 : i32
      %dma_wait3A_115 = arith.constant 0 : i32
      %dma_wait3A_116 = tpu.memref_slice %arg3[%arg0, %dma_wait3A_114, %dma_wait3A_115] : memref<2x10240x128xf32, #tpu.memory_space<hbm>> -> memref<1x10240x128xf32, #tpu.memory_space<hbm>>
      %dma_wait3A_117 = tpu.memref_squeeze %dma_wait3A_116 : memref<1x10240x128xf32, #tpu.memory_space<hbm>> -> memref<10240x128xf32, #tpu.memory_space<hbm>>
      %dma_wait3A_118 = arith.constant 0 : i32
      %dma_wait3A_119 = tpu.memref_slice %dma_wait3A_117[%add3A_101, %dma_wait3A_118] : memref<10240x128xf32, #tpu.memory_space<hbm>> -> memref<128x128xf32, #tpu.memory_space<hbm>>
      %dma_wait3A_120 = arith.constant 0 : i32
      %dma_wait3A_121 = arith.constant 0 : i32
      %dma_wait3A_122 = tpu.memref_slice %arg3[%arg0, %dma_wait3A_120, %dma_wait3A_121] : memref<2x10240x128xf32, #tpu.memory_space<hbm>> -> memref<1x10240x128xf32, #tpu.memory_space<hbm>>
      %dma_wait3A_123 = tpu.memref_squeeze %dma_wait3A_122 : memref<1x10240x128xf32, #tpu.memory_space<hbm>> -> memref<10240x128xf32, #tpu.memory_space<hbm>>
      %dma_wait3A_124 = arith.constant 0 : i32
      %dma_wait3A_125 = tpu.memref_slice %dma_wait3A_123[%add3A_101, %dma_wait3A_124] : memref<10240x128xf32, #tpu.memory_space<hbm>> -> memref<128x128xf32, #tpu.memory_space<hbm>>
      tpu.wait_dma2 semaphore(%run_scoped3A : memref<!tpu.dma_semaphore, #tpu.memory_space<semaphore_mem>>) src(%arg6 : memref<128x128xf32, #tpu.memory_space<vmem>>) dst(%dma_wait3A_125 : memref<128x128xf32, #tpu.memory_space<hbm>>)
      tpu.yield
    }) : () -> ()
    return
  }
}

#map = affine_map<(d0, d1) -> (0, 0)>
#map1 = affine_map<(d0, d1) -> (0, 0, 0)>
module attributes {stable_mosaic.version = 14 : i64} {
  func.func @k(%arg0: i32, %arg1: i32, %arg2: memref<10240x128xf32, #tpu.memory_space<hbm>>, %arg3: memref<5120x128xi32, #tpu.memory_space<hbm>>, %arg4: memref<2x10240x128xf32, #tpu.memory_space<hbm>>, %arg5: memref<80xi32, #tpu.memory_space<vmem>>, %arg6: memref<80x128xi32, #tpu.memory_space<vmem>>, %arg7: memref<2x128x128xf32, #tpu.memory_space<vmem>>, %arg8: memref<10240x128xf32, #tpu.memory_space<vmem_shared>>, %arg9: memref<2x!tpu.dma_semaphore, #tpu.memory_space<semaphore_mem>>, %arg10: memref<!tpu.dma_semaphore, #tpu.memory_space<semaphore_mem>>) attributes {dimension_semantics = [#tpu.dimension_semantics<core_parallel>, #tpu.dimension_semantics<subcore_parallel>], iteration_bounds = array<i64: 2, 16>, scalar_prefetch = 0 : i64, scratch_operands = 6 : i64, tpu.core_type = #tpu.core_type<sc_vector_subcore>, window_params = [{transform_indices = #map}, {transform_indices = #map}, {transform_indices = #map1}]} {
    %mul3A = arith.constant 16 : i32
    %mul3A_0 = arith.muli %arg0, %mul3A : i32
    %add3A = arith.addi %mul3A_0, %arg1 : i32
    %scan3A = arith.constant 0 : i32
    %scan3A_1 = arith.constant 0 : i32
    %scan3A_2 = arith.constant 0 : i32
    %scan3A_3 = arith.constant 128 : i32
    %scan3A_4 = arith.addi %scan3A_2, %scan3A_3 : i32
    %scan3A_5 = arith.constant 1 : i32
    %scan3A_6 = scf.for %scan3A_181 = %scan3A_2 to %scan3A_4 step %scan3A_5 iter_args(%scan3A_182 = %scan3A_1) -> (i32)  : i32 {
      %scan3A_183 = arith.constant 0 : i32
      %scan3A_184 = arith.constant 0 : i32
      %scan3A_185 = arith.constant 8 : i32
      %scan3A_186 = arith.addi %scan3A_184, %scan3A_185 : i32
      %scan3A_187 = arith.constant 1 : i32
      %scan3A_188 = scf.for %scan3A_190 = %scan3A_184 to %scan3A_186 step %scan3A_187 iter_args(%scan3A_191 = %scan3A_183) -> (i32)  : i32 {
        %broadcast_in_dim3A = arith.constant 0.000000e+00 : f32
        %broadcast_in_dim3A_192 = vector.broadcast %broadcast_in_dim3A : f32 to vector<16xf32>
        %mul3A_193 = arith.constant 16 : i32
        %mul3A_194 = arith.muli %scan3A_190, %mul3A_193 : i32
        %swap3A = arith.constant 0 : i32
        %swap3A_195 = arith.constant 0 : i32
        %swap3A_196 = tpu.memref_slice %arg7[%scan3A, %swap3A, %swap3A_195] : memref<2x128x128xf32, #tpu.memory_space<vmem>> -> memref<1x128x128xf32, #tpu.memory_space<vmem>>
        %swap3A_197 = tpu.memref_squeeze %swap3A_196 : memref<1x128x128xf32, #tpu.memory_space<vmem>> -> memref<128x128xf32, #tpu.memory_space<vmem>>
        %swap3A_198 = arith.index_cast %scan3A_181 : i32 to index
        %swap3A_199 = arith.index_cast %mul3A_194 : i32 to index
        %swap3A_200 = tpu.vector_load %swap3A_197[%swap3A_198, %swap3A_199] {strides = array<i32>} : memref<128x128xf32, #tpu.memory_space<vmem>>, vector<1x16xf32>,
        %swap3A_201 = vector.shape_cast %swap3A_200 : vector<1x16xf32> to vector<16xf32>
        %swap3A_202 = vector.shape_cast %broadcast_in_dim3A_192 : vector<16xf32> to vector<1x16xf32>
        tpu.vector_store %swap3A_197[%swap3A_198, %swap3A_199], %swap3A_202 {strides = array<i32>} : memref<128x128xf32, #tpu.memory_space<vmem>>, vector<1x16xf32>,
        %scan3A_203 = arith.constant 0 : i32
        scf.yield %scan3A_203 : i32
      }
      %scan3A_189 = arith.constant 8 : i32
      scf.yield %scan3A_188 : i32
    }
    %scan3A_7 = arith.constant 128 : i32
    %mul3A_8 = arith.constant 640 : i32
    %mul3A_9 = arith.muli %arg1, %mul3A_8 : i32
    %add3A_10 = arith.constant 0 : i32
    %add3A_11 = arith.addi %mul3A_9, %add3A_10 : i32
    %run_scoped3A = arith.constant 0 : i32
    "tpu.region"() ({
      %run_scoped3A_181 = tpu.sem_alloc : memref<!tpu.dma_semaphore, #tpu.memory_space<semaphore_mem>>
      %dma_start3A_182 = arith.constant 0 : i32
      %dma_start3A_183 = arith.constant 0 : i32
      %dma_start3A_184 = tpu.memref_slice %arg7[%run_scoped3A, %dma_start3A_182, %dma_start3A_183] : memref<2x128x128xf32, #tpu.memory_space<vmem>> -> memref<1x128x128xf32, #tpu.memory_space<vmem>>
      %dma_start3A_185 = tpu.memref_squeeze %dma_start3A_184 : memref<1x128x128xf32, #tpu.memory_space<vmem>> -> memref<128x128xf32, #tpu.memory_space<vmem>>
      %dma_start3A_186 = arith.constant 0 : i32
      %dma_start3A_187 = tpu.memref_slice %arg8[%add3A_11, %dma_start3A_186] : memref<10240x128xf32, #tpu.memory_space<vmem_shared>> -> memref<128x128xf32, #tpu.memory_space<vmem_shared>>
      %dma_start3A_188 = arith.constant 0 : i32
      %dma_start3A_189 = tpu.memref_slice %arg8[%add3A_11, %dma_start3A_188] : memref<10240x128xf32, #tpu.memory_space<vmem_shared>> -> memref<128x128xf32, #tpu.memory_space<vmem_shared>>
      %dma_start3A_190 = arith.constant 0 : i32
      %dma_start3A_191 = arith.constant 0 : i32
      %dma_start3A_192 = tpu.memref_slice %arg7[%run_scoped3A, %dma_start3A_190, %dma_start3A_191] : memref<2x128x128xf32, #tpu.memory_space<vmem>> -> memref<1x128x128xf32, #tpu.memory_space<vmem>>
      %dma_start3A_193 = tpu.memref_squeeze %dma_start3A_192 : memref<1x128x128xf32, #tpu.memory_space<vmem>> -> memref<128x128xf32, #tpu.memory_space<vmem>>
      tpu.enqueue_dma source(%dma_start3A_193 : memref<128x128xf32, #tpu.memory_space<vmem>>) target(%dma_start3A_189 : memref<128x128xf32, #tpu.memory_space<vmem_shared>>) target_semaphore(%run_scoped3A_181 : memref<!tpu.dma_semaphore, #tpu.memory_space<semaphore_mem>>)
      %dma_wait3A_194 = arith.constant 0 : i32
      %dma_wait3A_195 = arith.constant 0 : i32
      %dma_wait3A_196 = tpu.memref_slice %arg7[%run_scoped3A, %dma_wait3A_194, %dma_wait3A_195] : memref<2x128x128xf32, #tpu.memory_space<vmem>> -> memref<1x128x128xf32, #tpu.memory_space<vmem>>
      %dma_wait3A_197 = tpu.memref_squeeze %dma_wait3A_196 : memref<1x128x128xf32, #tpu.memory_space<vmem>> -> memref<128x128xf32, #tpu.memory_space<vmem>>
      %dma_wait3A_198 = arith.constant 0 : i32
      %dma_wait3A_199 = tpu.memref_slice %arg8[%add3A_11, %dma_wait3A_198] : memref<10240x128xf32, #tpu.memory_space<vmem_shared>> -> memref<128x128xf32, #tpu.memory_space<vmem_shared>>
      %dma_wait3A_200 = arith.constant 0 : i32
      %dma_wait3A_201 = tpu.memref_slice %arg8[%add3A_11, %dma_wait3A_200] : memref<10240x128xf32, #tpu.memory_space<vmem_shared>> -> memref<128x128xf32, #tpu.memory_space<vmem_shared>>
      %dma_wait3A_202 = arith.constant 0 : i32
      %dma_wait3A_203 = arith.constant 0 : i32
      %dma_wait3A_204 = tpu.memref_slice %arg7[%run_scoped3A, %dma_wait3A_202, %dma_wait3A_203] : memref<2x128x128xf32, #tpu.memory_space<vmem>> -> memref<1x128x128xf32, #tpu.memory_space<vmem>>
      %dma_wait3A_205 = tpu.memref_squeeze %dma_wait3A_204 : memref<1x128x128xf32, #tpu.memory_space<vmem>> -> memref<128x128xf32, #tpu.memory_space<vmem>>
      tpu.wait_dma2 semaphore(%run_scoped3A_181 : memref<!tpu.dma_semaphore, #tpu.memory_space<semaphore_mem>>) src(%dma_wait3A_205 : memref<128x128xf32, #tpu.memory_space<vmem>>) dst(%dma_wait3A_201 : memref<128x128xf32, #tpu.memory_space<vmem_shared>>)
      tpu.yield
    }) : () -> ()
    %mul3A_12 = arith.constant 640 : i32
    %mul3A_13 = arith.muli %arg1, %mul3A_12 : i32
    %add3A_14 = arith.constant 128 : i32
    %add3A_15 = arith.addi %mul3A_13, %add3A_14 : i32
    %run_scoped3A_16 = arith.constant 0 : i32
    "tpu.region"() ({
      %run_scoped3A_181 = tpu.sem_alloc : memref<!tpu.dma_semaphore, #tpu.memory_space<semaphore_mem>>
      %dma_start3A_182 = arith.constant 0 : i32
      %dma_start3A_183 = arith.constant 0 : i32
      %dma_start3A_184 = tpu.memref_slice %arg7[%run_scoped3A_16, %dma_start3A_182, %dma_start3A_183] : memref<2x128x128xf32, #tpu.memory_space<vmem>> -> memref<1x128x128xf32, #tpu.memory_space<vmem>>
      %dma_start3A_185 = tpu.memref_squeeze %dma_start3A_184 : memref<1x128x128xf32, #tpu.memory_space<vmem>> -> memref<128x128xf32, #tpu.memory_space<vmem>>
      %dma_start3A_186 = arith.constant 0 : i32
      %dma_start3A_187 = tpu.memref_slice %arg8[%add3A_15, %dma_start3A_186] : memref<10240x128xf32, #tpu.memory_space<vmem_shared>> -> memref<128x128xf32, #tpu.memory_space<vmem_shared>>
      %dma_start3A_188 = arith.constant 0 : i32
      %dma_start3A_189 = tpu.memref_slice %arg8[%add3A_15, %dma_start3A_188] : memref<10240x128xf32, #tpu.memory_space<vmem_shared>> -> memref<128x128xf32, #tpu.memory_space<vmem_shared>>
      %dma_start3A_190 = arith.constant 0 : i32
      %dma_start3A_191 = arith.constant 0 : i32
      %dma_start3A_192 = tpu.memref_slice %arg7[%run_scoped3A_16, %dma_start3A_190, %dma_start3A_191] : memref<2x128x128xf32, #tpu.memory_space<vmem>> -> memref<1x128x128xf32, #tpu.memory_space<vmem>>
      %dma_start3A_193 = tpu.memref_squeeze %dma_start3A_192 : memref<1x128x128xf32, #tpu.memory_space<vmem>> -> memref<128x128xf32, #tpu.memory_space<vmem>>
      tpu.enqueue_dma source(%dma_start3A_193 : memref<128x128xf32, #tpu.memory_space<vmem>>) target(%dma_start3A_189 : memref<128x128xf32, #tpu.memory_space<vmem_shared>>) target_semaphore(%run_scoped3A_181 : memref<!tpu.dma_semaphore, #tpu.memory_space<semaphore_mem>>)
      %dma_wait3A_194 = arith.constant 0 : i32
      %dma_wait3A_195 = arith.constant 0 : i32
      %dma_wait3A_196 = tpu.memref_slice %arg7[%run_scoped3A_16, %dma_wait3A_194, %dma_wait3A_195] : memref<2x128x128xf32, #tpu.memory_space<vmem>> -> memref<1x128x128xf32, #tpu.memory_space<vmem>>
      %dma_wait3A_197 = tpu.memref_squeeze %dma_wait3A_196 : memref<1x128x128xf32, #tpu.memory_space<vmem>> -> memref<128x128xf32, #tpu.memory_space<vmem>>
      %dma_wait3A_198 = arith.constant 0 : i32
      %dma_wait3A_199 = tpu.memref_slice %arg8[%add3A_15, %dma_wait3A_198] : memref<10240x128xf32, #tpu.memory_space<vmem_shared>> -> memref<128x128xf32, #tpu.memory_space<vmem_shared>>
      %dma_wait3A_200 = arith.constant 0 : i32
      %dma_wait3A_201 = tpu.memref_slice %arg8[%add3A_15, %dma_wait3A_200] : memref<10240x128xf32, #tpu.memory_space<vmem_shared>> -> memref<128x128xf32, #tpu.memory_space<vmem_shared>>
      %dma_wait3A_202 = arith.constant 0 : i32
      %dma_wait3A_203 = arith.constant 0 : i32
      %dma_wait3A_204 = tpu.memref_slice %arg7[%run_scoped3A_16, %dma_wait3A_202, %dma_wait3A_203] : memref<2x128x128xf32, #tpu.memory_space<vmem>> -> memref<1x128x128xf32, #tpu.memory_space<vmem>>
      %dma_wait3A_205 = tpu.memref_squeeze %dma_wait3A_204 : memref<1x128x128xf32, #tpu.memory_space<vmem>> -> memref<128x128xf32, #tpu.memory_space<vmem>>
      tpu.wait_dma2 semaphore(%run_scoped3A_181 : memref<!tpu.dma_semaphore, #tpu.memory_space<semaphore_mem>>) src(%dma_wait3A_205 : memref<128x128xf32, #tpu.memory_space<vmem>>) dst(%dma_wait3A_201 : memref<128x128xf32, #tpu.memory_space<vmem_shared>>)
      tpu.yield
    }) : () -> ()
    %mul3A_17 = arith.constant 640 : i32
    %mul3A_18 = arith.muli %arg1, %mul3A_17 : i32
    %add3A_19 = arith.constant 256 : i32
    %add3A_20 = arith.addi %mul3A_18, %add3A_19 : i32
    %run_scoped3A_21 = arith.constant 0 : i32
    "tpu.region"() ({
      %run_scoped3A_181 = tpu.sem_alloc : memref<!tpu.dma_semaphore, #tpu.memory_space<semaphore_mem>>
      %dma_start3A_182 = arith.constant 0 : i32
      %dma_start3A_183 = arith.constant 0 : i32
      %dma_start3A_184 = tpu.memref_slice %arg7[%run_scoped3A_21, %dma_start3A_182, %dma_start3A_183] : memref<2x128x128xf32, #tpu.memory_space<vmem>> -> memref<1x128x128xf32, #tpu.memory_space<vmem>>
      %dma_start3A_185 = tpu.memref_squeeze %dma_start3A_184 : memref<1x128x128xf32, #tpu.memory_space<vmem>> -> memref<128x128xf32, #tpu.memory_space<vmem>>
      %dma_start3A_186 = arith.constant 0 : i32
      %dma_start3A_187 = tpu.memref_slice %arg8[%add3A_20, %dma_start3A_186] : memref<10240x128xf32, #tpu.memory_space<vmem_shared>> -> memref<128x128xf32, #tpu.memory_space<vmem_shared>>
      %dma_start3A_188 = arith.constant 0 : i32
      %dma_start3A_189 = tpu.memref_slice %arg8[%add3A_20, %dma_start3A_188] : memref<10240x128xf32, #tpu.memory_space<vmem_shared>> -> memref<128x128xf32, #tpu.memory_space<vmem_shared>>
      %dma_start3A_190 = arith.constant 0 : i32
      %dma_start3A_191 = arith.constant 0 : i32
      %dma_start3A_192 = tpu.memref_slice %arg7[%run_scoped3A_21, %dma_start3A_190, %dma_start3A_191] : memref<2x128x128xf32, #tpu.memory_space<vmem>> -> memref<1x128x128xf32, #tpu.memory_space<vmem>>
      %dma_start3A_193 = tpu.memref_squeeze %dma_start3A_192 : memref<1x128x128xf32, #tpu.memory_space<vmem>> -> memref<128x128xf32, #tpu.memory_space<vmem>>
      tpu.enqueue_dma source(%dma_start3A_193 : memref<128x128xf32, #tpu.memory_space<vmem>>) target(%dma_start3A_189 : memref<128x128xf32, #tpu.memory_space<vmem_shared>>) target_semaphore(%run_scoped3A_181 : memref<!tpu.dma_semaphore, #tpu.memory_space<semaphore_mem>>)
      %dma_wait3A_194 = arith.constant 0 : i32
      %dma_wait3A_195 = arith.constant 0 : i32
      %dma_wait3A_196 = tpu.memref_slice %arg7[%run_scoped3A_21, %dma_wait3A_194, %dma_wait3A_195] : memref<2x128x128xf32, #tpu.memory_space<vmem>> -> memref<1x128x128xf32, #tpu.memory_space<vmem>>
      %dma_wait3A_197 = tpu.memref_squeeze %dma_wait3A_196 : memref<1x128x128xf32, #tpu.memory_space<vmem>> -> memref<128x128xf32, #tpu.memory_space<vmem>>
      %dma_wait3A_198 = arith.constant 0 : i32
      %dma_wait3A_199 = tpu.memref_slice %arg8[%add3A_20, %dma_wait3A_198] : memref<10240x128xf32, #tpu.memory_space<vmem_shared>> -> memref<128x128xf32, #tpu.memory_space<vmem_shared>>
      %dma_wait3A_200 = arith.constant 0 : i32
      %dma_wait3A_201 = tpu.memref_slice %arg8[%add3A_20, %dma_wait3A_200] : memref<10240x128xf32, #tpu.memory_space<vmem_shared>> -> memref<128x128xf32, #tpu.memory_space<vmem_shared>>
      %dma_wait3A_202 = arith.constant 0 : i32
      %dma_wait3A_203 = arith.constant 0 : i32
      %dma_wait3A_204 = tpu.memref_slice %arg7[%run_scoped3A_21, %dma_wait3A_202, %dma_wait3A_203] : memref<2x128x128xf32, #tpu.memory_space<vmem>> -> memref<1x128x128xf32, #tpu.memory_space<vmem>>
      %dma_wait3A_205 = tpu.memref_squeeze %dma_wait3A_204 : memref<1x128x128xf32, #tpu.memory_space<vmem>> -> memref<128x128xf32, #tpu.memory_space<vmem>>
      tpu.wait_dma2 semaphore(%run_scoped3A_181 : memref<!tpu.dma_semaphore, #tpu.memory_space<semaphore_mem>>) src(%dma_wait3A_205 : memref<128x128xf32, #tpu.memory_space<vmem>>) dst(%dma_wait3A_201 : memref<128x128xf32, #tpu.memory_space<vmem_shared>>)
      tpu.yield
    }) : () -> ()
    %mul3A_22 = arith.constant 640 : i32
    %mul3A_23 = arith.muli %arg1, %mul3A_22 : i32
    %add3A_24 = arith.constant 384 : i32
    %add3A_25 = arith.addi %mul3A_23, %add3A_24 : i32
    %run_scoped3A_26 = arith.constant 0 : i32
    "tpu.region"() ({
      %run_scoped3A_181 = tpu.sem_alloc : memref<!tpu.dma_semaphore, #tpu.memory_space<semaphore_mem>>
      %dma_start3A_182 = arith.constant 0 : i32
      %dma_start3A_183 = arith.constant 0 : i32
      %dma_start3A_184 = tpu.memref_slice %arg7[%run_scoped3A_26, %dma_start3A_182, %dma_start3A_183] : memref<2x128x128xf32, #tpu.memory_space<vmem>> -> memref<1x128x128xf32, #tpu.memory_space<vmem>>
      %dma_start3A_185 = tpu.memref_squeeze %dma_start3A_184 : memref<1x128x128xf32, #tpu.memory_space<vmem>> -> memref<128x128xf32, #tpu.memory_space<vmem>>
      %dma_start3A_186 = arith.constant 0 : i32
      %dma_start3A_187 = tpu.memref_slice %arg8[%add3A_25, %dma_start3A_186] : memref<10240x128xf32, #tpu.memory_space<vmem_shared>> -> memref<128x128xf32, #tpu.memory_space<vmem_shared>>
      %dma_start3A_188 = arith.constant 0 : i32
      %dma_start3A_189 = tpu.memref_slice %arg8[%add3A_25, %dma_start3A_188] : memref<10240x128xf32, #tpu.memory_space<vmem_shared>> -> memref<128x128xf32, #tpu.memory_space<vmem_shared>>
      %dma_start3A_190 = arith.constant 0 : i32
      %dma_start3A_191 = arith.constant 0 : i32
      %dma_start3A_192 = tpu.memref_slice %arg7[%run_scoped3A_26, %dma_start3A_190, %dma_start3A_191] : memref<2x128x128xf32, #tpu.memory_space<vmem>> -> memref<1x128x128xf32, #tpu.memory_space<vmem>>
      %dma_start3A_193 = tpu.memref_squeeze %dma_start3A_192 : memref<1x128x128xf32, #tpu.memory_space<vmem>> -> memref<128x128xf32, #tpu.memory_space<vmem>>
      tpu.enqueue_dma source(%dma_start3A_193 : memref<128x128xf32, #tpu.memory_space<vmem>>) target(%dma_start3A_189 : memref<128x128xf32, #tpu.memory_space<vmem_shared>>) target_semaphore(%run_scoped3A_181 : memref<!tpu.dma_semaphore, #tpu.memory_space<semaphore_mem>>)
      %dma_wait3A_194 = arith.constant 0 : i32
      %dma_wait3A_195 = arith.constant 0 : i32
      %dma_wait3A_196 = tpu.memref_slice %arg7[%run_scoped3A_26, %dma_wait3A_194, %dma_wait3A_195] : memref<2x128x128xf32, #tpu.memory_space<vmem>> -> memref<1x128x128xf32, #tpu.memory_space<vmem>>
      %dma_wait3A_197 = tpu.memref_squeeze %dma_wait3A_196 : memref<1x128x128xf32, #tpu.memory_space<vmem>> -> memref<128x128xf32, #tpu.memory_space<vmem>>
      %dma_wait3A_198 = arith.constant 0 : i32
      %dma_wait3A_199 = tpu.memref_slice %arg8[%add3A_25, %dma_wait3A_198] : memref<10240x128xf32, #tpu.memory_space<vmem_shared>> -> memref<128x128xf32, #tpu.memory_space<vmem_shared>>
      %dma_wait3A_200 = arith.constant 0 : i32
      %dma_wait3A_201 = tpu.memref_slice %arg8[%add3A_25, %dma_wait3A_200] : memref<10240x128xf32, #tpu.memory_space<vmem_shared>> -> memref<128x128xf32, #tpu.memory_space<vmem_shared>>
      %dma_wait3A_202 = arith.constant 0 : i32
      %dma_wait3A_203 = arith.constant 0 : i32
      %dma_wait3A_204 = tpu.memref_slice %arg7[%run_scoped3A_26, %dma_wait3A_202, %dma_wait3A_203] : memref<2x128x128xf32, #tpu.memory_space<vmem>> -> memref<1x128x128xf32, #tpu.memory_space<vmem>>
      %dma_wait3A_205 = tpu.memref_squeeze %dma_wait3A_204 : memref<1x128x128xf32, #tpu.memory_space<vmem>> -> memref<128x128xf32, #tpu.memory_space<vmem>>
      tpu.wait_dma2 semaphore(%run_scoped3A_181 : memref<!tpu.dma_semaphore, #tpu.memory_space<semaphore_mem>>) src(%dma_wait3A_205 : memref<128x128xf32, #tpu.memory_space<vmem>>) dst(%dma_wait3A_201 : memref<128x128xf32, #tpu.memory_space<vmem_shared>>)
      tpu.yield
    }) : () -> ()
    %mul3A_27 = arith.constant 640 : i32
    %mul3A_28 = arith.muli %arg1, %mul3A_27 : i32
    %add3A_29 = arith.constant 512 : i32
    %add3A_30 = arith.addi %mul3A_28, %add3A_29 : i32
    %run_scoped3A_31 = arith.constant 0 : i32
    "tpu.region"() ({
      %run_scoped3A_181 = tpu.sem_alloc : memref<!tpu.dma_semaphore, #tpu.memory_space<semaphore_mem>>
      %dma_start3A_182 = arith.constant 0 : i32
      %dma_start3A_183 = arith.constant 0 : i32
      %dma_start3A_184 = tpu.memref_slice %arg7[%run_scoped3A_31, %dma_start3A_182, %dma_start3A_183] : memref<2x128x128xf32, #tpu.memory_space<vmem>> -> memref<1x128x128xf32, #tpu.memory_space<vmem>>
      %dma_start3A_185 = tpu.memref_squeeze %dma_start3A_184 : memref<1x128x128xf32, #tpu.memory_space<vmem>> -> memref<128x128xf32, #tpu.memory_space<vmem>>
      %dma_start3A_186 = arith.constant 0 : i32
      %dma_start3A_187 = tpu.memref_slice %arg8[%add3A_30, %dma_start3A_186] : memref<10240x128xf32, #tpu.memory_space<vmem_shared>> -> memref<128x128xf32, #tpu.memory_space<vmem_shared>>
      %dma_start3A_188 = arith.constant 0 : i32
      %dma_start3A_189 = tpu.memref_slice %arg8[%add3A_30, %dma_start3A_188] : memref<10240x128xf32, #tpu.memory_space<vmem_shared>> -> memref<128x128xf32, #tpu.memory_space<vmem_shared>>
      %dma_start3A_190 = arith.constant 0 : i32
      %dma_start3A_191 = arith.constant 0 : i32
      %dma_start3A_192 = tpu.memref_slice %arg7[%run_scoped3A_31, %dma_start3A_190, %dma_start3A_191] : memref<2x128x128xf32, #tpu.memory_space<vmem>> -> memref<1x128x128xf32, #tpu.memory_space<vmem>>
      %dma_start3A_193 = tpu.memref_squeeze %dma_start3A_192 : memref<1x128x128xf32, #tpu.memory_space<vmem>> -> memref<128x128xf32, #tpu.memory_space<vmem>>
      tpu.enqueue_dma source(%dma_start3A_193 : memref<128x128xf32, #tpu.memory_space<vmem>>) target(%dma_start3A_189 : memref<128x128xf32, #tpu.memory_space<vmem_shared>>) target_semaphore(%run_scoped3A_181 : memref<!tpu.dma_semaphore, #tpu.memory_space<semaphore_mem>>)
      %dma_wait3A_194 = arith.constant 0 : i32
      %dma_wait3A_195 = arith.constant 0 : i32
      %dma_wait3A_196 = tpu.memref_slice %arg7[%run_scoped3A_31, %dma_wait3A_194, %dma_wait3A_195] : memref<2x128x128xf32, #tpu.memory_space<vmem>> -> memref<1x128x128xf32, #tpu.memory_space<vmem>>
      %dma_wait3A_197 = tpu.memref_squeeze %dma_wait3A_196 : memref<1x128x128xf32, #tpu.memory_space<vmem>> -> memref<128x128xf32, #tpu.memory_space<vmem>>
      %dma_wait3A_198 = arith.constant 0 : i32
      %dma_wait3A_199 = tpu.memref_slice %arg8[%add3A_30, %dma_wait3A_198] : memref<10240x128xf32, #tpu.memory_space<vmem_shared>> -> memref<128x128xf32, #tpu.memory_space<vmem_shared>>
      %dma_wait3A_200 = arith.constant 0 : i32
      %dma_wait3A_201 = tpu.memref_slice %arg8[%add3A_30, %dma_wait3A_200] : memref<10240x128xf32, #tpu.memory_space<vmem_shared>> -> memref<128x128xf32, #tpu.memory_space<vmem_shared>>
      %dma_wait3A_202 = arith.constant 0 : i32
      %dma_wait3A_203 = arith.constant 0 : i32
      %dma_wait3A_204 = tpu.memref_slice %arg7[%run_scoped3A_31, %dma_wait3A_202, %dma_wait3A_203] : memref<2x128x128xf32, #tpu.memory_space<vmem>> -> memref<1x128x128xf32, #tpu.memory_space<vmem>>
      %dma_wait3A_205 = tpu.memref_squeeze %dma_wait3A_204 : memref<1x128x128xf32, #tpu.memory_space<vmem>> -> memref<128x128xf32, #tpu.memory_space<vmem>>
      tpu.wait_dma2 semaphore(%run_scoped3A_181 : memref<!tpu.dma_semaphore, #tpu.memory_space<semaphore_mem>>) src(%dma_wait3A_205 : memref<128x128xf32, #tpu.memory_space<vmem>>) dst(%dma_wait3A_201 : memref<128x128xf32, #tpu.memory_space<vmem_shared>>)
      tpu.yield
    }) : () -> ()
    %barrier3A = arith.constant 0 : index
    tpu.barrier barrier_id(%barrier3A)
    %mul3A_32 = arith.constant 80 : i32
    %mul3A_33 = arith.muli %add3A, %mul3A_32 : i32
    %add3A_34 = arith.constant 0 : i32
    %add3A_35 = arith.addi %mul3A_33, %add3A_34 : i32
    %mul3A_36 = arith.constant 80 : i32
    %mul3A_37 = arith.muli %add3A, %mul3A_36 : i32
    %add3A_38 = arith.constant 2560 : i32
    %add3A_39 = arith.addi %add3A_38, %mul3A_37 : i32
    %add3A_40 = arith.constant 0 : i32
    %add3A_41 = arith.addi %add3A_39, %add3A_40 : i32
    %scan3A_42 = arith.constant 0 : i32
    %scan3A_43 = arith.constant 0 : i32
    %scan3A_44 = arith.constant 5 : i32
    %scan3A_45 = arith.addi %scan3A_43, %scan3A_44 : i32
    %scan3A_46 = arith.constant 1 : i32
    %scan3A_47 = scf.for %scan3A_181 = %scan3A_43 to %scan3A_45 step %scan3A_46 iter_args(%scan3A_182 = %scan3A_42) -> (i32)  : i32 {
      %iota3A = tpu.iota {dimensions = array<i32: 0>} : vector<16xi32>
      %mul3A_183 = arith.constant 16 : i32
      %mul3A_184 = arith.muli %scan3A_181, %mul3A_183 : i32
      %add3A_185 = vector.broadcast %mul3A_184 : i32 to vector<16xi32>
      %add3A_186 = arith.addi %iota3A, %add3A_185 : vector<16xi32>
      %lt3A = arith.constant 40 : i32
      %lt3A_187 = vector.broadcast %lt3A : i32 to vector<16xi32>
      %lt3A_188 = arith.cmpi slt, %add3A_186, %lt3A_187 : vector<16xi32>
      %add3A_189 = vector.broadcast %add3A_35 : i32 to vector<16xi32>
      %add3A_190 = arith.addi %add3A_189, %add3A_186 : vector<16xi32>
      %sub3A = arith.constant 40 : i32
      %sub3A_191 = vector.broadcast %sub3A : i32 to vector<16xi32>
      %sub3A_192 = arith.subi %add3A_186, %sub3A_191 : vector<16xi32>
      %add3A_193 = vector.broadcast %add3A_41 : i32 to vector<16xi32>
      %add3A_194 = arith.addi %add3A_193, %sub3A_192 : vector<16xi32>
      %select_n3A = arith.select %lt3A_188, %add3A_190, %add3A_194 : vector<16xi1>, vector<16xi32>
      %mul3A_195 = arith.constant 16 : i32
      %mul3A_196 = arith.muli %scan3A_181, %mul3A_195 : i32
      %swap3A = arith.index_cast %mul3A_196 : i32 to index
      %swap3A_197 = tpu.vector_load %arg5[%swap3A] {strides = array<i32>} : memref<80xi32, #tpu.memory_space<vmem>>, vector<16xi32>,
      %swap3A_198 = vector.shape_cast %swap3A_197 : vector<16xi32> to vector<16xi32>
      %swap3A_199 = vector.shape_cast %select_n3A : vector<16xi32> to vector<16xi32>
      tpu.vector_store %arg5[%swap3A], %swap3A_199 {strides = array<i32>} : memref<80xi32, #tpu.memory_space<vmem>>, vector<16xi32>,
      %scan3A_200 = arith.constant 0 : i32
      scf.yield %scan3A_200 : i32
    }
    %scan3A_48 = arith.constant 5 : i32
    %dma_start3A = arith.constant 0 : i32
    %dma_start3A_49 = arith.constant 0 : i32
    %dma_start3A_50 = tpu.memref_slice %arg3[%dma_start3A, %dma_start3A_49] : memref<5120x128xi32, #tpu.memory_space<hbm>> -> memref<5120x128xi32, #tpu.memory_space<hbm>>
    tpu.enqueue_indirect_dma source(%dma_start3A_50 : memref<5120x128xi32, #tpu.memory_space<hbm>>) target(%arg6 : memref<80x128xi32, #tpu.memory_space<vmem>>) offsets(%arg5 : memref<80xi32, #tpu.memory_space<vmem>>) semaphore(%arg10 : memref<!tpu.dma_semaphore, #tpu.memory_space<semaphore_mem>>)
    %dma_wait3A = arith.constant 0 : i32
    %dma_wait3A_51 = arith.constant 0 : i32
    %dma_wait3A_52 = tpu.memref_slice %arg3[%dma_wait3A, %dma_wait3A_51] : memref<5120x128xi32, #tpu.memory_space<hbm>> -> memref<5120x128xi32, #tpu.memory_space<hbm>>
    tpu.wait_indirect_dma semaphore(%arg10 : memref<!tpu.dma_semaphore, #tpu.memory_space<semaphore_mem>>) src(%dma_wait3A_52 : memref<5120x128xi32, #tpu.memory_space<hbm>>) dst(%arg6 : memref<80x128xi32, #tpu.memory_space<vmem>>)
    %dma_start3A_53 = arith.constant 0 : i32
    %dma_start3A_54 = arith.constant 0 : i32
    %dma_start3A_55 = arith.constant 0 : i32
    %dma_start3A_56 = arith.constant 0 : i32
    %dma_start3A_57 = arith.constant 0 : i32
    %dma_start3A_58 = tpu.memref_slice %arg7[%dma_start3A_54, %dma_start3A_56, %dma_start3A_57] : memref<2x128x128xf32, #tpu.memory_space<vmem>> -> memref<1x128x128xf32, #tpu.memory_space<vmem>>
    %dma_start3A_59 = tpu.memref_squeeze %dma_start3A_58 : memref<1x128x128xf32, #tpu.memory_space<vmem>> -> memref<128x128xf32, #tpu.memory_space<vmem>>
    %dma_start3A_60 = arith.constant 0 : i32
    %dma_start3A_61 = tpu.memref_slice %arg6[%dma_start3A_53, %dma_start3A_60] : memref<80x128xi32, #tpu.memory_space<vmem>> -> memref<1x128xi32, #tpu.memory_space<vmem>>
    %dma_start3A_62 = tpu.memref_squeeze %dma_start3A_61 : memref<1x128xi32, #tpu.memory_space<vmem>> -> memref<128xi32, #tpu.memory_space<vmem>>
    %dma_start3A_63 = arith.constant 0 : i32
    %dma_start3A_64 = arith.constant 0 : i32
    %dma_start3A_65 = tpu.memref_slice %arg2[%dma_start3A_63, %dma_start3A_64] : memref<10240x128xf32, #tpu.memory_space<hbm>> -> memref<10240x128xf32, #tpu.memory_space<hbm>>
    %dma_start3A_66 = tpu.memref_slice %arg9[%dma_start3A_55] : memref<2x!tpu.dma_semaphore, #tpu.memory_space<semaphore_mem>> -> memref<1x!tpu.dma_semaphore, #tpu.memory_space<semaphore_mem>>
    %dma_start3A_67 = tpu.memref_squeeze %dma_start3A_66 : memref<1x!tpu.dma_semaphore, #tpu.memory_space<semaphore_mem>> -> memref<!tpu.dma_semaphore, #tpu.memory_space<semaphore_mem>>
    tpu.enqueue_indirect_dma source(%dma_start3A_65 : memref<10240x128xf32, #tpu.memory_space<hbm>>) target(%dma_start3A_59 : memref<128x128xf32, #tpu.memory_space<vmem>>) offsets(%dma_start3A_62 : memref<128xi32, #tpu.memory_space<vmem>>) semaphore(%dma_start3A_67 : memref<!tpu.dma_semaphore, #tpu.memory_space<semaphore_mem>>)
    %scan3A_68 = arith.constant 0 : i32
    %scan3A_69 = arith.constant 0 : i32
    %scan3A_70 = arith.constant 40 : i32
    %scan3A_71 = arith.addi %scan3A_69, %scan3A_70 : i32
    %scan3A_72 = arith.constant 1 : i32
    %scan3A_73 = scf.for %scan3A_181 = %scan3A_69 to %scan3A_71 step %scan3A_72 iter_args(%scan3A_182 = %scan3A_68) -> (i32)  : i32 {
      %rem3A = arith.constant 2 : i32
      %rem3A_183 = arith.remsi %scan3A_181, %rem3A : i32
      %add3A_184 = arith.constant 1 : i32
      %add3A_185 = arith.addi %scan3A_181, %add3A_184 : i32
      %rem3A_186 = arith.constant 40 : i32
      %rem3A_187 = arith.remsi %add3A_185, %rem3A_186 : i32
      %add3A_188 = arith.constant 1 : i32
      %add3A_189 = arith.addi %scan3A_181, %add3A_188 : i32
      %rem3A_190 = arith.constant 2 : i32
      %rem3A_191 = arith.remsi %add3A_189, %rem3A_190 : i32
      %dma_start3A_192 = arith.constant 0 : i32
      %dma_start3A_193 = arith.constant 0 : i32
      %dma_start3A_194 = tpu.memref_slice %arg7[%rem3A_191, %dma_start3A_192, %dma_start3A_193] : memref<2x128x128xf32, #tpu.memory_space<vmem>> -> memref<1x128x128xf32, #tpu.memory_space<vmem>>
      %dma_start3A_195 = tpu.memref_squeeze %dma_start3A_194 : memref<1x128x128xf32, #tpu.memory_space<vmem>> -> memref<128x128xf32, #tpu.memory_space<vmem>>
      %dma_start3A_196 = arith.constant 0 : i32
      %dma_start3A_197 = tpu.memref_slice %arg6[%rem3A_187, %dma_start3A_196] : memref<80x128xi32, #tpu.memory_space<vmem>> -> memref<1x128xi32, #tpu.memory_space<vmem>>
      %dma_start3A_198 = tpu.memref_squeeze %dma_start3A_197 : memref<1x128xi32, #tpu.memory_space<vmem>> -> memref<128xi32, #tpu.memory_space<vmem>>
      %dma_start3A_199 = arith.constant 0 : i32
      %dma_start3A_200 = arith.constant 0 : i32
      %dma_start3A_201 = tpu.memref_slice %arg2[%dma_start3A_199, %dma_start3A_200] : memref<10240x128xf32, #tpu.memory_space<hbm>> -> memref<10240x128xf32, #tpu.memory_space<hbm>>
      %dma_start3A_202 = tpu.memref_slice %arg9[%rem3A_191] : memref<2x!tpu.dma_semaphore, #tpu.memory_space<semaphore_mem>> -> memref<1x!tpu.dma_semaphore, #tpu.memory_space<semaphore_mem>>
      %dma_start3A_203 = tpu.memref_squeeze %dma_start3A_202 : memref<1x!tpu.dma_semaphore, #tpu.memory_space<semaphore_mem>> -> memref<!tpu.dma_semaphore, #tpu.memory_space<semaphore_mem>>
      tpu.enqueue_indirect_dma source(%dma_start3A_201 : memref<10240x128xf32, #tpu.memory_space<hbm>>) target(%dma_start3A_195 : memref<128x128xf32, #tpu.memory_space<vmem>>) offsets(%dma_start3A_198 : memref<128xi32, #tpu.memory_space<vmem>>) semaphore(%dma_start3A_203 : memref<!tpu.dma_semaphore, #tpu.memory_space<semaphore_mem>>)
      %dma_wait3A_204 = arith.constant 0 : i32
      %dma_wait3A_205 = arith.constant 0 : i32
      %dma_wait3A_206 = arith.constant 0 : i32
      %dma_wait3A_207 = tpu.memref_slice %arg7[%rem3A_183, %dma_wait3A_205, %dma_wait3A_206] : memref<2x128x128xf32, #tpu.memory_space<vmem>> -> memref<1x128x128xf32, #tpu.memory_space<vmem>>
      %dma_wait3A_208 = tpu.memref_squeeze %dma_wait3A_207 : memref<1x128x128xf32, #tpu.memory_space<vmem>> -> memref<128x128xf32, #tpu.memory_space<vmem>>
      %dma_wait3A_209 = arith.constant 0 : i32
      %dma_wait3A_210 = tpu.memref_slice %arg6[%dma_wait3A_204, %dma_wait3A_209] : memref<80x128xi32, #tpu.memory_space<vmem>> -> memref<1x128xi32, #tpu.memory_space<vmem>>
      %dma_wait3A_211 = tpu.memref_squeeze %dma_wait3A_210 : memref<1x128xi32, #tpu.memory_space<vmem>> -> memref<128xi32, #tpu.memory_space<vmem>>
      %dma_wait3A_212 = arith.constant 0 : i32
      %dma_wait3A_213 = arith.constant 0 : i32
      %dma_wait3A_214 = tpu.memref_slice %arg2[%dma_wait3A_212, %dma_wait3A_213] : memref<10240x128xf32, #tpu.memory_space<hbm>> -> memref<10240x128xf32, #tpu.memory_space<hbm>>
      %dma_wait3A_215 = tpu.memref_slice %arg9[%rem3A_183] : memref<2x!tpu.dma_semaphore, #tpu.memory_space<semaphore_mem>> -> memref<1x!tpu.dma_semaphore, #tpu.memory_space<semaphore_mem>>
      %dma_wait3A_216 = tpu.memref_squeeze %dma_wait3A_215 : memref<1x!tpu.dma_semaphore, #tpu.memory_space<semaphore_mem>> -> memref<!tpu.dma_semaphore, #tpu.memory_space<semaphore_mem>>
      tpu.wait_indirect_dma semaphore(%dma_wait3A_216 : memref<!tpu.dma_semaphore, #tpu.memory_space<semaphore_mem>>) src(%dma_wait3A_214 : memref<10240x128xf32, #tpu.memory_space<hbm>>) dst(%dma_wait3A_208 : memref<128x128xf32, #tpu.memory_space<vmem>>)
      %add3A_217 = arith.constant 40 : i32
      %add3A_218 = arith.addi %add3A_217, %scan3A_181 : i32
      "tpu.region"() ({
        %run_scoped3A_220 = tpu.sem_alloc : memref<!tpu.dma_semaphore, #tpu.memory_space<semaphore_mem>>
        %dma_start3A_221 = arith.constant 0 : i32
        %dma_start3A_222 = arith.constant 0 : i32
        %dma_start3A_223 = tpu.memref_slice %arg7[%rem3A_183, %dma_start3A_221, %dma_start3A_222] : memref<2x128x128xf32, #tpu.memory_space<vmem>> -> memref<1x128x128xf32, #tpu.memory_space<vmem>>
        %dma_start3A_224 = tpu.memref_squeeze %dma_start3A_223 : memref<1x128x128xf32, #tpu.memory_space<vmem>> -> memref<128x128xf32, #tpu.memory_space<vmem>>
        %dma_start3A_225 = arith.constant 0 : i32
        %dma_start3A_226 = tpu.memref_slice %arg6[%add3A_218, %dma_start3A_225] : memref<80x128xi32, #tpu.memory_space<vmem>> -> memref<1x128xi32, #tpu.memory_space<vmem>>
        %dma_start3A_227 = tpu.memref_squeeze %dma_start3A_226 : memref<1x128xi32, #tpu.memory_space<vmem>> -> memref<128xi32, #tpu.memory_space<vmem>>
        %dma_start3A_228 = arith.constant 0 : i32
        %dma_start3A_229 = arith.constant 0 : i32
        %dma_start3A_230 = tpu.memref_slice %arg8[%dma_start3A_228, %dma_start3A_229] : memref<10240x128xf32, #tpu.memory_space<vmem_shared>> -> memref<10240x128xf32, #tpu.memory_space<vmem_shared>>
        tpu.enqueue_indirect_dma source(%dma_start3A_224 : memref<128x128xf32, #tpu.memory_space<vmem>>) target(%dma_start3A_230 : memref<10240x128xf32, #tpu.memory_space<vmem_shared>>) offsets(%dma_start3A_227 : memref<128xi32, #tpu.memory_space<vmem>>) semaphore(%run_scoped3A_220 : memref<!tpu.dma_semaphore, #tpu.memory_space<semaphore_mem>>) {add = true}
        %dma_wait3A_231 = arith.constant 0 : i32
        %dma_wait3A_232 = arith.constant 0 : i32
        %dma_wait3A_233 = tpu.memref_slice %arg7[%rem3A_183, %dma_wait3A_231, %dma_wait3A_232] : memref<2x128x128xf32, #tpu.memory_space<vmem>> -> memref<1x128x128xf32, #tpu.memory_space<vmem>>
        %dma_wait3A_234 = tpu.memref_squeeze %dma_wait3A_233 : memref<1x128x128xf32, #tpu.memory_space<vmem>> -> memref<128x128xf32, #tpu.memory_space<vmem>>
        %dma_wait3A_235 = arith.constant 0 : i32
        %dma_wait3A_236 = tpu.memref_slice %arg6[%add3A_218, %dma_wait3A_235] : memref<80x128xi32, #tpu.memory_space<vmem>> -> memref<1x128xi32, #tpu.memory_space<vmem>>
        %dma_wait3A_237 = tpu.memref_squeeze %dma_wait3A_236 : memref<1x128xi32, #tpu.memory_space<vmem>> -> memref<128xi32, #tpu.memory_space<vmem>>
        %dma_wait3A_238 = arith.constant 0 : i32
        %dma_wait3A_239 = arith.constant 0 : i32
        %dma_wait3A_240 = tpu.memref_slice %arg8[%dma_wait3A_238, %dma_wait3A_239] : memref<10240x128xf32, #tpu.memory_space<vmem_shared>> -> memref<10240x128xf32, #tpu.memory_space<vmem_shared>>
        tpu.wait_indirect_dma semaphore(%run_scoped3A_220 : memref<!tpu.dma_semaphore, #tpu.memory_space<semaphore_mem>>) src(%dma_wait3A_234 : memref<128x128xf32, #tpu.memory_space<vmem>>) dst(%dma_wait3A_240 : memref<10240x128xf32, #tpu.memory_space<vmem_shared>>)
        tpu.yield
      }) : () -> ()
      %scan3A_219 = arith.constant 0 : i32
      scf.yield %scan3A_219 : i32
    }
    %scan3A_74 = arith.constant 40 : i32
    %dma_wait3A_75 = arith.constant 0 : i32
    %dma_wait3A_76 = arith.constant 0 : i32
    %dma_wait3A_77 = arith.constant 0 : i32
    %dma_wait3A_78 = arith.constant 0 : i32
    %dma_wait3A_79 = arith.constant 0 : i32
    %dma_wait3A_80 = tpu.memref_slice %arg7[%dma_wait3A_76, %dma_wait3A_78, %dma_wait3A_79] : memref<2x128x128xf32, #tpu.memory_space<vmem>> -> memref<1x128x128xf32, #tpu.memory_space<vmem>>
    %dma_wait3A_81 = tpu.memref_squeeze %dma_wait3A_80 : memref<1x128x128xf32, #tpu.memory_space<vmem>> -> memref<128x128xf32, #tpu.memory_space<vmem>>
    %dma_wait3A_82 = arith.constant 0 : i32
    %dma_wait3A_83 = tpu.memref_slice %arg6[%dma_wait3A_75, %dma_wait3A_82] : memref<80x128xi32, #tpu.memory_space<vmem>> -> memref<1x128xi32, #tpu.memory_space<vmem>>
    %dma_wait3A_84 = tpu.memref_squeeze %dma_wait3A_83 : memref<1x128xi32, #tpu.memory_space<vmem>> -> memref<128xi32, #tpu.memory_space<vmem>>
    %dma_wait3A_85 = arith.constant 0 : i32
    %dma_wait3A_86 = arith.constant 0 : i32
    %dma_wait3A_87 = tpu.memref_slice %arg2[%dma_wait3A_85, %dma_wait3A_86] : memref<10240x128xf32, #tpu.memory_space<hbm>> -> memref<10240x128xf32, #tpu.memory_space<hbm>>
    %dma_wait3A_88 = tpu.memref_slice %arg9[%dma_wait3A_77] : memref<2x!tpu.dma_semaphore, #tpu.memory_space<semaphore_mem>> -> memref<1x!tpu.dma_semaphore, #tpu.memory_space<semaphore_mem>>
    %dma_wait3A_89 = tpu.memref_squeeze %dma_wait3A_88 : memref<1x!tpu.dma_semaphore, #tpu.memory_space<semaphore_mem>> -> memref<!tpu.dma_semaphore, #tpu.memory_space<semaphore_mem>>
    tpu.wait_indirect_dma semaphore(%dma_wait3A_89 : memref<!tpu.dma_semaphore, #tpu.memory_space<semaphore_mem>>) src(%dma_wait3A_87 : memref<10240x128xf32, #tpu.memory_space<hbm>>) dst(%dma_wait3A_81 : memref<128x128xf32, #tpu.memory_space<vmem>>)
    %mul3A_90 = arith.constant 80 : i32
    %mul3A_91 = arith.muli %add3A, %mul3A_90 : i32
    %add3A_92 = arith.constant 40 : i32
    %add3A_93 = arith.addi %mul3A_91, %add3A_92 : i32
    %mul3A_94 = arith.constant 80 : i32
    %mul3A_95 = arith.muli %add3A, %mul3A_94 : i32
    %add3A_96 = arith.constant 2560 : i32
    %add3A_97 = arith.addi %add3A_96, %mul3A_95 : i32
    %add3A_98 = arith.constant 40 : i32
    %add3A_99 = arith.addi %add3A_97, %add3A_98 : i32
    %scan3A_100 = arith.constant 0 : i32
    %scan3A_101 = arith.constant 0 : i32
    %scan3A_102 = arith.constant 5 : i32
    %scan3A_103 = arith.addi %scan3A_101, %scan3A_102 : i32
    %scan3A_104 = arith.constant 1 : i32
    %scan3A_105 = scf.for %scan3A_181 = %scan3A_101 to %scan3A_103 step %scan3A_104 iter_args(%scan3A_182 = %scan3A_100) -> (i32)  : i32 {
      %iota3A = tpu.iota {dimensions = array<i32: 0>} : vector<16xi32>
      %mul3A_183 = arith.constant 16 : i32
      %mul3A_184 = arith.muli %scan3A_181, %mul3A_183 : i32
      %add3A_185 = vector.broadcast %mul3A_184 : i32 to vector<16xi32>
      %add3A_186 = arith.addi %iota3A, %add3A_185 : vector<16xi32>
      %lt3A = arith.constant 40 : i32
      %lt3A_187 = vector.broadcast %lt3A : i32 to vector<16xi32>
      %lt3A_188 = arith.cmpi slt, %add3A_186, %lt3A_187 : vector<16xi32>
      %add3A_189 = vector.broadcast %add3A_93 : i32 to vector<16xi32>
      %add3A_190 = arith.addi %add3A_189, %add3A_186 : vector<16xi32>
      %sub3A = arith.constant 40 : i32
      %sub3A_191 = vector.broadcast %sub3A : i32 to vector<16xi32>
      %sub3A_192 = arith.subi %add3A_186, %sub3A_191 : vector<16xi32>
      %add3A_193 = vector.broadcast %add3A_99 : i32 to vector<16xi32>
      %add3A_194 = arith.addi %add3A_193, %sub3A_192 : vector<16xi32>
      %select_n3A = arith.select %lt3A_188, %add3A_190, %add3A_194 : vector<16xi1>, vector<16xi32>
      %mul3A_195 = arith.constant 16 : i32
      %mul3A_196 = arith.muli %scan3A_181, %mul3A_195 : i32
      %swap3A = arith.index_cast %mul3A_196 : i32 to index
      %swap3A_197 = tpu.vector_load %arg5[%swap3A] {strides = array<i32>} : memref<80xi32, #tpu.memory_space<vmem>>, vector<16xi32>,
      %swap3A_198 = vector.shape_cast %swap3A_197 : vector<16xi32> to vector<16xi32>
      %swap3A_199 = vector.shape_cast %select_n3A : vector<16xi32> to vector<16xi32>
      tpu.vector_store %arg5[%swap3A], %swap3A_199 {strides = array<i32>} : memref<80xi32, #tpu.memory_space<vmem>>, vector<16xi32>,
      %scan3A_200 = arith.constant 0 : i32
      scf.yield %scan3A_200 : i32
    }
    %scan3A_106 = arith.constant 5 : i32
    %dma_start3A_107 = arith.constant 0 : i32
    %dma_start3A_108 = arith.constant 0 : i32
    %dma_start3A_109 = tpu.memref_slice %arg3[%dma_start3A_107, %dma_start3A_108] : memref<5120x128xi32, #tpu.memory_space<hbm>> -> memref<5120x128xi32, #tpu.memory_space<hbm>>
    tpu.enqueue_indirect_dma source(%dma_start3A_109 : memref<5120x128xi32, #tpu.memory_space<hbm>>) target(%arg6 : memref<80x128xi32, #tpu.memory_space<vmem>>) offsets(%arg5 : memref<80xi32, #tpu.memory_space<vmem>>) semaphore(%arg10 : memref<!tpu.dma_semaphore, #tpu.memory_space<semaphore_mem>>)
    %dma_wait3A_110 = arith.constant 0 : i32
    %dma_wait3A_111 = arith.constant 0 : i32
    %dma_wait3A_112 = tpu.memref_slice %arg3[%dma_wait3A_110, %dma_wait3A_111] : memref<5120x128xi32, #tpu.memory_space<hbm>> -> memref<5120x128xi32, #tpu.memory_space<hbm>>
    tpu.wait_indirect_dma semaphore(%arg10 : memref<!tpu.dma_semaphore, #tpu.memory_space<semaphore_mem>>) src(%dma_wait3A_112 : memref<5120x128xi32, #tpu.memory_space<hbm>>) dst(%arg6 : memref<80x128xi32, #tpu.memory_space<vmem>>)
    %dma_start3A_113 = arith.constant 0 : i32
    %dma_start3A_114 = arith.constant 0 : i32
    %dma_start3A_115 = arith.constant 0 : i32
    %dma_start3A_116 = arith.constant 0 : i32
    %dma_start3A_117 = arith.constant 0 : i32
    %dma_start3A_118 = tpu.memref_slice %arg7[%dma_start3A_114, %dma_start3A_116, %dma_start3A_117] : memref<2x128x128xf32, #tpu.memory_space<vmem>> -> memref<1x128x128xf32, #tpu.memory_space<vmem>>
    %dma_start3A_119 = tpu.memref_squeeze %dma_start3A_118 : memref<1x128x128xf32, #tpu.memory_space<vmem>> -> memref<128x128xf32, #tpu.memory_space<vmem>>
    %dma_start3A_120 = arith.constant 0 : i32
    %dma_start3A_121 = tpu.memref_slice %arg6[%dma_start3A_113, %dma_start3A_120] : memref<80x128xi32, #tpu.memory_space<vmem>> -> memref<1x128xi32, #tpu.memory_space<vmem>>
    %dma_start3A_122 = tpu.memref_squeeze %dma_start3A_121 : memref<1x128xi32, #tpu.memory_space<vmem>> -> memref<128xi32, #tpu.memory_space<vmem>>
    %dma_start3A_123 = arith.constant 0 : i32
    %dma_start3A_124 = arith.constant 0 : i32
    %dma_start3A_125 = tpu.memref_slice %arg2[%dma_start3A_123, %dma_start3A_124] : memref<10240x128xf32, #tpu.memory_space<hbm>> -> memref<10240x128xf32, #tpu.memory_space<hbm>>
    %dma_start3A_126 = tpu.memref_slice %arg9[%dma_start3A_115] : memref<2x!tpu.dma_semaphore, #tpu.memory_space<semaphore_mem>> -> memref<1x!tpu.dma_semaphore, #tpu.memory_space<semaphore_mem>>
    %dma_start3A_127 = tpu.memref_squeeze %dma_start3A_126 : memref<1x!tpu.dma_semaphore, #tpu.memory_space<semaphore_mem>> -> memref<!tpu.dma_semaphore, #tpu.memory_space<semaphore_mem>>
    tpu.enqueue_indirect_dma source(%dma_start3A_125 : memref<10240x128xf32, #tpu.memory_space<hbm>>) target(%dma_start3A_119 : memref<128x128xf32, #tpu.memory_space<vmem>>) offsets(%dma_start3A_122 : memref<128xi32, #tpu.memory_space<vmem>>) semaphore(%dma_start3A_127 : memref<!tpu.dma_semaphore, #tpu.memory_space<semaphore_mem>>)
    %scan3A_128 = arith.constant 0 : i32
    %scan3A_129 = arith.constant 0 : i32
    %scan3A_130 = arith.constant 40 : i32
    %scan3A_131 = arith.addi %scan3A_129, %scan3A_130 : i32
    %scan3A_132 = arith.constant 1 : i32
    %scan3A_133 = scf.for %scan3A_181 = %scan3A_129 to %scan3A_131 step %scan3A_132 iter_args(%scan3A_182 = %scan3A_128) -> (i32)  : i32 {
      %rem3A = arith.constant 2 : i32
      %rem3A_183 = arith.remsi %scan3A_181, %rem3A : i32
      %add3A_184 = arith.constant 1 : i32
      %add3A_185 = arith.addi %scan3A_181, %add3A_184 : i32
      %rem3A_186 = arith.constant 40 : i32
      %rem3A_187 = arith.remsi %add3A_185, %rem3A_186 : i32
      %add3A_188 = arith.constant 1 : i32
      %add3A_189 = arith.addi %scan3A_181, %add3A_188 : i32
      %rem3A_190 = arith.constant 2 : i32
      %rem3A_191 = arith.remsi %add3A_189, %rem3A_190 : i32
      %dma_start3A_192 = arith.constant 0 : i32
      %dma_start3A_193 = arith.constant 0 : i32
      %dma_start3A_194 = tpu.memref_slice %arg7[%rem3A_191, %dma_start3A_192, %dma_start3A_193] : memref<2x128x128xf32, #tpu.memory_space<vmem>> -> memref<1x128x128xf32, #tpu.memory_space<vmem>>
      %dma_start3A_195 = tpu.memref_squeeze %dma_start3A_194 : memref<1x128x128xf32, #tpu.memory_space<vmem>> -> memref<128x128xf32, #tpu.memory_space<vmem>>
      %dma_start3A_196 = arith.constant 0 : i32
      %dma_start3A_197 = tpu.memref_slice %arg6[%rem3A_187, %dma_start3A_196] : memref<80x128xi32, #tpu.memory_space<vmem>> -> memref<1x128xi32, #tpu.memory_space<vmem>>
      %dma_start3A_198 = tpu.memref_squeeze %dma_start3A_197 : memref<1x128xi32, #tpu.memory_space<vmem>> -> memref<128xi32, #tpu.memory_space<vmem>>
      %dma_start3A_199 = arith.constant 0 : i32
      %dma_start3A_200 = arith.constant 0 : i32
      %dma_start3A_201 = tpu.memref_slice %arg2[%dma_start3A_199, %dma_start3A_200] : memref<10240x128xf32, #tpu.memory_space<hbm>> -> memref<10240x128xf32, #tpu.memory_space<hbm>>
      %dma_start3A_202 = tpu.memref_slice %arg9[%rem3A_191] : memref<2x!tpu.dma_semaphore, #tpu.memory_space<semaphore_mem>> -> memref<1x!tpu.dma_semaphore, #tpu.memory_space<semaphore_mem>>
      %dma_start3A_203 = tpu.memref_squeeze %dma_start3A_202 : memref<1x!tpu.dma_semaphore, #tpu.memory_space<semaphore_mem>> -> memref<!tpu.dma_semaphore, #tpu.memory_space<semaphore_mem>>
      tpu.enqueue_indirect_dma source(%dma_start3A_201 : memref<10240x128xf32, #tpu.memory_space<hbm>>) target(%dma_start3A_195 : memref<128x128xf32, #tpu.memory_space<vmem>>) offsets(%dma_start3A_198 : memref<128xi32, #tpu.memory_space<vmem>>) semaphore(%dma_start3A_203 : memref<!tpu.dma_semaphore, #tpu.memory_space<semaphore_mem>>)
      %dma_wait3A_204 = arith.constant 0 : i32
      %dma_wait3A_205 = arith.constant 0 : i32
      %dma_wait3A_206 = arith.constant 0 : i32
      %dma_wait3A_207 = tpu.memref_slice %arg7[%rem3A_183, %dma_wait3A_205, %dma_wait3A_206] : memref<2x128x128xf32, #tpu.memory_space<vmem>> -> memref<1x128x128xf32, #tpu.memory_space<vmem>>
      %dma_wait3A_208 = tpu.memref_squeeze %dma_wait3A_207 : memref<1x128x128xf32, #tpu.memory_space<vmem>> -> memref<128x128xf32, #tpu.memory_space<vmem>>
      %dma_wait3A_209 = arith.constant 0 : i32
      %dma_wait3A_210 = tpu.memref_slice %arg6[%dma_wait3A_204, %dma_wait3A_209] : memref<80x128xi32, #tpu.memory_space<vmem>> -> memref<1x128xi32, #tpu.memory_space<vmem>>
      %dma_wait3A_211 = tpu.memref_squeeze %dma_wait3A_210 : memref<1x128xi32, #tpu.memory_space<vmem>> -> memref<128xi32, #tpu.memory_space<vmem>>
      %dma_wait3A_212 = arith.constant 0 : i32
      %dma_wait3A_213 = arith.constant 0 : i32
      %dma_wait3A_214 = tpu.memref_slice %arg2[%dma_wait3A_212, %dma_wait3A_213] : memref<10240x128xf32, #tpu.memory_space<hbm>> -> memref<10240x128xf32, #tpu.memory_space<hbm>>
      %dma_wait3A_215 = tpu.memref_slice %arg9[%rem3A_183] : memref<2x!tpu.dma_semaphore, #tpu.memory_space<semaphore_mem>> -> memref<1x!tpu.dma_semaphore, #tpu.memory_space<semaphore_mem>>
      %dma_wait3A_216 = tpu.memref_squeeze %dma_wait3A_215 : memref<1x!tpu.dma_semaphore, #tpu.memory_space<semaphore_mem>> -> memref<!tpu.dma_semaphore, #tpu.memory_space<semaphore_mem>>
      tpu.wait_indirect_dma semaphore(%dma_wait3A_216 : memref<!tpu.dma_semaphore, #tpu.memory_space<semaphore_mem>>) src(%dma_wait3A_214 : memref<10240x128xf32, #tpu.memory_space<hbm>>) dst(%dma_wait3A_208 : memref<128x128xf32, #tpu.memory_space<vmem>>)
      %add3A_217 = arith.constant 40 : i32
      %add3A_218 = arith.addi %add3A_217, %scan3A_181 : i32
      "tpu.region"() ({
        %run_scoped3A_220 = tpu.sem_alloc : memref<!tpu.dma_semaphore, #tpu.memory_space<semaphore_mem>>
        %dma_start3A_221 = arith.constant 0 : i32
        %dma_start3A_222 = arith.constant 0 : i32
        %dma_start3A_223 = tpu.memref_slice %arg7[%rem3A_183, %dma_start3A_221, %dma_start3A_222] : memref<2x128x128xf32, #tpu.memory_space<vmem>> -> memref<1x128x128xf32, #tpu.memory_space<vmem>>
        %dma_start3A_224 = tpu.memref_squeeze %dma_start3A_223 : memref<1x128x128xf32, #tpu.memory_space<vmem>> -> memref<128x128xf32, #tpu.memory_space<vmem>>
        %dma_start3A_225 = arith.constant 0 : i32
        %dma_start3A_226 = tpu.memref_slice %arg6[%add3A_218, %dma_start3A_225] : memref<80x128xi32, #tpu.memory_space<vmem>> -> memref<1x128xi32, #tpu.memory_space<vmem>>
        %dma_start3A_227 = tpu.memref_squeeze %dma_start3A_226 : memref<1x128xi32, #tpu.memory_space<vmem>> -> memref<128xi32, #tpu.memory_space<vmem>>
        %dma_start3A_228 = arith.constant 0 : i32
        %dma_start3A_229 = arith.constant 0 : i32
        %dma_start3A_230 = tpu.memref_slice %arg8[%dma_start3A_228, %dma_start3A_229] : memref<10240x128xf32, #tpu.memory_space<vmem_shared>> -> memref<10240x128xf32, #tpu.memory_space<vmem_shared>>
        tpu.enqueue_indirect_dma source(%dma_start3A_224 : memref<128x128xf32, #tpu.memory_space<vmem>>) target(%dma_start3A_230 : memref<10240x128xf32, #tpu.memory_space<vmem_shared>>) offsets(%dma_start3A_227 : memref<128xi32, #tpu.memory_space<vmem>>) semaphore(%run_scoped3A_220 : memref<!tpu.dma_semaphore, #tpu.memory_space<semaphore_mem>>) {add = true}
        %dma_wait3A_231 = arith.constant 0 : i32
        %dma_wait3A_232 = arith.constant 0 : i32
        %dma_wait3A_233 = tpu.memref_slice %arg7[%rem3A_183, %dma_wait3A_231, %dma_wait3A_232] : memref<2x128x128xf32, #tpu.memory_space<vmem>> -> memref<1x128x128xf32, #tpu.memory_space<vmem>>
        %dma_wait3A_234 = tpu.memref_squeeze %dma_wait3A_233 : memref<1x128x128xf32, #tpu.memory_space<vmem>> -> memref<128x128xf32, #tpu.memory_space<vmem>>
        %dma_wait3A_235 = arith.constant 0 : i32
        %dma_wait3A_236 = tpu.memref_slice %arg6[%add3A_218, %dma_wait3A_235] : memref<80x128xi32, #tpu.memory_space<vmem>> -> memref<1x128xi32, #tpu.memory_space<vmem>>
        %dma_wait3A_237 = tpu.memref_squeeze %dma_wait3A_236 : memref<1x128xi32, #tpu.memory_space<vmem>> -> memref<128xi32, #tpu.memory_space<vmem>>
        %dma_wait3A_238 = arith.constant 0 : i32
        %dma_wait3A_239 = arith.constant 0 : i32
        %dma_wait3A_240 = tpu.memref_slice %arg8[%dma_wait3A_238, %dma_wait3A_239] : memref<10240x128xf32, #tpu.memory_space<vmem_shared>> -> memref<10240x128xf32, #tpu.memory_space<vmem_shared>>
        tpu.wait_indirect_dma semaphore(%run_scoped3A_220 : memref<!tpu.dma_semaphore, #tpu.memory_space<semaphore_mem>>) src(%dma_wait3A_234 : memref<128x128xf32, #tpu.memory_space<vmem>>) dst(%dma_wait3A_240 : memref<10240x128xf32, #tpu.memory_space<vmem_shared>>)
        tpu.yield
      }) : () -> ()
      %scan3A_219 = arith.constant 0 : i32
      scf.yield %scan3A_219 : i32
    }
    %scan3A_134 = arith.constant 40 : i32
    %dma_wait3A_135 = arith.constant 0 : i32
    %dma_wait3A_136 = arith.constant 0 : i32
    %dma_wait3A_137 = arith.constant 0 : i32
    %dma_wait3A_138 = arith.constant 0 : i32
    %dma_wait3A_139 = arith.constant 0 : i32
    %dma_wait3A_140 = tpu.memref_slice %arg7[%dma_wait3A_136, %dma_wait3A_138, %dma_wait3A_139] : memref<2x128x128xf32, #tpu.memory_space<vmem>> -> memref<1x128x128xf32, #tpu.memory_space<vmem>>
    %dma_wait3A_141 = tpu.memref_squeeze %dma_wait3A_140 : memref<1x128x128xf32, #tpu.memory_space<vmem>> -> memref<128x128xf32, #tpu.memory_space<vmem>>
    %dma_wait3A_142 = arith.constant 0 : i32
    %dma_wait3A_143 = tpu.memref_slice %arg6[%dma_wait3A_135, %dma_wait3A_142] : memref<80x128xi32, #tpu.memory_space<vmem>> -> memref<1x128xi32, #tpu.memory_space<vmem>>
    %dma_wait3A_144 = tpu.memref_squeeze %dma_wait3A_143 : memref<1x128xi32, #tpu.memory_space<vmem>> -> memref<128xi32, #tpu.memory_space<vmem>>
    %dma_wait3A_145 = arith.constant 0 : i32
    %dma_wait3A_146 = arith.constant 0 : i32
    %dma_wait3A_147 = tpu.memref_slice %arg2[%dma_wait3A_145, %dma_wait3A_146] : memref<10240x128xf32, #tpu.memory_space<hbm>> -> memref<10240x128xf32, #tpu.memory_space<hbm>>
    %dma_wait3A_148 = tpu.memref_slice %arg9[%dma_wait3A_137] : memref<2x!tpu.dma_semaphore, #tpu.memory_space<semaphore_mem>> -> memref<1x!tpu.dma_semaphore, #tpu.memory_space<semaphore_mem>>
    %dma_wait3A_149 = tpu.memref_squeeze %dma_wait3A_148 : memref<1x!tpu.dma_semaphore, #tpu.memory_space<semaphore_mem>> -> memref<!tpu.dma_semaphore, #tpu.memory_space<semaphore_mem>>
    tpu.wait_indirect_dma semaphore(%dma_wait3A_149 : memref<!tpu.dma_semaphore, #tpu.memory_space<semaphore_mem>>) src(%dma_wait3A_147 : memref<10240x128xf32, #tpu.memory_space<hbm>>) dst(%dma_wait3A_141 : memref<128x128xf32, #tpu.memory_space<vmem>>)
    %barrier3A_150 = arith.constant 0 : index
    tpu.barrier barrier_id(%barrier3A_150)
    %mul3A_151 = arith.constant 640 : i32
    %mul3A_152 = arith.muli %arg1, %mul3A_151 : i32
    %add3A_153 = arith.constant 0 : i32
    %add3A_154 = arith.addi %mul3A_152, %add3A_153 : i32
    %run_scoped3A_155 = arith.constant 0 : i32
    "tpu.region"() ({
      %run_scoped3A_181 = tpu.sem_alloc : memref<!tpu.dma_semaphore, #tpu.memory_space<semaphore_mem>>
      %dma_start3A_182 = arith.constant 0 : i32
      %dma_start3A_183 = arith.constant 0 : i32
      %dma_start3A_184 = tpu.memref_slice %arg7[%run_scoped3A_155, %dma_start3A_182, %dma_start3A_183] : memref<2x128x128xf32, #tpu.memory_space<vmem>> -> memref<1x128x128xf32, #tpu.memory_space<vmem>>
      %dma_start3A_185 = tpu.memref_squeeze %dma_start3A_184 : memref<1x128x128xf32, #tpu.memory_space<vmem>> -> memref<128x128xf32, #tpu.memory_space<vmem>>
      %dma_start3A_186 = arith.constant 0 : i32
      %dma_start3A_187 = tpu.memref_slice %arg8[%add3A_154, %dma_start3A_186] : memref<10240x128xf32, #tpu.memory_space<vmem_shared>> -> memref<128x128xf32, #tpu.memory_space<vmem_shared>>
      %dma_start3A_188 = arith.constant 0 : i32
      %dma_start3A_189 = arith.constant 0 : i32
      %dma_start3A_190 = tpu.memref_slice %arg7[%run_scoped3A_155, %dma_start3A_188, %dma_start3A_189] : memref<2x128x128xf32, #tpu.memory_space<vmem>> -> memref<1x128x128xf32, #tpu.memory_space<vmem>>
      %dma_start3A_191 = tpu.memref_squeeze %dma_start3A_190 : memref<1x128x128xf32, #tpu.memory_space<vmem>> -> memref<128x128xf32, #tpu.memory_space<vmem>>
      %dma_start3A_192 = arith.constant 0 : i32
      %dma_start3A_193 = tpu.memref_slice %arg8[%add3A_154, %dma_start3A_192] : memref<10240x128xf32, #tpu.memory_space<vmem_shared>> -> memref<128x128xf32, #tpu.memory_space<vmem_shared>>
      tpu.enqueue_dma source(%dma_start3A_193 : memref<128x128xf32, #tpu.memory_space<vmem_shared>>) target(%dma_start3A_191 : memref<128x128xf32, #tpu.memory_space<vmem>>) target_semaphore(%run_scoped3A_181 : memref<!tpu.dma_semaphore, #tpu.memory_space<semaphore_mem>>)
      %dma_wait3A_194 = arith.constant 0 : i32
      %dma_wait3A_195 = arith.constant 0 : i32
      %dma_wait3A_196 = tpu.memref_slice %arg7[%run_scoped3A_155, %dma_wait3A_194, %dma_wait3A_195] : memref<2x128x128xf32, #tpu.memory_space<vmem>> -> memref<1x128x128xf32, #tpu.memory_space<vmem>>
      %dma_wait3A_197 = tpu.memref_squeeze %dma_wait3A_196 : memref<1x128x128xf32, #tpu.memory_space<vmem>> -> memref<128x128xf32, #tpu.memory_space<vmem>>
      %dma_wait3A_198 = arith.constant 0 : i32
      %dma_wait3A_199 = tpu.memref_slice %arg8[%add3A_154, %dma_wait3A_198] : memref<10240x128xf32, #tpu.memory_space<vmem_shared>> -> memref<128x128xf32, #tpu.memory_space<vmem_shared>>
      %dma_wait3A_200 = arith.constant 0 : i32
      %dma_wait3A_201 = arith.constant 0 : i32
      %dma_wait3A_202 = tpu.memref_slice %arg7[%run_scoped3A_155, %dma_wait3A_200, %dma_wait3A_201] : memref<2x128x128xf32, #tpu.memory_space<vmem>> -> memref<1x128x128xf32, #tpu.memory_space<vmem>>
      %dma_wait3A_203 = tpu.memref_squeeze %dma_wait3A_202 : memref<1x128x128xf32, #tpu.memory_space<vmem>> -> memref<128x128xf32, #tpu.memory_space<vmem>>
      %dma_wait3A_204 = arith.constant 0 : i32
      %dma_wait3A_205 = tpu.memref_slice %arg8[%add3A_154, %dma_wait3A_204] : memref<10240x128xf32, #tpu.memory_space<vmem_shared>> -> memref<128x128xf32, #tpu.memory_space<vmem_shared>>
      tpu.wait_dma2 semaphore(%run_scoped3A_181 : memref<!tpu.dma_semaphore, #tpu.memory_space<semaphore_mem>>) src(%dma_wait3A_205 : memref<128x128xf32, #tpu.memory_space<vmem_shared>>) dst(%dma_wait3A_203 : memref<128x128xf32, #tpu.memory_space<vmem>>)
      tpu.yield
    }) : () -> ()
    %run_scoped3A_156 = arith.constant 0 : i32
    "tpu.region"() ({
      %run_scoped3A_181 = tpu.sem_alloc : memref<!tpu.dma_semaphore, #tpu.memory_space<semaphore_mem>>
      %dma_start3A_182 = arith.constant 0 : i32
      %dma_start3A_183 = arith.constant 0 : i32
      %dma_start3A_184 = tpu.memref_slice %arg7[%run_scoped3A_156, %dma_start3A_182, %dma_start3A_183] : memref<2x128x128xf32, #tpu.memory_space<vmem>> -> memref<1x128x128xf32, #tpu.memory_space<vmem>>
      %dma_start3A_185 = tpu.memref_squeeze %dma_start3A_184 : memref<1x128x128xf32, #tpu.memory_space<vmem>> -> memref<128x128xf32, #tpu.memory_space<vmem>>
      %dma_start3A_186 = arith.constant 0 : i32
      %dma_start3A_187 = arith.constant 0 : i32
      %dma_start3A_188 = tpu.memref_slice %arg4[%arg0, %dma_start3A_186, %dma_start3A_187] : memref<2x10240x128xf32, #tpu.memory_space<hbm>> -> memref<1x10240x128xf32, #tpu.memory_space<hbm>>
      %dma_start3A_189 = tpu.memref_squeeze %dma_start3A_188 : memref<1x10240x128xf32, #tpu.memory_space<hbm>> -> memref<10240x128xf32, #tpu.memory_space<hbm>>
      %dma_start3A_190 = arith.constant 0 : i32
      %dma_start3A_191 = tpu.memref_slice %dma_start3A_189[%add3A_154, %dma_start3A_190] : memref<10240x128xf32, #tpu.memory_space<hbm>> -> memref<128x128xf32, #tpu.memory_space<hbm>>
      %dma_start3A_192 = arith.constant 0 : i32
      %dma_start3A_193 = arith.constant 0 : i32
      %dma_start3A_194 = tpu.memref_slice %arg4[%arg0, %dma_start3A_192, %dma_start3A_193] : memref<2x10240x128xf32, #tpu.memory_space<hbm>> -> memref<1x10240x128xf32, #tpu.memory_space<hbm>>
      %dma_start3A_195 = tpu.memref_squeeze %dma_start3A_194 : memref<1x10240x128xf32, #tpu.memory_space<hbm>> -> memref<10240x128xf32, #tpu.memory_space<hbm>>
      %dma_start3A_196 = arith.constant 0 : i32
      %dma_start3A_197 = tpu.memref_slice %dma_start3A_195[%add3A_154, %dma_start3A_196] : memref<10240x128xf32, #tpu.memory_space<hbm>> -> memref<128x128xf32, #tpu.memory_space<hbm>>
      %dma_start3A_198 = arith.constant 0 : i32
      %dma_start3A_199 = arith.constant 0 : i32
      %dma_start3A_200 = tpu.memref_slice %arg7[%run_scoped3A_156, %dma_start3A_198, %dma_start3A_199] : memref<2x128x128xf32, #tpu.memory_space<vmem>> -> memref<1x128x128xf32, #tpu.memory_space<vmem>>
      %dma_start3A_201 = tpu.memref_squeeze %dma_start3A_200 : memref<1x128x128xf32, #tpu.memory_space<vmem>> -> memref<128x128xf32, #tpu.memory_space<vmem>>
      tpu.enqueue_dma source(%dma_start3A_201 : memref<128x128xf32, #tpu.memory_space<vmem>>) target(%dma_start3A_197 : memref<128x128xf32, #tpu.memory_space<hbm>>) target_semaphore(%run_scoped3A_181 : memref<!tpu.dma_semaphore, #tpu.memory_space<semaphore_mem>>)
      %dma_wait3A_202 = arith.constant 0 : i32
      %dma_wait3A_203 = arith.constant 0 : i32
      %dma_wait3A_204 = tpu.memref_slice %arg7[%run_scoped3A_156, %dma_wait3A_202, %dma_wait3A_203] : memref<2x128x128xf32, #tpu.memory_space<vmem>> -> memref<1x128x128xf32, #tpu.memory_space<vmem>>
      %dma_wait3A_205 = tpu.memref_squeeze %dma_wait3A_204 : memref<1x128x128xf32, #tpu.memory_space<vmem>> -> memref<128x128xf32, #tpu.memory_space<vmem>>
      %dma_wait3A_206 = arith.constant 0 : i32
      %dma_wait3A_207 = arith.constant 0 : i32
      %dma_wait3A_208 = tpu.memref_slice %arg4[%arg0, %dma_wait3A_206, %dma_wait3A_207] : memref<2x10240x128xf32, #tpu.memory_space<hbm>> -> memref<1x10240x128xf32, #tpu.memory_space<hbm>>
      %dma_wait3A_209 = tpu.memref_squeeze %dma_wait3A_208 : memref<1x10240x128xf32, #tpu.memory_space<hbm>> -> memref<10240x128xf32, #tpu.memory_space<hbm>>
      %dma_wait3A_210 = arith.constant 0 : i32
      %dma_wait3A_211 = tpu.memref_slice %dma_wait3A_209[%add3A_154, %dma_wait3A_210] : memref<10240x128xf32, #tpu.memory_space<hbm>> -> memref<128x128xf32, #tpu.memory_space<hbm>>
      %dma_wait3A_212 = arith.constant 0 : i32
      %dma_wait3A_213 = arith.constant 0 : i32
      %dma_wait3A_214 = tpu.memref_slice %arg4[%arg0, %dma_wait3A_212, %dma_wait3A_213] : memref<2x10240x128xf32, #tpu.memory_space<hbm>> -> memref<1x10240x128xf32, #tpu.memory_space<hbm>>
      %dma_wait3A_215 = tpu.memref_squeeze %dma_wait3A_214 : memref<1x10240x128xf32, #tpu.memory_space<hbm>> -> memref<10240x128xf32, #tpu.memory_space<hbm>>
      %dma_wait3A_216 = arith.constant 0 : i32
      %dma_wait3A_217 = tpu.memref_slice %dma_wait3A_215[%add3A_154, %dma_wait3A_216] : memref<10240x128xf32, #tpu.memory_space<hbm>> -> memref<128x128xf32, #tpu.memory_space<hbm>>
      %dma_wait3A_218 = arith.constant 0 : i32
      %dma_wait3A_219 = arith.constant 0 : i32
      %dma_wait3A_220 = tpu.memref_slice %arg7[%run_scoped3A_156, %dma_wait3A_218, %dma_wait3A_219] : memref<2x128x128xf32, #tpu.memory_space<vmem>> -> memref<1x128x128xf32, #tpu.memory_space<vmem>>
      %dma_wait3A_221 = tpu.memref_squeeze %dma_wait3A_220 : memref<1x128x128xf32, #tpu.memory_space<vmem>> -> memref<128x128xf32, #tpu.memory_space<vmem>>
      tpu.wait_dma2 semaphore(%run_scoped3A_181 : memref<!tpu.dma_semaphore, #tpu.memory_space<semaphore_mem>>) src(%dma_wait3A_221 : memref<128x128xf32, #tpu.memory_space<vmem>>) dst(%dma_wait3A_217 : memref<128x128xf32, #tpu.memory_space<hbm>>)
      tpu.yield
    }) : () -> ()
    %mul3A_157 = arith.constant 640 : i32
    %mul3A_158 = arith.muli %arg1, %mul3A_157 : i32
    %add3A_159 = arith.constant 128 : i32
    %add3A_160 = arith.addi %mul3A_158, %add3A_159 : i32
    %run_scoped3A_161 = arith.constant 1 : i32
    "tpu.region"() ({
      %run_scoped3A_181 = tpu.sem_alloc : memref<!tpu.dma_semaphore, #tpu.memory_space<semaphore_mem>>
      %dma_start3A_182 = arith.constant 0 : i32
      %dma_start3A_183 = arith.constant 0 : i32
      %dma_start3A_184 = tpu.memref_slice %arg7[%run_scoped3A_161, %dma_start3A_182, %dma_start3A_183] : memref<2x128x128xf32, #tpu.memory_space<vmem>> -> memref<1x128x128xf32, #tpu.memory_space<vmem>>
      %dma_start3A_185 = tpu.memref_squeeze %dma_start3A_184 : memref<1x128x128xf32, #tpu.memory_space<vmem>> -> memref<128x128xf32, #tpu.memory_space<vmem>>
      %dma_start3A_186 = arith.constant 0 : i32
      %dma_start3A_187 = tpu.memref_slice %arg8[%add3A_160, %dma_start3A_186] : memref<10240x128xf32, #tpu.memory_space<vmem_shared>> -> memref<128x128xf32, #tpu.memory_space<vmem_shared>>
      %dma_start3A_188 = arith.constant 0 : i32
      %dma_start3A_189 = arith.constant 0 : i32
      %dma_start3A_190 = tpu.memref_slice %arg7[%run_scoped3A_161, %dma_start3A_188, %dma_start3A_189] : memref<2x128x128xf32, #tpu.memory_space<vmem>> -> memref<1x128x128xf32, #tpu.memory_space<vmem>>
      %dma_start3A_191 = tpu.memref_squeeze %dma_start3A_190 : memref<1x128x128xf32, #tpu.memory_space<vmem>> -> memref<128x128xf32, #tpu.memory_space<vmem>>
      %dma_start3A_192 = arith.constant 0 : i32
      %dma_start3A_193 = tpu.memref_slice %arg8[%add3A_160, %dma_start3A_192] : memref<10240x128xf32, #tpu.memory_space<vmem_shared>> -> memref<128x128xf32, #tpu.memory_space<vmem_shared>>
      tpu.enqueue_dma source(%dma_start3A_193 : memref<128x128xf32, #tpu.memory_space<vmem_shared>>) target(%dma_start3A_191 : memref<128x128xf32, #tpu.memory_space<vmem>>) target_semaphore(%run_scoped3A_181 : memref<!tpu.dma_semaphore, #tpu.memory_space<semaphore_mem>>)
      %dma_wait3A_194 = arith.constant 0 : i32
      %dma_wait3A_195 = arith.constant 0 : i32
      %dma_wait3A_196 = tpu.memref_slice %arg7[%run_scoped3A_161, %dma_wait3A_194, %dma_wait3A_195] : memref<2x128x128xf32, #tpu.memory_space<vmem>> -> memref<1x128x128xf32, #tpu.memory_space<vmem>>
      %dma_wait3A_197 = tpu.memref_squeeze %dma_wait3A_196 : memref<1x128x128xf32, #tpu.memory_space<vmem>> -> memref<128x128xf32, #tpu.memory_space<vmem>>
      %dma_wait3A_198 = arith.constant 0 : i32
      %dma_wait3A_199 = tpu.memref_slice %arg8[%add3A_160, %dma_wait3A_198] : memref<10240x128xf32, #tpu.memory_space<vmem_shared>> -> memref<128x128xf32, #tpu.memory_space<vmem_shared>>
      %dma_wait3A_200 = arith.constant 0 : i32
      %dma_wait3A_201 = arith.constant 0 : i32
      %dma_wait3A_202 = tpu.memref_slice %arg7[%run_scoped3A_161, %dma_wait3A_200, %dma_wait3A_201] : memref<2x128x128xf32, #tpu.memory_space<vmem>> -> memref<1x128x128xf32, #tpu.memory_space<vmem>>
      %dma_wait3A_203 = tpu.memref_squeeze %dma_wait3A_202 : memref<1x128x128xf32, #tpu.memory_space<vmem>> -> memref<128x128xf32, #tpu.memory_space<vmem>>
      %dma_wait3A_204 = arith.constant 0 : i32
      %dma_wait3A_205 = tpu.memref_slice %arg8[%add3A_160, %dma_wait3A_204] : memref<10240x128xf32, #tpu.memory_space<vmem_shared>> -> memref<128x128xf32, #tpu.memory_space<vmem_shared>>
      tpu.wait_dma2 semaphore(%run_scoped3A_181 : memref<!tpu.dma_semaphore, #tpu.memory_space<semaphore_mem>>) src(%dma_wait3A_205 : memref<128x128xf32, #tpu.memory_space<vmem_shared>>) dst(%dma_wait3A_203 : memref<128x128xf32, #tpu.memory_space<vmem>>)
      tpu.yield
    }) : () -> ()
    %run_scoped3A_162 = arith.constant 1 : i32
    "tpu.region"() ({
      %run_scoped3A_181 = tpu.sem_alloc : memref<!tpu.dma_semaphore, #tpu.memory_space<semaphore_mem>>
      %dma_start3A_182 = arith.constant 0 : i32
      %dma_start3A_183 = arith.constant 0 : i32
      %dma_start3A_184 = tpu.memref_slice %arg7[%run_scoped3A_162, %dma_start3A_182, %dma_start3A_183] : memref<2x128x128xf32, #tpu.memory_space<vmem>> -> memref<1x128x128xf32, #tpu.memory_space<vmem>>
      %dma_start3A_185 = tpu.memref_squeeze %dma_start3A_184 : memref<1x128x128xf32, #tpu.memory_space<vmem>> -> memref<128x128xf32, #tpu.memory_space<vmem>>
      %dma_start3A_186 = arith.constant 0 : i32
      %dma_start3A_187 = arith.constant 0 : i32
      %dma_start3A_188 = tpu.memref_slice %arg4[%arg0, %dma_start3A_186, %dma_start3A_187] : memref<2x10240x128xf32, #tpu.memory_space<hbm>> -> memref<1x10240x128xf32, #tpu.memory_space<hbm>>
      %dma_start3A_189 = tpu.memref_squeeze %dma_start3A_188 : memref<1x10240x128xf32, #tpu.memory_space<hbm>> -> memref<10240x128xf32, #tpu.memory_space<hbm>>
      %dma_start3A_190 = arith.constant 0 : i32
      %dma_start3A_191 = tpu.memref_slice %dma_start3A_189[%add3A_160, %dma_start3A_190] : memref<10240x128xf32, #tpu.memory_space<hbm>> -> memref<128x128xf32, #tpu.memory_space<hbm>>
      %dma_start3A_192 = arith.constant 0 : i32
      %dma_start3A_193 = arith.constant 0 : i32
      %dma_start3A_194 = tpu.memref_slice %arg4[%arg0, %dma_start3A_192, %dma_start3A_193] : memref<2x10240x128xf32, #tpu.memory_space<hbm>> -> memref<1x10240x128xf32, #tpu.memory_space<hbm>>
      %dma_start3A_195 = tpu.memref_squeeze %dma_start3A_194 : memref<1x10240x128xf32, #tpu.memory_space<hbm>> -> memref<10240x128xf32, #tpu.memory_space<hbm>>
      %dma_start3A_196 = arith.constant 0 : i32
      %dma_start3A_197 = tpu.memref_slice %dma_start3A_195[%add3A_160, %dma_start3A_196] : memref<10240x128xf32, #tpu.memory_space<hbm>> -> memref<128x128xf32, #tpu.memory_space<hbm>>
      %dma_start3A_198 = arith.constant 0 : i32
      %dma_start3A_199 = arith.constant 0 : i32
      %dma_start3A_200 = tpu.memref_slice %arg7[%run_scoped3A_162, %dma_start3A_198, %dma_start3A_199] : memref<2x128x128xf32, #tpu.memory_space<vmem>> -> memref<1x128x128xf32, #tpu.memory_space<vmem>>
      %dma_start3A_201 = tpu.memref_squeeze %dma_start3A_200 : memref<1x128x128xf32, #tpu.memory_space<vmem>> -> memref<128x128xf32, #tpu.memory_space<vmem>>
      tpu.enqueue_dma source(%dma_start3A_201 : memref<128x128xf32, #tpu.memory_space<vmem>>) target(%dma_start3A_197 : memref<128x128xf32, #tpu.memory_space<hbm>>) target_semaphore(%run_scoped3A_181 : memref<!tpu.dma_semaphore, #tpu.memory_space<semaphore_mem>>)
      %dma_wait3A_202 = arith.constant 0 : i32
      %dma_wait3A_203 = arith.constant 0 : i32
      %dma_wait3A_204 = tpu.memref_slice %arg7[%run_scoped3A_162, %dma_wait3A_202, %dma_wait3A_203] : memref<2x128x128xf32, #tpu.memory_space<vmem>> -> memref<1x128x128xf32, #tpu.memory_space<vmem>>
      %dma_wait3A_205 = tpu.memref_squeeze %dma_wait3A_204 : memref<1x128x128xf32, #tpu.memory_space<vmem>> -> memref<128x128xf32, #tpu.memory_space<vmem>>
      %dma_wait3A_206 = arith.constant 0 : i32
      %dma_wait3A_207 = arith.constant 0 : i32
      %dma_wait3A_208 = tpu.memref_slice %arg4[%arg0, %dma_wait3A_206, %dma_wait3A_207] : memref<2x10240x128xf32, #tpu.memory_space<hbm>> -> memref<1x10240x128xf32, #tpu.memory_space<hbm>>
      %dma_wait3A_209 = tpu.memref_squeeze %dma_wait3A_208 : memref<1x10240x128xf32, #tpu.memory_space<hbm>> -> memref<10240x128xf32, #tpu.memory_space<hbm>>
      %dma_wait3A_210 = arith.constant 0 : i32
      %dma_wait3A_211 = tpu.memref_slice %dma_wait3A_209[%add3A_160, %dma_wait3A_210] : memref<10240x128xf32, #tpu.memory_space<hbm>> -> memref<128x128xf32, #tpu.memory_space<hbm>>
      %dma_wait3A_212 = arith.constant 0 : i32
      %dma_wait3A_213 = arith.constant 0 : i32
      %dma_wait3A_214 = tpu.memref_slice %arg4[%arg0, %dma_wait3A_212, %dma_wait3A_213] : memref<2x10240x128xf32, #tpu.memory_space<hbm>> -> memref<1x10240x128xf32, #tpu.memory_space<hbm>>
      %dma_wait3A_215 = tpu.memref_squeeze %dma_wait3A_214 : memref<1x10240x128xf32, #tpu.memory_space<hbm>> -> memref<10240x128xf32, #tpu.memory_space<hbm>>
      %dma_wait3A_216 = arith.constant 0 : i32
      %dma_wait3A_217 = tpu.memref_slice %dma_wait3A_215[%add3A_160, %dma_wait3A_216] : memref<10240x128xf32, #tpu.memory_space<hbm>> -> memref<128x128xf32, #tpu.memory_space<hbm>>
      %dma_wait3A_218 = arith.constant 0 : i32
      %dma_wait3A_219 = arith.constant 0 : i32
      %dma_wait3A_220 = tpu.memref_slice %arg7[%run_scoped3A_162, %dma_wait3A_218, %dma_wait3A_219] : memref<2x128x128xf32, #tpu.memory_space<vmem>> -> memref<1x128x128xf32, #tpu.memory_space<vmem>>
      %dma_wait3A_221 = tpu.memref_squeeze %dma_wait3A_220 : memref<1x128x128xf32, #tpu.memory_space<vmem>> -> memref<128x128xf32, #tpu.memory_space<vmem>>
      tpu.wait_dma2 semaphore(%run_scoped3A_181 : memref<!tpu.dma_semaphore, #tpu.memory_space<semaphore_mem>>) src(%dma_wait3A_221 : memref<128x128xf32, #tpu.memory_space<vmem>>) dst(%dma_wait3A_217 : memref<128x128xf32, #tpu.memory_space<hbm>>)
      tpu.yield
    }) : () -> ()
    %mul3A_163 = arith.constant 640 : i32
    %mul3A_164 = arith.muli %arg1, %mul3A_163 : i32
    %add3A_165 = arith.constant 256 : i32
    %add3A_166 = arith.addi %mul3A_164, %add3A_165 : i32
    %run_scoped3A_167 = arith.constant 0 : i32
    "tpu.region"() ({
      %run_scoped3A_181 = tpu.sem_alloc : memref<!tpu.dma_semaphore, #tpu.memory_space<semaphore_mem>>
      %dma_start3A_182 = arith.constant 0 : i32
      %dma_start3A_183 = arith.constant 0 : i32
      %dma_start3A_184 = tpu.memref_slice %arg7[%run_scoped3A_167, %dma_start3A_182, %dma_start3A_183] : memref<2x128x128xf32, #tpu.memory_space<vmem>> -> memref<1x128x128xf32, #tpu.memory_space<vmem>>
      %dma_start3A_185 = tpu.memref_squeeze %dma_start3A_184 : memref<1x128x128xf32, #tpu.memory_space<vmem>> -> memref<128x128xf32, #tpu.memory_space<vmem>>
      %dma_start3A_186 = arith.constant 0 : i32
      %dma_start3A_187 = tpu.memref_slice %arg8[%add3A_166, %dma_start3A_186] : memref<10240x128xf32, #tpu.memory_space<vmem_shared>> -> memref<128x128xf32, #tpu.memory_space<vmem_shared>>
      %dma_start3A_188 = arith.constant 0 : i32
      %dma_start3A_189 = arith.constant 0 : i32
      %dma_start3A_190 = tpu.memref_slice %arg7[%run_scoped3A_167, %dma_start3A_188, %dma_start3A_189] : memref<2x128x128xf32, #tpu.memory_space<vmem>> -> memref<1x128x128xf32, #tpu.memory_space<vmem>>
      %dma_start3A_191 = tpu.memref_squeeze %dma_start3A_190 : memref<1x128x128xf32, #tpu.memory_space<vmem>> -> memref<128x128xf32, #tpu.memory_space<vmem>>
      %dma_start3A_192 = arith.constant 0 : i32
      %dma_start3A_193 = tpu.memref_slice %arg8[%add3A_166, %dma_start3A_192] : memref<10240x128xf32, #tpu.memory_space<vmem_shared>> -> memref<128x128xf32, #tpu.memory_space<vmem_shared>>
      tpu.enqueue_dma source(%dma_start3A_193 : memref<128x128xf32, #tpu.memory_space<vmem_shared>>) target(%dma_start3A_191 : memref<128x128xf32, #tpu.memory_space<vmem>>) target_semaphore(%run_scoped3A_181 : memref<!tpu.dma_semaphore, #tpu.memory_space<semaphore_mem>>)
      %dma_wait3A_194 = arith.constant 0 : i32
      %dma_wait3A_195 = arith.constant 0 : i32
      %dma_wait3A_196 = tpu.memref_slice %arg7[%run_scoped3A_167, %dma_wait3A_194, %dma_wait3A_195] : memref<2x128x128xf32, #tpu.memory_space<vmem>> -> memref<1x128x128xf32, #tpu.memory_space<vmem>>
      %dma_wait3A_197 = tpu.memref_squeeze %dma_wait3A_196 : memref<1x128x128xf32, #tpu.memory_space<vmem>> -> memref<128x128xf32, #tpu.memory_space<vmem>>
      %dma_wait3A_198 = arith.constant 0 : i32
      %dma_wait3A_199 = tpu.memref_slice %arg8[%add3A_166, %dma_wait3A_198] : memref<10240x128xf32, #tpu.memory_space<vmem_shared>> -> memref<128x128xf32, #tpu.memory_space<vmem_shared>>
      %dma_wait3A_200 = arith.constant 0 : i32
      %dma_wait3A_201 = arith.constant 0 : i32
      %dma_wait3A_202 = tpu.memref_slice %arg7[%run_scoped3A_167, %dma_wait3A_200, %dma_wait3A_201] : memref<2x128x128xf32, #tpu.memory_space<vmem>> -> memref<1x128x128xf32, #tpu.memory_space<vmem>>
      %dma_wait3A_203 = tpu.memref_squeeze %dma_wait3A_202 : memref<1x128x128xf32, #tpu.memory_space<vmem>> -> memref<128x128xf32, #tpu.memory_space<vmem>>
      %dma_wait3A_204 = arith.constant 0 : i32
      %dma_wait3A_205 = tpu.memref_slice %arg8[%add3A_166, %dma_wait3A_204] : memref<10240x128xf32, #tpu.memory_space<vmem_shared>> -> memref<128x128xf32, #tpu.memory_space<vmem_shared>>
      tpu.wait_dma2 semaphore(%run_scoped3A_181 : memref<!tpu.dma_semaphore, #tpu.memory_space<semaphore_mem>>) src(%dma_wait3A_205 : memref<128x128xf32, #tpu.memory_space<vmem_shared>>) dst(%dma_wait3A_203 : memref<128x128xf32, #tpu.memory_space<vmem>>)
      tpu.yield
    }) : () -> ()
    %run_scoped3A_168 = arith.constant 0 : i32
    "tpu.region"() ({
      %run_scoped3A_181 = tpu.sem_alloc : memref<!tpu.dma_semaphore, #tpu.memory_space<semaphore_mem>>
      %dma_start3A_182 = arith.constant 0 : i32
      %dma_start3A_183 = arith.constant 0 : i32
      %dma_start3A_184 = tpu.memref_slice %arg7[%run_scoped3A_168, %dma_start3A_182, %dma_start3A_183] : memref<2x128x128xf32, #tpu.memory_space<vmem>> -> memref<1x128x128xf32, #tpu.memory_space<vmem>>
      %dma_start3A_185 = tpu.memref_squeeze %dma_start3A_184 : memref<1x128x128xf32, #tpu.memory_space<vmem>> -> memref<128x128xf32, #tpu.memory_space<vmem>>
      %dma_start3A_186 = arith.constant 0 : i32
      %dma_start3A_187 = arith.constant 0 : i32
      %dma_start3A_188 = tpu.memref_slice %arg4[%arg0, %dma_start3A_186, %dma_start3A_187] : memref<2x10240x128xf32, #tpu.memory_space<hbm>> -> memref<1x10240x128xf32, #tpu.memory_space<hbm>>
      %dma_start3A_189 = tpu.memref_squeeze %dma_start3A_188 : memref<1x10240x128xf32, #tpu.memory_space<hbm>> -> memref<10240x128xf32, #tpu.memory_space<hbm>>
      %dma_start3A_190 = arith.constant 0 : i32
      %dma_start3A_191 = tpu.memref_slice %dma_start3A_189[%add3A_166, %dma_start3A_190] : memref<10240x128xf32, #tpu.memory_space<hbm>> -> memref<128x128xf32, #tpu.memory_space<hbm>>
      %dma_start3A_192 = arith.constant 0 : i32
      %dma_start3A_193 = arith.constant 0 : i32
      %dma_start3A_194 = tpu.memref_slice %arg4[%arg0, %dma_start3A_192, %dma_start3A_193] : memref<2x10240x128xf32, #tpu.memory_space<hbm>> -> memref<1x10240x128xf32, #tpu.memory_space<hbm>>
      %dma_start3A_195 = tpu.memref_squeeze %dma_start3A_194 : memref<1x10240x128xf32, #tpu.memory_space<hbm>> -> memref<10240x128xf32, #tpu.memory_space<hbm>>
      %dma_start3A_196 = arith.constant 0 : i32
      %dma_start3A_197 = tpu.memref_slice %dma_start3A_195[%add3A_166, %dma_start3A_196] : memref<10240x128xf32, #tpu.memory_space<hbm>> -> memref<128x128xf32, #tpu.memory_space<hbm>>
      %dma_start3A_198 = arith.constant 0 : i32
      %dma_start3A_199 = arith.constant 0 : i32
      %dma_start3A_200 = tpu.memref_slice %arg7[%run_scoped3A_168, %dma_start3A_198, %dma_start3A_199] : memref<2x128x128xf32, #tpu.memory_space<vmem>> -> memref<1x128x128xf32, #tpu.memory_space<vmem>>
      %dma_start3A_201 = tpu.memref_squeeze %dma_start3A_200 : memref<1x128x128xf32, #tpu.memory_space<vmem>> -> memref<128x128xf32, #tpu.memory_space<vmem>>
      tpu.enqueue_dma source(%dma_start3A_201 : memref<128x128xf32, #tpu.memory_space<vmem>>) target(%dma_start3A_197 : memref<128x128xf32, #tpu.memory_space<hbm>>) target_semaphore(%run_scoped3A_181 : memref<!tpu.dma_semaphore, #tpu.memory_space<semaphore_mem>>)
      %dma_wait3A_202 = arith.constant 0 : i32
      %dma_wait3A_203 = arith.constant 0 : i32
      %dma_wait3A_204 = tpu.memref_slice %arg7[%run_scoped3A_168, %dma_wait3A_202, %dma_wait3A_203] : memref<2x128x128xf32, #tpu.memory_space<vmem>> -> memref<1x128x128xf32, #tpu.memory_space<vmem>>
      %dma_wait3A_205 = tpu.memref_squeeze %dma_wait3A_204 : memref<1x128x128xf32, #tpu.memory_space<vmem>> -> memref<128x128xf32, #tpu.memory_space<vmem>>
      %dma_wait3A_206 = arith.constant 0 : i32
      %dma_wait3A_207 = arith.constant 0 : i32
      %dma_wait3A_208 = tpu.memref_slice %arg4[%arg0, %dma_wait3A_206, %dma_wait3A_207] : memref<2x10240x128xf32, #tpu.memory_space<hbm>> -> memref<1x10240x128xf32, #tpu.memory_space<hbm>>
      %dma_wait3A_209 = tpu.memref_squeeze %dma_wait3A_208 : memref<1x10240x128xf32, #tpu.memory_space<hbm>> -> memref<10240x128xf32, #tpu.memory_space<hbm>>
      %dma_wait3A_210 = arith.constant 0 : i32
      %dma_wait3A_211 = tpu.memref_slice %dma_wait3A_209[%add3A_166, %dma_wait3A_210] : memref<10240x128xf32, #tpu.memory_space<hbm>> -> memref<128x128xf32, #tpu.memory_space<hbm>>
      %dma_wait3A_212 = arith.constant 0 : i32
      %dma_wait3A_213 = arith.constant 0 : i32
      %dma_wait3A_214 = tpu.memref_slice %arg4[%arg0, %dma_wait3A_212, %dma_wait3A_213] : memref<2x10240x128xf32, #tpu.memory_space<hbm>> -> memref<1x10240x128xf32, #tpu.memory_space<hbm>>
      %dma_wait3A_215 = tpu.memref_squeeze %dma_wait3A_214 : memref<1x10240x128xf32, #tpu.memory_space<hbm>> -> memref<10240x128xf32, #tpu.memory_space<hbm>>
      %dma_wait3A_216 = arith.constant 0 : i32
      %dma_wait3A_217 = tpu.memref_slice %dma_wait3A_215[%add3A_166, %dma_wait3A_216] : memref<10240x128xf32, #tpu.memory_space<hbm>> -> memref<128x128xf32, #tpu.memory_space<hbm>>
      %dma_wait3A_218 = arith.constant 0 : i32
      %dma_wait3A_219 = arith.constant 0 : i32
      %dma_wait3A_220 = tpu.memref_slice %arg7[%run_scoped3A_168, %dma_wait3A_218, %dma_wait3A_219] : memref<2x128x128xf32, #tpu.memory_space<vmem>> -> memref<1x128x128xf32, #tpu.memory_space<vmem>>
      %dma_wait3A_221 = tpu.memref_squeeze %dma_wait3A_220 : memref<1x128x128xf32, #tpu.memory_space<vmem>> -> memref<128x128xf32, #tpu.memory_space<vmem>>
      tpu.wait_dma2 semaphore(%run_scoped3A_181 : memref<!tpu.dma_semaphore, #tpu.memory_space<semaphore_mem>>) src(%dma_wait3A_221 : memref<128x128xf32, #tpu.memory_space<vmem>>) dst(%dma_wait3A_217 : memref<128x128xf32, #tpu.memory_space<hbm>>)
      tpu.yield
    }) : () -> ()
    %mul3A_169 = arith.constant 640 : i32
    %mul3A_170 = arith.muli %arg1, %mul3A_169 : i32
    %add3A_171 = arith.constant 384 : i32
    %add3A_172 = arith.addi %mul3A_170, %add3A_171 : i32
    %run_scoped3A_173 = arith.constant 1 : i32
    "tpu.region"() ({
      %run_scoped3A_181 = tpu.sem_alloc : memref<!tpu.dma_semaphore, #tpu.memory_space<semaphore_mem>>
      %dma_start3A_182 = arith.constant 0 : i32
      %dma_start3A_183 = arith.constant 0 : i32
      %dma_start3A_184 = tpu.memref_slice %arg7[%run_scoped3A_173, %dma_start3A_182, %dma_start3A_183] : memref<2x128x128xf32, #tpu.memory_space<vmem>> -> memref<1x128x128xf32, #tpu.memory_space<vmem>>
      %dma_start3A_185 = tpu.memref_squeeze %dma_start3A_184 : memref<1x128x128xf32, #tpu.memory_space<vmem>> -> memref<128x128xf32, #tpu.memory_space<vmem>>
      %dma_start3A_186 = arith.constant 0 : i32
      %dma_start3A_187 = tpu.memref_slice %arg8[%add3A_172, %dma_start3A_186] : memref<10240x128xf32, #tpu.memory_space<vmem_shared>> -> memref<128x128xf32, #tpu.memory_space<vmem_shared>>
      %dma_start3A_188 = arith.constant 0 : i32
      %dma_start3A_189 = arith.constant 0 : i32
      %dma_start3A_190 = tpu.memref_slice %arg7[%run_scoped3A_173, %dma_start3A_188, %dma_start3A_189] : memref<2x128x128xf32, #tpu.memory_space<vmem>> -> memref<1x128x128xf32, #tpu.memory_space<vmem>>
      %dma_start3A_191 = tpu.memref_squeeze %dma_start3A_190 : memref<1x128x128xf32, #tpu.memory_space<vmem>> -> memref<128x128xf32, #tpu.memory_space<vmem>>
      %dma_start3A_192 = arith.constant 0 : i32
      %dma_start3A_193 = tpu.memref_slice %arg8[%add3A_172, %dma_start3A_192] : memref<10240x128xf32, #tpu.memory_space<vmem_shared>> -> memref<128x128xf32, #tpu.memory_space<vmem_shared>>
      tpu.enqueue_dma source(%dma_start3A_193 : memref<128x128xf32, #tpu.memory_space<vmem_shared>>) target(%dma_start3A_191 : memref<128x128xf32, #tpu.memory_space<vmem>>) target_semaphore(%run_scoped3A_181 : memref<!tpu.dma_semaphore, #tpu.memory_space<semaphore_mem>>)
      %dma_wait3A_194 = arith.constant 0 : i32
      %dma_wait3A_195 = arith.constant 0 : i32
      %dma_wait3A_196 = tpu.memref_slice %arg7[%run_scoped3A_173, %dma_wait3A_194, %dma_wait3A_195] : memref<2x128x128xf32, #tpu.memory_space<vmem>> -> memref<1x128x128xf32, #tpu.memory_space<vmem>>
      %dma_wait3A_197 = tpu.memref_squeeze %dma_wait3A_196 : memref<1x128x128xf32, #tpu.memory_space<vmem>> -> memref<128x128xf32, #tpu.memory_space<vmem>>
      %dma_wait3A_198 = arith.constant 0 : i32
      %dma_wait3A_199 = tpu.memref_slice %arg8[%add3A_172, %dma_wait3A_198] : memref<10240x128xf32, #tpu.memory_space<vmem_shared>> -> memref<128x128xf32, #tpu.memory_space<vmem_shared>>
      %dma_wait3A_200 = arith.constant 0 : i32
      %dma_wait3A_201 = arith.constant 0 : i32
      %dma_wait3A_202 = tpu.memref_slice %arg7[%run_scoped3A_173, %dma_wait3A_200, %dma_wait3A_201] : memref<2x128x128xf32, #tpu.memory_space<vmem>> -> memref<1x128x128xf32, #tpu.memory_space<vmem>>
      %dma_wait3A_203 = tpu.memref_squeeze %dma_wait3A_202 : memref<1x128x128xf32, #tpu.memory_space<vmem>> -> memref<128x128xf32, #tpu.memory_space<vmem>>
      %dma_wait3A_204 = arith.constant 0 : i32
      %dma_wait3A_205 = tpu.memref_slice %arg8[%add3A_172, %dma_wait3A_204] : memref<10240x128xf32, #tpu.memory_space<vmem_shared>> -> memref<128x128xf32, #tpu.memory_space<vmem_shared>>
      tpu.wait_dma2 semaphore(%run_scoped3A_181 : memref<!tpu.dma_semaphore, #tpu.memory_space<semaphore_mem>>) src(%dma_wait3A_205 : memref<128x128xf32, #tpu.memory_space<vmem_shared>>) dst(%dma_wait3A_203 : memref<128x128xf32, #tpu.memory_space<vmem>>)
      tpu.yield
    }) : () -> ()
    %run_scoped3A_174 = arith.constant 1 : i32
    "tpu.region"() ({
      %run_scoped3A_181 = tpu.sem_alloc : memref<!tpu.dma_semaphore, #tpu.memory_space<semaphore_mem>>
      %dma_start3A_182 = arith.constant 0 : i32
      %dma_start3A_183 = arith.constant 0 : i32
      %dma_start3A_184 = tpu.memref_slice %arg7[%run_scoped3A_174, %dma_start3A_182, %dma_start3A_183] : memref<2x128x128xf32, #tpu.memory_space<vmem>> -> memref<1x128x128xf32, #tpu.memory_space<vmem>>
      %dma_start3A_185 = tpu.memref_squeeze %dma_start3A_184 : memref<1x128x128xf32, #tpu.memory_space<vmem>> -> memref<128x128xf32, #tpu.memory_space<vmem>>
      %dma_start3A_186 = arith.constant 0 : i32
      %dma_start3A_187 = arith.constant 0 : i32
      %dma_start3A_188 = tpu.memref_slice %arg4[%arg0, %dma_start3A_186, %dma_start3A_187] : memref<2x10240x128xf32, #tpu.memory_space<hbm>> -> memref<1x10240x128xf32, #tpu.memory_space<hbm>>
      %dma_start3A_189 = tpu.memref_squeeze %dma_start3A_188 : memref<1x10240x128xf32, #tpu.memory_space<hbm>> -> memref<10240x128xf32, #tpu.memory_space<hbm>>
      %dma_start3A_190 = arith.constant 0 : i32
      %dma_start3A_191 = tpu.memref_slice %dma_start3A_189[%add3A_172, %dma_start3A_190] : memref<10240x128xf32, #tpu.memory_space<hbm>> -> memref<128x128xf32, #tpu.memory_space<hbm>>
      %dma_start3A_192 = arith.constant 0 : i32
      %dma_start3A_193 = arith.constant 0 : i32
      %dma_start3A_194 = tpu.memref_slice %arg4[%arg0, %dma_start3A_192, %dma_start3A_193] : memref<2x10240x128xf32, #tpu.memory_space<hbm>> -> memref<1x10240x128xf32, #tpu.memory_space<hbm>>
      %dma_start3A_195 = tpu.memref_squeeze %dma_start3A_194 : memref<1x10240x128xf32, #tpu.memory_space<hbm>> -> memref<10240x128xf32, #tpu.memory_space<hbm>>
      %dma_start3A_196 = arith.constant 0 : i32
      %dma_start3A_197 = tpu.memref_slice %dma_start3A_195[%add3A_172, %dma_start3A_196] : memref<10240x128xf32, #tpu.memory_space<hbm>> -> memref<128x128xf32, #tpu.memory_space<hbm>>
      %dma_start3A_198 = arith.constant 0 : i32
      %dma_start3A_199 = arith.constant 0 : i32
      %dma_start3A_200 = tpu.memref_slice %arg7[%run_scoped3A_174, %dma_start3A_198, %dma_start3A_199] : memref<2x128x128xf32, #tpu.memory_space<vmem>> -> memref<1x128x128xf32, #tpu.memory_space<vmem>>
      %dma_start3A_201 = tpu.memref_squeeze %dma_start3A_200 : memref<1x128x128xf32, #tpu.memory_space<vmem>> -> memref<128x128xf32, #tpu.memory_space<vmem>>
      tpu.enqueue_dma source(%dma_start3A_201 : memref<128x128xf32, #tpu.memory_space<vmem>>) target(%dma_start3A_197 : memref<128x128xf32, #tpu.memory_space<hbm>>) target_semaphore(%run_scoped3A_181 : memref<!tpu.dma_semaphore, #tpu.memory_space<semaphore_mem>>)
      %dma_wait3A_202 = arith.constant 0 : i32
      %dma_wait3A_203 = arith.constant 0 : i32
      %dma_wait3A_204 = tpu.memref_slice %arg7[%run_scoped3A_174, %dma_wait3A_202, %dma_wait3A_203] : memref<2x128x128xf32, #tpu.memory_space<vmem>> -> memref<1x128x128xf32, #tpu.memory_space<vmem>>
      %dma_wait3A_205 = tpu.memref_squeeze %dma_wait3A_204 : memref<1x128x128xf32, #tpu.memory_space<vmem>> -> memref<128x128xf32, #tpu.memory_space<vmem>>
      %dma_wait3A_206 = arith.constant 0 : i32
      %dma_wait3A_207 = arith.constant 0 : i32
      %dma_wait3A_208 = tpu.memref_slice %arg4[%arg0, %dma_wait3A_206, %dma_wait3A_207] : memref<2x10240x128xf32, #tpu.memory_space<hbm>> -> memref<1x10240x128xf32, #tpu.memory_space<hbm>>
      %dma_wait3A_209 = tpu.memref_squeeze %dma_wait3A_208 : memref<1x10240x128xf32, #tpu.memory_space<hbm>> -> memref<10240x128xf32, #tpu.memory_space<hbm>>
      %dma_wait3A_210 = arith.constant 0 : i32
      %dma_wait3A_211 = tpu.memref_slice %dma_wait3A_209[%add3A_172, %dma_wait3A_210] : memref<10240x128xf32, #tpu.memory_space<hbm>> -> memref<128x128xf32, #tpu.memory_space<hbm>>
      %dma_wait3A_212 = arith.constant 0 : i32
      %dma_wait3A_213 = arith.constant 0 : i32
      %dma_wait3A_214 = tpu.memref_slice %arg4[%arg0, %dma_wait3A_212, %dma_wait3A_213] : memref<2x10240x128xf32, #tpu.memory_space<hbm>> -> memref<1x10240x128xf32, #tpu.memory_space<hbm>>
      %dma_wait3A_215 = tpu.memref_squeeze %dma_wait3A_214 : memref<1x10240x128xf32, #tpu.memory_space<hbm>> -> memref<10240x128xf32, #tpu.memory_space<hbm>>
      %dma_wait3A_216 = arith.constant 0 : i32
      %dma_wait3A_217 = tpu.memref_slice %dma_wait3A_215[%add3A_172, %dma_wait3A_216] : memref<10240x128xf32, #tpu.memory_space<hbm>> -> memref<128x128xf32, #tpu.memory_space<hbm>>
      %dma_wait3A_218 = arith.constant 0 : i32
      %dma_wait3A_219 = arith.constant 0 : i32
      %dma_wait3A_220 = tpu.memref_slice %arg7[%run_scoped3A_174, %dma_wait3A_218, %dma_wait3A_219] : memref<2x128x128xf32, #tpu.memory_space<vmem>> -> memref<1x128x128xf32, #tpu.memory_space<vmem>>
      %dma_wait3A_221 = tpu.memref_squeeze %dma_wait3A_220 : memref<1x128x128xf32, #tpu.memory_space<vmem>> -> memref<128x128xf32, #tpu.memory_space<vmem>>
      tpu.wait_dma2 semaphore(%run_scoped3A_181 : memref<!tpu.dma_semaphore, #tpu.memory_space<semaphore_mem>>) src(%dma_wait3A_221 : memref<128x128xf32, #tpu.memory_space<vmem>>) dst(%dma_wait3A_217 : memref<128x128xf32, #tpu.memory_space<hbm>>)
      tpu.yield
    }) : () -> ()
    %mul3A_175 = arith.constant 640 : i32
    %mul3A_176 = arith.muli %arg1, %mul3A_175 : i32
    %add3A_177 = arith.constant 512 : i32
    %add3A_178 = arith.addi %mul3A_176, %add3A_177 : i32
    %run_scoped3A_179 = arith.constant 0 : i32
    "tpu.region"() ({
      %run_scoped3A_181 = tpu.sem_alloc : memref<!tpu.dma_semaphore, #tpu.memory_space<semaphore_mem>>
      %dma_start3A_182 = arith.constant 0 : i32
      %dma_start3A_183 = arith.constant 0 : i32
      %dma_start3A_184 = tpu.memref_slice %arg7[%run_scoped3A_179, %dma_start3A_182, %dma_start3A_183] : memref<2x128x128xf32, #tpu.memory_space<vmem>> -> memref<1x128x128xf32, #tpu.memory_space<vmem>>
      %dma_start3A_185 = tpu.memref_squeeze %dma_start3A_184 : memref<1x128x128xf32, #tpu.memory_space<vmem>> -> memref<128x128xf32, #tpu.memory_space<vmem>>
      %dma_start3A_186 = arith.constant 0 : i32
      %dma_start3A_187 = tpu.memref_slice %arg8[%add3A_178, %dma_start3A_186] : memref<10240x128xf32, #tpu.memory_space<vmem_shared>> -> memref<128x128xf32, #tpu.memory_space<vmem_shared>>
      %dma_start3A_188 = arith.constant 0 : i32
      %dma_start3A_189 = arith.constant 0 : i32
      %dma_start3A_190 = tpu.memref_slice %arg7[%run_scoped3A_179, %dma_start3A_188, %dma_start3A_189] : memref<2x128x128xf32, #tpu.memory_space<vmem>> -> memref<1x128x128xf32, #tpu.memory_space<vmem>>
      %dma_start3A_191 = tpu.memref_squeeze %dma_start3A_190 : memref<1x128x128xf32, #tpu.memory_space<vmem>> -> memref<128x128xf32, #tpu.memory_space<vmem>>
      %dma_start3A_192 = arith.constant 0 : i32
      %dma_start3A_193 = tpu.memref_slice %arg8[%add3A_178, %dma_start3A_192] : memref<10240x128xf32, #tpu.memory_space<vmem_shared>> -> memref<128x128xf32, #tpu.memory_space<vmem_shared>>
      tpu.enqueue_dma source(%dma_start3A_193 : memref<128x128xf32, #tpu.memory_space<vmem_shared>>) target(%dma_start3A_191 : memref<128x128xf32, #tpu.memory_space<vmem>>) target_semaphore(%run_scoped3A_181 : memref<!tpu.dma_semaphore, #tpu.memory_space<semaphore_mem>>)
      %dma_wait3A_194 = arith.constant 0 : i32
      %dma_wait3A_195 = arith.constant 0 : i32
      %dma_wait3A_196 = tpu.memref_slice %arg7[%run_scoped3A_179, %dma_wait3A_194, %dma_wait3A_195] : memref<2x128x128xf32, #tpu.memory_space<vmem>> -> memref<1x128x128xf32, #tpu.memory_space<vmem>>
      %dma_wait3A_197 = tpu.memref_squeeze %dma_wait3A_196 : memref<1x128x128xf32, #tpu.memory_space<vmem>> -> memref<128x128xf32, #tpu.memory_space<vmem>>
      %dma_wait3A_198 = arith.constant 0 : i32
      %dma_wait3A_199 = tpu.memref_slice %arg8[%add3A_178, %dma_wait3A_198] : memref<10240x128xf32, #tpu.memory_space<vmem_shared>> -> memref<128x128xf32, #tpu.memory_space<vmem_shared>>
      %dma_wait3A_200 = arith.constant 0 : i32
      %dma_wait3A_201 = arith.constant 0 : i32
      %dma_wait3A_202 = tpu.memref_slice %arg7[%run_scoped3A_179, %dma_wait3A_200, %dma_wait3A_201] : memref<2x128x128xf32, #tpu.memory_space<vmem>> -> memref<1x128x128xf32, #tpu.memory_space<vmem>>
      %dma_wait3A_203 = tpu.memref_squeeze %dma_wait3A_202 : memref<1x128x128xf32, #tpu.memory_space<vmem>> -> memref<128x128xf32, #tpu.memory_space<vmem>>
      %dma_wait3A_204 = arith.constant 0 : i32
      %dma_wait3A_205 = tpu.memref_slice %arg8[%add3A_178, %dma_wait3A_204] : memref<10240x128xf32, #tpu.memory_space<vmem_shared>> -> memref<128x128xf32, #tpu.memory_space<vmem_shared>>
      tpu.wait_dma2 semaphore(%run_scoped3A_181 : memref<!tpu.dma_semaphore, #tpu.memory_space<semaphore_mem>>) src(%dma_wait3A_205 : memref<128x128xf32, #tpu.memory_space<vmem_shared>>) dst(%dma_wait3A_203 : memref<128x128xf32, #tpu.memory_space<vmem>>)
      tpu.yield
    }) : () -> ()
    %run_scoped3A_180 = arith.constant 0 : i32
    "tpu.region"() ({
      %run_scoped3A_181 = tpu.sem_alloc : memref<!tpu.dma_semaphore, #tpu.memory_space<semaphore_mem>>
      %dma_start3A_182 = arith.constant 0 : i32
      %dma_start3A_183 = arith.constant 0 : i32
      %dma_start3A_184 = tpu.memref_slice %arg7[%run_scoped3A_180, %dma_start3A_182, %dma_start3A_183] : memref<2x128x128xf32, #tpu.memory_space<vmem>> -> memref<1x128x128xf32, #tpu.memory_space<vmem>>
      %dma_start3A_185 = tpu.memref_squeeze %dma_start3A_184 : memref<1x128x128xf32, #tpu.memory_space<vmem>> -> memref<128x128xf32, #tpu.memory_space<vmem>>
      %dma_start3A_186 = arith.constant 0 : i32
      %dma_start3A_187 = arith.constant 0 : i32
      %dma_start3A_188 = tpu.memref_slice %arg4[%arg0, %dma_start3A_186, %dma_start3A_187] : memref<2x10240x128xf32, #tpu.memory_space<hbm>> -> memref<1x10240x128xf32, #tpu.memory_space<hbm>>
      %dma_start3A_189 = tpu.memref_squeeze %dma_start3A_188 : memref<1x10240x128xf32, #tpu.memory_space<hbm>> -> memref<10240x128xf32, #tpu.memory_space<hbm>>
      %dma_start3A_190 = arith.constant 0 : i32
      %dma_start3A_191 = tpu.memref_slice %dma_start3A_189[%add3A_178, %dma_start3A_190] : memref<10240x128xf32, #tpu.memory_space<hbm>> -> memref<128x128xf32, #tpu.memory_space<hbm>>
      %dma_start3A_192 = arith.constant 0 : i32
      %dma_start3A_193 = arith.constant 0 : i32
      %dma_start3A_194 = tpu.memref_slice %arg4[%arg0, %dma_start3A_192, %dma_start3A_193] : memref<2x10240x128xf32, #tpu.memory_space<hbm>> -> memref<1x10240x128xf32, #tpu.memory_space<hbm>>
      %dma_start3A_195 = tpu.memref_squeeze %dma_start3A_194 : memref<1x10240x128xf32, #tpu.memory_space<hbm>> -> memref<10240x128xf32, #tpu.memory_space<hbm>>
      %dma_start3A_196 = arith.constant 0 : i32
      %dma_start3A_197 = tpu.memref_slice %dma_start3A_195[%add3A_178, %dma_start3A_196] : memref<10240x128xf32, #tpu.memory_space<hbm>> -> memref<128x128xf32, #tpu.memory_space<hbm>>
      %dma_start3A_198 = arith.constant 0 : i32
      %dma_start3A_199 = arith.constant 0 : i32
      %dma_start3A_200 = tpu.memref_slice %arg7[%run_scoped3A_180, %dma_start3A_198, %dma_start3A_199] : memref<2x128x128xf32, #tpu.memory_space<vmem>> -> memref<1x128x128xf32, #tpu.memory_space<vmem>>
      %dma_start3A_201 = tpu.memref_squeeze %dma_start3A_200 : memref<1x128x128xf32, #tpu.memory_space<vmem>> -> memref<128x128xf32, #tpu.memory_space<vmem>>
      tpu.enqueue_dma source(%dma_start3A_201 : memref<128x128xf32, #tpu.memory_space<vmem>>) target(%dma_start3A_197 : memref<128x128xf32, #tpu.memory_space<hbm>>) target_semaphore(%run_scoped3A_181 : memref<!tpu.dma_semaphore, #tpu.memory_space<semaphore_mem>>)
      %dma_wait3A_202 = arith.constant 0 : i32
      %dma_wait3A_203 = arith.constant 0 : i32
      %dma_wait3A_204 = tpu.memref_slice %arg7[%run_scoped3A_180, %dma_wait3A_202, %dma_wait3A_203] : memref<2x128x128xf32, #tpu.memory_space<vmem>> -> memref<1x128x128xf32, #tpu.memory_space<vmem>>
      %dma_wait3A_205 = tpu.memref_squeeze %dma_wait3A_204 : memref<1x128x128xf32, #tpu.memory_space<vmem>> -> memref<128x128xf32, #tpu.memory_space<vmem>>
      %dma_wait3A_206 = arith.constant 0 : i32
      %dma_wait3A_207 = arith.constant 0 : i32
      %dma_wait3A_208 = tpu.memref_slice %arg4[%arg0, %dma_wait3A_206, %dma_wait3A_207] : memref<2x10240x128xf32, #tpu.memory_space<hbm>> -> memref<1x10240x128xf32, #tpu.memory_space<hbm>>
      %dma_wait3A_209 = tpu.memref_squeeze %dma_wait3A_208 : memref<1x10240x128xf32, #tpu.memory_space<hbm>> -> memref<10240x128xf32, #tpu.memory_space<hbm>>
      %dma_wait3A_210 = arith.constant 0 : i32
      %dma_wait3A_211 = tpu.memref_slice %dma_wait3A_209[%add3A_178, %dma_wait3A_210] : memref<10240x128xf32, #tpu.memory_space<hbm>> -> memref<128x128xf32, #tpu.memory_space<hbm>>
      %dma_wait3A_212 = arith.constant 0 : i32
      %dma_wait3A_213 = arith.constant 0 : i32
      %dma_wait3A_214 = tpu.memref_slice %arg4[%arg0, %dma_wait3A_212, %dma_wait3A_213] : memref<2x10240x128xf32, #tpu.memory_space<hbm>> -> memref<1x10240x128xf32, #tpu.memory_space<hbm>>
      %dma_wait3A_215 = tpu.memref_squeeze %dma_wait3A_214 : memref<1x10240x128xf32, #tpu.memory_space<hbm>> -> memref<10240x128xf32, #tpu.memory_space<hbm>>
      %dma_wait3A_216 = arith.constant 0 : i32
      %dma_wait3A_217 = tpu.memref_slice %dma_wait3A_215[%add3A_178, %dma_wait3A_216] : memref<10240x128xf32, #tpu.memory_space<hbm>> -> memref<128x128xf32, #tpu.memory_space<hbm>>
      %dma_wait3A_218 = arith.constant 0 : i32
      %dma_wait3A_219 = arith.constant 0 : i32
      %dma_wait3A_220 = tpu.memref_slice %arg7[%run_scoped3A_180, %dma_wait3A_218, %dma_wait3A_219] : memref<2x128x128xf32, #tpu.memory_space<vmem>> -> memref<1x128x128xf32, #tpu.memory_space<vmem>>
      %dma_wait3A_221 = tpu.memref_squeeze %dma_wait3A_220 : memref<1x128x128xf32, #tpu.memory_space<vmem>> -> memref<128x128xf32, #tpu.memory_space<vmem>>
      tpu.wait_dma2 semaphore(%run_scoped3A_181 : memref<!tpu.dma_semaphore, #tpu.memory_space<semaphore_mem>>) src(%dma_wait3A_221 : memref<128x128xf32, #tpu.memory_space<vmem>>) dst(%dma_wait3A_217 : memref<128x128xf32, #tpu.memory_space<hbm>>)
      tpu.yield
    }) : () -> ()
    return
  }
}

#map = affine_map<(d0, d1) -> (0, 0)>
#map1 = affine_map<(d0, d1) -> (0, 0, 0)>
module attributes {stable_mosaic.version = 14 : i64} {
  func.func @k(%arg0: i32, %arg1: i32, %arg2: memref<10240x128xf32, #tpu.memory_space<hbm>>, %arg3: memref<5120x128xi32, #tpu.memory_space<hbm>>, %arg4: memref<2x10240x128xf32, #tpu.memory_space<hbm>>, %arg5: memref<80xi32, #tpu.memory_space<vmem>>, %arg6: memref<80x128xi32, #tpu.memory_space<vmem>>, %arg7: memref<2x128x128xf32, #tpu.memory_space<vmem>>, %arg8: memref<10240x128xf32, #tpu.memory_space<vmem_shared>>, %arg9: memref<2x!tpu.dma_semaphore, #tpu.memory_space<semaphore_mem>>, %arg10: memref<!tpu.dma_semaphore, #tpu.memory_space<semaphore_mem>>) attributes {dimension_semantics = [#tpu.dimension_semantics<core_parallel>, #tpu.dimension_semantics<subcore_parallel>], iteration_bounds = array<i64: 2, 16>, scalar_prefetch = 0 : i64, scratch_operands = 6 : i64, tpu.core_type = #tpu.core_type<sc_vector_subcore>, window_params = [{transform_indices = #map}, {transform_indices = #map}, {transform_indices = #map1}]} {
    %mul3A = arith.constant 16 : i32
    %mul3A_0 = arith.muli %arg0, %mul3A : i32
    %add3A = arith.addi %mul3A_0, %arg1 : i32
    %scan3A = arith.constant 0 : i32
    %scan3A_1 = arith.constant 0 : i32
    %scan3A_2 = arith.constant 0 : i32
    %scan3A_3 = arith.constant 128 : i32
    %scan3A_4 = arith.addi %scan3A_2, %scan3A_3 : i32
    %scan3A_5 = arith.constant 1 : i32
    %scan3A_6 = scf.for %scan3A_181 = %scan3A_2 to %scan3A_4 step %scan3A_5 iter_args(%scan3A_182 = %scan3A_1) -> (i32)  : i32 {
      %scan3A_183 = arith.constant 0 : i32
      %scan3A_184 = arith.constant 0 : i32
      %scan3A_185 = arith.constant 8 : i32
      %scan3A_186 = arith.addi %scan3A_184, %scan3A_185 : i32
      %scan3A_187 = arith.constant 1 : i32
      %scan3A_188 = scf.for %scan3A_190 = %scan3A_184 to %scan3A_186 step %scan3A_187 iter_args(%scan3A_191 = %scan3A_183) -> (i32)  : i32 {
        %broadcast_in_dim3A = arith.constant 0.000000e+00 : f32
        %broadcast_in_dim3A_192 = vector.broadcast %broadcast_in_dim3A : f32 to vector<16xf32>
        %mul3A_193 = arith.constant 16 : i32
        %mul3A_194 = arith.muli %scan3A_190, %mul3A_193 : i32
        %swap3A = arith.constant 0 : i32
        %swap3A_195 = arith.constant 0 : i32
        %swap3A_196 = tpu.memref_slice %arg7[%scan3A, %swap3A, %swap3A_195] : memref<2x128x128xf32, #tpu.memory_space<vmem>> -> memref<1x128x128xf32, #tpu.memory_space<vmem>>
        %swap3A_197 = tpu.memref_squeeze %swap3A_196 : memref<1x128x128xf32, #tpu.memory_space<vmem>> -> memref<128x128xf32, #tpu.memory_space<vmem>>
        %swap3A_198 = arith.index_cast %scan3A_181 : i32 to index
        %swap3A_199 = arith.index_cast %mul3A_194 : i32 to index
        %swap3A_200 = tpu.vector_load %swap3A_197[%swap3A_198, %swap3A_199] {strides = array<i32>} : memref<128x128xf32, #tpu.memory_space<vmem>>, vector<1x16xf32>,
        %swap3A_201 = vector.shape_cast %swap3A_200 : vector<1x16xf32> to vector<16xf32>
        %swap3A_202 = vector.shape_cast %broadcast_in_dim3A_192 : vector<16xf32> to vector<1x16xf32>
        tpu.vector_store %swap3A_197[%swap3A_198, %swap3A_199], %swap3A_202 {strides = array<i32>} : memref<128x128xf32, #tpu.memory_space<vmem>>, vector<1x16xf32>,
        %scan3A_203 = arith.constant 0 : i32
        scf.yield %scan3A_203 : i32
      }
      %scan3A_189 = arith.constant 8 : i32
      scf.yield %scan3A_188 : i32
    }
    %scan3A_7 = arith.constant 128 : i32
    %mul3A_8 = arith.constant 640 : i32
    %mul3A_9 = arith.muli %arg1, %mul3A_8 : i32
    %add3A_10 = arith.constant 0 : i32
    %add3A_11 = arith.addi %mul3A_9, %add3A_10 : i32
    %run_scoped3A = arith.constant 0 : i32
    "tpu.region"() ({
      %run_scoped3A_181 = tpu.sem_alloc : memref<!tpu.dma_semaphore, #tpu.memory_space<semaphore_mem>>
      %dma_start3A_182 = arith.constant 0 : i32
      %dma_start3A_183 = arith.constant 0 : i32
      %dma_start3A_184 = tpu.memref_slice %arg7[%run_scoped3A, %dma_start3A_182, %dma_start3A_183] : memref<2x128x128xf32, #tpu.memory_space<vmem>> -> memref<1x128x128xf32, #tpu.memory_space<vmem>>
      %dma_start3A_185 = tpu.memref_squeeze %dma_start3A_184 : memref<1x128x128xf32, #tpu.memory_space<vmem>> -> memref<128x128xf32, #tpu.memory_space<vmem>>
      %dma_start3A_186 = arith.constant 0 : i32
      %dma_start3A_187 = tpu.memref_slice %arg8[%add3A_11, %dma_start3A_186] : memref<10240x128xf32, #tpu.memory_space<vmem_shared>> -> memref<128x128xf32, #tpu.memory_space<vmem_shared>>
      %dma_start3A_188 = arith.constant 0 : i32
      %dma_start3A_189 = tpu.memref_slice %arg8[%add3A_11, %dma_start3A_188] : memref<10240x128xf32, #tpu.memory_space<vmem_shared>> -> memref<128x128xf32, #tpu.memory_space<vmem_shared>>
      %dma_start3A_190 = arith.constant 0 : i32
      %dma_start3A_191 = arith.constant 0 : i32
      %dma_start3A_192 = tpu.memref_slice %arg7[%run_scoped3A, %dma_start3A_190, %dma_start3A_191] : memref<2x128x128xf32, #tpu.memory_space<vmem>> -> memref<1x128x128xf32, #tpu.memory_space<vmem>>
      %dma_start3A_193 = tpu.memref_squeeze %dma_start3A_192 : memref<1x128x128xf32, #tpu.memory_space<vmem>> -> memref<128x128xf32, #tpu.memory_space<vmem>>
      tpu.enqueue_dma source(%dma_start3A_193 : memref<128x128xf32, #tpu.memory_space<vmem>>) target(%dma_start3A_189 : memref<128x128xf32, #tpu.memory_space<vmem_shared>>) target_semaphore(%run_scoped3A_181 : memref<!tpu.dma_semaphore, #tpu.memory_space<semaphore_mem>>)
      %dma_wait3A_194 = arith.constant 0 : i32
      %dma_wait3A_195 = arith.constant 0 : i32
      %dma_wait3A_196 = tpu.memref_slice %arg7[%run_scoped3A, %dma_wait3A_194, %dma_wait3A_195] : memref<2x128x128xf32, #tpu.memory_space<vmem>> -> memref<1x128x128xf32, #tpu.memory_space<vmem>>
      %dma_wait3A_197 = tpu.memref_squeeze %dma_wait3A_196 : memref<1x128x128xf32, #tpu.memory_space<vmem>> -> memref<128x128xf32, #tpu.memory_space<vmem>>
      %dma_wait3A_198 = arith.constant 0 : i32
      %dma_wait3A_199 = tpu.memref_slice %arg8[%add3A_11, %dma_wait3A_198] : memref<10240x128xf32, #tpu.memory_space<vmem_shared>> -> memref<128x128xf32, #tpu.memory_space<vmem_shared>>
      %dma_wait3A_200 = arith.constant 0 : i32
      %dma_wait3A_201 = tpu.memref_slice %arg8[%add3A_11, %dma_wait3A_200] : memref<10240x128xf32, #tpu.memory_space<vmem_shared>> -> memref<128x128xf32, #tpu.memory_space<vmem_shared>>
      %dma_wait3A_202 = arith.constant 0 : i32
      %dma_wait3A_203 = arith.constant 0 : i32
      %dma_wait3A_204 = tpu.memref_slice %arg7[%run_scoped3A, %dma_wait3A_202, %dma_wait3A_203] : memref<2x128x128xf32, #tpu.memory_space<vmem>> -> memref<1x128x128xf32, #tpu.memory_space<vmem>>
      %dma_wait3A_205 = tpu.memref_squeeze %dma_wait3A_204 : memref<1x128x128xf32, #tpu.memory_space<vmem>> -> memref<128x128xf32, #tpu.memory_space<vmem>>
      tpu.wait_dma2 semaphore(%run_scoped3A_181 : memref<!tpu.dma_semaphore, #tpu.memory_space<semaphore_mem>>) src(%dma_wait3A_205 : memref<128x128xf32, #tpu.memory_space<vmem>>) dst(%dma_wait3A_201 : memref<128x128xf32, #tpu.memory_space<vmem_shared>>)
      tpu.yield
    }) : () -> ()
    %mul3A_12 = arith.constant 640 : i32
    %mul3A_13 = arith.muli %arg1, %mul3A_12 : i32
    %add3A_14 = arith.constant 128 : i32
    %add3A_15 = arith.addi %mul3A_13, %add3A_14 : i32
    %run_scoped3A_16 = arith.constant 0 : i32
    "tpu.region"() ({
      %run_scoped3A_181 = tpu.sem_alloc : memref<!tpu.dma_semaphore, #tpu.memory_space<semaphore_mem>>
      %dma_start3A_182 = arith.constant 0 : i32
      %dma_start3A_183 = arith.constant 0 : i32
      %dma_start3A_184 = tpu.memref_slice %arg7[%run_scoped3A_16, %dma_start3A_182, %dma_start3A_183] : memref<2x128x128xf32, #tpu.memory_space<vmem>> -> memref<1x128x128xf32, #tpu.memory_space<vmem>>
      %dma_start3A_185 = tpu.memref_squeeze %dma_start3A_184 : memref<1x128x128xf32, #tpu.memory_space<vmem>> -> memref<128x128xf32, #tpu.memory_space<vmem>>
      %dma_start3A_186 = arith.constant 0 : i32
      %dma_start3A_187 = tpu.memref_slice %arg8[%add3A_15, %dma_start3A_186] : memref<10240x128xf32, #tpu.memory_space<vmem_shared>> -> memref<128x128xf32, #tpu.memory_space<vmem_shared>>
      %dma_start3A_188 = arith.constant 0 : i32
      %dma_start3A_189 = tpu.memref_slice %arg8[%add3A_15, %dma_start3A_188] : memref<10240x128xf32, #tpu.memory_space<vmem_shared>> -> memref<128x128xf32, #tpu.memory_space<vmem_shared>>
      %dma_start3A_190 = arith.constant 0 : i32
      %dma_start3A_191 = arith.constant 0 : i32
      %dma_start3A_192 = tpu.memref_slice %arg7[%run_scoped3A_16, %dma_start3A_190, %dma_start3A_191] : memref<2x128x128xf32, #tpu.memory_space<vmem>> -> memref<1x128x128xf32, #tpu.memory_space<vmem>>
      %dma_start3A_193 = tpu.memref_squeeze %dma_start3A_192 : memref<1x128x128xf32, #tpu.memory_space<vmem>> -> memref<128x128xf32, #tpu.memory_space<vmem>>
      tpu.enqueue_dma source(%dma_start3A_193 : memref<128x128xf32, #tpu.memory_space<vmem>>) target(%dma_start3A_189 : memref<128x128xf32, #tpu.memory_space<vmem_shared>>) target_semaphore(%run_scoped3A_181 : memref<!tpu.dma_semaphore, #tpu.memory_space<semaphore_mem>>)
      %dma_wait3A_194 = arith.constant 0 : i32
      %dma_wait3A_195 = arith.constant 0 : i32
      %dma_wait3A_196 = tpu.memref_slice %arg7[%run_scoped3A_16, %dma_wait3A_194, %dma_wait3A_195] : memref<2x128x128xf32, #tpu.memory_space<vmem>> -> memref<1x128x128xf32, #tpu.memory_space<vmem>>
      %dma_wait3A_197 = tpu.memref_squeeze %dma_wait3A_196 : memref<1x128x128xf32, #tpu.memory_space<vmem>> -> memref<128x128xf32, #tpu.memory_space<vmem>>
      %dma_wait3A_198 = arith.constant 0 : i32
      %dma_wait3A_199 = tpu.memref_slice %arg8[%add3A_15, %dma_wait3A_198] : memref<10240x128xf32, #tpu.memory_space<vmem_shared>> -> memref<128x128xf32, #tpu.memory_space<vmem_shared>>
      %dma_wait3A_200 = arith.constant 0 : i32
      %dma_wait3A_201 = tpu.memref_slice %arg8[%add3A_15, %dma_wait3A_200] : memref<10240x128xf32, #tpu.memory_space<vmem_shared>> -> memref<128x128xf32, #tpu.memory_space<vmem_shared>>
      %dma_wait3A_202 = arith.constant 0 : i32
      %dma_wait3A_203 = arith.constant 0 : i32
      %dma_wait3A_204 = tpu.memref_slice %arg7[%run_scoped3A_16, %dma_wait3A_202, %dma_wait3A_203] : memref<2x128x128xf32, #tpu.memory_space<vmem>> -> memref<1x128x128xf32, #tpu.memory_space<vmem>>
      %dma_wait3A_205 = tpu.memref_squeeze %dma_wait3A_204 : memref<1x128x128xf32, #tpu.memory_space<vmem>> -> memref<128x128xf32, #tpu.memory_space<vmem>>
      tpu.wait_dma2 semaphore(%run_scoped3A_181 : memref<!tpu.dma_semaphore, #tpu.memory_space<semaphore_mem>>) src(%dma_wait3A_205 : memref<128x128xf32, #tpu.memory_space<vmem>>) dst(%dma_wait3A_201 : memref<128x128xf32, #tpu.memory_space<vmem_shared>>)
      tpu.yield
    }) : () -> ()
    %mul3A_17 = arith.constant 640 : i32
    %mul3A_18 = arith.muli %arg1, %mul3A_17 : i32
    %add3A_19 = arith.constant 256 : i32
    %add3A_20 = arith.addi %mul3A_18, %add3A_19 : i32
    %run_scoped3A_21 = arith.constant 0 : i32
    "tpu.region"() ({
      %run_scoped3A_181 = tpu.sem_alloc : memref<!tpu.dma_semaphore, #tpu.memory_space<semaphore_mem>>
      %dma_start3A_182 = arith.constant 0 : i32
      %dma_start3A_183 = arith.constant 0 : i32
      %dma_start3A_184 = tpu.memref_slice %arg7[%run_scoped3A_21, %dma_start3A_182, %dma_start3A_183] : memref<2x128x128xf32, #tpu.memory_space<vmem>> -> memref<1x128x128xf32, #tpu.memory_space<vmem>>
      %dma_start3A_185 = tpu.memref_squeeze %dma_start3A_184 : memref<1x128x128xf32, #tpu.memory_space<vmem>> -> memref<128x128xf32, #tpu.memory_space<vmem>>
      %dma_start3A_186 = arith.constant 0 : i32
      %dma_start3A_187 = tpu.memref_slice %arg8[%add3A_20, %dma_start3A_186] : memref<10240x128xf32, #tpu.memory_space<vmem_shared>> -> memref<128x128xf32, #tpu.memory_space<vmem_shared>>
      %dma_start3A_188 = arith.constant 0 : i32
      %dma_start3A_189 = tpu.memref_slice %arg8[%add3A_20, %dma_start3A_188] : memref<10240x128xf32, #tpu.memory_space<vmem_shared>> -> memref<128x128xf32, #tpu.memory_space<vmem_shared>>
      %dma_start3A_190 = arith.constant 0 : i32
      %dma_start3A_191 = arith.constant 0 : i32
      %dma_start3A_192 = tpu.memref_slice %arg7[%run_scoped3A_21, %dma_start3A_190, %dma_start3A_191] : memref<2x128x128xf32, #tpu.memory_space<vmem>> -> memref<1x128x128xf32, #tpu.memory_space<vmem>>
      %dma_start3A_193 = tpu.memref_squeeze %dma_start3A_192 : memref<1x128x128xf32, #tpu.memory_space<vmem>> -> memref<128x128xf32, #tpu.memory_space<vmem>>
      tpu.enqueue_dma source(%dma_start3A_193 : memref<128x128xf32, #tpu.memory_space<vmem>>) target(%dma_start3A_189 : memref<128x128xf32, #tpu.memory_space<vmem_shared>>) target_semaphore(%run_scoped3A_181 : memref<!tpu.dma_semaphore, #tpu.memory_space<semaphore_mem>>)
      %dma_wait3A_194 = arith.constant 0 : i32
      %dma_wait3A_195 = arith.constant 0 : i32
      %dma_wait3A_196 = tpu.memref_slice %arg7[%run_scoped3A_21, %dma_wait3A_194, %dma_wait3A_195] : memref<2x128x128xf32, #tpu.memory_space<vmem>> -> memref<1x128x128xf32, #tpu.memory_space<vmem>>
      %dma_wait3A_197 = tpu.memref_squeeze %dma_wait3A_196 : memref<1x128x128xf32, #tpu.memory_space<vmem>> -> memref<128x128xf32, #tpu.memory_space<vmem>>
      %dma_wait3A_198 = arith.constant 0 : i32
      %dma_wait3A_199 = tpu.memref_slice %arg8[%add3A_20, %dma_wait3A_198] : memref<10240x128xf32, #tpu.memory_space<vmem_shared>> -> memref<128x128xf32, #tpu.memory_space<vmem_shared>>
      %dma_wait3A_200 = arith.constant 0 : i32
      %dma_wait3A_201 = tpu.memref_slice %arg8[%add3A_20, %dma_wait3A_200] : memref<10240x128xf32, #tpu.memory_space<vmem_shared>> -> memref<128x128xf32, #tpu.memory_space<vmem_shared>>
      %dma_wait3A_202 = arith.constant 0 : i32
      %dma_wait3A_203 = arith.constant 0 : i32
      %dma_wait3A_204 = tpu.memref_slice %arg7[%run_scoped3A_21, %dma_wait3A_202, %dma_wait3A_203] : memref<2x128x128xf32, #tpu.memory_space<vmem>> -> memref<1x128x128xf32, #tpu.memory_space<vmem>>
      %dma_wait3A_205 = tpu.memref_squeeze %dma_wait3A_204 : memref<1x128x128xf32, #tpu.memory_space<vmem>> -> memref<128x128xf32, #tpu.memory_space<vmem>>
      tpu.wait_dma2 semaphore(%run_scoped3A_181 : memref<!tpu.dma_semaphore, #tpu.memory_space<semaphore_mem>>) src(%dma_wait3A_205 : memref<128x128xf32, #tpu.memory_space<vmem>>) dst(%dma_wait3A_201 : memref<128x128xf32, #tpu.memory_space<vmem_shared>>)
      tpu.yield
    }) : () -> ()
    %mul3A_22 = arith.constant 640 : i32
    %mul3A_23 = arith.muli %arg1, %mul3A_22 : i32
    %add3A_24 = arith.constant 384 : i32
    %add3A_25 = arith.addi %mul3A_23, %add3A_24 : i32
    %run_scoped3A_26 = arith.constant 0 : i32
    "tpu.region"() ({
      %run_scoped3A_181 = tpu.sem_alloc : memref<!tpu.dma_semaphore, #tpu.memory_space<semaphore_mem>>
      %dma_start3A_182 = arith.constant 0 : i32
      %dma_start3A_183 = arith.constant 0 : i32
      %dma_start3A_184 = tpu.memref_slice %arg7[%run_scoped3A_26, %dma_start3A_182, %dma_start3A_183] : memref<2x128x128xf32, #tpu.memory_space<vmem>> -> memref<1x128x128xf32, #tpu.memory_space<vmem>>
      %dma_start3A_185 = tpu.memref_squeeze %dma_start3A_184 : memref<1x128x128xf32, #tpu.memory_space<vmem>> -> memref<128x128xf32, #tpu.memory_space<vmem>>
      %dma_start3A_186 = arith.constant 0 : i32
      %dma_start3A_187 = tpu.memref_slice %arg8[%add3A_25, %dma_start3A_186] : memref<10240x128xf32, #tpu.memory_space<vmem_shared>> -> memref<128x128xf32, #tpu.memory_space<vmem_shared>>
      %dma_start3A_188 = arith.constant 0 : i32
      %dma_start3A_189 = tpu.memref_slice %arg8[%add3A_25, %dma_start3A_188] : memref<10240x128xf32, #tpu.memory_space<vmem_shared>> -> memref<128x128xf32, #tpu.memory_space<vmem_shared>>
      %dma_start3A_190 = arith.constant 0 : i32
      %dma_start3A_191 = arith.constant 0 : i32
      %dma_start3A_192 = tpu.memref_slice %arg7[%run_scoped3A_26, %dma_start3A_190, %dma_start3A_191] : memref<2x128x128xf32, #tpu.memory_space<vmem>> -> memref<1x128x128xf32, #tpu.memory_space<vmem>>
      %dma_start3A_193 = tpu.memref_squeeze %dma_start3A_192 : memref<1x128x128xf32, #tpu.memory_space<vmem>> -> memref<128x128xf32, #tpu.memory_space<vmem>>
      tpu.enqueue_dma source(%dma_start3A_193 : memref<128x128xf32, #tpu.memory_space<vmem>>) target(%dma_start3A_189 : memref<128x128xf32, #tpu.memory_space<vmem_shared>>) target_semaphore(%run_scoped3A_181 : memref<!tpu.dma_semaphore, #tpu.memory_space<semaphore_mem>>)
      %dma_wait3A_194 = arith.constant 0 : i32
      %dma_wait3A_195 = arith.constant 0 : i32
      %dma_wait3A_196 = tpu.memref_slice %arg7[%run_scoped3A_26, %dma_wait3A_194, %dma_wait3A_195] : memref<2x128x128xf32, #tpu.memory_space<vmem>> -> memref<1x128x128xf32, #tpu.memory_space<vmem>>
      %dma_wait3A_197 = tpu.memref_squeeze %dma_wait3A_196 : memref<1x128x128xf32, #tpu.memory_space<vmem>> -> memref<128x128xf32, #tpu.memory_space<vmem>>
      %dma_wait3A_198 = arith.constant 0 : i32
      %dma_wait3A_199 = tpu.memref_slice %arg8[%add3A_25, %dma_wait3A_198] : memref<10240x128xf32, #tpu.memory_space<vmem_shared>> -> memref<128x128xf32, #tpu.memory_space<vmem_shared>>
      %dma_wait3A_200 = arith.constant 0 : i32
      %dma_wait3A_201 = tpu.memref_slice %arg8[%add3A_25, %dma_wait3A_200] : memref<10240x128xf32, #tpu.memory_space<vmem_shared>> -> memref<128x128xf32, #tpu.memory_space<vmem_shared>>
      %dma_wait3A_202 = arith.constant 0 : i32
      %dma_wait3A_203 = arith.constant 0 : i32
      %dma_wait3A_204 = tpu.memref_slice %arg7[%run_scoped3A_26, %dma_wait3A_202, %dma_wait3A_203] : memref<2x128x128xf32, #tpu.memory_space<vmem>> -> memref<1x128x128xf32, #tpu.memory_space<vmem>>
      %dma_wait3A_205 = tpu.memref_squeeze %dma_wait3A_204 : memref<1x128x128xf32, #tpu.memory_space<vmem>> -> memref<128x128xf32, #tpu.memory_space<vmem>>
      tpu.wait_dma2 semaphore(%run_scoped3A_181 : memref<!tpu.dma_semaphore, #tpu.memory_space<semaphore_mem>>) src(%dma_wait3A_205 : memref<128x128xf32, #tpu.memory_space<vmem>>) dst(%dma_wait3A_201 : memref<128x128xf32, #tpu.memory_space<vmem_shared>>)
      tpu.yield
    }) : () -> ()
    %mul3A_27 = arith.constant 640 : i32
    %mul3A_28 = arith.muli %arg1, %mul3A_27 : i32
    %add3A_29 = arith.constant 512 : i32
    %add3A_30 = arith.addi %mul3A_28, %add3A_29 : i32
    %run_scoped3A_31 = arith.constant 0 : i32
    "tpu.region"() ({
      %run_scoped3A_181 = tpu.sem_alloc : memref<!tpu.dma_semaphore, #tpu.memory_space<semaphore_mem>>
      %dma_start3A_182 = arith.constant 0 : i32
      %dma_start3A_183 = arith.constant 0 : i32
      %dma_start3A_184 = tpu.memref_slice %arg7[%run_scoped3A_31, %dma_start3A_182, %dma_start3A_183] : memref<2x128x128xf32, #tpu.memory_space<vmem>> -> memref<1x128x128xf32, #tpu.memory_space<vmem>>
      %dma_start3A_185 = tpu.memref_squeeze %dma_start3A_184 : memref<1x128x128xf32, #tpu.memory_space<vmem>> -> memref<128x128xf32, #tpu.memory_space<vmem>>
      %dma_start3A_186 = arith.constant 0 : i32
      %dma_start3A_187 = tpu.memref_slice %arg8[%add3A_30, %dma_start3A_186] : memref<10240x128xf32, #tpu.memory_space<vmem_shared>> -> memref<128x128xf32, #tpu.memory_space<vmem_shared>>
      %dma_start3A_188 = arith.constant 0 : i32
      %dma_start3A_189 = tpu.memref_slice %arg8[%add3A_30, %dma_start3A_188] : memref<10240x128xf32, #tpu.memory_space<vmem_shared>> -> memref<128x128xf32, #tpu.memory_space<vmem_shared>>
      %dma_start3A_190 = arith.constant 0 : i32
      %dma_start3A_191 = arith.constant 0 : i32
      %dma_start3A_192 = tpu.memref_slice %arg7[%run_scoped3A_31, %dma_start3A_190, %dma_start3A_191] : memref<2x128x128xf32, #tpu.memory_space<vmem>> -> memref<1x128x128xf32, #tpu.memory_space<vmem>>
      %dma_start3A_193 = tpu.memref_squeeze %dma_start3A_192 : memref<1x128x128xf32, #tpu.memory_space<vmem>> -> memref<128x128xf32, #tpu.memory_space<vmem>>
      tpu.enqueue_dma source(%dma_start3A_193 : memref<128x128xf32, #tpu.memory_space<vmem>>) target(%dma_start3A_189 : memref<128x128xf32, #tpu.memory_space<vmem_shared>>) target_semaphore(%run_scoped3A_181 : memref<!tpu.dma_semaphore, #tpu.memory_space<semaphore_mem>>)
      %dma_wait3A_194 = arith.constant 0 : i32
      %dma_wait3A_195 = arith.constant 0 : i32
      %dma_wait3A_196 = tpu.memref_slice %arg7[%run_scoped3A_31, %dma_wait3A_194, %dma_wait3A_195] : memref<2x128x128xf32, #tpu.memory_space<vmem>> -> memref<1x128x128xf32, #tpu.memory_space<vmem>>
      %dma_wait3A_197 = tpu.memref_squeeze %dma_wait3A_196 : memref<1x128x128xf32, #tpu.memory_space<vmem>> -> memref<128x128xf32, #tpu.memory_space<vmem>>
      %dma_wait3A_198 = arith.constant 0 : i32
      %dma_wait3A_199 = tpu.memref_slice %arg8[%add3A_30, %dma_wait3A_198] : memref<10240x128xf32, #tpu.memory_space<vmem_shared>> -> memref<128x128xf32, #tpu.memory_space<vmem_shared>>
      %dma_wait3A_200 = arith.constant 0 : i32
      %dma_wait3A_201 = tpu.memref_slice %arg8[%add3A_30, %dma_wait3A_200] : memref<10240x128xf32, #tpu.memory_space<vmem_shared>> -> memref<128x128xf32, #tpu.memory_space<vmem_shared>>
      %dma_wait3A_202 = arith.constant 0 : i32
      %dma_wait3A_203 = arith.constant 0 : i32
      %dma_wait3A_204 = tpu.memref_slice %arg7[%run_scoped3A_31, %dma_wait3A_202, %dma_wait3A_203] : memref<2x128x128xf32, #tpu.memory_space<vmem>> -> memref<1x128x128xf32, #tpu.memory_space<vmem>>
      %dma_wait3A_205 = tpu.memref_squeeze %dma_wait3A_204 : memref<1x128x128xf32, #tpu.memory_space<vmem>> -> memref<128x128xf32, #tpu.memory_space<vmem>>
      tpu.wait_dma2 semaphore(%run_scoped3A_181 : memref<!tpu.dma_semaphore, #tpu.memory_space<semaphore_mem>>) src(%dma_wait3A_205 : memref<128x128xf32, #tpu.memory_space<vmem>>) dst(%dma_wait3A_201 : memref<128x128xf32, #tpu.memory_space<vmem_shared>>)
      tpu.yield
    }) : () -> ()
    %barrier3A = arith.constant 0 : index
    tpu.barrier barrier_id(%barrier3A)
    %mul3A_32 = arith.constant 80 : i32
    %mul3A_33 = arith.muli %add3A, %mul3A_32 : i32
    %add3A_34 = arith.constant 0 : i32
    %add3A_35 = arith.addi %mul3A_33, %add3A_34 : i32
    %mul3A_36 = arith.constant 80 : i32
    %mul3A_37 = arith.muli %add3A, %mul3A_36 : i32
    %add3A_38 = arith.constant 2560 : i32
    %add3A_39 = arith.addi %add3A_38, %mul3A_37 : i32
    %add3A_40 = arith.constant 0 : i32
    %add3A_41 = arith.addi %add3A_39, %add3A_40 : i32
    %scan3A_42 = arith.constant 0 : i32
    %scan3A_43 = arith.constant 0 : i32
    %scan3A_44 = arith.constant 5 : i32
    %scan3A_45 = arith.addi %scan3A_43, %scan3A_44 : i32
    %scan3A_46 = arith.constant 1 : i32
    %scan3A_47 = scf.for %scan3A_181 = %scan3A_43 to %scan3A_45 step %scan3A_46 iter_args(%scan3A_182 = %scan3A_42) -> (i32)  : i32 {
      %iota3A = tpu.iota {dimensions = array<i32: 0>} : vector<16xi32>
      %mul3A_183 = arith.constant 16 : i32
      %mul3A_184 = arith.muli %scan3A_181, %mul3A_183 : i32
      %add3A_185 = vector.broadcast %mul3A_184 : i32 to vector<16xi32>
      %add3A_186 = arith.addi %iota3A, %add3A_185 : vector<16xi32>
      %lt3A = arith.constant 40 : i32
      %lt3A_187 = vector.broadcast %lt3A : i32 to vector<16xi32>
      %lt3A_188 = arith.cmpi slt, %add3A_186, %lt3A_187 : vector<16xi32>
      %add3A_189 = vector.broadcast %add3A_35 : i32 to vector<16xi32>
      %add3A_190 = arith.addi %add3A_189, %add3A_186 : vector<16xi32>
      %sub3A = arith.constant 40 : i32
      %sub3A_191 = vector.broadcast %sub3A : i32 to vector<16xi32>
      %sub3A_192 = arith.subi %add3A_186, %sub3A_191 : vector<16xi32>
      %add3A_193 = vector.broadcast %add3A_41 : i32 to vector<16xi32>
      %add3A_194 = arith.addi %add3A_193, %sub3A_192 : vector<16xi32>
      %select_n3A = arith.select %lt3A_188, %add3A_190, %add3A_194 : vector<16xi1>, vector<16xi32>
      %mul3A_195 = arith.constant 16 : i32
      %mul3A_196 = arith.muli %scan3A_181, %mul3A_195 : i32
      %swap3A = arith.index_cast %mul3A_196 : i32 to index
      %swap3A_197 = tpu.vector_load %arg5[%swap3A] {strides = array<i32>} : memref<80xi32, #tpu.memory_space<vmem>>, vector<16xi32>,
      %swap3A_198 = vector.shape_cast %swap3A_197 : vector<16xi32> to vector<16xi32>
      %swap3A_199 = vector.shape_cast %select_n3A : vector<16xi32> to vector<16xi32>
      tpu.vector_store %arg5[%swap3A], %swap3A_199 {strides = array<i32>} : memref<80xi32, #tpu.memory_space<vmem>>, vector<16xi32>,
      %scan3A_200 = arith.constant 0 : i32
      scf.yield %scan3A_200 : i32
    }
    %scan3A_48 = arith.constant 5 : i32
    %dma_start3A = arith.constant 0 : i32
    %dma_start3A_49 = arith.constant 0 : i32
    %dma_start3A_50 = tpu.memref_slice %arg3[%dma_start3A, %dma_start3A_49] : memref<5120x128xi32, #tpu.memory_space<hbm>> -> memref<5120x128xi32, #tpu.memory_space<hbm>>
    tpu.enqueue_indirect_dma source(%dma_start3A_50 : memref<5120x128xi32, #tpu.memory_space<hbm>>) target(%arg6 : memref<80x128xi32, #tpu.memory_space<vmem>>) offsets(%arg5 : memref<80xi32, #tpu.memory_space<vmem>>) semaphore(%arg10 : memref<!tpu.dma_semaphore, #tpu.memory_space<semaphore_mem>>)
    %dma_wait3A = arith.constant 0 : i32
    %dma_wait3A_51 = arith.constant 0 : i32
    %dma_wait3A_52 = tpu.memref_slice %arg3[%dma_wait3A, %dma_wait3A_51] : memref<5120x128xi32, #tpu.memory_space<hbm>> -> memref<5120x128xi32, #tpu.memory_space<hbm>>
    tpu.wait_indirect_dma semaphore(%arg10 : memref<!tpu.dma_semaphore, #tpu.memory_space<semaphore_mem>>) src(%dma_wait3A_52 : memref<5120x128xi32, #tpu.memory_space<hbm>>) dst(%arg6 : memref<80x128xi32, #tpu.memory_space<vmem>>)
    %dma_start3A_53 = arith.constant 0 : i32
    %dma_start3A_54 = arith.constant 0 : i32
    %dma_start3A_55 = arith.constant 0 : i32
    %dma_start3A_56 = arith.constant 0 : i32
    %dma_start3A_57 = arith.constant 0 : i32
    %dma_start3A_58 = tpu.memref_slice %arg7[%dma_start3A_54, %dma_start3A_56, %dma_start3A_57] : memref<2x128x128xf32, #tpu.memory_space<vmem>> -> memref<1x128x128xf32, #tpu.memory_space<vmem>>
    %dma_start3A_59 = tpu.memref_squeeze %dma_start3A_58 : memref<1x128x128xf32, #tpu.memory_space<vmem>> -> memref<128x128xf32, #tpu.memory_space<vmem>>
    %dma_start3A_60 = arith.constant 0 : i32
    %dma_start3A_61 = tpu.memref_slice %arg6[%dma_start3A_53, %dma_start3A_60] : memref<80x128xi32, #tpu.memory_space<vmem>> -> memref<1x128xi32, #tpu.memory_space<vmem>>
    %dma_start3A_62 = tpu.memref_squeeze %dma_start3A_61 : memref<1x128xi32, #tpu.memory_space<vmem>> -> memref<128xi32, #tpu.memory_space<vmem>>
    %dma_start3A_63 = arith.constant 0 : i32
    %dma_start3A_64 = arith.constant 0 : i32
    %dma_start3A_65 = tpu.memref_slice %arg2[%dma_start3A_63, %dma_start3A_64] : memref<10240x128xf32, #tpu.memory_space<hbm>> -> memref<10240x128xf32, #tpu.memory_space<hbm>>
    %dma_start3A_66 = tpu.memref_slice %arg9[%dma_start3A_55] : memref<2x!tpu.dma_semaphore, #tpu.memory_space<semaphore_mem>> -> memref<1x!tpu.dma_semaphore, #tpu.memory_space<semaphore_mem>>
    %dma_start3A_67 = tpu.memref_squeeze %dma_start3A_66 : memref<1x!tpu.dma_semaphore, #tpu.memory_space<semaphore_mem>> -> memref<!tpu.dma_semaphore, #tpu.memory_space<semaphore_mem>>
    tpu.enqueue_indirect_dma source(%dma_start3A_65 : memref<10240x128xf32, #tpu.memory_space<hbm>>) target(%dma_start3A_59 : memref<128x128xf32, #tpu.memory_space<vmem>>) offsets(%dma_start3A_62 : memref<128xi32, #tpu.memory_space<vmem>>) semaphore(%dma_start3A_67 : memref<!tpu.dma_semaphore, #tpu.memory_space<semaphore_mem>>)
    %scan3A_68 = arith.constant 0 : i32
    %scan3A_69 = arith.constant 0 : i32
    %scan3A_70 = arith.constant 40 : i32
    %scan3A_71 = arith.addi %scan3A_69, %scan3A_70 : i32
    %scan3A_72 = arith.constant 1 : i32
    %scan3A_73 = scf.for %scan3A_181 = %scan3A_69 to %scan3A_71 step %scan3A_72 iter_args(%scan3A_182 = %scan3A_68) -> (i32)  : i32 {
      %rem3A = arith.constant 2 : i32
      %rem3A_183 = arith.remsi %scan3A_181, %rem3A : i32
      %add3A_184 = arith.constant 1 : i32
      %add3A_185 = arith.addi %scan3A_181, %add3A_184 : i32
      %rem3A_186 = arith.constant 40 : i32
      %rem3A_187 = arith.remsi %add3A_185, %rem3A_186 : i32
      %add3A_188 = arith.constant 1 : i32
      %add3A_189 = arith.addi %scan3A_181, %add3A_188 : i32
      %rem3A_190 = arith.constant 2 : i32
      %rem3A_191 = arith.remsi %add3A_189, %rem3A_190 : i32
      %dma_start3A_192 = arith.constant 0 : i32
      %dma_start3A_193 = arith.constant 0 : i32
      %dma_start3A_194 = tpu.memref_slice %arg7[%rem3A_191, %dma_start3A_192, %dma_start3A_193] : memref<2x128x128xf32, #tpu.memory_space<vmem>> -> memref<1x128x128xf32, #tpu.memory_space<vmem>>
      %dma_start3A_195 = tpu.memref_squeeze %dma_start3A_194 : memref<1x128x128xf32, #tpu.memory_space<vmem>> -> memref<128x128xf32, #tpu.memory_space<vmem>>
      %dma_start3A_196 = arith.constant 0 : i32
      %dma_start3A_197 = tpu.memref_slice %arg6[%rem3A_187, %dma_start3A_196] : memref<80x128xi32, #tpu.memory_space<vmem>> -> memref<1x128xi32, #tpu.memory_space<vmem>>
      %dma_start3A_198 = tpu.memref_squeeze %dma_start3A_197 : memref<1x128xi32, #tpu.memory_space<vmem>> -> memref<128xi32, #tpu.memory_space<vmem>>
      %dma_start3A_199 = arith.constant 0 : i32
      %dma_start3A_200 = arith.constant 0 : i32
      %dma_start3A_201 = tpu.memref_slice %arg2[%dma_start3A_199, %dma_start3A_200] : memref<10240x128xf32, #tpu.memory_space<hbm>> -> memref<10240x128xf32, #tpu.memory_space<hbm>>
      %dma_start3A_202 = tpu.memref_slice %arg9[%rem3A_191] : memref<2x!tpu.dma_semaphore, #tpu.memory_space<semaphore_mem>> -> memref<1x!tpu.dma_semaphore, #tpu.memory_space<semaphore_mem>>
      %dma_start3A_203 = tpu.memref_squeeze %dma_start3A_202 : memref<1x!tpu.dma_semaphore, #tpu.memory_space<semaphore_mem>> -> memref<!tpu.dma_semaphore, #tpu.memory_space<semaphore_mem>>
      tpu.enqueue_indirect_dma source(%dma_start3A_201 : memref<10240x128xf32, #tpu.memory_space<hbm>>) target(%dma_start3A_195 : memref<128x128xf32, #tpu.memory_space<vmem>>) offsets(%dma_start3A_198 : memref<128xi32, #tpu.memory_space<vmem>>) semaphore(%dma_start3A_203 : memref<!tpu.dma_semaphore, #tpu.memory_space<semaphore_mem>>)
      %dma_wait3A_204 = arith.constant 0 : i32
      %dma_wait3A_205 = arith.constant 0 : i32
      %dma_wait3A_206 = arith.constant 0 : i32
      %dma_wait3A_207 = tpu.memref_slice %arg7[%rem3A_183, %dma_wait3A_205, %dma_wait3A_206] : memref<2x128x128xf32, #tpu.memory_space<vmem>> -> memref<1x128x128xf32, #tpu.memory_space<vmem>>
      %dma_wait3A_208 = tpu.memref_squeeze %dma_wait3A_207 : memref<1x128x128xf32, #tpu.memory_space<vmem>> -> memref<128x128xf32, #tpu.memory_space<vmem>>
      %dma_wait3A_209 = arith.constant 0 : i32
      %dma_wait3A_210 = tpu.memref_slice %arg6[%dma_wait3A_204, %dma_wait3A_209] : memref<80x128xi32, #tpu.memory_space<vmem>> -> memref<1x128xi32, #tpu.memory_space<vmem>>
      %dma_wait3A_211 = tpu.memref_squeeze %dma_wait3A_210 : memref<1x128xi32, #tpu.memory_space<vmem>> -> memref<128xi32, #tpu.memory_space<vmem>>
      %dma_wait3A_212 = arith.constant 0 : i32
      %dma_wait3A_213 = arith.constant 0 : i32
      %dma_wait3A_214 = tpu.memref_slice %arg2[%dma_wait3A_212, %dma_wait3A_213] : memref<10240x128xf32, #tpu.memory_space<hbm>> -> memref<10240x128xf32, #tpu.memory_space<hbm>>
      %dma_wait3A_215 = tpu.memref_slice %arg9[%rem3A_183] : memref<2x!tpu.dma_semaphore, #tpu.memory_space<semaphore_mem>> -> memref<1x!tpu.dma_semaphore, #tpu.memory_space<semaphore_mem>>
      %dma_wait3A_216 = tpu.memref_squeeze %dma_wait3A_215 : memref<1x!tpu.dma_semaphore, #tpu.memory_space<semaphore_mem>> -> memref<!tpu.dma_semaphore, #tpu.memory_space<semaphore_mem>>
      tpu.wait_indirect_dma semaphore(%dma_wait3A_216 : memref<!tpu.dma_semaphore, #tpu.memory_space<semaphore_mem>>) src(%dma_wait3A_214 : memref<10240x128xf32, #tpu.memory_space<hbm>>) dst(%dma_wait3A_208 : memref<128x128xf32, #tpu.memory_space<vmem>>)
      %add3A_217 = arith.constant 40 : i32
      %add3A_218 = arith.addi %add3A_217, %scan3A_181 : i32
      "tpu.region"() ({
        %run_scoped3A_220 = tpu.sem_alloc : memref<!tpu.dma_semaphore, #tpu.memory_space<semaphore_mem>>
        %dma_start3A_221 = arith.constant 0 : i32
        %dma_start3A_222 = arith.constant 0 : i32
        %dma_start3A_223 = tpu.memref_slice %arg7[%rem3A_183, %dma_start3A_221, %dma_start3A_222] : memref<2x128x128xf32, #tpu.memory_space<vmem>> -> memref<1x128x128xf32, #tpu.memory_space<vmem>>
        %dma_start3A_224 = tpu.memref_squeeze %dma_start3A_223 : memref<1x128x128xf32, #tpu.memory_space<vmem>> -> memref<128x128xf32, #tpu.memory_space<vmem>>
        %dma_start3A_225 = arith.constant 0 : i32
        %dma_start3A_226 = tpu.memref_slice %arg6[%add3A_218, %dma_start3A_225] : memref<80x128xi32, #tpu.memory_space<vmem>> -> memref<1x128xi32, #tpu.memory_space<vmem>>
        %dma_start3A_227 = tpu.memref_squeeze %dma_start3A_226 : memref<1x128xi32, #tpu.memory_space<vmem>> -> memref<128xi32, #tpu.memory_space<vmem>>
        %dma_start3A_228 = arith.constant 0 : i32
        %dma_start3A_229 = arith.constant 0 : i32
        %dma_start3A_230 = tpu.memref_slice %arg8[%dma_start3A_228, %dma_start3A_229] : memref<10240x128xf32, #tpu.memory_space<vmem_shared>> -> memref<10240x128xf32, #tpu.memory_space<vmem_shared>>
        tpu.enqueue_indirect_dma source(%dma_start3A_224 : memref<128x128xf32, #tpu.memory_space<vmem>>) target(%dma_start3A_230 : memref<10240x128xf32, #tpu.memory_space<vmem_shared>>) offsets(%dma_start3A_227 : memref<128xi32, #tpu.memory_space<vmem>>) semaphore(%run_scoped3A_220 : memref<!tpu.dma_semaphore, #tpu.memory_space<semaphore_mem>>) {add = true}
        %dma_wait3A_231 = arith.constant 0 : i32
        %dma_wait3A_232 = arith.constant 0 : i32
        %dma_wait3A_233 = tpu.memref_slice %arg7[%rem3A_183, %dma_wait3A_231, %dma_wait3A_232] : memref<2x128x128xf32, #tpu.memory_space<vmem>> -> memref<1x128x128xf32, #tpu.memory_space<vmem>>
        %dma_wait3A_234 = tpu.memref_squeeze %dma_wait3A_233 : memref<1x128x128xf32, #tpu.memory_space<vmem>> -> memref<128x128xf32, #tpu.memory_space<vmem>>
        %dma_wait3A_235 = arith.constant 0 : i32
        %dma_wait3A_236 = tpu.memref_slice %arg6[%add3A_218, %dma_wait3A_235] : memref<80x128xi32, #tpu.memory_space<vmem>> -> memref<1x128xi32, #tpu.memory_space<vmem>>
        %dma_wait3A_237 = tpu.memref_squeeze %dma_wait3A_236 : memref<1x128xi32, #tpu.memory_space<vmem>> -> memref<128xi32, #tpu.memory_space<vmem>>
        %dma_wait3A_238 = arith.constant 0 : i32
        %dma_wait3A_239 = arith.constant 0 : i32
        %dma_wait3A_240 = tpu.memref_slice %arg8[%dma_wait3A_238, %dma_wait3A_239] : memref<10240x128xf32, #tpu.memory_space<vmem_shared>> -> memref<10240x128xf32, #tpu.memory_space<vmem_shared>>
        tpu.wait_indirect_dma semaphore(%run_scoped3A_220 : memref<!tpu.dma_semaphore, #tpu.memory_space<semaphore_mem>>) src(%dma_wait3A_234 : memref<128x128xf32, #tpu.memory_space<vmem>>) dst(%dma_wait3A_240 : memref<10240x128xf32, #tpu.memory_space<vmem_shared>>)
        tpu.yield
      }) : () -> ()
      %scan3A_219 = arith.constant 0 : i32
      scf.yield %scan3A_219 : i32
    }
    %scan3A_74 = arith.constant 40 : i32
    %dma_wait3A_75 = arith.constant 0 : i32
    %dma_wait3A_76 = arith.constant 0 : i32
    %dma_wait3A_77 = arith.constant 0 : i32
    %dma_wait3A_78 = arith.constant 0 : i32
    %dma_wait3A_79 = arith.constant 0 : i32
    %dma_wait3A_80 = tpu.memref_slice %arg7[%dma_wait3A_76, %dma_wait3A_78, %dma_wait3A_79] : memref<2x128x128xf32, #tpu.memory_space<vmem>> -> memref<1x128x128xf32, #tpu.memory_space<vmem>>
    %dma_wait3A_81 = tpu.memref_squeeze %dma_wait3A_80 : memref<1x128x128xf32, #tpu.memory_space<vmem>> -> memref<128x128xf32, #tpu.memory_space<vmem>>
    %dma_wait3A_82 = arith.constant 0 : i32
    %dma_wait3A_83 = tpu.memref_slice %arg6[%dma_wait3A_75, %dma_wait3A_82] : memref<80x128xi32, #tpu.memory_space<vmem>> -> memref<1x128xi32, #tpu.memory_space<vmem>>
    %dma_wait3A_84 = tpu.memref_squeeze %dma_wait3A_83 : memref<1x128xi32, #tpu.memory_space<vmem>> -> memref<128xi32, #tpu.memory_space<vmem>>
    %dma_wait3A_85 = arith.constant 0 : i32
    %dma_wait3A_86 = arith.constant 0 : i32
    %dma_wait3A_87 = tpu.memref_slice %arg2[%dma_wait3A_85, %dma_wait3A_86] : memref<10240x128xf32, #tpu.memory_space<hbm>> -> memref<10240x128xf32, #tpu.memory_space<hbm>>
    %dma_wait3A_88 = tpu.memref_slice %arg9[%dma_wait3A_77] : memref<2x!tpu.dma_semaphore, #tpu.memory_space<semaphore_mem>> -> memref<1x!tpu.dma_semaphore, #tpu.memory_space<semaphore_mem>>
    %dma_wait3A_89 = tpu.memref_squeeze %dma_wait3A_88 : memref<1x!tpu.dma_semaphore, #tpu.memory_space<semaphore_mem>> -> memref<!tpu.dma_semaphore, #tpu.memory_space<semaphore_mem>>
    tpu.wait_indirect_dma semaphore(%dma_wait3A_89 : memref<!tpu.dma_semaphore, #tpu.memory_space<semaphore_mem>>) src(%dma_wait3A_87 : memref<10240x128xf32, #tpu.memory_space<hbm>>) dst(%dma_wait3A_81 : memref<128x128xf32, #tpu.memory_space<vmem>>)
    %mul3A_90 = arith.constant 80 : i32
    %mul3A_91 = arith.muli %add3A, %mul3A_90 : i32
    %add3A_92 = arith.constant 40 : i32
    %add3A_93 = arith.addi %mul3A_91, %add3A_92 : i32
    %mul3A_94 = arith.constant 80 : i32
    %mul3A_95 = arith.muli %add3A, %mul3A_94 : i32
    %add3A_96 = arith.constant 2560 : i32
    %add3A_97 = arith.addi %add3A_96, %mul3A_95 : i32
    %add3A_98 = arith.constant 40 : i32
    %add3A_99 = arith.addi %add3A_97, %add3A_98 : i32
    %scan3A_100 = arith.constant 0 : i32
    %scan3A_101 = arith.constant 0 : i32
    %scan3A_102 = arith.constant 5 : i32
    %scan3A_103 = arith.addi %scan3A_101, %scan3A_102 : i32
    %scan3A_104 = arith.constant 1 : i32
    %scan3A_105 = scf.for %scan3A_181 = %scan3A_101 to %scan3A_103 step %scan3A_104 iter_args(%scan3A_182 = %scan3A_100) -> (i32)  : i32 {
      %iota3A = tpu.iota {dimensions = array<i32: 0>} : vector<16xi32>
      %mul3A_183 = arith.constant 16 : i32
      %mul3A_184 = arith.muli %scan3A_181, %mul3A_183 : i32
      %add3A_185 = vector.broadcast %mul3A_184 : i32 to vector<16xi32>
      %add3A_186 = arith.addi %iota3A, %add3A_185 : vector<16xi32>
      %lt3A = arith.constant 40 : i32
      %lt3A_187 = vector.broadcast %lt3A : i32 to vector<16xi32>
      %lt3A_188 = arith.cmpi slt, %add3A_186, %lt3A_187 : vector<16xi32>
      %add3A_189 = vector.broadcast %add3A_93 : i32 to vector<16xi32>
      %add3A_190 = arith.addi %add3A_189, %add3A_186 : vector<16xi32>
      %sub3A = arith.constant 40 : i32
      %sub3A_191 = vector.broadcast %sub3A : i32 to vector<16xi32>
      %sub3A_192 = arith.subi %add3A_186, %sub3A_191 : vector<16xi32>
      %add3A_193 = vector.broadcast %add3A_99 : i32 to vector<16xi32>
      %add3A_194 = arith.addi %add3A_193, %sub3A_192 : vector<16xi32>
      %select_n3A = arith.select %lt3A_188, %add3A_190, %add3A_194 : vector<16xi1>, vector<16xi32>
      %mul3A_195 = arith.constant 16 : i32
      %mul3A_196 = arith.muli %scan3A_181, %mul3A_195 : i32
      %swap3A = arith.index_cast %mul3A_196 : i32 to index
      %swap3A_197 = tpu.vector_load %arg5[%swap3A] {strides = array<i32>} : memref<80xi32, #tpu.memory_space<vmem>>, vector<16xi32>,
      %swap3A_198 = vector.shape_cast %swap3A_197 : vector<16xi32> to vector<16xi32>
      %swap3A_199 = vector.shape_cast %select_n3A : vector<16xi32> to vector<16xi32>
      tpu.vector_store %arg5[%swap3A], %swap3A_199 {strides = array<i32>} : memref<80xi32, #tpu.memory_space<vmem>>, vector<16xi32>,
      %scan3A_200 = arith.constant 0 : i32
      scf.yield %scan3A_200 : i32
    }
    %scan3A_106 = arith.constant 5 : i32
    %dma_start3A_107 = arith.constant 0 : i32
    %dma_start3A_108 = arith.constant 0 : i32
    %dma_start3A_109 = tpu.memref_slice %arg3[%dma_start3A_107, %dma_start3A_108] : memref<5120x128xi32, #tpu.memory_space<hbm>> -> memref<5120x128xi32, #tpu.memory_space<hbm>>
    tpu.enqueue_indirect_dma source(%dma_start3A_109 : memref<5120x128xi32, #tpu.memory_space<hbm>>) target(%arg6 : memref<80x128xi32, #tpu.memory_space<vmem>>) offsets(%arg5 : memref<80xi32, #tpu.memory_space<vmem>>) semaphore(%arg10 : memref<!tpu.dma_semaphore, #tpu.memory_space<semaphore_mem>>)
    %dma_wait3A_110 = arith.constant 0 : i32
    %dma_wait3A_111 = arith.constant 0 : i32
    %dma_wait3A_112 = tpu.memref_slice %arg3[%dma_wait3A_110, %dma_wait3A_111] : memref<5120x128xi32, #tpu.memory_space<hbm>> -> memref<5120x128xi32, #tpu.memory_space<hbm>>
    tpu.wait_indirect_dma semaphore(%arg10 : memref<!tpu.dma_semaphore, #tpu.memory_space<semaphore_mem>>) src(%dma_wait3A_112 : memref<5120x128xi32, #tpu.memory_space<hbm>>) dst(%arg6 : memref<80x128xi32, #tpu.memory_space<vmem>>)
    %dma_start3A_113 = arith.constant 0 : i32
    %dma_start3A_114 = arith.constant 0 : i32
    %dma_start3A_115 = arith.constant 0 : i32
    %dma_start3A_116 = arith.constant 0 : i32
    %dma_start3A_117 = arith.constant 0 : i32
    %dma_start3A_118 = tpu.memref_slice %arg7[%dma_start3A_114, %dma_start3A_116, %dma_start3A_117] : memref<2x128x128xf32, #tpu.memory_space<vmem>> -> memref<1x128x128xf32, #tpu.memory_space<vmem>>
    %dma_start3A_119 = tpu.memref_squeeze %dma_start3A_118 : memref<1x128x128xf32, #tpu.memory_space<vmem>> -> memref<128x128xf32, #tpu.memory_space<vmem>>
    %dma_start3A_120 = arith.constant 0 : i32
    %dma_start3A_121 = tpu.memref_slice %arg6[%dma_start3A_113, %dma_start3A_120] : memref<80x128xi32, #tpu.memory_space<vmem>> -> memref<1x128xi32, #tpu.memory_space<vmem>>
    %dma_start3A_122 = tpu.memref_squeeze %dma_start3A_121 : memref<1x128xi32, #tpu.memory_space<vmem>> -> memref<128xi32, #tpu.memory_space<vmem>>
    %dma_start3A_123 = arith.constant 0 : i32
    %dma_start3A_124 = arith.constant 0 : i32
    %dma_start3A_125 = tpu.memref_slice %arg2[%dma_start3A_123, %dma_start3A_124] : memref<10240x128xf32, #tpu.memory_space<hbm>> -> memref<10240x128xf32, #tpu.memory_space<hbm>>
    %dma_start3A_126 = tpu.memref_slice %arg9[%dma_start3A_115] : memref<2x!tpu.dma_semaphore, #tpu.memory_space<semaphore_mem>> -> memref<1x!tpu.dma_semaphore, #tpu.memory_space<semaphore_mem>>
    %dma_start3A_127 = tpu.memref_squeeze %dma_start3A_126 : memref<1x!tpu.dma_semaphore, #tpu.memory_space<semaphore_mem>> -> memref<!tpu.dma_semaphore, #tpu.memory_space<semaphore_mem>>
    tpu.enqueue_indirect_dma source(%dma_start3A_125 : memref<10240x128xf32, #tpu.memory_space<hbm>>) target(%dma_start3A_119 : memref<128x128xf32, #tpu.memory_space<vmem>>) offsets(%dma_start3A_122 : memref<128xi32, #tpu.memory_space<vmem>>) semaphore(%dma_start3A_127 : memref<!tpu.dma_semaphore, #tpu.memory_space<semaphore_mem>>)
    %scan3A_128 = arith.constant 0 : i32
    %scan3A_129 = arith.constant 0 : i32
    %scan3A_130 = arith.constant 40 : i32
    %scan3A_131 = arith.addi %scan3A_129, %scan3A_130 : i32
    %scan3A_132 = arith.constant 1 : i32
    %scan3A_133 = scf.for %scan3A_181 = %scan3A_129 to %scan3A_131 step %scan3A_132 iter_args(%scan3A_182 = %scan3A_128) -> (i32)  : i32 {
      %rem3A = arith.constant 2 : i32
      %rem3A_183 = arith.remsi %scan3A_181, %rem3A : i32
      %add3A_184 = arith.constant 1 : i32
      %add3A_185 = arith.addi %scan3A_181, %add3A_184 : i32
      %rem3A_186 = arith.constant 40 : i32
      %rem3A_187 = arith.remsi %add3A_185, %rem3A_186 : i32
      %add3A_188 = arith.constant 1 : i32
      %add3A_189 = arith.addi %scan3A_181, %add3A_188 : i32
      %rem3A_190 = arith.constant 2 : i32
      %rem3A_191 = arith.remsi %add3A_189, %rem3A_190 : i32
      %dma_start3A_192 = arith.constant 0 : i32
      %dma_start3A_193 = arith.constant 0 : i32
      %dma_start3A_194 = tpu.memref_slice %arg7[%rem3A_191, %dma_start3A_192, %dma_start3A_193] : memref<2x128x128xf32, #tpu.memory_space<vmem>> -> memref<1x128x128xf32, #tpu.memory_space<vmem>>
      %dma_start3A_195 = tpu.memref_squeeze %dma_start3A_194 : memref<1x128x128xf32, #tpu.memory_space<vmem>> -> memref<128x128xf32, #tpu.memory_space<vmem>>
      %dma_start3A_196 = arith.constant 0 : i32
      %dma_start3A_197 = tpu.memref_slice %arg6[%rem3A_187, %dma_start3A_196] : memref<80x128xi32, #tpu.memory_space<vmem>> -> memref<1x128xi32, #tpu.memory_space<vmem>>
      %dma_start3A_198 = tpu.memref_squeeze %dma_start3A_197 : memref<1x128xi32, #tpu.memory_space<vmem>> -> memref<128xi32, #tpu.memory_space<vmem>>
      %dma_start3A_199 = arith.constant 0 : i32
      %dma_start3A_200 = arith.constant 0 : i32
      %dma_start3A_201 = tpu.memref_slice %arg2[%dma_start3A_199, %dma_start3A_200] : memref<10240x128xf32, #tpu.memory_space<hbm>> -> memref<10240x128xf32, #tpu.memory_space<hbm>>
      %dma_start3A_202 = tpu.memref_slice %arg9[%rem3A_191] : memref<2x!tpu.dma_semaphore, #tpu.memory_space<semaphore_mem>> -> memref<1x!tpu.dma_semaphore, #tpu.memory_space<semaphore_mem>>
      %dma_start3A_203 = tpu.memref_squeeze %dma_start3A_202 : memref<1x!tpu.dma_semaphore, #tpu.memory_space<semaphore_mem>> -> memref<!tpu.dma_semaphore, #tpu.memory_space<semaphore_mem>>
      tpu.enqueue_indirect_dma source(%dma_start3A_201 : memref<10240x128xf32, #tpu.memory_space<hbm>>) target(%dma_start3A_195 : memref<128x128xf32, #tpu.memory_space<vmem>>) offsets(%dma_start3A_198 : memref<128xi32, #tpu.memory_space<vmem>>) semaphore(%dma_start3A_203 : memref<!tpu.dma_semaphore, #tpu.memory_space<semaphore_mem>>)
      %dma_wait3A_204 = arith.constant 0 : i32
      %dma_wait3A_205 = arith.constant 0 : i32
      %dma_wait3A_206 = arith.constant 0 : i32
      %dma_wait3A_207 = tpu.memref_slice %arg7[%rem3A_183, %dma_wait3A_205, %dma_wait3A_206] : memref<2x128x128xf32, #tpu.memory_space<vmem>> -> memref<1x128x128xf32, #tpu.memory_space<vmem>>
      %dma_wait3A_208 = tpu.memref_squeeze %dma_wait3A_207 : memref<1x128x128xf32, #tpu.memory_space<vmem>> -> memref<128x128xf32, #tpu.memory_space<vmem>>
      %dma_wait3A_209 = arith.constant 0 : i32
      %dma_wait3A_210 = tpu.memref_slice %arg6[%dma_wait3A_204, %dma_wait3A_209] : memref<80x128xi32, #tpu.memory_space<vmem>> -> memref<1x128xi32, #tpu.memory_space<vmem>>
      %dma_wait3A_211 = tpu.memref_squeeze %dma_wait3A_210 : memref<1x128xi32, #tpu.memory_space<vmem>> -> memref<128xi32, #tpu.memory_space<vmem>>
      %dma_wait3A_212 = arith.constant 0 : i32
      %dma_wait3A_213 = arith.constant 0 : i32
      %dma_wait3A_214 = tpu.memref_slice %arg2[%dma_wait3A_212, %dma_wait3A_213] : memref<10240x128xf32, #tpu.memory_space<hbm>> -> memref<10240x128xf32, #tpu.memory_space<hbm>>
      %dma_wait3A_215 = tpu.memref_slice %arg9[%rem3A_183] : memref<2x!tpu.dma_semaphore, #tpu.memory_space<semaphore_mem>> -> memref<1x!tpu.dma_semaphore, #tpu.memory_space<semaphore_mem>>
      %dma_wait3A_216 = tpu.memref_squeeze %dma_wait3A_215 : memref<1x!tpu.dma_semaphore, #tpu.memory_space<semaphore_mem>> -> memref<!tpu.dma_semaphore, #tpu.memory_space<semaphore_mem>>
      tpu.wait_indirect_dma semaphore(%dma_wait3A_216 : memref<!tpu.dma_semaphore, #tpu.memory_space<semaphore_mem>>) src(%dma_wait3A_214 : memref<10240x128xf32, #tpu.memory_space<hbm>>) dst(%dma_wait3A_208 : memref<128x128xf32, #tpu.memory_space<vmem>>)
      %add3A_217 = arith.constant 40 : i32
      %add3A_218 = arith.addi %add3A_217, %scan3A_181 : i32
      "tpu.region"() ({
        %run_scoped3A_220 = tpu.sem_alloc : memref<!tpu.dma_semaphore, #tpu.memory_space<semaphore_mem>>
        %dma_start3A_221 = arith.constant 0 : i32
        %dma_start3A_222 = arith.constant 0 : i32
        %dma_start3A_223 = tpu.memref_slice %arg7[%rem3A_183, %dma_start3A_221, %dma_start3A_222] : memref<2x128x128xf32, #tpu.memory_space<vmem>> -> memref<1x128x128xf32, #tpu.memory_space<vmem>>
        %dma_start3A_224 = tpu.memref_squeeze %dma_start3A_223 : memref<1x128x128xf32, #tpu.memory_space<vmem>> -> memref<128x128xf32, #tpu.memory_space<vmem>>
        %dma_start3A_225 = arith.constant 0 : i32
        %dma_start3A_226 = tpu.memref_slice %arg6[%add3A_218, %dma_start3A_225] : memref<80x128xi32, #tpu.memory_space<vmem>> -> memref<1x128xi32, #tpu.memory_space<vmem>>
        %dma_start3A_227 = tpu.memref_squeeze %dma_start3A_226 : memref<1x128xi32, #tpu.memory_space<vmem>> -> memref<128xi32, #tpu.memory_space<vmem>>
        %dma_start3A_228 = arith.constant 0 : i32
        %dma_start3A_229 = arith.constant 0 : i32
        %dma_start3A_230 = tpu.memref_slice %arg8[%dma_start3A_228, %dma_start3A_229] : memref<10240x128xf32, #tpu.memory_space<vmem_shared>> -> memref<10240x128xf32, #tpu.memory_space<vmem_shared>>
        tpu.enqueue_indirect_dma source(%dma_start3A_224 : memref<128x128xf32, #tpu.memory_space<vmem>>) target(%dma_start3A_230 : memref<10240x128xf32, #tpu.memory_space<vmem_shared>>) offsets(%dma_start3A_227 : memref<128xi32, #tpu.memory_space<vmem>>) semaphore(%run_scoped3A_220 : memref<!tpu.dma_semaphore, #tpu.memory_space<semaphore_mem>>) {add = true}
        %dma_wait3A_231 = arith.constant 0 : i32
        %dma_wait3A_232 = arith.constant 0 : i32
        %dma_wait3A_233 = tpu.memref_slice %arg7[%rem3A_183, %dma_wait3A_231, %dma_wait3A_232] : memref<2x128x128xf32, #tpu.memory_space<vmem>> -> memref<1x128x128xf32, #tpu.memory_space<vmem>>
        %dma_wait3A_234 = tpu.memref_squeeze %dma_wait3A_233 : memref<1x128x128xf32, #tpu.memory_space<vmem>> -> memref<128x128xf32, #tpu.memory_space<vmem>>
        %dma_wait3A_235 = arith.constant 0 : i32
        %dma_wait3A_236 = tpu.memref_slice %arg6[%add3A_218, %dma_wait3A_235] : memref<80x128xi32, #tpu.memory_space<vmem>> -> memref<1x128xi32, #tpu.memory_space<vmem>>
        %dma_wait3A_237 = tpu.memref_squeeze %dma_wait3A_236 : memref<1x128xi32, #tpu.memory_space<vmem>> -> memref<128xi32, #tpu.memory_space<vmem>>
        %dma_wait3A_238 = arith.constant 0 : i32
        %dma_wait3A_239 = arith.constant 0 : i32
        %dma_wait3A_240 = tpu.memref_slice %arg8[%dma_wait3A_238, %dma_wait3A_239] : memref<10240x128xf32, #tpu.memory_space<vmem_shared>> -> memref<10240x128xf32, #tpu.memory_space<vmem_shared>>
        tpu.wait_indirect_dma semaphore(%run_scoped3A_220 : memref<!tpu.dma_semaphore, #tpu.memory_space<semaphore_mem>>) src(%dma_wait3A_234 : memref<128x128xf32, #tpu.memory_space<vmem>>) dst(%dma_wait3A_240 : memref<10240x128xf32, #tpu.memory_space<vmem_shared>>)
        tpu.yield
      }) : () -> ()
      %scan3A_219 = arith.constant 0 : i32
      scf.yield %scan3A_219 : i32
    }
    %scan3A_134 = arith.constant 40 : i32
    %dma_wait3A_135 = arith.constant 0 : i32
    %dma_wait3A_136 = arith.constant 0 : i32
    %dma_wait3A_137 = arith.constant 0 : i32
    %dma_wait3A_138 = arith.constant 0 : i32
    %dma_wait3A_139 = arith.constant 0 : i32
    %dma_wait3A_140 = tpu.memref_slice %arg7[%dma_wait3A_136, %dma_wait3A_138, %dma_wait3A_139] : memref<2x128x128xf32, #tpu.memory_space<vmem>> -> memref<1x128x128xf32, #tpu.memory_space<vmem>>
    %dma_wait3A_141 = tpu.memref_squeeze %dma_wait3A_140 : memref<1x128x128xf32, #tpu.memory_space<vmem>> -> memref<128x128xf32, #tpu.memory_space<vmem>>
    %dma_wait3A_142 = arith.constant 0 : i32
    %dma_wait3A_143 = tpu.memref_slice %arg6[%dma_wait3A_135, %dma_wait3A_142] : memref<80x128xi32, #tpu.memory_space<vmem>> -> memref<1x128xi32, #tpu.memory_space<vmem>>
    %dma_wait3A_144 = tpu.memref_squeeze %dma_wait3A_143 : memref<1x128xi32, #tpu.memory_space<vmem>> -> memref<128xi32, #tpu.memory_space<vmem>>
    %dma_wait3A_145 = arith.constant 0 : i32
    %dma_wait3A_146 = arith.constant 0 : i32
    %dma_wait3A_147 = tpu.memref_slice %arg2[%dma_wait3A_145, %dma_wait3A_146] : memref<10240x128xf32, #tpu.memory_space<hbm>> -> memref<10240x128xf32, #tpu.memory_space<hbm>>
    %dma_wait3A_148 = tpu.memref_slice %arg9[%dma_wait3A_137] : memref<2x!tpu.dma_semaphore, #tpu.memory_space<semaphore_mem>> -> memref<1x!tpu.dma_semaphore, #tpu.memory_space<semaphore_mem>>
    %dma_wait3A_149 = tpu.memref_squeeze %dma_wait3A_148 : memref<1x!tpu.dma_semaphore, #tpu.memory_space<semaphore_mem>> -> memref<!tpu.dma_semaphore, #tpu.memory_space<semaphore_mem>>
    tpu.wait_indirect_dma semaphore(%dma_wait3A_149 : memref<!tpu.dma_semaphore, #tpu.memory_space<semaphore_mem>>) src(%dma_wait3A_147 : memref<10240x128xf32, #tpu.memory_space<hbm>>) dst(%dma_wait3A_141 : memref<128x128xf32, #tpu.memory_space<vmem>>)
    %barrier3A_150 = arith.constant 0 : index
    tpu.barrier barrier_id(%barrier3A_150)
    %mul3A_151 = arith.constant 640 : i32
    %mul3A_152 = arith.muli %arg1, %mul3A_151 : i32
    %add3A_153 = arith.constant 0 : i32
    %add3A_154 = arith.addi %mul3A_152, %add3A_153 : i32
    %run_scoped3A_155 = arith.constant 0 : i32
    "tpu.region"() ({
      %run_scoped3A_181 = tpu.sem_alloc : memref<!tpu.dma_semaphore, #tpu.memory_space<semaphore_mem>>
      %dma_start3A_182 = arith.constant 0 : i32
      %dma_start3A_183 = arith.constant 0 : i32
      %dma_start3A_184 = tpu.memref_slice %arg7[%run_scoped3A_155, %dma_start3A_182, %dma_start3A_183] : memref<2x128x128xf32, #tpu.memory_space<vmem>> -> memref<1x128x128xf32, #tpu.memory_space<vmem>>
      %dma_start3A_185 = tpu.memref_squeeze %dma_start3A_184 : memref<1x128x128xf32, #tpu.memory_space<vmem>> -> memref<128x128xf32, #tpu.memory_space<vmem>>
      %dma_start3A_186 = arith.constant 0 : i32
      %dma_start3A_187 = tpu.memref_slice %arg8[%add3A_154, %dma_start3A_186] : memref<10240x128xf32, #tpu.memory_space<vmem_shared>> -> memref<128x128xf32, #tpu.memory_space<vmem_shared>>
      %dma_start3A_188 = arith.constant 0 : i32
      %dma_start3A_189 = arith.constant 0 : i32
      %dma_start3A_190 = tpu.memref_slice %arg7[%run_scoped3A_155, %dma_start3A_188, %dma_start3A_189] : memref<2x128x128xf32, #tpu.memory_space<vmem>> -> memref<1x128x128xf32, #tpu.memory_space<vmem>>
      %dma_start3A_191 = tpu.memref_squeeze %dma_start3A_190 : memref<1x128x128xf32, #tpu.memory_space<vmem>> -> memref<128x128xf32, #tpu.memory_space<vmem>>
      %dma_start3A_192 = arith.constant 0 : i32
      %dma_start3A_193 = tpu.memref_slice %arg8[%add3A_154, %dma_start3A_192] : memref<10240x128xf32, #tpu.memory_space<vmem_shared>> -> memref<128x128xf32, #tpu.memory_space<vmem_shared>>
      tpu.enqueue_dma source(%dma_start3A_193 : memref<128x128xf32, #tpu.memory_space<vmem_shared>>) target(%dma_start3A_191 : memref<128x128xf32, #tpu.memory_space<vmem>>) target_semaphore(%run_scoped3A_181 : memref<!tpu.dma_semaphore, #tpu.memory_space<semaphore_mem>>)
      %dma_wait3A_194 = arith.constant 0 : i32
      %dma_wait3A_195 = arith.constant 0 : i32
      %dma_wait3A_196 = tpu.memref_slice %arg7[%run_scoped3A_155, %dma_wait3A_194, %dma_wait3A_195] : memref<2x128x128xf32, #tpu.memory_space<vmem>> -> memref<1x128x128xf32, #tpu.memory_space<vmem>>
      %dma_wait3A_197 = tpu.memref_squeeze %dma_wait3A_196 : memref<1x128x128xf32, #tpu.memory_space<vmem>> -> memref<128x128xf32, #tpu.memory_space<vmem>>
      %dma_wait3A_198 = arith.constant 0 : i32
      %dma_wait3A_199 = tpu.memref_slice %arg8[%add3A_154, %dma_wait3A_198] : memref<10240x128xf32, #tpu.memory_space<vmem_shared>> -> memref<128x128xf32, #tpu.memory_space<vmem_shared>>
      %dma_wait3A_200 = arith.constant 0 : i32
      %dma_wait3A_201 = arith.constant 0 : i32
      %dma_wait3A_202 = tpu.memref_slice %arg7[%run_scoped3A_155, %dma_wait3A_200, %dma_wait3A_201] : memref<2x128x128xf32, #tpu.memory_space<vmem>> -> memref<1x128x128xf32, #tpu.memory_space<vmem>>
      %dma_wait3A_203 = tpu.memref_squeeze %dma_wait3A_202 : memref<1x128x128xf32, #tpu.memory_space<vmem>> -> memref<128x128xf32, #tpu.memory_space<vmem>>
      %dma_wait3A_204 = arith.constant 0 : i32
      %dma_wait3A_205 = tpu.memref_slice %arg8[%add3A_154, %dma_wait3A_204] : memref<10240x128xf32, #tpu.memory_space<vmem_shared>> -> memref<128x128xf32, #tpu.memory_space<vmem_shared>>
      tpu.wait_dma2 semaphore(%run_scoped3A_181 : memref<!tpu.dma_semaphore, #tpu.memory_space<semaphore_mem>>) src(%dma_wait3A_205 : memref<128x128xf32, #tpu.memory_space<vmem_shared>>) dst(%dma_wait3A_203 : memref<128x128xf32, #tpu.memory_space<vmem>>)
      tpu.yield
    }) : () -> ()
    %run_scoped3A_156 = arith.constant 0 : i32
    "tpu.region"() ({
      %run_scoped3A_181 = tpu.sem_alloc : memref<!tpu.dma_semaphore, #tpu.memory_space<semaphore_mem>>
      %dma_start3A_182 = arith.constant 0 : i32
      %dma_start3A_183 = arith.constant 0 : i32
      %dma_start3A_184 = tpu.memref_slice %arg7[%run_scoped3A_156, %dma_start3A_182, %dma_start3A_183] : memref<2x128x128xf32, #tpu.memory_space<vmem>> -> memref<1x128x128xf32, #tpu.memory_space<vmem>>
      %dma_start3A_185 = tpu.memref_squeeze %dma_start3A_184 : memref<1x128x128xf32, #tpu.memory_space<vmem>> -> memref<128x128xf32, #tpu.memory_space<vmem>>
      %dma_start3A_186 = arith.constant 0 : i32
      %dma_start3A_187 = arith.constant 0 : i32
      %dma_start3A_188 = tpu.memref_slice %arg4[%arg0, %dma_start3A_186, %dma_start3A_187] : memref<2x10240x128xf32, #tpu.memory_space<hbm>> -> memref<1x10240x128xf32, #tpu.memory_space<hbm>>
      %dma_start3A_189 = tpu.memref_squeeze %dma_start3A_188 : memref<1x10240x128xf32, #tpu.memory_space<hbm>> -> memref<10240x128xf32, #tpu.memory_space<hbm>>
      %dma_start3A_190 = arith.constant 0 : i32
      %dma_start3A_191 = tpu.memref_slice %dma_start3A_189[%add3A_154, %dma_start3A_190] : memref<10240x128xf32, #tpu.memory_space<hbm>> -> memref<128x128xf32, #tpu.memory_space<hbm>>
      %dma_start3A_192 = arith.constant 0 : i32
      %dma_start3A_193 = arith.constant 0 : i32
      %dma_start3A_194 = tpu.memref_slice %arg4[%arg0, %dma_start3A_192, %dma_start3A_193] : memref<2x10240x128xf32, #tpu.memory_space<hbm>> -> memref<1x10240x128xf32, #tpu.memory_space<hbm>>
      %dma_start3A_195 = tpu.memref_squeeze %dma_start3A_194 : memref<1x10240x128xf32, #tpu.memory_space<hbm>> -> memref<10240x128xf32, #tpu.memory_space<hbm>>
      %dma_start3A_196 = arith.constant 0 : i32
      %dma_start3A_197 = tpu.memref_slice %dma_start3A_195[%add3A_154, %dma_start3A_196] : memref<10240x128xf32, #tpu.memory_space<hbm>> -> memref<128x128xf32, #tpu.memory_space<hbm>>
      %dma_start3A_198 = arith.constant 0 : i32
      %dma_start3A_199 = arith.constant 0 : i32
      %dma_start3A_200 = tpu.memref_slice %arg7[%run_scoped3A_156, %dma_start3A_198, %dma_start3A_199] : memref<2x128x128xf32, #tpu.memory_space<vmem>> -> memref<1x128x128xf32, #tpu.memory_space<vmem>>
      %dma_start3A_201 = tpu.memref_squeeze %dma_start3A_200 : memref<1x128x128xf32, #tpu.memory_space<vmem>> -> memref<128x128xf32, #tpu.memory_space<vmem>>
      tpu.enqueue_dma source(%dma_start3A_201 : memref<128x128xf32, #tpu.memory_space<vmem>>) target(%dma_start3A_197 : memref<128x128xf32, #tpu.memory_space<hbm>>) target_semaphore(%run_scoped3A_181 : memref<!tpu.dma_semaphore, #tpu.memory_space<semaphore_mem>>)
      %dma_wait3A_202 = arith.constant 0 : i32
      %dma_wait3A_203 = arith.constant 0 : i32
      %dma_wait3A_204 = tpu.memref_slice %arg7[%run_scoped3A_156, %dma_wait3A_202, %dma_wait3A_203] : memref<2x128x128xf32, #tpu.memory_space<vmem>> -> memref<1x128x128xf32, #tpu.memory_space<vmem>>
      %dma_wait3A_205 = tpu.memref_squeeze %dma_wait3A_204 : memref<1x128x128xf32, #tpu.memory_space<vmem>> -> memref<128x128xf32, #tpu.memory_space<vmem>>
      %dma_wait3A_206 = arith.constant 0 : i32
      %dma_wait3A_207 = arith.constant 0 : i32
      %dma_wait3A_208 = tpu.memref_slice %arg4[%arg0, %dma_wait3A_206, %dma_wait3A_207] : memref<2x10240x128xf32, #tpu.memory_space<hbm>> -> memref<1x10240x128xf32, #tpu.memory_space<hbm>>
      %dma_wait3A_209 = tpu.memref_squeeze %dma_wait3A_208 : memref<1x10240x128xf32, #tpu.memory_space<hbm>> -> memref<10240x128xf32, #tpu.memory_space<hbm>>
      %dma_wait3A_210 = arith.constant 0 : i32
      %dma_wait3A_211 = tpu.memref_slice %dma_wait3A_209[%add3A_154, %dma_wait3A_210] : memref<10240x128xf32, #tpu.memory_space<hbm>> -> memref<128x128xf32, #tpu.memory_space<hbm>>
      %dma_wait3A_212 = arith.constant 0 : i32
      %dma_wait3A_213 = arith.constant 0 : i32
      %dma_wait3A_214 = tpu.memref_slice %arg4[%arg0, %dma_wait3A_212, %dma_wait3A_213] : memref<2x10240x128xf32, #tpu.memory_space<hbm>> -> memref<1x10240x128xf32, #tpu.memory_space<hbm>>
      %dma_wait3A_215 = tpu.memref_squeeze %dma_wait3A_214 : memref<1x10240x128xf32, #tpu.memory_space<hbm>> -> memref<10240x128xf32, #tpu.memory_space<hbm>>
      %dma_wait3A_216 = arith.constant 0 : i32
      %dma_wait3A_217 = tpu.memref_slice %dma_wait3A_215[%add3A_154, %dma_wait3A_216] : memref<10240x128xf32, #tpu.memory_space<hbm>> -> memref<128x128xf32, #tpu.memory_space<hbm>>
      %dma_wait3A_218 = arith.constant 0 : i32
      %dma_wait3A_219 = arith.constant 0 : i32
      %dma_wait3A_220 = tpu.memref_slice %arg7[%run_scoped3A_156, %dma_wait3A_218, %dma_wait3A_219] : memref<2x128x128xf32, #tpu.memory_space<vmem>> -> memref<1x128x128xf32, #tpu.memory_space<vmem>>
      %dma_wait3A_221 = tpu.memref_squeeze %dma_wait3A_220 : memref<1x128x128xf32, #tpu.memory_space<vmem>> -> memref<128x128xf32, #tpu.memory_space<vmem>>
      tpu.wait_dma2 semaphore(%run_scoped3A_181 : memref<!tpu.dma_semaphore, #tpu.memory_space<semaphore_mem>>) src(%dma_wait3A_221 : memref<128x128xf32, #tpu.memory_space<vmem>>) dst(%dma_wait3A_217 : memref<128x128xf32, #tpu.memory_space<hbm>>)
      tpu.yield
    }) : () -> ()
    %mul3A_157 = arith.constant 640 : i32
    %mul3A_158 = arith.muli %arg1, %mul3A_157 : i32
    %add3A_159 = arith.constant 128 : i32
    %add3A_160 = arith.addi %mul3A_158, %add3A_159 : i32
    %run_scoped3A_161 = arith.constant 1 : i32
    "tpu.region"() ({
      %run_scoped3A_181 = tpu.sem_alloc : memref<!tpu.dma_semaphore, #tpu.memory_space<semaphore_mem>>
      %dma_start3A_182 = arith.constant 0 : i32
      %dma_start3A_183 = arith.constant 0 : i32
      %dma_start3A_184 = tpu.memref_slice %arg7[%run_scoped3A_161, %dma_start3A_182, %dma_start3A_183] : memref<2x128x128xf32, #tpu.memory_space<vmem>> -> memref<1x128x128xf32, #tpu.memory_space<vmem>>
      %dma_start3A_185 = tpu.memref_squeeze %dma_start3A_184 : memref<1x128x128xf32, #tpu.memory_space<vmem>> -> memref<128x128xf32, #tpu.memory_space<vmem>>
      %dma_start3A_186 = arith.constant 0 : i32
      %dma_start3A_187 = tpu.memref_slice %arg8[%add3A_160, %dma_start3A_186] : memref<10240x128xf32, #tpu.memory_space<vmem_shared>> -> memref<128x128xf32, #tpu.memory_space<vmem_shared>>
      %dma_start3A_188 = arith.constant 0 : i32
      %dma_start3A_189 = arith.constant 0 : i32
      %dma_start3A_190 = tpu.memref_slice %arg7[%run_scoped3A_161, %dma_start3A_188, %dma_start3A_189] : memref<2x128x128xf32, #tpu.memory_space<vmem>> -> memref<1x128x128xf32, #tpu.memory_space<vmem>>
      %dma_start3A_191 = tpu.memref_squeeze %dma_start3A_190 : memref<1x128x128xf32, #tpu.memory_space<vmem>> -> memref<128x128xf32, #tpu.memory_space<vmem>>
      %dma_start3A_192 = arith.constant 0 : i32
      %dma_start3A_193 = tpu.memref_slice %arg8[%add3A_160, %dma_start3A_192] : memref<10240x128xf32, #tpu.memory_space<vmem_shared>> -> memref<128x128xf32, #tpu.memory_space<vmem_shared>>
      tpu.enqueue_dma source(%dma_start3A_193 : memref<128x128xf32, #tpu.memory_space<vmem_shared>>) target(%dma_start3A_191 : memref<128x128xf32, #tpu.memory_space<vmem>>) target_semaphore(%run_scoped3A_181 : memref<!tpu.dma_semaphore, #tpu.memory_space<semaphore_mem>>)
      %dma_wait3A_194 = arith.constant 0 : i32
      %dma_wait3A_195 = arith.constant 0 : i32
      %dma_wait3A_196 = tpu.memref_slice %arg7[%run_scoped3A_161, %dma_wait3A_194, %dma_wait3A_195] : memref<2x128x128xf32, #tpu.memory_space<vmem>> -> memref<1x128x128xf32, #tpu.memory_space<vmem>>
      %dma_wait3A_197 = tpu.memref_squeeze %dma_wait3A_196 : memref<1x128x128xf32, #tpu.memory_space<vmem>> -> memref<128x128xf32, #tpu.memory_space<vmem>>
      %dma_wait3A_198 = arith.constant 0 : i32
      %dma_wait3A_199 = tpu.memref_slice %arg8[%add3A_160, %dma_wait3A_198] : memref<10240x128xf32, #tpu.memory_space<vmem_shared>> -> memref<128x128xf32, #tpu.memory_space<vmem_shared>>
      %dma_wait3A_200 = arith.constant 0 : i32
      %dma_wait3A_201 = arith.constant 0 : i32
      %dma_wait3A_202 = tpu.memref_slice %arg7[%run_scoped3A_161, %dma_wait3A_200, %dma_wait3A_201] : memref<2x128x128xf32, #tpu.memory_space<vmem>> -> memref<1x128x128xf32, #tpu.memory_space<vmem>>
      %dma_wait3A_203 = tpu.memref_squeeze %dma_wait3A_202 : memref<1x128x128xf32, #tpu.memory_space<vmem>> -> memref<128x128xf32, #tpu.memory_space<vmem>>
      %dma_wait3A_204 = arith.constant 0 : i32
      %dma_wait3A_205 = tpu.memref_slice %arg8[%add3A_160, %dma_wait3A_204] : memref<10240x128xf32, #tpu.memory_space<vmem_shared>> -> memref<128x128xf32, #tpu.memory_space<vmem_shared>>
      tpu.wait_dma2 semaphore(%run_scoped3A_181 : memref<!tpu.dma_semaphore, #tpu.memory_space<semaphore_mem>>) src(%dma_wait3A_205 : memref<128x128xf32, #tpu.memory_space<vmem_shared>>) dst(%dma_wait3A_203 : memref<128x128xf32, #tpu.memory_space<vmem>>)
      tpu.yield
    }) : () -> ()
    %run_scoped3A_162 = arith.constant 1 : i32
    "tpu.region"() ({
      %run_scoped3A_181 = tpu.sem_alloc : memref<!tpu.dma_semaphore, #tpu.memory_space<semaphore_mem>>
      %dma_start3A_182 = arith.constant 0 : i32
      %dma_start3A_183 = arith.constant 0 : i32
      %dma_start3A_184 = tpu.memref_slice %arg7[%run_scoped3A_162, %dma_start3A_182, %dma_start3A_183] : memref<2x128x128xf32, #tpu.memory_space<vmem>> -> memref<1x128x128xf32, #tpu.memory_space<vmem>>
      %dma_start3A_185 = tpu.memref_squeeze %dma_start3A_184 : memref<1x128x128xf32, #tpu.memory_space<vmem>> -> memref<128x128xf32, #tpu.memory_space<vmem>>
      %dma_start3A_186 = arith.constant 0 : i32
      %dma_start3A_187 = arith.constant 0 : i32
      %dma_start3A_188 = tpu.memref_slice %arg4[%arg0, %dma_start3A_186, %dma_start3A_187] : memref<2x10240x128xf32, #tpu.memory_space<hbm>> -> memref<1x10240x128xf32, #tpu.memory_space<hbm>>
      %dma_start3A_189 = tpu.memref_squeeze %dma_start3A_188 : memref<1x10240x128xf32, #tpu.memory_space<hbm>> -> memref<10240x128xf32, #tpu.memory_space<hbm>>
      %dma_start3A_190 = arith.constant 0 : i32
      %dma_start3A_191 = tpu.memref_slice %dma_start3A_189[%add3A_160, %dma_start3A_190] : memref<10240x128xf32, #tpu.memory_space<hbm>> -> memref<128x128xf32, #tpu.memory_space<hbm>>
      %dma_start3A_192 = arith.constant 0 : i32
      %dma_start3A_193 = arith.constant 0 : i32
      %dma_start3A_194 = tpu.memref_slice %arg4[%arg0, %dma_start3A_192, %dma_start3A_193] : memref<2x10240x128xf32, #tpu.memory_space<hbm>> -> memref<1x10240x128xf32, #tpu.memory_space<hbm>>
      %dma_start3A_195 = tpu.memref_squeeze %dma_start3A_194 : memref<1x10240x128xf32, #tpu.memory_space<hbm>> -> memref<10240x128xf32, #tpu.memory_space<hbm>>
      %dma_start3A_196 = arith.constant 0 : i32
      %dma_start3A_197 = tpu.memref_slice %dma_start3A_195[%add3A_160, %dma_start3A_196] : memref<10240x128xf32, #tpu.memory_space<hbm>> -> memref<128x128xf32, #tpu.memory_space<hbm>>
      %dma_start3A_198 = arith.constant 0 : i32
      %dma_start3A_199 = arith.constant 0 : i32
      %dma_start3A_200 = tpu.memref_slice %arg7[%run_scoped3A_162, %dma_start3A_198, %dma_start3A_199] : memref<2x128x128xf32, #tpu.memory_space<vmem>> -> memref<1x128x128xf32, #tpu.memory_space<vmem>>
      %dma_start3A_201 = tpu.memref_squeeze %dma_start3A_200 : memref<1x128x128xf32, #tpu.memory_space<vmem>> -> memref<128x128xf32, #tpu.memory_space<vmem>>
      tpu.enqueue_dma source(%dma_start3A_201 : memref<128x128xf32, #tpu.memory_space<vmem>>) target(%dma_start3A_197 : memref<128x128xf32, #tpu.memory_space<hbm>>) target_semaphore(%run_scoped3A_181 : memref<!tpu.dma_semaphore, #tpu.memory_space<semaphore_mem>>)
      %dma_wait3A_202 = arith.constant 0 : i32
      %dma_wait3A_203 = arith.constant 0 : i32
      %dma_wait3A_204 = tpu.memref_slice %arg7[%run_scoped3A_162, %dma_wait3A_202, %dma_wait3A_203] : memref<2x128x128xf32, #tpu.memory_space<vmem>> -> memref<1x128x128xf32, #tpu.memory_space<vmem>>
      %dma_wait3A_205 = tpu.memref_squeeze %dma_wait3A_204 : memref<1x128x128xf32, #tpu.memory_space<vmem>> -> memref<128x128xf32, #tpu.memory_space<vmem>>
      %dma_wait3A_206 = arith.constant 0 : i32
      %dma_wait3A_207 = arith.constant 0 : i32
      %dma_wait3A_208 = tpu.memref_slice %arg4[%arg0, %dma_wait3A_206, %dma_wait3A_207] : memref<2x10240x128xf32, #tpu.memory_space<hbm>> -> memref<1x10240x128xf32, #tpu.memory_space<hbm>>
      %dma_wait3A_209 = tpu.memref_squeeze %dma_wait3A_208 : memref<1x10240x128xf32, #tpu.memory_space<hbm>> -> memref<10240x128xf32, #tpu.memory_space<hbm>>
      %dma_wait3A_210 = arith.constant 0 : i32
      %dma_wait3A_211 = tpu.memref_slice %dma_wait3A_209[%add3A_160, %dma_wait3A_210] : memref<10240x128xf32, #tpu.memory_space<hbm>> -> memref<128x128xf32, #tpu.memory_space<hbm>>
      %dma_wait3A_212 = arith.constant 0 : i32
      %dma_wait3A_213 = arith.constant 0 : i32
      %dma_wait3A_214 = tpu.memref_slice %arg4[%arg0, %dma_wait3A_212, %dma_wait3A_213] : memref<2x10240x128xf32, #tpu.memory_space<hbm>> -> memref<1x10240x128xf32, #tpu.memory_space<hbm>>
      %dma_wait3A_215 = tpu.memref_squeeze %dma_wait3A_214 : memref<1x10240x128xf32, #tpu.memory_space<hbm>> -> memref<10240x128xf32, #tpu.memory_space<hbm>>
      %dma_wait3A_216 = arith.constant 0 : i32
      %dma_wait3A_217 = tpu.memref_slice %dma_wait3A_215[%add3A_160, %dma_wait3A_216] : memref<10240x128xf32, #tpu.memory_space<hbm>> -> memref<128x128xf32, #tpu.memory_space<hbm>>
      %dma_wait3A_218 = arith.constant 0 : i32
      %dma_wait3A_219 = arith.constant 0 : i32
      %dma_wait3A_220 = tpu.memref_slice %arg7[%run_scoped3A_162, %dma_wait3A_218, %dma_wait3A_219] : memref<2x128x128xf32, #tpu.memory_space<vmem>> -> memref<1x128x128xf32, #tpu.memory_space<vmem>>
      %dma_wait3A_221 = tpu.memref_squeeze %dma_wait3A_220 : memref<1x128x128xf32, #tpu.memory_space<vmem>> -> memref<128x128xf32, #tpu.memory_space<vmem>>
      tpu.wait_dma2 semaphore(%run_scoped3A_181 : memref<!tpu.dma_semaphore, #tpu.memory_space<semaphore_mem>>) src(%dma_wait3A_221 : memref<128x128xf32, #tpu.memory_space<vmem>>) dst(%dma_wait3A_217 : memref<128x128xf32, #tpu.memory_space<hbm>>)
      tpu.yield
    }) : () -> ()
    %mul3A_163 = arith.constant 640 : i32
    %mul3A_164 = arith.muli %arg1, %mul3A_163 : i32
    %add3A_165 = arith.constant 256 : i32
    %add3A_166 = arith.addi %mul3A_164, %add3A_165 : i32
    %run_scoped3A_167 = arith.constant 0 : i32
    "tpu.region"() ({
      %run_scoped3A_181 = tpu.sem_alloc : memref<!tpu.dma_semaphore, #tpu.memory_space<semaphore_mem>>
      %dma_start3A_182 = arith.constant 0 : i32
      %dma_start3A_183 = arith.constant 0 : i32
      %dma_start3A_184 = tpu.memref_slice %arg7[%run_scoped3A_167, %dma_start3A_182, %dma_start3A_183] : memref<2x128x128xf32, #tpu.memory_space<vmem>> -> memref<1x128x128xf32, #tpu.memory_space<vmem>>
      %dma_start3A_185 = tpu.memref_squeeze %dma_start3A_184 : memref<1x128x128xf32, #tpu.memory_space<vmem>> -> memref<128x128xf32, #tpu.memory_space<vmem>>
      %dma_start3A_186 = arith.constant 0 : i32
      %dma_start3A_187 = tpu.memref_slice %arg8[%add3A_166, %dma_start3A_186] : memref<10240x128xf32, #tpu.memory_space<vmem_shared>> -> memref<128x128xf32, #tpu.memory_space<vmem_shared>>
      %dma_start3A_188 = arith.constant 0 : i32
      %dma_start3A_189 = arith.constant 0 : i32
      %dma_start3A_190 = tpu.memref_slice %arg7[%run_scoped3A_167, %dma_start3A_188, %dma_start3A_189] : memref<2x128x128xf32, #tpu.memory_space<vmem>> -> memref<1x128x128xf32, #tpu.memory_space<vmem>>
      %dma_start3A_191 = tpu.memref_squeeze %dma_start3A_190 : memref<1x128x128xf32, #tpu.memory_space<vmem>> -> memref<128x128xf32, #tpu.memory_space<vmem>>
      %dma_start3A_192 = arith.constant 0 : i32
      %dma_start3A_193 = tpu.memref_slice %arg8[%add3A_166, %dma_start3A_192] : memref<10240x128xf32, #tpu.memory_space<vmem_shared>> -> memref<128x128xf32, #tpu.memory_space<vmem_shared>>
      tpu.enqueue_dma source(%dma_start3A_193 : memref<128x128xf32, #tpu.memory_space<vmem_shared>>) target(%dma_start3A_191 : memref<128x128xf32, #tpu.memory_space<vmem>>) target_semaphore(%run_scoped3A_181 : memref<!tpu.dma_semaphore, #tpu.memory_space<semaphore_mem>>)
      %dma_wait3A_194 = arith.constant 0 : i32
      %dma_wait3A_195 = arith.constant 0 : i32
      %dma_wait3A_196 = tpu.memref_slice %arg7[%run_scoped3A_167, %dma_wait3A_194, %dma_wait3A_195] : memref<2x128x128xf32, #tpu.memory_space<vmem>> -> memref<1x128x128xf32, #tpu.memory_space<vmem>>
      %dma_wait3A_197 = tpu.memref_squeeze %dma_wait3A_196 : memref<1x128x128xf32, #tpu.memory_space<vmem>> -> memref<128x128xf32, #tpu.memory_space<vmem>>
      %dma_wait3A_198 = arith.constant 0 : i32
      %dma_wait3A_199 = tpu.memref_slice %arg8[%add3A_166, %dma_wait3A_198] : memref<10240x128xf32, #tpu.memory_space<vmem_shared>> -> memref<128x128xf32, #tpu.memory_space<vmem_shared>>
      %dma_wait3A_200 = arith.constant 0 : i32
      %dma_wait3A_201 = arith.constant 0 : i32
      %dma_wait3A_202 = tpu.memref_slice %arg7[%run_scoped3A_167, %dma_wait3A_200, %dma_wait3A_201] : memref<2x128x128xf32, #tpu.memory_space<vmem>> -> memref<1x128x128xf32, #tpu.memory_space<vmem>>
      %dma_wait3A_203 = tpu.memref_squeeze %dma_wait3A_202 : memref<1x128x128xf32, #tpu.memory_space<vmem>> -> memref<128x128xf32, #tpu.memory_space<vmem>>
      %dma_wait3A_204 = arith.constant 0 : i32
      %dma_wait3A_205 = tpu.memref_slice %arg8[%add3A_166, %dma_wait3A_204] : memref<10240x128xf32, #tpu.memory_space<vmem_shared>> -> memref<128x128xf32, #tpu.memory_space<vmem_shared>>
      tpu.wait_dma2 semaphore(%run_scoped3A_181 : memref<!tpu.dma_semaphore, #tpu.memory_space<semaphore_mem>>) src(%dma_wait3A_205 : memref<128x128xf32, #tpu.memory_space<vmem_shared>>) dst(%dma_wait3A_203 : memref<128x128xf32, #tpu.memory_space<vmem>>)
      tpu.yield
    }) : () -> ()
    %run_scoped3A_168 = arith.constant 0 : i32
    "tpu.region"() ({
      %run_scoped3A_181 = tpu.sem_alloc : memref<!tpu.dma_semaphore, #tpu.memory_space<semaphore_mem>>
      %dma_start3A_182 = arith.constant 0 : i32
      %dma_start3A_183 = arith.constant 0 : i32
      %dma_start3A_184 = tpu.memref_slice %arg7[%run_scoped3A_168, %dma_start3A_182, %dma_start3A_183] : memref<2x128x128xf32, #tpu.memory_space<vmem>> -> memref<1x128x128xf32, #tpu.memory_space<vmem>>
      %dma_start3A_185 = tpu.memref_squeeze %dma_start3A_184 : memref<1x128x128xf32, #tpu.memory_space<vmem>> -> memref<128x128xf32, #tpu.memory_space<vmem>>
      %dma_start3A_186 = arith.constant 0 : i32
      %dma_start3A_187 = arith.constant 0 : i32
      %dma_start3A_188 = tpu.memref_slice %arg4[%arg0, %dma_start3A_186, %dma_start3A_187] : memref<2x10240x128xf32, #tpu.memory_space<hbm>> -> memref<1x10240x128xf32, #tpu.memory_space<hbm>>
      %dma_start3A_189 = tpu.memref_squeeze %dma_start3A_188 : memref<1x10240x128xf32, #tpu.memory_space<hbm>> -> memref<10240x128xf32, #tpu.memory_space<hbm>>
      %dma_start3A_190 = arith.constant 0 : i32
      %dma_start3A_191 = tpu.memref_slice %dma_start3A_189[%add3A_166, %dma_start3A_190] : memref<10240x128xf32, #tpu.memory_space<hbm>> -> memref<128x128xf32, #tpu.memory_space<hbm>>
      %dma_start3A_192 = arith.constant 0 : i32
      %dma_start3A_193 = arith.constant 0 : i32
      %dma_start3A_194 = tpu.memref_slice %arg4[%arg0, %dma_start3A_192, %dma_start3A_193] : memref<2x10240x128xf32, #tpu.memory_space<hbm>> -> memref<1x10240x128xf32, #tpu.memory_space<hbm>>
      %dma_start3A_195 = tpu.memref_squeeze %dma_start3A_194 : memref<1x10240x128xf32, #tpu.memory_space<hbm>> -> memref<10240x128xf32, #tpu.memory_space<hbm>>
      %dma_start3A_196 = arith.constant 0 : i32
      %dma_start3A_197 = tpu.memref_slice %dma_start3A_195[%add3A_166, %dma_start3A_196] : memref<10240x128xf32, #tpu.memory_space<hbm>> -> memref<128x128xf32, #tpu.memory_space<hbm>>
      %dma_start3A_198 = arith.constant 0 : i32
      %dma_start3A_199 = arith.constant 0 : i32
      %dma_start3A_200 = tpu.memref_slice %arg7[%run_scoped3A_168, %dma_start3A_198, %dma_start3A_199] : memref<2x128x128xf32, #tpu.memory_space<vmem>> -> memref<1x128x128xf32, #tpu.memory_space<vmem>>
      %dma_start3A_201 = tpu.memref_squeeze %dma_start3A_200 : memref<1x128x128xf32, #tpu.memory_space<vmem>> -> memref<128x128xf32, #tpu.memory_space<vmem>>
      tpu.enqueue_dma source(%dma_start3A_201 : memref<128x128xf32, #tpu.memory_space<vmem>>) target(%dma_start3A_197 : memref<128x128xf32, #tpu.memory_space<hbm>>) target_semaphore(%run_scoped3A_181 : memref<!tpu.dma_semaphore, #tpu.memory_space<semaphore_mem>>)
      %dma_wait3A_202 = arith.constant 0 : i32
      %dma_wait3A_203 = arith.constant 0 : i32
      %dma_wait3A_204 = tpu.memref_slice %arg7[%run_scoped3A_168, %dma_wait3A_202, %dma_wait3A_203] : memref<2x128x128xf32, #tpu.memory_space<vmem>> -> memref<1x128x128xf32, #tpu.memory_space<vmem>>
      %dma_wait3A_205 = tpu.memref_squeeze %dma_wait3A_204 : memref<1x128x128xf32, #tpu.memory_space<vmem>> -> memref<128x128xf32, #tpu.memory_space<vmem>>
      %dma_wait3A_206 = arith.constant 0 : i32
      %dma_wait3A_207 = arith.constant 0 : i32
      %dma_wait3A_208 = tpu.memref_slice %arg4[%arg0, %dma_wait3A_206, %dma_wait3A_207] : memref<2x10240x128xf32, #tpu.memory_space<hbm>> -> memref<1x10240x128xf32, #tpu.memory_space<hbm>>
      %dma_wait3A_209 = tpu.memref_squeeze %dma_wait3A_208 : memref<1x10240x128xf32, #tpu.memory_space<hbm>> -> memref<10240x128xf32, #tpu.memory_space<hbm>>
      %dma_wait3A_210 = arith.constant 0 : i32
      %dma_wait3A_211 = tpu.memref_slice %dma_wait3A_209[%add3A_166, %dma_wait3A_210] : memref<10240x128xf32, #tpu.memory_space<hbm>> -> memref<128x128xf32, #tpu.memory_space<hbm>>
      %dma_wait3A_212 = arith.constant 0 : i32
      %dma_wait3A_213 = arith.constant 0 : i32
      %dma_wait3A_214 = tpu.memref_slice %arg4[%arg0, %dma_wait3A_212, %dma_wait3A_213] : memref<2x10240x128xf32, #tpu.memory_space<hbm>> -> memref<1x10240x128xf32, #tpu.memory_space<hbm>>
      %dma_wait3A_215 = tpu.memref_squeeze %dma_wait3A_214 : memref<1x10240x128xf32, #tpu.memory_space<hbm>> -> memref<10240x128xf32, #tpu.memory_space<hbm>>
      %dma_wait3A_216 = arith.constant 0 : i32
      %dma_wait3A_217 = tpu.memref_slice %dma_wait3A_215[%add3A_166, %dma_wait3A_216] : memref<10240x128xf32, #tpu.memory_space<hbm>> -> memref<128x128xf32, #tpu.memory_space<hbm>>
      %dma_wait3A_218 = arith.constant 0 : i32
      %dma_wait3A_219 = arith.constant 0 : i32
      %dma_wait3A_220 = tpu.memref_slice %arg7[%run_scoped3A_168, %dma_wait3A_218, %dma_wait3A_219] : memref<2x128x128xf32, #tpu.memory_space<vmem>> -> memref<1x128x128xf32, #tpu.memory_space<vmem>>
      %dma_wait3A_221 = tpu.memref_squeeze %dma_wait3A_220 : memref<1x128x128xf32, #tpu.memory_space<vmem>> -> memref<128x128xf32, #tpu.memory_space<vmem>>
      tpu.wait_dma2 semaphore(%run_scoped3A_181 : memref<!tpu.dma_semaphore, #tpu.memory_space<semaphore_mem>>) src(%dma_wait3A_221 : memref<128x128xf32, #tpu.memory_space<vmem>>) dst(%dma_wait3A_217 : memref<128x128xf32, #tpu.memory_space<hbm>>)
      tpu.yield
    }) : () -> ()
    %mul3A_169 = arith.constant 640 : i32
    %mul3A_170 = arith.muli %arg1, %mul3A_169 : i32
    %add3A_171 = arith.constant 384 : i32
    %add3A_172 = arith.addi %mul3A_170, %add3A_171 : i32
    %run_scoped3A_173 = arith.constant 1 : i32
    "tpu.region"() ({
      %run_scoped3A_181 = tpu.sem_alloc : memref<!tpu.dma_semaphore, #tpu.memory_space<semaphore_mem>>
      %dma_start3A_182 = arith.constant 0 : i32
      %dma_start3A_183 = arith.constant 0 : i32
      %dma_start3A_184 = tpu.memref_slice %arg7[%run_scoped3A_173, %dma_start3A_182, %dma_start3A_183] : memref<2x128x128xf32, #tpu.memory_space<vmem>> -> memref<1x128x128xf32, #tpu.memory_space<vmem>>
      %dma_start3A_185 = tpu.memref_squeeze %dma_start3A_184 : memref<1x128x128xf32, #tpu.memory_space<vmem>> -> memref<128x128xf32, #tpu.memory_space<vmem>>
      %dma_start3A_186 = arith.constant 0 : i32
      %dma_start3A_187 = tpu.memref_slice %arg8[%add3A_172, %dma_start3A_186] : memref<10240x128xf32, #tpu.memory_space<vmem_shared>> -> memref<128x128xf32, #tpu.memory_space<vmem_shared>>
      %dma_start3A_188 = arith.constant 0 : i32
      %dma_start3A_189 = arith.constant 0 : i32
      %dma_start3A_190 = tpu.memref_slice %arg7[%run_scoped3A_173, %dma_start3A_188, %dma_start3A_189] : memref<2x128x128xf32, #tpu.memory_space<vmem>> -> memref<1x128x128xf32, #tpu.memory_space<vmem>>
      %dma_start3A_191 = tpu.memref_squeeze %dma_start3A_190 : memref<1x128x128xf32, #tpu.memory_space<vmem>> -> memref<128x128xf32, #tpu.memory_space<vmem>>
      %dma_start3A_192 = arith.constant 0 : i32
      %dma_start3A_193 = tpu.memref_slice %arg8[%add3A_172, %dma_start3A_192] : memref<10240x128xf32, #tpu.memory_space<vmem_shared>> -> memref<128x128xf32, #tpu.memory_space<vmem_shared>>
      tpu.enqueue_dma source(%dma_start3A_193 : memref<128x128xf32, #tpu.memory_space<vmem_shared>>) target(%dma_start3A_191 : memref<128x128xf32, #tpu.memory_space<vmem>>) target_semaphore(%run_scoped3A_181 : memref<!tpu.dma_semaphore, #tpu.memory_space<semaphore_mem>>)
      %dma_wait3A_194 = arith.constant 0 : i32
      %dma_wait3A_195 = arith.constant 0 : i32
      %dma_wait3A_196 = tpu.memref_slice %arg7[%run_scoped3A_173, %dma_wait3A_194, %dma_wait3A_195] : memref<2x128x128xf32, #tpu.memory_space<vmem>> -> memref<1x128x128xf32, #tpu.memory_space<vmem>>
      %dma_wait3A_197 = tpu.memref_squeeze %dma_wait3A_196 : memref<1x128x128xf32, #tpu.memory_space<vmem>> -> memref<128x128xf32, #tpu.memory_space<vmem>>
      %dma_wait3A_198 = arith.constant 0 : i32
      %dma_wait3A_199 = tpu.memref_slice %arg8[%add3A_172, %dma_wait3A_198] : memref<10240x128xf32, #tpu.memory_space<vmem_shared>> -> memref<128x128xf32, #tpu.memory_space<vmem_shared>>
      %dma_wait3A_200 = arith.constant 0 : i32
      %dma_wait3A_201 = arith.constant 0 : i32
      %dma_wait3A_202 = tpu.memref_slice %arg7[%run_scoped3A_173, %dma_wait3A_200, %dma_wait3A_201] : memref<2x128x128xf32, #tpu.memory_space<vmem>> -> memref<1x128x128xf32, #tpu.memory_space<vmem>>
      %dma_wait3A_203 = tpu.memref_squeeze %dma_wait3A_202 : memref<1x128x128xf32, #tpu.memory_space<vmem>> -> memref<128x128xf32, #tpu.memory_space<vmem>>
      %dma_wait3A_204 = arith.constant 0 : i32
      %dma_wait3A_205 = tpu.memref_slice %arg8[%add3A_172, %dma_wait3A_204] : memref<10240x128xf32, #tpu.memory_space<vmem_shared>> -> memref<128x128xf32, #tpu.memory_space<vmem_shared>>
      tpu.wait_dma2 semaphore(%run_scoped3A_181 : memref<!tpu.dma_semaphore, #tpu.memory_space<semaphore_mem>>) src(%dma_wait3A_205 : memref<128x128xf32, #tpu.memory_space<vmem_shared>>) dst(%dma_wait3A_203 : memref<128x128xf32, #tpu.memory_space<vmem>>)
      tpu.yield
    }) : () -> ()
    %run_scoped3A_174 = arith.constant 1 : i32
    "tpu.region"() ({
      %run_scoped3A_181 = tpu.sem_alloc : memref<!tpu.dma_semaphore, #tpu.memory_space<semaphore_mem>>
      %dma_start3A_182 = arith.constant 0 : i32
      %dma_start3A_183 = arith.constant 0 : i32
      %dma_start3A_184 = tpu.memref_slice %arg7[%run_scoped3A_174, %dma_start3A_182, %dma_start3A_183] : memref<2x128x128xf32, #tpu.memory_space<vmem>> -> memref<1x128x128xf32, #tpu.memory_space<vmem>>
      %dma_start3A_185 = tpu.memref_squeeze %dma_start3A_184 : memref<1x128x128xf32, #tpu.memory_space<vmem>> -> memref<128x128xf32, #tpu.memory_space<vmem>>
      %dma_start3A_186 = arith.constant 0 : i32
      %dma_start3A_187 = arith.constant 0 : i32
      %dma_start3A_188 = tpu.memref_slice %arg4[%arg0, %dma_start3A_186, %dma_start3A_187] : memref<2x10240x128xf32, #tpu.memory_space<hbm>> -> memref<1x10240x128xf32, #tpu.memory_space<hbm>>
      %dma_start3A_189 = tpu.memref_squeeze %dma_start3A_188 : memref<1x10240x128xf32, #tpu.memory_space<hbm>> -> memref<10240x128xf32, #tpu.memory_space<hbm>>
      %dma_start3A_190 = arith.constant 0 : i32
      %dma_start3A_191 = tpu.memref_slice %dma_start3A_189[%add3A_172, %dma_start3A_190] : memref<10240x128xf32, #tpu.memory_space<hbm>> -> memref<128x128xf32, #tpu.memory_space<hbm>>
      %dma_start3A_192 = arith.constant 0 : i32
      %dma_start3A_193 = arith.constant 0 : i32
      %dma_start3A_194 = tpu.memref_slice %arg4[%arg0, %dma_start3A_192, %dma_start3A_193] : memref<2x10240x128xf32, #tpu.memory_space<hbm>> -> memref<1x10240x128xf32, #tpu.memory_space<hbm>>
      %dma_start3A_195 = tpu.memref_squeeze %dma_start3A_194 : memref<1x10240x128xf32, #tpu.memory_space<hbm>> -> memref<10240x128xf32, #tpu.memory_space<hbm>>
      %dma_start3A_196 = arith.constant 0 : i32
      %dma_start3A_197 = tpu.memref_slice %dma_start3A_195[%add3A_172, %dma_start3A_196] : memref<10240x128xf32, #tpu.memory_space<hbm>> -> memref<128x128xf32, #tpu.memory_space<hbm>>
      %dma_start3A_198 = arith.constant 0 : i32
      %dma_start3A_199 = arith.constant 0 : i32
      %dma_start3A_200 = tpu.memref_slice %arg7[%run_scoped3A_174, %dma_start3A_198, %dma_start3A_199] : memref<2x128x128xf32, #tpu.memory_space<vmem>> -> memref<1x128x128xf32, #tpu.memory_space<vmem>>
      %dma_start3A_201 = tpu.memref_squeeze %dma_start3A_200 : memref<1x128x128xf32, #tpu.memory_space<vmem>> -> memref<128x128xf32, #tpu.memory_space<vmem>>
      tpu.enqueue_dma source(%dma_start3A_201 : memref<128x128xf32, #tpu.memory_space<vmem>>) target(%dma_start3A_197 : memref<128x128xf32, #tpu.memory_space<hbm>>) target_semaphore(%run_scoped3A_181 : memref<!tpu.dma_semaphore, #tpu.memory_space<semaphore_mem>>)
      %dma_wait3A_202 = arith.constant 0 : i32
      %dma_wait3A_203 = arith.constant 0 : i32
      %dma_wait3A_204 = tpu.memref_slice %arg7[%run_scoped3A_174, %dma_wait3A_202, %dma_wait3A_203] : memref<2x128x128xf32, #tpu.memory_space<vmem>> -> memref<1x128x128xf32, #tpu.memory_space<vmem>>
      %dma_wait3A_205 = tpu.memref_squeeze %dma_wait3A_204 : memref<1x128x128xf32, #tpu.memory_space<vmem>> -> memref<128x128xf32, #tpu.memory_space<vmem>>
      %dma_wait3A_206 = arith.constant 0 : i32
      %dma_wait3A_207 = arith.constant 0 : i32
      %dma_wait3A_208 = tpu.memref_slice %arg4[%arg0, %dma_wait3A_206, %dma_wait3A_207] : memref<2x10240x128xf32, #tpu.memory_space<hbm>> -> memref<1x10240x128xf32, #tpu.memory_space<hbm>>
      %dma_wait3A_209 = tpu.memref_squeeze %dma_wait3A_208 : memref<1x10240x128xf32, #tpu.memory_space<hbm>> -> memref<10240x128xf32, #tpu.memory_space<hbm>>
      %dma_wait3A_210 = arith.constant 0 : i32
      %dma_wait3A_211 = tpu.memref_slice %dma_wait3A_209[%add3A_172, %dma_wait3A_210] : memref<10240x128xf32, #tpu.memory_space<hbm>> -> memref<128x128xf32, #tpu.memory_space<hbm>>
      %dma_wait3A_212 = arith.constant 0 : i32
      %dma_wait3A_213 = arith.constant 0 : i32
      %dma_wait3A_214 = tpu.memref_slice %arg4[%arg0, %dma_wait3A_212, %dma_wait3A_213] : memref<2x10240x128xf32, #tpu.memory_space<hbm>> -> memref<1x10240x128xf32, #tpu.memory_space<hbm>>
      %dma_wait3A_215 = tpu.memref_squeeze %dma_wait3A_214 : memref<1x10240x128xf32, #tpu.memory_space<hbm>> -> memref<10240x128xf32, #tpu.memory_space<hbm>>
      %dma_wait3A_216 = arith.constant 0 : i32
      %dma_wait3A_217 = tpu.memref_slice %dma_wait3A_215[%add3A_172, %dma_wait3A_216] : memref<10240x128xf32, #tpu.memory_space<hbm>> -> memref<128x128xf32, #tpu.memory_space<hbm>>
      %dma_wait3A_218 = arith.constant 0 : i32
      %dma_wait3A_219 = arith.constant 0 : i32
      %dma_wait3A_220 = tpu.memref_slice %arg7[%run_scoped3A_174, %dma_wait3A_218, %dma_wait3A_219] : memref<2x128x128xf32, #tpu.memory_space<vmem>> -> memref<1x128x128xf32, #tpu.memory_space<vmem>>
      %dma_wait3A_221 = tpu.memref_squeeze %dma_wait3A_220 : memref<1x128x128xf32, #tpu.memory_space<vmem>> -> memref<128x128xf32, #tpu.memory_space<vmem>>
      tpu.wait_dma2 semaphore(%run_scoped3A_181 : memref<!tpu.dma_semaphore, #tpu.memory_space<semaphore_mem>>) src(%dma_wait3A_221 : memref<128x128xf32, #tpu.memory_space<vmem>>) dst(%dma_wait3A_217 : memref<128x128xf32, #tpu.memory_space<hbm>>)
      tpu.yield
    }) : () -> ()
    %mul3A_175 = arith.constant 640 : i32
    %mul3A_176 = arith.muli %arg1, %mul3A_175 : i32
    %add3A_177 = arith.constant 512 : i32
    %add3A_178 = arith.addi %mul3A_176, %add3A_177 : i32
    %run_scoped3A_179 = arith.constant 0 : i32
    "tpu.region"() ({
      %run_scoped3A_181 = tpu.sem_alloc : memref<!tpu.dma_semaphore, #tpu.memory_space<semaphore_mem>>
      %dma_start3A_182 = arith.constant 0 : i32
      %dma_start3A_183 = arith.constant 0 : i32
      %dma_start3A_184 = tpu.memref_slice %arg7[%run_scoped3A_179, %dma_start3A_182, %dma_start3A_183] : memref<2x128x128xf32, #tpu.memory_space<vmem>> -> memref<1x128x128xf32, #tpu.memory_space<vmem>>
      %dma_start3A_185 = tpu.memref_squeeze %dma_start3A_184 : memref<1x128x128xf32, #tpu.memory_space<vmem>> -> memref<128x128xf32, #tpu.memory_space<vmem>>
      %dma_start3A_186 = arith.constant 0 : i32
      %dma_start3A_187 = tpu.memref_slice %arg8[%add3A_178, %dma_start3A_186] : memref<10240x128xf32, #tpu.memory_space<vmem_shared>> -> memref<128x128xf32, #tpu.memory_space<vmem_shared>>
      %dma_start3A_188 = arith.constant 0 : i32
      %dma_start3A_189 = arith.constant 0 : i32
      %dma_start3A_190 = tpu.memref_slice %arg7[%run_scoped3A_179, %dma_start3A_188, %dma_start3A_189] : memref<2x128x128xf32, #tpu.memory_space<vmem>> -> memref<1x128x128xf32, #tpu.memory_space<vmem>>
      %dma_start3A_191 = tpu.memref_squeeze %dma_start3A_190 : memref<1x128x128xf32, #tpu.memory_space<vmem>> -> memref<128x128xf32, #tpu.memory_space<vmem>>
      %dma_start3A_192 = arith.constant 0 : i32
      %dma_start3A_193 = tpu.memref_slice %arg8[%add3A_178, %dma_start3A_192] : memref<10240x128xf32, #tpu.memory_space<vmem_shared>> -> memref<128x128xf32, #tpu.memory_space<vmem_shared>>
      tpu.enqueue_dma source(%dma_start3A_193 : memref<128x128xf32, #tpu.memory_space<vmem_shared>>) target(%dma_start3A_191 : memref<128x128xf32, #tpu.memory_space<vmem>>) target_semaphore(%run_scoped3A_181 : memref<!tpu.dma_semaphore, #tpu.memory_space<semaphore_mem>>)
      %dma_wait3A_194 = arith.constant 0 : i32
      %dma_wait3A_195 = arith.constant 0 : i32
      %dma_wait3A_196 = tpu.memref_slice %arg7[%run_scoped3A_179, %dma_wait3A_194, %dma_wait3A_195] : memref<2x128x128xf32, #tpu.memory_space<vmem>> -> memref<1x128x128xf32, #tpu.memory_space<vmem>>
      %dma_wait3A_197 = tpu.memref_squeeze %dma_wait3A_196 : memref<1x128x128xf32, #tpu.memory_space<vmem>> -> memref<128x128xf32, #tpu.memory_space<vmem>>
      %dma_wait3A_198 = arith.constant 0 : i32
      %dma_wait3A_199 = tpu.memref_slice %arg8[%add3A_178, %dma_wait3A_198] : memref<10240x128xf32, #tpu.memory_space<vmem_shared>> -> memref<128x128xf32, #tpu.memory_space<vmem_shared>>
      %dma_wait3A_200 = arith.constant 0 : i32
      %dma_wait3A_201 = arith.constant 0 : i32
      %dma_wait3A_202 = tpu.memref_slice %arg7[%run_scoped3A_179, %dma_wait3A_200, %dma_wait3A_201] : memref<2x128x128xf32, #tpu.memory_space<vmem>> -> memref<1x128x128xf32, #tpu.memory_space<vmem>>
      %dma_wait3A_203 = tpu.memref_squeeze %dma_wait3A_202 : memref<1x128x128xf32, #tpu.memory_space<vmem>> -> memref<128x128xf32, #tpu.memory_space<vmem>>
      %dma_wait3A_204 = arith.constant 0 : i32
      %dma_wait3A_205 = tpu.memref_slice %arg8[%add3A_178, %dma_wait3A_204] : memref<10240x128xf32, #tpu.memory_space<vmem_shared>> -> memref<128x128xf32, #tpu.memory_space<vmem_shared>>
      tpu.wait_dma2 semaphore(%run_scoped3A_181 : memref<!tpu.dma_semaphore, #tpu.memory_space<semaphore_mem>>) src(%dma_wait3A_205 : memref<128x128xf32, #tpu.memory_space<vmem_shared>>) dst(%dma_wait3A_203 : memref<128x128xf32, #tpu.memory_space<vmem>>)
      tpu.yield
    }) : () -> ()
    %run_scoped3A_180 = arith.constant 0 : i32
    "tpu.region"() ({
      %run_scoped3A_181 = tpu.sem_alloc : memref<!tpu.dma_semaphore, #tpu.memory_space<semaphore_mem>>
      %dma_start3A_182 = arith.constant 0 : i32
      %dma_start3A_183 = arith.constant 0 : i32
      %dma_start3A_184 = tpu.memref_slice %arg7[%run_scoped3A_180, %dma_start3A_182, %dma_start3A_183] : memref<2x128x128xf32, #tpu.memory_space<vmem>> -> memref<1x128x128xf32, #tpu.memory_space<vmem>>
      %dma_start3A_185 = tpu.memref_squeeze %dma_start3A_184 : memref<1x128x128xf32, #tpu.memory_space<vmem>> -> memref<128x128xf32, #tpu.memory_space<vmem>>
      %dma_start3A_186 = arith.constant 0 : i32
      %dma_start3A_187 = arith.constant 0 : i32
      %dma_start3A_188 = tpu.memref_slice %arg4[%arg0, %dma_start3A_186, %dma_start3A_187] : memref<2x10240x128xf32, #tpu.memory_space<hbm>> -> memref<1x10240x128xf32, #tpu.memory_space<hbm>>
      %dma_start3A_189 = tpu.memref_squeeze %dma_start3A_188 : memref<1x10240x128xf32, #tpu.memory_space<hbm>> -> memref<10240x128xf32, #tpu.memory_space<hbm>>
      %dma_start3A_190 = arith.constant 0 : i32
      %dma_start3A_191 = tpu.memref_slice %dma_start3A_189[%add3A_178, %dma_start3A_190] : memref<10240x128xf32, #tpu.memory_space<hbm>> -> memref<128x128xf32, #tpu.memory_space<hbm>>
      %dma_start3A_192 = arith.constant 0 : i32
      %dma_start3A_193 = arith.constant 0 : i32
      %dma_start3A_194 = tpu.memref_slice %arg4[%arg0, %dma_start3A_192, %dma_start3A_193] : memref<2x10240x128xf32, #tpu.memory_space<hbm>> -> memref<1x10240x128xf32, #tpu.memory_space<hbm>>
      %dma_start3A_195 = tpu.memref_squeeze %dma_start3A_194 : memref<1x10240x128xf32, #tpu.memory_space<hbm>> -> memref<10240x128xf32, #tpu.memory_space<hbm>>
      %dma_start3A_196 = arith.constant 0 : i32
      %dma_start3A_197 = tpu.memref_slice %dma_start3A_195[%add3A_178, %dma_start3A_196] : memref<10240x128xf32, #tpu.memory_space<hbm>> -> memref<128x128xf32, #tpu.memory_space<hbm>>
      %dma_start3A_198 = arith.constant 0 : i32
      %dma_start3A_199 = arith.constant 0 : i32
      %dma_start3A_200 = tpu.memref_slice %arg7[%run_scoped3A_180, %dma_start3A_198, %dma_start3A_199] : memref<2x128x128xf32, #tpu.memory_space<vmem>> -> memref<1x128x128xf32, #tpu.memory_space<vmem>>
      %dma_start3A_201 = tpu.memref_squeeze %dma_start3A_200 : memref<1x128x128xf32, #tpu.memory_space<vmem>> -> memref<128x128xf32, #tpu.memory_space<vmem>>
      tpu.enqueue_dma source(%dma_start3A_201 : memref<128x128xf32, #tpu.memory_space<vmem>>) target(%dma_start3A_197 : memref<128x128xf32, #tpu.memory_space<hbm>>) target_semaphore(%run_scoped3A_181 : memref<!tpu.dma_semaphore, #tpu.memory_space<semaphore_mem>>)
      %dma_wait3A_202 = arith.constant 0 : i32
      %dma_wait3A_203 = arith.constant 0 : i32
      %dma_wait3A_204 = tpu.memref_slice %arg7[%run_scoped3A_180, %dma_wait3A_202, %dma_wait3A_203] : memref<2x128x128xf32, #tpu.memory_space<vmem>> -> memref<1x128x128xf32, #tpu.memory_space<vmem>>
      %dma_wait3A_205 = tpu.memref_squeeze %dma_wait3A_204 : memref<1x128x128xf32, #tpu.memory_space<vmem>> -> memref<128x128xf32, #tpu.memory_space<vmem>>
      %dma_wait3A_206 = arith.constant 0 : i32
      %dma_wait3A_207 = arith.constant 0 : i32
      %dma_wait3A_208 = tpu.memref_slice %arg4[%arg0, %dma_wait3A_206, %dma_wait3A_207] : memref<2x10240x128xf32, #tpu.memory_space<hbm>> -> memref<1x10240x128xf32, #tpu.memory_space<hbm>>
      %dma_wait3A_209 = tpu.memref_squeeze %dma_wait3A_208 : memref<1x10240x128xf32, #tpu.memory_space<hbm>> -> memref<10240x128xf32, #tpu.memory_space<hbm>>
      %dma_wait3A_210 = arith.constant 0 : i32
      %dma_wait3A_211 = tpu.memref_slice %dma_wait3A_209[%add3A_178, %dma_wait3A_210] : memref<10240x128xf32, #tpu.memory_space<hbm>> -> memref<128x128xf32, #tpu.memory_space<hbm>>
      %dma_wait3A_212 = arith.constant 0 : i32
      %dma_wait3A_213 = arith.constant 0 : i32
      %dma_wait3A_214 = tpu.memref_slice %arg4[%arg0, %dma_wait3A_212, %dma_wait3A_213] : memref<2x10240x128xf32, #tpu.memory_space<hbm>> -> memref<1x10240x128xf32, #tpu.memory_space<hbm>>
      %dma_wait3A_215 = tpu.memref_squeeze %dma_wait3A_214 : memref<1x10240x128xf32, #tpu.memory_space<hbm>> -> memref<10240x128xf32, #tpu.memory_space<hbm>>
      %dma_wait3A_216 = arith.constant 0 : i32
      %dma_wait3A_217 = tpu.memref_slice %dma_wait3A_215[%add3A_178, %dma_wait3A_216] : memref<10240x128xf32, #tpu.memory_space<hbm>> -> memref<128x128xf32, #tpu.memory_space<hbm>>
      %dma_wait3A_218 = arith.constant 0 : i32
      %dma_wait3A_219 = arith.constant 0 : i32
      %dma_wait3A_220 = tpu.memref_slice %arg7[%run_scoped3A_180, %dma_wait3A_218, %dma_wait3A_219] : memref<2x128x128xf32, #tpu.memory_space<vmem>> -> memref<1x128x128xf32, #tpu.memory_space<vmem>>
      %dma_wait3A_221 = tpu.memref_squeeze %dma_wait3A_220 : memref<1x128x128xf32, #tpu.memory_space<vmem>> -> memref<128x128xf32, #tpu.memory_space<vmem>>
      tpu.wait_dma2 semaphore(%run_scoped3A_181 : memref<!tpu.dma_semaphore, #tpu.memory_space<semaphore_mem>>) src(%dma_wait3A_221 : memref<128x128xf32, #tpu.memory_space<vmem>>) dst(%dma_wait3A_217 : memref<128x128xf32, #tpu.memory_space<hbm>>)
      tpu.yield
    }) : () -> ()
    return
  }
}

module attributes {stable_mosaic.version = 14 : i64} {
  func.func @body(%arg0: i32, %arg1: memref<512x1xf32, #tpu.memory_space<vmem>>, %arg2: memref<512x1xf32, #tpu.memory_space<vmem>>, %arg3: memref<512x128xf32, #tpu.memory_space<vmem>>, %arg4: memref<128x128xf32, #tpu.memory_space<vmem>>, %arg5: memref<512x1xf32, #tpu.memory_space<vmem>>, %arg6: memref<512x1xf32, #tpu.memory_space<vmem>>, %arg7: memref<512x128xf32, #tpu.memory_space<vmem>>) attributes {dimension_semantics = [#tpu.dimension_semantics<arbitrary>], iteration_bounds = array<i64: 20>, scalar_prefetch = 0 : i64, scratch_operands = 0 : i64, tpu.core_type = #tpu.core_type<tc>, window_params = [{transform_indices = @transform_0, window_bounds = array<i64: 512, 1>}, {transform_indices = @transform_1, window_bounds = array<i64: 512, 1>}, {transform_indices = @transform_2, window_bounds = array<i64: 512, 128>}, {pipeline_mode = #tpu.pipeline_mode<synchronous>, transform_indices = @transform_3, window_bounds = array<i64: 128, 128>}, {transform_indices = @transform_4, window_bounds = array<i64: 512, 1>}, {transform_indices = @transform_5, window_bounds = array<i64: 512, 1>}, {transform_indices = @transform_6, window_bounds = array<i64: 512, 128>}]} {
    %get3A = arith.constant 0 : index
    %get3A_0 = arith.constant 0 : index
    %get3A_1 = vector.load %arg1[%get3A, %get3A_0] : memref<512x1xf32, #tpu.memory_space<vmem>>, vector<512x1xf32>
    %gt3A = arith.constant 0.000000e+00 : f32
    %gt3A_2 = vector.broadcast %gt3A : f32 to vector<512x1xf32>
    %gt3A_3 = arith.cmpf ogt, %get3A_1, %gt3A_2 : vector<512x1xf32>
    %max3A = arith.constant 1.000000e+00 : f32
    %max3A_4 = vector.broadcast %max3A : f32 to vector<512x1xf32>
    %max3A_5 = arith.maximumf %get3A_1, %max3A_4 : vector<512x1xf32>
    %rsqrt3A = math.rsqrt %max3A_5 : vector<512x1xf32>
    %jit3A = arith.constant 0.000000e+00 : f32
    %broadcast_in_dim3A = vector.broadcast %jit3A : f32 to vector<512x1xf32>
    %select_n3A = arith.select %gt3A_3, %rsqrt3A, %broadcast_in_dim3A : vector<512x1xi1>, vector<512x1xf32>
    %get3A_6 = arith.constant 0 : index
    %get3A_7 = arith.constant 0 : index
    %get3A_8 = vector.load %arg2[%get3A_6, %get3A_7] : memref<512x1xf32, #tpu.memory_space<vmem>>, vector<512x1xf32>
    %gt3A_9 = arith.constant 0.000000e+00 : f32
    %gt3A_10 = vector.broadcast %gt3A_9 : f32 to vector<512x1xf32>
    %gt3A_11 = arith.cmpf ogt, %get3A_8, %gt3A_10 : vector<512x1xf32>
    %max3A_12 = arith.constant 1.000000e+00 : f32
    %max3A_13 = vector.broadcast %max3A_12 : f32 to vector<512x1xf32>
    %max3A_14 = arith.maximumf %get3A_8, %max3A_13 : vector<512x1xf32>
    %rsqrt3A_15 = math.rsqrt %max3A_14 : vector<512x1xf32>
    %jit3A_16 = arith.constant 0.000000e+00 : f32
    %broadcast_in_dim3A_17 = vector.broadcast %jit3A_16 : f32 to vector<512x1xf32>
    %select_n3A_18 = arith.select %gt3A_11, %rsqrt3A_15, %broadcast_in_dim3A_17 : vector<512x1xi1>, vector<512x1xf32>
    %swap3A = arith.constant 0 : index
    %swap3A_19 = arith.constant 0 : index
    %swap3A_20 = vector.load %arg5[%swap3A, %swap3A_19] : memref<512x1xf32, #tpu.memory_space<vmem>>, vector<512x1xf32>
    tpu.vector_store %arg5[%swap3A, %swap3A_19], %select_n3A {strides = array<i32>} : memref<512x1xf32, #tpu.memory_space<vmem>>, vector<512x1xf32>,
    %swap3A_21 = arith.constant 0 : index
    %swap3A_22 = arith.constant 0 : index
    %swap3A_23 = vector.load %arg6[%swap3A_21, %swap3A_22] : memref<512x1xf32, #tpu.memory_space<vmem>>, vector<512x1xf32>
    tpu.vector_store %arg6[%swap3A_21, %swap3A_22], %select_n3A_18 {strides = array<i32>} : memref<512x1xf32, #tpu.memory_space<vmem>>, vector<512x1xf32>,
    %get3A_24 = arith.constant 0 : index
    %get3A_25 = arith.constant 0 : index
    %get3A_26 = vector.load %arg3[%get3A_24, %get3A_25] : memref<512x128xf32, #tpu.memory_space<vmem>>, vector<512x128xf32>
    %get3A_27 = arith.constant 0 : index
    %get3A_28 = arith.constant 0 : index
    %get3A_29 = vector.load %arg4[%get3A_27, %get3A_28] : memref<128x128xf32, #tpu.memory_space<vmem>>, vector<128x128xf32>
    %dot_general3A = arith.constant dense<0.000000e+00> : vector<512x128xf32>
    %dot_general3A_30 = tpu.matmul %get3A_26, %get3A_29, %dot_general3A {dimension_numbers = #tpu.dot_dimension_numbers<[1], [0], [0], [1], [0, 0, 1, 1], [], []>, transpose_lhs_hint = false} : vector<512x128xf32>, vector<128x128xf32>, vector<512x128xf32> -> vector<512x128xf32>
    %mul3A = vector.broadcast %select_n3A : vector<512x1xf32> to vector<512x128xf32>
    %mul3A_31 = arith.mulf %dot_general3A_30, %mul3A : vector<512x128xf32>
    %swap3A_32 = arith.constant 0 : index
    %swap3A_33 = arith.constant 0 : index
    %swap3A_34 = vector.load %arg7[%swap3A_32, %swap3A_33] : memref<512x128xf32, #tpu.memory_space<vmem>>, vector<512x128xf32>
    tpu.vector_store %arg7[%swap3A_32, %swap3A_33], %mul3A_31 {strides = array<i32>} : memref<512x128xf32, #tpu.memory_space<vmem>>, vector<512x128xf32>,
    return
  }
  func.func @transform_0(%arg0: i32) -> (i32, i32) {
    %c0_i32 = arith.constant 0 : i32
    %c0_i32_0 = arith.constant 0 : i32
    return %arg0, %c0_i32 : i32, i32
  }
  func.func @transform_1(%arg0: i32) -> (i32, i32) {
    %c0_i32 = arith.constant 0 : i32
    %c0_i32_0 = arith.constant 0 : i32
    return %arg0, %c0_i32 : i32, i32
  }
  func.func @transform_2(%arg0: i32) -> (i32, i32) {
    %c0_i32 = arith.constant 0 : i32
    %c0_i32_0 = arith.constant 0 : i32
    return %arg0, %c0_i32 : i32, i32
  }
  func.func @transform_3(%arg0: i32) -> (i32, i32) {
    %c0_i32 = arith.constant 0 : i32
    %c0_i32_0 = arith.constant 0 : i32
    %c0_i32_1 = arith.constant 0 : i32
    return %c0_i32, %c0_i32_0 : i32, i32
  }
  func.func @transform_4(%arg0: i32) -> (i32, i32) {
    %c0_i32 = arith.constant 0 : i32
    %c0_i32_0 = arith.constant 0 : i32
    return %arg0, %c0_i32 : i32, i32
  }
  func.func @transform_5(%arg0: i32) -> (i32, i32) {
    %c0_i32 = arith.constant 0 : i32
    %c0_i32_0 = arith.constant 0 : i32
    return %arg0, %c0_i32 : i32, i32
  }
  func.func @transform_6(%arg0: i32) -> (i32, i32) {
    %c0_i32 = arith.constant 0 : i32
    %c0_i32_0 = arith.constant 0 : i32
    return %arg0, %c0_i32 : i32, i32
  }
}

module attributes {stable_mosaic.version = 14 : i64} {
  func.func @body(%arg0: i32, %arg1: memref<2x512x128xf32, #tpu.memory_space<vmem>>, %arg2: memref<512x1xf32, #tpu.memory_space<vmem>>, %arg3: memref<1x128xf32, #tpu.memory_space<vmem>>, %arg4: memref<128x128xf32, #tpu.memory_space<vmem>>, %arg5: memref<512x1xf32, #tpu.memory_space<vmem>>, %arg6: memref<512x128xf32, #tpu.memory_space<vmem>>, %arg7: memref<512x128xf32, #tpu.memory_space<vmem>>) attributes {dimension_semantics = [#tpu.dimension_semantics<arbitrary>], iteration_bounds = array<i64: 20>, scalar_prefetch = 0 : i64, scratch_operands = 0 : i64, tpu.core_type = #tpu.core_type<tc>, window_params = [{transform_indices = @transform_0, window_bounds = array<i64: 2, 512, 128>}, {transform_indices = @transform_1, window_bounds = array<i64: 512, 1>}, {pipeline_mode = #tpu.pipeline_mode<synchronous>, transform_indices = @transform_2, window_bounds = array<i64: 1, 128>}, {pipeline_mode = #tpu.pipeline_mode<synchronous>, transform_indices = @transform_3, window_bounds = array<i64: 128, 128>}, {transform_indices = @transform_4, window_bounds = array<i64: 512, 1>}, {transform_indices = @transform_5, window_bounds = array<i64: 512, 128>}, {transform_indices = @transform_6, window_bounds = array<i64: 512, 128>}]} {
    %get3A = arith.constant 0 : index
    %get3A_0 = arith.constant 0 : index
    %get3A_1 = arith.constant 0 : index
    %get3A_2 = vector.load %arg1[%get3A, %get3A_0, %get3A_1] : memref<2x512x128xf32, #tpu.memory_space<vmem>>, vector<1x512x128xf32>
    %get3A_3 = vector.shape_cast %get3A_2 : vector<1x512x128xf32> to vector<512x128xf32>
    %get3A_4 = arith.constant 1 : index
    %get3A_5 = arith.constant 0 : index
    %get3A_6 = arith.constant 0 : index
    %get3A_7 = vector.load %arg1[%get3A_4, %get3A_5, %get3A_6] : memref<2x512x128xf32, #tpu.memory_space<vmem>>, vector<1x512x128xf32>
    %get3A_8 = vector.shape_cast %get3A_7 : vector<1x512x128xf32> to vector<512x128xf32>
    %add3A = arith.addf %get3A_3, %get3A_8 : vector<512x128xf32>
    %get3A_9 = arith.constant 0 : index
    %get3A_10 = arith.constant 0 : index
    %get3A_11 = vector.load %arg2[%get3A_9, %get3A_10] : memref<512x1xf32, #tpu.memory_space<vmem>>, vector<512x1xf32>
    %mul3A = vector.broadcast %get3A_11 : vector<512x1xf32> to vector<512x128xf32>
    %mul3A_12 = arith.mulf %add3A, %mul3A : vector<512x128xf32>
    %get3A_13 = arith.constant 0 : index
    %get3A_14 = arith.constant 0 : index
    %get3A_15 = vector.load %arg3[%get3A_13, %get3A_14] : memref<1x128xf32, #tpu.memory_space<vmem>>, vector<1x128xf32>
    %add3A_16 = vector.broadcast %get3A_15 : vector<1x128xf32> to vector<512x128xf32>
    %add3A_17 = arith.addf %mul3A_12, %add3A_16 : vector<512x128xf32>
    %max3A = arith.constant 0.000000e+00 : f32
    %max3A_18 = vector.broadcast %max3A : f32 to vector<512x128xf32>
    %max3A_19 = arith.maximumf %add3A_17, %max3A_18 : vector<512x128xf32>
    %swap3A = arith.constant 0 : index
    %swap3A_20 = arith.constant 0 : index
    %swap3A_21 = vector.load %arg6[%swap3A, %swap3A_20] : memref<512x128xf32, #tpu.memory_space<vmem>>, vector<512x128xf32>
    tpu.vector_store %arg6[%swap3A, %swap3A_20], %max3A_19 {strides = array<i32>} : memref<512x128xf32, #tpu.memory_space<vmem>>, vector<512x128xf32>,
    %get3A_22 = arith.constant 0 : index
    %get3A_23 = arith.constant 0 : index
    %get3A_24 = vector.load %arg4[%get3A_22, %get3A_23] : memref<128x128xf32, #tpu.memory_space<vmem>>, vector<128x128xf32>
    %dot_general3A = arith.constant dense<0.000000e+00> : vector<512x128xf32>
    %dot_general3A_25 = tpu.matmul %max3A_19, %get3A_24, %dot_general3A {dimension_numbers = #tpu.dot_dimension_numbers<[1], [0], [0], [1], [0, 0, 1, 1], [], []>, transpose_lhs_hint = false} : vector<512x128xf32>, vector<128x128xf32>, vector<512x128xf32> -> vector<512x128xf32>
    %get3A_26 = arith.constant 0 : index
    %get3A_27 = arith.constant 0 : index
    %get3A_28 = vector.load %arg5[%get3A_26, %get3A_27] : memref<512x1xf32, #tpu.memory_space<vmem>>, vector<512x1xf32>
    %mul3A_29 = vector.broadcast %get3A_28 : vector<512x1xf32> to vector<512x128xf32>
    %mul3A_30 = arith.mulf %dot_general3A_25, %mul3A_29 : vector<512x128xf32>
    %swap3A_31 = arith.constant 0 : index
    %swap3A_32 = arith.constant 0 : index
    %swap3A_33 = vector.load %arg7[%swap3A_31, %swap3A_32] : memref<512x128xf32, #tpu.memory_space<vmem>>, vector<512x128xf32>
    tpu.vector_store %arg7[%swap3A_31, %swap3A_32], %mul3A_30 {strides = array<i32>} : memref<512x128xf32, #tpu.memory_space<vmem>>, vector<512x128xf32>,
    return
  }
  func.func @transform_0(%arg0: i32) -> (i32, i32, i32) {
    %c0_i32 = arith.constant 0 : i32
    %c0_i32_0 = arith.constant 0 : i32
    %c0_i32_1 = arith.constant 0 : i32
    return %c0_i32, %arg0, %c0_i32_0 : i32, i32, i32
  }
  func.func @transform_1(%arg0: i32) -> (i32, i32) {
    %c0_i32 = arith.constant 0 : i32
    %c0_i32_0 = arith.constant 0 : i32
    return %arg0, %c0_i32 : i32, i32
  }
  func.func @transform_2(%arg0: i32) -> (i32, i32) {
    %c0_i32 = arith.constant 0 : i32
    %c0_i32_0 = arith.constant 0 : i32
    %c0_i32_1 = arith.constant 0 : i32
    return %c0_i32, %c0_i32_0 : i32, i32
  }
  func.func @transform_3(%arg0: i32) -> (i32, i32) {
    %c0_i32 = arith.constant 0 : i32
    %c0_i32_0 = arith.constant 0 : i32
    %c0_i32_1 = arith.constant 0 : i32
    return %c0_i32, %c0_i32_0 : i32, i32
  }
  func.func @transform_4(%arg0: i32) -> (i32, i32) {
    %c0_i32 = arith.constant 0 : i32
    %c0_i32_0 = arith.constant 0 : i32
    return %arg0, %c0_i32 : i32, i32
  }
  func.func @transform_5(%arg0: i32) -> (i32, i32) {
    %c0_i32 = arith.constant 0 : i32
    %c0_i32_0 = arith.constant 0 : i32
    return %arg0, %c0_i32 : i32, i32
  }
  func.func @transform_6(%arg0: i32) -> (i32, i32) {
    %c0_i32 = arith.constant 0 : i32
    %c0_i32_0 = arith.constant 0 : i32
    return %arg0, %c0_i32 : i32, i32
  }
}

module attributes {stable_mosaic.version = 14 : i64} {
  func.func @body(%arg0: i32, %arg1: memref<2x512x128xf32, #tpu.memory_space<vmem>>, %arg2: memref<512x1xf32, #tpu.memory_space<vmem>>, %arg3: memref<1x128xf32, #tpu.memory_space<vmem>>, %arg4: memref<512x128xf32, #tpu.memory_space<vmem>>) attributes {dimension_semantics = [#tpu.dimension_semantics<arbitrary>], iteration_bounds = array<i64: 20>, scalar_prefetch = 0 : i64, scratch_operands = 0 : i64, tpu.core_type = #tpu.core_type<tc>, window_params = [{transform_indices = @transform_0, window_bounds = array<i64: 2, 512, 128>}, {transform_indices = @transform_1, window_bounds = array<i64: 512, 1>}, {pipeline_mode = #tpu.pipeline_mode<synchronous>, transform_indices = @transform_2, window_bounds = array<i64: 1, 128>}, {transform_indices = @transform_3, window_bounds = array<i64: 512, 128>}]} {
    %get3A = arith.constant 0 : index
    %get3A_0 = arith.constant 0 : index
    %get3A_1 = arith.constant 0 : index
    %get3A_2 = vector.load %arg1[%get3A, %get3A_0, %get3A_1] : memref<2x512x128xf32, #tpu.memory_space<vmem>>, vector<1x512x128xf32>
    %get3A_3 = vector.shape_cast %get3A_2 : vector<1x512x128xf32> to vector<512x128xf32>
    %get3A_4 = arith.constant 1 : index
    %get3A_5 = arith.constant 0 : index
    %get3A_6 = arith.constant 0 : index
    %get3A_7 = vector.load %arg1[%get3A_4, %get3A_5, %get3A_6] : memref<2x512x128xf32, #tpu.memory_space<vmem>>, vector<1x512x128xf32>
    %get3A_8 = vector.shape_cast %get3A_7 : vector<1x512x128xf32> to vector<512x128xf32>
    %add3A = arith.addf %get3A_3, %get3A_8 : vector<512x128xf32>
    %get3A_9 = arith.constant 0 : index
    %get3A_10 = arith.constant 0 : index
    %get3A_11 = vector.load %arg2[%get3A_9, %get3A_10] : memref<512x1xf32, #tpu.memory_space<vmem>>, vector<512x1xf32>
    %mul3A = vector.broadcast %get3A_11 : vector<512x1xf32> to vector<512x128xf32>
    %mul3A_12 = arith.mulf %add3A, %mul3A : vector<512x128xf32>
    %get3A_13 = arith.constant 0 : index
    %get3A_14 = arith.constant 0 : index
    %get3A_15 = vector.load %arg3[%get3A_13, %get3A_14] : memref<1x128xf32, #tpu.memory_space<vmem>>, vector<1x128xf32>
    %add3A_16 = vector.broadcast %get3A_15 : vector<1x128xf32> to vector<512x128xf32>
    %add3A_17 = arith.addf %mul3A_12, %add3A_16 : vector<512x128xf32>
    %swap3A = arith.constant 0 : index
    %swap3A_18 = arith.constant 0 : index
    %swap3A_19 = vector.load %arg4[%swap3A, %swap3A_18] : memref<512x128xf32, #tpu.memory_space<vmem>>, vector<512x128xf32>
    tpu.vector_store %arg4[%swap3A, %swap3A_18], %add3A_17 {strides = array<i32>} : memref<512x128xf32, #tpu.memory_space<vmem>>, vector<512x128xf32>,
    return
  }
  func.func @transform_0(%arg0: i32) -> (i32, i32, i32) {
    %c0_i32 = arith.constant 0 : i32
    %c0_i32_0 = arith.constant 0 : i32
    %c0_i32_1 = arith.constant 0 : i32
    return %c0_i32, %arg0, %c0_i32_0 : i32, i32, i32
  }
  func.func @transform_1(%arg0: i32) -> (i32, i32) {
    %c0_i32 = arith.constant 0 : i32
    %c0_i32_0 = arith.constant 0 : i32
    return %arg0, %c0_i32 : i32, i32
  }
  func.func @transform_2(%arg0: i32) -> (i32, i32) {
    %c0_i32 = arith.constant 0 : i32
    %c0_i32_0 = arith.constant 0 : i32
    %c0_i32_1 = arith.constant 0 : i32
    return %c0_i32, %c0_i32_0 : i32, i32
  }
  func.func @transform_3(%arg0: i32) -> (i32, i32) {
    %c0_i32 = arith.constant 0 : i32
    %c0_i32_0 = arith.constant 0 : i32
    return %arg0, %c0_i32 : i32, i32
  }
}

</mosaic_0001>

<sc_bundles>
// kernel: kernel.10.cloned.1.call-start
scs
__scs_entry_jumppad:
0x0: {  	(pc) =	sbr.rel $0x88, $3  }
0x1: {  	(tag) =	ssettag $0x0;
	lr =	simm.s32 $0x1  }
0x2: {  	[smem:$0x3F99] =	sst lr;
	_ =	strace $0xD0000000  }
0x3: {  	_ = 	snop  }
0x4: {  	_ = 	snop  }
0x5: {  	_ = 	snop  }
0x6: {  	_ = 	snop  }
0x7: {  	_ = 	snop  }
__scs_overlays_trampoline_lowered:
0x8: {  	[smem:$0x3FA8] =	sst s0  }
0x9: {  	[smem:$0x3FA9] =	sst s1  }
0xa: {  	[smem:$0x3FAA] =	sst s2  }
0xb: {  	[smem:$0x3FAB] =	sst s3  }
0xc: {  	[smem:$0x3FAC] =	sst s4  }
0xd: {  	[smem:$0x3FAD] =	sst s5  }
0xe: {  	[smem:$0x3FAE] =	sst s6  }
0xf: {  	[smem:$0x3FAF] =	sst s7  }
0x10: {  	[smem:$0x3FB0] =	sst s8  }
0x11: {  	[smem:$0x3FB1] =	sst s9;
	s0 =	simm.s32 @!p0 $0x0  }
0x12: {  	s1 =	sld [smem:$0x3F97];
	s0 =	simm.s32 @p0 $0x1  }
0x13: {  	[smem:$0x3FB2] =	sst s0;
	s0 =	simm.s32 @!p1 $0x0  }
0x14: {  	s2 =	sld [smem:$0x3F96];
	s0 =	simm.s32 @p1 $0x1  }
0x15: {  	[smem:$0x3FB3] =	sst s0;
	s0 =	simm.s32 @!p2 $0x0  }
0x16: {  	s3 =	sld [smem:$0x3FDB];
	s0 =	simm.s32 @p2 $0x1  }
0x17: {  	s4 =	simm.s32 $0x1BF5;
	[smem:$0x3FB5] =	sst s0  }
0x18: {  	s0 =	sld [smem:$0x3F98];
	_ =	swait.ge [sflag:s4], $0x0  }
0x19: {  	s7 =	sld [smem:$0x3F99]  }
0x1a: {  	s8 =	sadd.s32 $0xFFFFE003, lr  }
0x1b: {  	s9 =	sadd.s32 $0xFFFFFEF7, lr;
	s5 =	simm.s32 $0xFFFFFFFF;
	p2 =	slt.u32 s8, $0xFFFFF086  }
0x1c: {  	p1 =	slt.u32 s9, $0xF7A;
	s5 =	simm.s32 @!p2 $0x0  }
0x1d: {  	s5 =	simm.s32 @p1 $0x1;
	p0 =	seq.s32 s7, s2  }
0x1e: {  	s7 =	smul.u32 @!p0 $0xF7A, s2;
	p2 =	seq.s32 @!p0 s5, $0x0  }
0x1f: {  	s9 =	smul.u32 $0xF7A, s1;
	s8 =	simm.s32 @!p0 $0x1BF5;
	p2 =	por !p2, p0  }
0x20: {  	[sflag:s8] =	ssyncset.s32 @!p0 $0xFFFFF086;
	s6 =	sadd.s32 @!p0 s3, s7;
	s7 =	simm.s32 @!p0 $0x108  }
0x21: {  	s3 =	sadd.s32 s3, s9;
	s6 =	sadd.s32 @!p0 $0x88, s6;
	s7 =	simm.s32 @p2 $0x1082  }
0x22: {  	[simem:s7], [sflag:s8] =	dma.local @!p0 [hbm:s6], $0xF7A  }
0x23: {  	s9 =	sor.u32 $0xD0000000, s2;
	s6 =	simm.s32 $0x108;
	_ =	swait.ge @!p0 [sflag:s8], $0x0  }
0x24: {  	s3 =	sadd.s32 $0x88, s3;
	s6 =	simm.s32 @!p1 $0x1082;
	[sflag:s4] =	ssyncset.s32 $0xFFFFF086  }
0x25: {  	[simem:s6], [sflag:s4] =	dma.local [hbm:s3], $0xF7A  }
0x26: {  	[smem:$0x3F99] =	sst s1;
	(tag) =	ssettag s2;
	_ =	strace s9  }
0x27: {  	s1 =	sld [smem:$0x3FA9]  }
0x28: {  	s2 =	sld [smem:$0x3FAA]  }
0x29: {  	s4 =	sld [smem:$0x3FAC]  }
0x2a: {  	p0 =	seq.s32 s5, $0x0;
	s5 =	sld [smem:$0x3FAD]  }
0x2b: {  	s6 =	sld [smem:$0x3FAE]  }
0x2c: {  	s7 =	sld [smem:$0x3FAF]  }
0x2d: {  	s3 =	simm.s32 $0x108;
	s8 =	sld [smem:$0x3FB0]  }
0x2e: {  	s3 =	simm.s32 @!p0 $0x1082;
	s9 =	sld [smem:$0x3FB1]  }
0x2f: {  	lr =	sadd.s32 s0, s3;
	s0 =	sld [smem:$0x3FA8]  }
0x30: {  	s3 =	sld [smem:$0x3FAB]  }
0x31: {  	[smem:$0x3FB4] =	sst s10  }
0x32: {  	s10 =	sld [smem:$0x3FB2];
	_ =	sdelay $0x3  }
0x33: {  	p0 =	seq.s32 s10, $0x1;
	s10 =	sld [smem:$0x3FB4];
	_ =	sdelay $0x3  }
0x34: {  	[smem:$0x3FB4] =	sst s10  }
0x35: {  	s10 =	sld [smem:$0x3FB3];
	_ =	sdelay $0x3  }
0x36: {  	p1 =	seq.s32 s10, $0x1;
	s10 =	sld [smem:$0x3FB4];
	_ =	sdelay $0x3  }
0x37: {  	[smem:$0x3FB4] =	sst s10  }
0x38: {  	s10 =	sld [smem:$0x3FB5]  }
0x39: {  	_ = 	snop;
	(pc) =	sbr.ind lr, $3  }
0x3a: {  	_ = 	snop  }
0x3b: {  	_ = 	snop  }
0x3c: {  	p2 =	seq.s32 s10, $0x1;
	s10 =	sld [smem:$0x3FB4]  }
0x3d: {  	_ =	shalt  }
0x3e: {  	_ =	shalt  }
0x3f: {  	_ =	shalt  }
0x40: {  	_ =	shalt  }
0x41: {  	_ =	shalt  }
0x42: {  	_ =	shalt  }
0x43: {  	_ =	shalt  }
0x44: {  	_ =	shalt  }
0x45: {  	_ =	shalt  }
0x46: {  	_ =	shalt  }
0x47: {  	_ =	shalt  }
0x48: {  	_ =	shalt  }
0x49: {  	_ =	shalt  }
0x4a: {  	_ =	shalt  }
0x4b: {  	_ =	shalt  }
0x4c: {  	_ =	shalt  }
0x4d: {  	_ =	shalt  }
0x4e: {  	_ =	shalt  }
0x4f: {  	_ =	shalt  }
0x50: {  	_ =	shalt  }
0x51: {  	_ =	shalt  }
0x52: {  	_ =	shalt  }
0x53: {  	_ =	shalt  }
0x54: {  	_ =	shalt  }
0x55: {  	_ =	shalt  }
0x56: {  	_ =	shalt  }
0x57: {  	_ =	shalt  }
0x58: {  	_ =	shalt  }
0x59: {  	_ =	shalt  }
0x5a: {  	_ =	shalt  }
0x5b: {  	_ =	shalt  }
0x5c: {  	_ =	shalt  }
0x5d: {  	_ =	shalt  }
0x5e: {  	_ =	shalt  }
0x5f: {  	_ =	shalt  }
0x60: {  	_ =	shalt  }
0x61: {  	_ =	shalt  }
0x62: {  	_ =	shalt  }
0x63: {  	_ =	shalt  }
0x64: {  	_ =	shalt  }
0x65: {  	_ =	shalt  }
0x66: {  	_ =	shalt  }
0x67: {  	_ =	shalt  }
0x68: {  	_ =	shalt  }
0x69: {  	_ =	shalt  }
0x6a: {  	_ =	shalt  }
0x6b: {  	_ =	shalt  }
0x6c: {  	_ =	shalt  }
0x6d: {  	_ =	shalt  }
0x6e: {  	_ =	shalt  }
0x6f: {  	_ =	shalt  }
0x70: {  	_ =	shalt  }
0x71: {  	_ =	shalt  }
0x72: {  	_ =	shalt  }
0x73: {  	_ =	shalt  }
0x74: {  	_ =	shalt  }
0x75: {  	_ =	shalt  }
0x76: {  	_ =	shalt  }
0x77: {  	_ =	shalt  }
0x78: {  	_ =	shalt  }
0x79: {  	_ =	shalt  }
0x7a: {  	_ =	shalt  }
0x7b: {  	_ =	shalt  }
0x7c: {  	_ =	shalt  }
0x7d: {  	_ =	shalt  }
0x7e: {  	_ =	shalt  }
0x7f: {  	_ =	shalt  }
0x80: {  	_ =	shalt  }
0x81: {  	_ =	shalt  }
0x82: {  	_ =	shalt  }
0x83: {  	_ =	shalt  }
0x84: {  	_ =	shalt  }
0x85: {  	_ =	shalt  }
0x86: {  	_ =	shalt  }
0x87: {  	_ =	shalt  }
.Lfunc_end0:
.L_simem_size_0:
called_computation_lowered:
.L_overlay_start_0:
0x88: {  	s2 =	sld [smem:$0x3FD9]  }
0x89: {  	s3 =	sld [smem:$0x3FFE];
	_ =	sdelay $0x1  }
0x8a: {  	s1 =	srdreg.scid  }
0x8b: {  	s0 =	sand.u32 $0x1, s1  }
0x8c: {  	s14 =	sshll.u32 s0, $0xA;
	s2 =	sadd.s32 s3, s2  }
0x8d: {  	s2 =	sadd.s32 s2, s14  }
0x8e: {  	[smem:$0x3FC0] =	sst s2  }
0x8f: {  	_ = 	snop  }
0x90: {  	s2 =	sld [smem:$0x3FD0];
	_ =	sdelay $0x2  }
0x91: {  	s15 =	simm.s32 $0xA;
	s4 =	simm.s32 $0x10  }
0x92: {  	[smem:s4], [sflag:s15] =	dma.local [hbm:s2], $0x1  }
0x93: {  	_ =	swait.eq [sflag:s15], $0x1  }
0x94: {  	[sflag:s15] =	ssyncset.done $0x0  }
0x95: {  	[sflag:s15] =	ssyncadd.s32 $0xFFFFFFFF  }
0x96: {  	s16 =	sld [smem:$0x13];
	(tm) =	ssettm $0x1  }
0x97: {  	s17 =	sld [smem:$0x3FFB];
	_ =	sdelay $0x3  }
0x98: {  	_ =	strace s17  }
0x99: {  	s3 =	sld [smem:$0x3FFC];
	_ =	sdelay $0x3  }
0x9a: {  	_ =	strace s3  }
0x9b: {  	s3 =	sld [smem:$0x3FFD];
	_ =	sdelay $0x3  }
0x9c: {  	_ =	strace s3  }
0x9d: {  	_ =	strace $0x8FFFFFFF  }
0x9e: {  	s18 =	sld [smem:$0x3FDB];
	_ =	sdelay $0x1  }
0x9f: {  	s19 =	simm.s32 $_scs_section_size  }
0xa0: {  	s5 =	simm.s32 $_size__tile_overlayer_lowered;
	s6 =	simm.s32 $_tile_overlayer_lowered  }
0xa1: {  	s22 =	simm.s32 $0x1BFF;
	s21 =	sshll.u32 s6, $0x1;
	s3 =	sadd.s32 s19, s18  }
0xa2: {  	s7 =	simm.s32 $0x0;
	s20 =	sshll.u32 s5, $0x1;
	s5 =	sadd.s32 s21, s3  }
0xa3: {  	[timem:s7], [sflag:s22] =	dma.local [hbm:s5], s20  }
0xa4: {  	_ =	swait.ge [sflag:s22], s20  }
0xa5: {  	s4 =	ssub.s32 $0x0, s20;
	[sflag:s22] =	ssyncset.done $0x0  }
0xa6: {  	[sflag:s22] =	ssyncadd.s32 s4;
	_ =	sdelay $0x1  }
0xa7: {  	s23 =	simm.s32 $0x1B8B  }
0xa8: {  	_ =	swait.ge [sflag:s23], $0x1  }
0xa9: {  	[sflag:s23] =	ssyncset.done $0x0  }
0xaa: {  	s25 =	simm.s32 $0x1B8E;
	s24 =	sld [smem:$0x3FFE];
	[sflag:s23] =	ssyncadd.s32 $0xFFFFFFFF  }
0xab: {  	s26 =	simm.s32 $execute0_lowered;
	[smem:$0x3FD2] =	sst s25  }
0xac: {  	s5 =	sshll.u32 s26, $0x1;
	_ =	strace $0x80000046;
	[dreg:$0x1] =	wrdreg $0xFFFFFFFF  }
0xad: {  	s28 =	simm.s32 $_size_execute0_lowered;
	s3 =	sadd.s32 s3, s5;
	[dreg:$0x0] =	wrdreg $0x0  }
0xae: {  	s5 =	sshll.u32 s28, $0x1;
	[dreg:$0x2] =	wrdreg s3  }
0xaf: {  	[dreg:$0x3] =	wrdreg s5  }
0xb0: {  	[dreg:$0x4] =	wrdreg $0xC0  }
0xb1: {  	_ =	task [dreg:s7], $0x5FFFF  }
0xb2: {  	[dreg:$0x1] =	wrdreg $0xFFFFFFFF  }
0xb3: {  	[dreg:$0x0] =	wrdreg $0x60  }
0xb4: {  	[dreg:$0x2] =	wrdreg s16  }
0xb5: {  	[dreg:$0x3] =	wrdreg s24  }
0xb6: {  	[dreg:$0x4] =	wrdreg $0x90800  }
0xb7: {  	[dreg:$0x5] =	wrdreg $0x9  }
0xb8: {  	_ =	task.clear_ibuf [dreg:s7], $0x6FFFF;
	_ =	strace $0x90000046  }
0xb9: {  	s29 =	simm.s32 $0x9;
	_ =	strace $0x80000048  }
0xba: {  	_ =	swait.ge [sflag:s29], $0x1  }
0xbb: {  	[sflag:s29] =	ssyncadd.s32 $0xFFFFFFFF  }
0xbc: {  	_ =	strace $0x90000048  }
0xbd: {  	_ =	sfence  }
0xbe: {  	s30 =	sld [smem:$0x0];
	_ =	sdelay $0x2  }
0xbf: {  	s31 =	sshll.u32 s1, $0xD;
	s1 =	sshrl.u32 s1, $0x2  }
0xc0: {  	s3 =	sand.u32 $0x4000, s31;
	s1 =	sadd.s32 s1, s30  }
0xc1: {  	s0 =	sor.u32 s3, s0;
	s1 =	sshll.u32 s1, $0x11  }
0xc2: {  	s0 =	sor.u32 s1, s0  }
0xc3: {  	s0 =	sadd.s32 $0x8F2B, s0  }
0xc4: {  	[sflag:s0] =	ssyncadd.remote.s32 $0x1  }
0xc5: {  	_ =	sfence.sel $0xFFFF  }
0xc6: {  	[dreg:$0x0] =	wrdreg $0xFFFFFFFF;
	(pc) =	sbr.abs _section_cstart, $3  }
0xc7: {  	[dreg:$0x1] =	wrdreg $0xFFFFFFFF  }
0xc8: {  	_ =	task.clear_ibuf [dreg:s7], $0x2FFFF;
	_ =	strace $0x9FFFFFFF  }
0xc9: {  	(tm) =	ssettm $0x7FFFFFFF  }
tec
execute0_lowered:
.L_overlay_start_1:
0x0: {  	(tag) =	ssettag $0x1  }
0x1: {  	s1 =	rddreg [dreg:$0x0];
	s3 =	srdreg.scid  }
0x2: {  	s5 =	rddreg [dreg:$0x1];
	s6 =	sand.u32 $0x1, s3  }
0x3: {  	s3 =	stileid.u32;
	s7 =	smul.u32 $0x28000, s6  }
0x4: {  	s2 =	rddreg [dreg:$0x2];
	s8 =	smul.u32 $0x50000, s3  }
0x5: {  	s0 =	rddreg [dreg:$0x3];
	s4 =	simm.s32 $0x0;
	s10 =	smul.u32 $0x280, s3  }
0x6: {  	[smem:$0x7FF] =	sst s4;
	s9 =	ssub.s32 $0x2, s6;
	s29 =	smul.u32 $0xA00, s6  }
0x7: {  	_ =	strace $0x80000047;
	s31 =	smul.u32 $0xA0, s3;
	s25 =	sshrl.u32 s9, $0x1  }
0x8: {  	s11 =	sadd.s32 s7, s5;
	s26 =	sshrl.u32 s8, $0x2;
	s12 =	ssub.s32 s9, s25  }
0x9: {  	s13 =	sadd.s32 $0x80, s10;
	s14 =	sadd.s32 $0x100, s10;
	s15 =	sadd.s32 $0x180, s10  }
0xa: {  	s10 =	sadd.s32 $0x200, s10;
	s18 =	sadd.s32 s31, s29;
	s5 =	sadd.s32 s26, s2  }
0xb: {  	s28 =	sshll.u32 s13, $0x7;
	s30 =	sshll.u32 s14, $0x7;
	s16 =	sshll.u32 s15, $0x7  }
0xc: {  	s17 =	sshll.u32 s10, $0x7;
	s21 =	sadd.s32 $0x2E00, s11;
	s19 =	sshll.u32 s13, $0x4  }
0xd: {  	s20 =	sshll.u32 s14, $0x4;
	s22 =	sshll.u32 s15, $0x4;
	s23 =	sshll.u32 s10, $0x4  }
0xe: {  	s10 =	smax.u32 s12, $0x1;
	s15 =	sor.u32 $0x10, s18;
	s29 =	sadd.s32 $0x20, s18  }
0xf: {  	s31 =	sadd.s32 $0x40, s18;
	s24 =	sadd.s32 $0x60, s18;
	s25 =	sadd.s32 $0x70, s18  }
0x10: {  	s26 =	sadd.s32 $0x80, s18;
	s11 =	simm.s32 $0x5080;
	s12 =	simm.s32 $0x2  }
0x11: {  	s13 =	simm.s32 $0x50;
	s14 =	simm.s32 $0x80;
	s6 =	sadd.s32 s28, s2  }
0x12: {  	v9 =	vlaneseq.u32;
	s7 =	sadd.s32 s30, s2;
	s8 =	sadd.s32 s16, s2;
	s9 =	sadd.s32 s17, s2  }
0x13: {  	v10 =	vimm.f32 $0.0e+00;
	v11 =	vimm.f32 $1.000000000e+00;
	v0 =	vor.u32 s18, v9;
	s16 =	sadd.s32 $0x50, s18;
	s17 =	smul.u32 $0x2800, s3;
	s30 =	sadd.s32 $0x30, s18  }
0x14: {  	s28 =	sadd.s32 $0x90, s18;
	v1 =	vor.u32 s15, v9;
	v2 =	vor.u32 s29, v9;
	v4 =	vor.u32 s31, v9;
	s15 =	simm.s32 $0x1;
	s18 =	sadd.s32 s19, s21  }
0x15: {  	v6 =	vor.u32 s24, v9;
	v7 =	vor.u32 s25, v9;
	v8 =	vor.u32 s26, v9;
	s19 =	sadd.s32 s20, s21;
	s20 =	sadd.s32 s22, s21;
	s22 =	simm.s32 $0x0  }
0x16: {  	v3 =	vor.u32 s30, v9;
	v5 =	vor.u32 s16, v9;
	s16 =	simm.s32 $0x2880;
	v9 =	vor.u32 s28, v9;
	s17 =	sadd.s32 s17, s21;
	s21 =	sadd.s32 s23, s21  }
.LBB2_1:
0x17: {  	s23 =	simm.s32 $0x0;
	s24 =	simm.s32 $0x200  }
.LBB2_2:
0x18: {  	p0 =	sne.s32 s24, $0xFE00;
	[tilespmem:s23+$0x50F0] =	vst v10  }
0x19: {  	[tilespmem:s23+$0x5080] =	vst v10  }
0x1a: {  	[tilespmem:s23+$0x5090] =	vst v10  }
.Ltmp0:
0x1b: {  	[tilespmem:s23+$0x50A0] =	vst v10;
	(pc) =	sbr.rel @p0 .LBB2_2-.Ltmp0, $4  }
0x1c: {  	[tilespmem:s23+$0x50B0] =	vst v10  }
0x1d: {  	[tilespmem:s23+$0x50C0] =	vst v10  }
0x1e: {  	[tilespmem:s23+$0x50D0] =	vst v10  }
0x1f: {  	[tilespmem:s23+$0x50E0] =	vst v10;
	s23 =	sshra.s32 s24, $0x2;
	s24 =	sadd.s32 $0x200, s24  }
0x20: {  	[tilespmem:s23+$0x50F0] =	vst v10  }
0x21: {  	[tilespmem:s23+$0x5080] =	vst v10  }
0x22: {  	[tilespmem:s23+$0x5090] =	vst v10  }
0x23: {  	[tilespmem:s23+$0x50A0] =	vst v10  }
0x24: {  	[tilespmem:s23+$0x50B0] =	vst v10  }
0x25: {  	[tilespmem:s23+$0x50C0] =	vst v10  }
0x26: {  	[tilespmem:s23+$0x50D0] =	vst v10  }
0x27: {  	[tilespmem:s23+$0x50E0] =	vst v10  }
0x28: {  	[spmem:s5] =	stream.linear.scatter [tilespmem:s11], [sflag:$0x2], $0x4000, $0x38;
	[tilespmem:$0x1D080] =	vst v63  }
0x29: {  	_ =	swait.ge [sflag:s12], $0x4000  }
0x2a: {  	[sflag:s12] =	ssyncset.done $0x0  }
0x2b: {  	[sflag:s12] =	ssyncadd.s32 $0xFFFFC000  }
0x2c: {  	[spmem:s6] =	stream.linear.scatter [tilespmem:s11], [sflag:$0x2], $0x4000, $0x38;
	[tilespmem:$0x1D080] =	vst v63  }
0x2d: {  	_ =	swait.ge [sflag:s12], $0x4000  }
0x2e: {  	[sflag:s12] =	ssyncset.done $0x0  }
0x2f: {  	[sflag:s12] =	ssyncadd.s32 $0xFFFFC000  }
0x30: {  	[spmem:s7] =	stream.linear.scatter [tilespmem:s11], [sflag:$0x2], $0x4000, $0x38;
	[tilespmem:$0x1D080] =	vst v63  }
0x31: {  	_ =	swait.ge [sflag:s12], $0x4000  }
0x32: {  	[sflag:s12] =	ssyncset.done $0x0  }
0x33: {  	[sflag:s12] =	ssyncadd.s32 $0xFFFFC000  }
0x34: {  	[spmem:s8] =	stream.linear.scatter [tilespmem:s11], [sflag:$0x2], $0x4000, $0x38;
	[tilespmem:$0x1D080] =	vst v63  }
0x35: {  	_ =	swait.ge [sflag:s12], $0x4000  }
0x36: {  	[sflag:s12] =	ssyncset.done $0x0  }
0x37: {  	[sflag:s12] =	ssyncadd.s32 $0xFFFFC000  }
0x38: {  	[spmem:s9] =	stream.linear.scatter [tilespmem:s11], [sflag:$0x2], $0x4000, $0x38;
	[tilespmem:$0x1D080] =	vst v63  }
0x39: {  	_ =	swait.ge [sflag:s12], $0x4000  }
0x3a: {  	[sflag:s12] =	ssyncset.done $0x0  }
0x3b: {  	[sflag:s12] =	ssyncadd.s32 $0xFFFFC000  }
0x3c: {  	[tilespmem:$0x0] =	vst v0  }
0x3d: {  	[tilespmem:$0x10] =	vst v1  }
0x3e: {  	[tilespmem:$0x20] =	vst v2  }
0x3f: {  	[tilespmem:$0x30] =	vst v3  }
0x40: {  	s31 =	simm.s32 $0x0;
	[tilespmem:$0x40] =	vst v4  }
0x41: {  	[tilespmem:s14], [sflag:$0x1] =	stream.indirect.gather [hbm4b:s1+s13], $0x80, s31, s13, $0xb8;
	[tilespmem:$0x1D080] =	vst v63  }
0x42: {  	_ =	swait.ge [sflag:s15], $0x2800  }
0x43: {  	[sflag:s15] =	ssyncset.done $0x0  }
0x44: {  	[sflag:s15] =	ssyncadd.s32 $0xFFFFD800  }
0x45: {  	[tilespmem:$0x0] =	vst v5  }
0x46: {  	[tilespmem:$0x10] =	vst v6  }
0x47: {  	[tilespmem:$0x20] =	vst v7  }
0x48: {  	[tilespmem:$0x30] =	vst v8  }
0x49: {  	[tilespmem:$0x40] =	vst v9  }
0x4a: {  	[tilespmem:s16], [sflag:$0x1] =	stream.indirect.gather [hbm4b:s1+s13], $0x80, s31, s13, $0xb8;
	[tilespmem:$0x1D080] =	vst v63  }
0x4b: {  	_ =	swait.ge [sflag:s15], $0x2800  }
0x4c: {  	[sflag:s15] =	ssyncset.done $0x0  }
0x4d: {  	s23 =	simm.s32 $0x0;
	s24 =	simm.s32 $0x200;
	[sflag:s15] =	ssyncadd.s32 $0xFFFFD800  }
.LBB2_4:
0x4e: {  	p0 =	sne.s32 s24, $0xFE00;
	[tilespmem:s23+$0x50F0] =	vst v11  }
0x4f: {  	[tilespmem:s23+$0x5080] =	vst v11  }
0x50: {  	[tilespmem:s23+$0x5090] =	vst v11  }
.Ltmp1:
0x51: {  	[tilespmem:s23+$0x50A0] =	vst v11;
	(pc) =	sbr.rel @p0 .LBB2_4-.Ltmp1, $4  }
0x52: {  	[tilespmem:s23+$0x50B0] =	vst v11  }
0x53: {  	[tilespmem:s23+$0x50C0] =	vst v11  }
0x54: {  	[tilespmem:s23+$0x50D0] =	vst v11  }
0x55: {  	[tilespmem:s23+$0x50E0] =	vst v11;
	s23 =	sshra.s32 s24, $0x2;
	s24 =	sadd.s32 $0x200, s24  }
0x56: {  	[tilespmem:s23+$0x50F0] =	vst v11  }
0x57: {  	[tilespmem:s23+$0x5080] =	vst v11  }
0x58: {  	[tilespmem:s23+$0x5090] =	vst v11  }
0x59: {  	[tilespmem:s23+$0x50A0] =	vst v11  }
0x5a: {  	[tilespmem:s23+$0x50B0] =	vst v11  }
0x5b: {  	[tilespmem:s23+$0x50C0] =	vst v11  }
0x5c: {  	[tilespmem:s23+$0x50D0] =	vst v11  }
0x5d: {  	[tilespmem:s23+$0x50E0] =	vst v11  }
0x5e: {  	s31 =	simm.s32 $0x80;
	[bflag:$0x0] =	sbarrier.arrive $0xFFFF  }
0x5f: {  	[spmem:s2] =	stream.indirect.scatter.add.f32 [tilespmem:s11], [sflag:$0x2], $0x80, s31, s14, $0xb8;
	[tilespmem:$0x1D080] =	vst v63  }
0x60: {  	s23 =	simm.s32 $0x200;
	_ =	swait.ge [sflag:s12], $0x4000  }
.LBB2_6:
0x61: {  	s24 =	sshra.s32 s23, $0x2;
	[sflag:s12] =	ssyncset.done $0x0;
	p0 =	sne.s32 s23, $0x13E00  }
.Ltmp2:
0x62: {  	s24 =	sadd.s32 $0x80, s24;
	[sflag:s12] =	ssyncadd.s32 $0xFFFFC000;
	(pc) =	sbr.rel @p0 .LBB2_6-.Ltmp2, $3  }
0x63: {  	[spmem:s2] =	stream.indirect.scatter.add.f32 [tilespmem:s11], [sflag:$0x2], $0x80, s24, s14, $0xb8;
	[tilespmem:$0x1D080] =	vst v63  }
0x64: {  	s23 =	sadd.s32 $0x200, s23;
	_ =	sdelay $0x1  }
0x65: {  	_ =	swait.ge [sflag:s12], $0x4000  }
0x66: {  	[sflag:s12] =	ssyncset.done $0x0  }
0x67: {  	[sflag:s12] =	ssyncadd.s32 $0xFFFFC000  }
0x68: {  	[bflag:$0x0] =	sbarrier.arrive $0xFFFF  }
0x69: {  	[tilespmem:s11], [sflag:$0x2] =	stream.linear.gather [spmem:s5], $0x4000, $0x38;
	[tilespmem:$0x1D080] =	vst v63  }
0x6a: {  	_ =	swait.ge [sflag:s12], $0x4000  }
0x6b: {  	[sflag:s12] =	ssyncset.done $0x0  }
0x6c: {  	[sflag:s12] =	ssyncadd.s32 $0xFFFFC000  }
0x6d: {  	[hbm4b:s17+s4] =	stream.linear.scatter [tilespmem:s11], [sflag:$0x2], $0x4000, $0x38;
	[tilespmem:$0x1D080] =	vst v63  }
0x6e: {  	_ =	swait.ge [sflag:s12], $0x4000  }
0x6f: {  	[sflag:s12] =	ssyncset.done $0x0  }
0x70: {  	[sflag:s12] =	ssyncadd.s32 $0xFFFFC000  }
0x71: {  	[tilespmem:s11], [sflag:$0x2] =	stream.linear.gather [spmem:s6], $0x4000, $0x38;
	[tilespmem:$0x1D080] =	vst v63  }
0x72: {  	_ =	swait.ge [sflag:s12], $0x4000  }
0x73: {  	[sflag:s12] =	ssyncset.done $0x0  }
0x74: {  	[sflag:s12] =	ssyncadd.s32 $0xFFFFC000  }
0x75: {  	[hbm4b:s18+s4] =	stream.linear.scatter [tilespmem:s11], [sflag:$0x2], $0x4000, $0x38;
	[tilespmem:$0x1D080] =	vst v63  }
0x76: {  	_ =	swait.ge [sflag:s12], $0x4000  }
0x77: {  	[sflag:s12] =	ssyncset.done $0x0  }
0x78: {  	[sflag:s12] =	ssyncadd.s32 $0xFFFFC000  }
0x79: {  	[tilespmem:s11], [sflag:$0x2] =	stream.linear.gather [spmem:s7], $0x4000, $0x38;
	[tilespmem:$0x1D080] =	vst v63  }
0x7a: {  	_ =	swait.ge [sflag:s12], $0x4000  }
0x7b: {  	[sflag:s12] =	ssyncset.done $0x0  }
0x7c: {  	[sflag:s12] =	ssyncadd.s32 $0xFFFFC000  }
0x7d: {  	[hbm4b:s19+s4] =	stream.linear.scatter [tilespmem:s11], [sflag:$0x2], $0x4000, $0x38;
	[tilespmem:$0x1D080] =	vst v63  }
0x7e: {  	_ =	swait.ge [sflag:s12], $0x4000  }
0x7f: {  	[sflag:s12] =	ssyncset.done $0x0  }
0x80: {  	[sflag:s12] =	ssyncadd.s32 $0xFFFFC000  }
0x81: {  	[tilespmem:s11], [sflag:$0x2] =	stream.linear.gather [spmem:s8], $0x4000, $0x38;
	[tilespmem:$0x1D080] =	vst v63  }
0x82: {  	_ =	swait.ge [sflag:s12], $0x4000  }
0x83: {  	[sflag:s12] =	ssyncset.done $0x0  }
0x84: {  	[sflag:s12] =	ssyncadd.s32 $0xFFFFC000  }
0x85: {  	[hbm4b:s20+s4] =	stream.linear.scatter [tilespmem:s11], [sflag:$0x2], $0x4000, $0x38;
	[tilespmem:$0x1D080] =	vst v63  }
0x86: {  	_ =	swait.ge [sflag:s12], $0x4000  }
0x87: {  	[sflag:s12] =	ssyncset.done $0x0  }
0x88: {  	[sflag:s12] =	ssyncadd.s32 $0xFFFFC000  }
0x89: {  	[tilespmem:s11], [sflag:$0x2] =	stream.linear.gather [spmem:s9], $0x4000, $0x38;
	[tilespmem:$0x1D080] =	vst v63  }
0x8a: {  	s22 =	sadd.s32 $0x1, s22;
	_ =	swait.ge [sflag:s12], $0x4000  }
0x8b: {  	p0 =	sne.s32 s22, s10;
	[sflag:s12] =	ssyncset.done $0x0  }
.Ltmp3:
0x8c: {  	[sflag:s12] =	ssyncadd.s32 $0xFFFFC000;
	(pc) =	sbr.rel @p0 .LBB2_1-.Ltmp3, $4  }
0x8d: {  	[hbm4b:s21+s4] =	stream.linear.scatter [tilespmem:s11], [sflag:$0x2], $0x4000, $0x38;
	[tilespmem:$0x1D080] =	vst v63  }
0x8e: {  	_ =	swait.ge [sflag:s12], $0x4000  }
0x8f: {  	[sflag:s12] =	ssyncset.done $0x0  }
0x90: {  	[sflag:s12] =	ssyncadd.s32 $0xFFFFC000  }
0x91: {  	_ =	sfence.sel $0x180000  }
0x92: {  	[bflag:$0x0] =	sbarrier.arrive $0xFFFF  }
0x93: {  	p0 =	sne.s32 s3, $0x0;
	_ =	strace $0x90000047  }
0x94: {  	s0 =	sadd.s32 @!p0 $0x100000, s0;
	[bflag:$0x2] =	sbarrier.arrive $0xFFFF  }
0x95: {  	[sflag:s0] =	ssyncadd.tile.s32 @!p0 $0x1;
	_ =	shalt  }
.Lfunc_end2:
_tile_overlayer_lowered:
.L_overlay_start_2:
0x96: {  	(tag) =	ssettag $0x2  }
0x97: {  	s0 =	rddreg [dreg:$0x0];
	s2 =	stileid.u32  }
0x98: {  	s1 =	rddreg [dreg:$0x1];
	p0 =	sne.s32 s2, $0x0  }
0x99: {  	s3 =	rddreg [dreg:$0x2];
	[bflag:$0x3] =	sbarrier.arrive $0xFFFF;
	s2 =	simm.s32 @!p0 $0x1C02  }
0x9a: {  	[timem:s3], [sflag:s2] =	dma.local @!p0 [hbm:s0], s1  }
0x9b: {  	s0 =	simm.s32 @!p0 $0x2  }
0x9c: {  	_ =	swait.ge @!p0 [sflag:s0], s1  }
0x9d: {  	s1 =	ssub.s32 @!p0 $0x0, s1;
	[sflag:s0] =	ssyncset.done @!p0 $0x0  }
0x9e: {  	[sflag:s0] =	ssyncadd.s32 @!p0 s1  }
0x9f: {  	[bflag:$0x3] =	sbarrier.arrive $0xFFFF  }
0xa0: {  	_ =	shalt  }

// kernel: kernel.13.cloned.1.call-start
scs
__scs_entry_jumppad:
0x0: {  	(pc) =	sbr.rel $0x88, $3  }
0x1: {  	(tag) =	ssettag $0x0;
	lr =	simm.s32 $0x1  }
0x2: {  	[smem:$0x3F99] =	sst lr;
	_ =	strace $0xD0000000  }
0x3: {  	_ = 	snop  }
0x4: {  	_ = 	snop  }
0x5: {  	_ = 	snop  }
0x6: {  	_ = 	snop  }
0x7: {  	_ = 	snop  }
__scs_overlays_trampoline_lowered:
0x8: {  	[smem:$0x3FA8] =	sst s0  }
0x9: {  	[smem:$0x3FA9] =	sst s1  }
0xa: {  	[smem:$0x3FAA] =	sst s2  }
0xb: {  	[smem:$0x3FAB] =	sst s3  }
0xc: {  	[smem:$0x3FAC] =	sst s4  }
0xd: {  	[smem:$0x3FAD] =	sst s5  }
0xe: {  	[smem:$0x3FAE] =	sst s6  }
0xf: {  	[smem:$0x3FAF] =	sst s7  }
0x10: {  	[smem:$0x3FB0] =	sst s8  }
0x11: {  	[smem:$0x3FB1] =	sst s9;
	s0 =	simm.s32 @!p0 $0x0  }
0x12: {  	s1 =	sld [smem:$0x3F97];
	s0 =	simm.s32 @p0 $0x1  }
0x13: {  	[smem:$0x3FB2] =	sst s0;
	s0 =	simm.s32 @!p1 $0x0  }
0x14: {  	s2 =	sld [smem:$0x3F96];
	s0 =	simm.s32 @p1 $0x1  }
0x15: {  	[smem:$0x3FB3] =	sst s0;
	s0 =	simm.s32 @!p2 $0x0  }
0x16: {  	s3 =	sld [smem:$0x3FDB];
	s0 =	simm.s32 @p2 $0x1  }
0x17: {  	s4 =	simm.s32 $0x1BF5;
	[smem:$0x3FB5] =	sst s0  }
0x18: {  	s0 =	sld [smem:$0x3F98];
	_ =	swait.ge [sflag:s4], $0x0  }
0x19: {  	s7 =	sld [smem:$0x3F99]  }
0x1a: {  	s8 =	sadd.s32 $0xFFFFE003, lr  }
0x1b: {  	s9 =	sadd.s32 $0xFFFFFEF7, lr;
	s5 =	simm.s32 $0xFFFFFFFF;
	p2 =	slt.u32 s8, $0xFFFFF086  }
0x1c: {  	p1 =	slt.u32 s9, $0xF7A;
	s5 =	simm.s32 @!p2 $0x0  }
0x1d: {  	s5 =	simm.s32 @p1 $0x1;
	p0 =	seq.s32 s7, s2  }
0x1e: {  	s7 =	smul.u32 @!p0 $0xF7A, s2;
	p2 =	seq.s32 @!p0 s5, $0x0  }
0x1f: {  	s9 =	smul.u32 $0xF7A, s1;
	s8 =	simm.s32 @!p0 $0x1BF5;
	p2 =	por !p2, p0  }
0x20: {  	[sflag:s8] =	ssyncset.s32 @!p0 $0xFFFFF086;
	s6 =	sadd.s32 @!p0 s3, s7;
	s7 =	simm.s32 @!p0 $0x108  }
0x21: {  	s3 =	sadd.s32 s3, s9;
	s6 =	sadd.s32 @!p0 $0x88, s6;
	s7 =	simm.s32 @p2 $0x1082  }
0x22: {  	[simem:s7], [sflag:s8] =	dma.local @!p0 [hbm:s6], $0xF7A  }
0x23: {  	s9 =	sor.u32 $0xD0000000, s2;
	s6 =	simm.s32 $0x108;
	_ =	swait.ge @!p0 [sflag:s8], $0x0  }
0x24: {  	s3 =	sadd.s32 $0x88, s3;
	s6 =	simm.s32 @!p1 $0x1082;
	[sflag:s4] =	ssyncset.s32 $0xFFFFF086  }
0x25: {  	[simem:s6], [sflag:s4] =	dma.local [hbm:s3], $0xF7A  }
0x26: {  	[smem:$0x3F99] =	sst s1;
	(tag) =	ssettag s2;
	_ =	strace s9  }
0x27: {  	s1 =	sld [smem:$0x3FA9]  }
0x28: {  	s2 =	sld [smem:$0x3FAA]  }
0x29: {  	s4 =	sld [smem:$0x3FAC]  }
0x2a: {  	p0 =	seq.s32 s5, $0x0;
	s5 =	sld [smem:$0x3FAD]  }
0x2b: {  	s6 =	sld [smem:$0x3FAE]  }
0x2c: {  	s7 =	sld [smem:$0x3FAF]  }
0x2d: {  	s3 =	simm.s32 $0x108;
	s8 =	sld [smem:$0x3FB0]  }
0x2e: {  	s3 =	simm.s32 @!p0 $0x1082;
	s9 =	sld [smem:$0x3FB1]  }
0x2f: {  	lr =	sadd.s32 s0, s3;
	s0 =	sld [smem:$0x3FA8]  }
0x30: {  	s3 =	sld [smem:$0x3FAB]  }
0x31: {  	[smem:$0x3FB4] =	sst s10  }
0x32: {  	s10 =	sld [smem:$0x3FB2];
	_ =	sdelay $0x3  }
0x33: {  	p0 =	seq.s32 s10, $0x1;
	s10 =	sld [smem:$0x3FB4];
	_ =	sdelay $0x3  }
0x34: {  	[smem:$0x3FB4] =	sst s10  }
0x35: {  	s10 =	sld [smem:$0x3FB3];
	_ =	sdelay $0x3  }
0x36: {  	p1 =	seq.s32 s10, $0x1;
	s10 =	sld [smem:$0x3FB4];
	_ =	sdelay $0x3  }
0x37: {  	[smem:$0x3FB4] =	sst s10  }
0x38: {  	s10 =	sld [smem:$0x3FB5]  }
0x39: {  	_ = 	snop;
	(pc) =	sbr.ind lr, $3  }
0x3a: {  	_ = 	snop  }
0x3b: {  	_ = 	snop  }
0x3c: {  	p2 =	seq.s32 s10, $0x1;
	s10 =	sld [smem:$0x3FB4]  }
0x3d: {  	_ =	shalt  }
0x3e: {  	_ =	shalt  }
0x3f: {  	_ =	shalt  }
0x40: {  	_ =	shalt  }
0x41: {  	_ =	shalt  }
0x42: {  	_ =	shalt  }
0x43: {  	_ =	shalt  }
0x44: {  	_ =	shalt  }
0x45: {  	_ =	shalt  }
0x46: {  	_ =	shalt  }
0x47: {  	_ =	shalt  }
0x48: {  	_ =	shalt  }
0x49: {  	_ =	shalt  }
0x4a: {  	_ =	shalt  }
0x4b: {  	_ =	shalt  }
0x4c: {  	_ =	shalt  }
0x4d: {  	_ =	shalt  }
0x4e: {  	_ =	shalt  }
0x4f: {  	_ =	shalt  }
0x50: {  	_ =	shalt  }
0x51: {  	_ =	shalt  }
0x52: {  	_ =	shalt  }
0x53: {  	_ =	shalt  }
0x54: {  	_ =	shalt  }
0x55: {  	_ =	shalt  }
0x56: {  	_ =	shalt  }
0x57: {  	_ =	shalt  }
0x58: {  	_ =	shalt  }
0x59: {  	_ =	shalt  }
0x5a: {  	_ =	shalt  }
0x5b: {  	_ =	shalt  }
0x5c: {  	_ =	shalt  }
0x5d: {  	_ =	shalt  }
0x5e: {  	_ =	shalt  }
0x5f: {  	_ =	shalt  }
0x60: {  	_ =	shalt  }
0x61: {  	_ =	shalt  }
0x62: {  	_ =	shalt  }
0x63: {  	_ =	shalt  }
0x64: {  	_ =	shalt  }
0x65: {  	_ =	shalt  }
0x66: {  	_ =	shalt  }
0x67: {  	_ =	shalt  }
0x68: {  	_ =	shalt  }
0x69: {  	_ =	shalt  }
0x6a: {  	_ =	shalt  }
0x6b: {  	_ =	shalt  }
0x6c: {  	_ =	shalt  }
0x6d: {  	_ =	shalt  }
0x6e: {  	_ =	shalt  }
0x6f: {  	_ =	shalt  }
0x70: {  	_ =	shalt  }
0x71: {  	_ =	shalt  }
0x72: {  	_ =	shalt  }
0x73: {  	_ =	shalt  }
0x74: {  	_ =	shalt  }
0x75: {  	_ =	shalt  }
0x76: {  	_ =	shalt  }
0x77: {  	_ =	shalt  }
0x78: {  	_ =	shalt  }
0x79: {  	_ =	shalt  }
0x7a: {  	_ =	shalt  }
0x7b: {  	_ =	shalt  }
0x7c: {  	_ =	shalt  }
0x7d: {  	_ =	shalt  }
0x7e: {  	_ =	shalt  }
0x7f: {  	_ =	shalt  }
0x80: {  	_ =	shalt  }
0x81: {  	_ =	shalt  }
0x82: {  	_ =	shalt  }
0x83: {  	_ =	shalt  }
0x84: {  	_ =	shalt  }
0x85: {  	_ =	shalt  }
0x86: {  	_ =	shalt  }
0x87: {  	_ =	shalt  }
.Lfunc_end0:
.L_simem_size_0:
called_computation.1_lowered:
.L_overlay_start_0:
0x88: {  	s2 =	sld [smem:$0x3FD9]  }
0x89: {  	s3 =	sld [smem:$0x3FFE];
	_ =	sdelay $0x1  }
0x8a: {  	s1 =	srdreg.scid  }
0x8b: {  	s0 =	sand.u32 $0x1, s1  }
0x8c: {  	s14 =	sshll.u32 s0, $0xA;
	s2 =	sadd.s32 s3, s2  }
0x8d: {  	s2 =	sadd.s32 s2, s14  }
0x8e: {  	[smem:$0x3FC0] =	sst s2  }
0x8f: {  	_ = 	snop  }
0x90: {  	s2 =	sld [smem:$0x3FD0];
	_ =	sdelay $0x2  }
0x91: {  	s15 =	simm.s32 $0xA;
	s4 =	simm.s32 $0x10  }
0x92: {  	[smem:s4], [sflag:s15] =	dma.local [hbm:s2], $0x1  }
0x93: {  	_ =	swait.eq [sflag:s15], $0x1  }
0x94: {  	[sflag:s15] =	ssyncset.done $0x0  }
0x95: {  	[sflag:s15] =	ssyncadd.s32 $0xFFFFFFFF  }
0x96: {  	s16 =	sld [smem:$0x13];
	(tm) =	ssettm $0x1  }
0x97: {  	s17 =	sld [smem:$0x3FFB];
	_ =	sdelay $0x3  }
0x98: {  	_ =	strace s17  }
0x99: {  	s3 =	sld [smem:$0x3FFC];
	_ =	sdelay $0x3  }
0x9a: {  	_ =	strace s3  }
0x9b: {  	s3 =	sld [smem:$0x3FFD];
	_ =	sdelay $0x3  }
0x9c: {  	_ =	strace s3  }
0x9d: {  	_ =	strace $0x8FFFFFFF  }
0x9e: {  	s18 =	sld [smem:$0x3FDB];
	_ =	sdelay $0x1  }
0x9f: {  	s19 =	simm.s32 $_scs_section_size  }
0xa0: {  	s5 =	simm.s32 $_size__tile_overlayer_lowered;
	s6 =	simm.s32 $_tile_overlayer_lowered  }
0xa1: {  	s22 =	simm.s32 $0x1BFF;
	s21 =	sshll.u32 s6, $0x1;
	s3 =	sadd.s32 s19, s18  }
0xa2: {  	s7 =	simm.s32 $0x0;
	s20 =	sshll.u32 s5, $0x1;
	s5 =	sadd.s32 s21, s3  }
0xa3: {  	[timem:s7], [sflag:s22] =	dma.local [hbm:s5], s20  }
0xa4: {  	_ =	swait.ge [sflag:s22], s20  }
0xa5: {  	s4 =	ssub.s32 $0x0, s20;
	[sflag:s22] =	ssyncset.done $0x0  }
0xa6: {  	[sflag:s22] =	ssyncadd.s32 s4;
	_ =	sdelay $0x1  }
0xa7: {  	s23 =	simm.s32 $0x1B8B  }
0xa8: {  	_ =	swait.ge [sflag:s23], $0x1  }
0xa9: {  	[sflag:s23] =	ssyncset.done $0x0  }
0xaa: {  	s25 =	simm.s32 $0x1B8E;
	s24 =	sld [smem:$0x3FFE];
	[sflag:s23] =	ssyncadd.s32 $0xFFFFFFFF  }
0xab: {  	s26 =	simm.s32 $execute0_lowered;
	[smem:$0x3FD2] =	sst s25  }
0xac: {  	s5 =	sshll.u32 s26, $0x1;
	_ =	strace $0x80000049;
	[dreg:$0x1] =	wrdreg $0xFFFFFFFF  }
0xad: {  	s28 =	simm.s32 $_size_execute0_lowered;
	s3 =	sadd.s32 s3, s5;
	[dreg:$0x0] =	wrdreg $0x0  }
0xae: {  	s5 =	sshll.u32 s28, $0x1;
	[dreg:$0x2] =	wrdreg s3  }
0xaf: {  	[dreg:$0x3] =	wrdreg s5  }
0xb0: {  	[dreg:$0x4] =	wrdreg $0xC0  }
0xb1: {  	_ =	task [dreg:s7], $0x5FFFF  }
0xb2: {  	[dreg:$0x1] =	wrdreg $0xFFFFFFFF  }
0xb3: {  	[dreg:$0x0] =	wrdreg $0x60  }
0xb4: {  	[dreg:$0x2] =	wrdreg s24  }
0xb5: {  	[dreg:$0x3] =	wrdreg s16  }
0xb6: {  	[dreg:$0x4] =	wrdreg $0xA8800  }
0xb7: {  	[dreg:$0x5] =	wrdreg $0x9  }
0xb8: {  	_ =	task.clear_ibuf [dreg:s7], $0x6FFFF;
	_ =	strace $0x90000049  }
0xb9: {  	s29 =	simm.s32 $0x9;
	_ =	strace $0x8000004B  }
0xba: {  	_ =	swait.ge [sflag:s29], $0x1  }
0xbb: {  	[sflag:s29] =	ssyncadd.s32 $0xFFFFFFFF  }
0xbc: {  	_ =	strace $0x9000004B  }
0xbd: {  	_ =	sfence  }
0xbe: {  	s30 =	sld [smem:$0x0];
	_ =	sdelay $0x2  }
0xbf: {  	s31 =	sshll.u32 s1, $0xD;
	s1 =	sshrl.u32 s1, $0x2  }
0xc0: {  	s3 =	sand.u32 $0x4000, s31;
	s1 =	sadd.s32 s1, s30  }
0xc1: {  	s0 =	sor.u32 s3, s0;
	s1 =	sshll.u32 s1, $0x11  }
0xc2: {  	s0 =	sor.u32 s1, s0  }
0xc3: {  	s0 =	sadd.s32 $0x8F2B, s0  }
0xc4: {  	[sflag:s0] =	ssyncadd.remote.s32 $0x1  }
0xc5: {  	_ =	sfence.sel $0xFFFF  }
0xc6: {  	[dreg:$0x0] =	wrdreg $0xFFFFFFFF;
	(pc) =	sbr.abs _section_cstart, $3  }
0xc7: {  	[dreg:$0x1] =	wrdreg $0xFFFFFFFF  }
0xc8: {  	_ =	task.clear_ibuf [dreg:s7], $0x2FFFF;
	_ =	strace $0x9FFFFFFF  }
0xc9: {  	(tm) =	ssettm $0x7FFFFFFF  }
tec
execute0_lowered:
.L_overlay_start_1:
0x0: {  	(tag) =	ssettag $0x1  }
0x1: {  	s0 =	rddreg [dreg:$0x0]  }
0x2: {  	s2 =	rddreg [dreg:$0x2];
	s17 =	stileid.u32  }
0x3: {  	s1 =	srdreg.scid;
	s3 =	simm.s32 $0x0;
	s8 =	smul.u32 $0x280, s17  }
0x4: {  	s22 =	simm.s32 $0x3;
	s28 =	simm.s32 $0x1;
	s7 =	smul.u32 $0x50000, s17  }
0x5: {  	s29 =	simm.s32 $0x0;
	s1 =	sand.u32 $0x1, s1;
	s18 =	smul.u32 $0x2800, s17  }
0x6: {  	[smem:$0x7FF] =	sst s3;
	s5 =	sadd.s32 $0x2E00, s0;
	s4 =	smul.u32 $0x28000, s1  }
0x7: {  	_ =	strace $0x8000004A;
	s23 =	ssub.s32 $0x2, s1;
	s1 =	sshll.u32 s1, $0x4  }
0x8: {  	s6 =	sshrl.u32 s23, $0x1;
	s1 =	sor.u32 s17, s1;
	s13 =	sadd.s32 $0x80, s8  }
0x9: {  	s24 =	sshrl.u32 s7, $0x2;
	s14 =	sadd.s32 $0x100, s8;
	s15 =	sadd.s32 $0x180, s8  }
0xa: {  	s16 =	sadd.s32 $0x200, s8;
	s17 =	simm.s32 $0x80;
	s0 =	sadd.s32 s4, s0  }
0xb: {  	s4 =	ssub.s32 s23, s6;
	s25 =	sshll.u32 s13, $0x7;
	s6 =	sadd.s32 s24, s2  }
0xc: {  	s9 =	sshll.u32 s14, $0x7;
	s1 =	smul.u32 $0x50, s1;
	s26 =	sshll.u32 s15, $0x7  }
0xd: {  	s10 =	sshll.u32 s16, $0x7;
	s19 =	sshll.u32 s13, $0x4;
	s20 =	sshll.u32 s14, $0x4  }
0xe: {  	s21 =	sshll.u32 s15, $0x4;
	s23 =	sshll.u32 s16, $0x4;
	s14 =	simm.s32 $0x2880  }
0xf: {  	s15 =	simm.s32 $0x4;
	s24 =	simm.s32 $0x2;
	s7 =	sadd.s32 s25, s2  }
0x10: {  	s8 =	sadd.s32 s9, s2;
	s9 =	sadd.s32 s26, s2;
	s10 =	sadd.s32 s10, s2  }
0x11: {  	s0 =	sadd.s32 $0x2AE00, s0;
	s4 =	smax.u32 s4, $0x1;
	s25 =	simm.s32 $0x2800  }
0x12: {  	s11 =	sadd.s32 $0xA00, s1;
	s26 =	sadd.s32 $0x28, s1;
	s12 =	sadd.s32 $0xA28, s1  }
0x13: {  	[dreg:$0x4] =	wrdreg s4;
	s30 =	sadd.s32 s18, s0;
	s31 =	sadd.s32 s19, s0  }
0x14: {  	v1 =	vlaneseq.u32;
	v3 =	vimm.f32 $0.0e+00;
	s20 =	sadd.s32 s20, s0;
	s21 =	sadd.s32 s21, s0;
	[dreg:$0x5] =	wrdreg s30  }
0x15: {  	v4 =	vadd.s32 $0xFFFFFFD8, v1;
	v0 =	vmov s1;
	s23 =	sadd.s32 s23, s0;
	[dreg:$0x6] =	wrdreg s31;
	v2 =	vmov s26;
	s26 =	simm.s32 $0x6880  }
.LBB2_1:
0x16: {  	s0 =	simm.s32 $0x0;
	s1 =	simm.s32 $0x200  }
.LBB2_2:
0x17: {  	p0 =	sne.s32 s1, $0xFE00;
	[tilespmem:s0+$0x28F0] =	vst v3  }
0x18: {  	[tilespmem:s0+$0x2880] =	vst v3  }
0x19: {  	[tilespmem:s0+$0x2890] =	vst v3  }
.Ltmp0:
0x1a: {  	[tilespmem:s0+$0x28A0] =	vst v3;
	(pc) =	sbr.rel @p0 .LBB2_2-.Ltmp0, $4  }
0x1b: {  	[tilespmem:s0+$0x28B0] =	vst v3  }
0x1c: {  	[tilespmem:s0+$0x28C0] =	vst v3  }
0x1d: {  	[tilespmem:s0+$0x28D0] =	vst v3  }
0x1e: {  	[tilespmem:s0+$0x28E0] =	vst v3;
	s0 =	sshra.s32 s1, $0x2;
	s1 =	sadd.s32 $0x200, s1  }
0x1f: {  	[tilespmem:s0+$0x28F0] =	vst v3  }
0x20: {  	[tilespmem:s0+$0x2880] =	vst v3  }
0x21: {  	[tilespmem:s0+$0x2890] =	vst v3  }
0x22: {  	[tilespmem:s0+$0x28A0] =	vst v3  }
0x23: {  	[tilespmem:s0+$0x28B0] =	vst v3  }
0x24: {  	[tilespmem:s0+$0x28C0] =	vst v3  }
0x25: {  	[tilespmem:s0+$0x28D0] =	vst v3  }
0x26: {  	[tilespmem:s0+$0x28E0] =	vst v3  }
0x27: {  	[spmem:s6] =	stream.linear.scatter [tilespmem:s14], [sflag:$0x4], $0x4000, $0x38;
	[tilespmem:$0x1E880] =	vst v63  }
0x28: {  	_ =	swait.ge [sflag:s15], $0x4000  }
0x29: {  	[sflag:s15] =	ssyncset.done $0x0  }
0x2a: {  	[sflag:s15] =	ssyncadd.s32 $0xFFFFC000  }
0x2b: {  	[spmem:s7] =	stream.linear.scatter [tilespmem:s14], [sflag:$0x4], $0x4000, $0x38;
	[tilespmem:$0x1E880] =	vst v63  }
0x2c: {  	_ =	swait.ge [sflag:s15], $0x4000  }
0x2d: {  	[sflag:s15] =	ssyncset.done $0x0  }
0x2e: {  	[sflag:s15] =	ssyncadd.s32 $0xFFFFC000  }
0x2f: {  	[spmem:s8] =	stream.linear.scatter [tilespmem:s14], [sflag:$0x4], $0x4000, $0x38;
	[tilespmem:$0x1E880] =	vst v63  }
0x30: {  	_ =	swait.ge [sflag:s15], $0x4000  }
0x31: {  	[sflag:s15] =	ssyncset.done $0x0  }
0x32: {  	[sflag:s15] =	ssyncadd.s32 $0xFFFFC000  }
0x33: {  	[spmem:s9] =	stream.linear.scatter [tilespmem:s14], [sflag:$0x4], $0x4000, $0x38;
	[tilespmem:$0x1E880] =	vst v63  }
0x34: {  	_ =	swait.ge [sflag:s15], $0x4000  }
0x35: {  	[sflag:s15] =	ssyncset.done $0x0  }
0x36: {  	[sflag:s15] =	ssyncadd.s32 $0xFFFFC000  }
0x37: {  	[spmem:s10] =	stream.linear.scatter [tilespmem:s14], [sflag:$0x4], $0x4000, $0x38;
	[tilespmem:$0x1E880] =	vst v63  }
0x38: {  	s0 =	simm.s32 $0x0;
	_ =	swait.ge [sflag:s15], $0x4000  }
0x39: {  	s1 =	sadd.s32 $0x0, s11;
	v5 =	vor.u32 s0, v1;
	[sflag:s15] =	ssyncset.done $0x0  }
0x3a: {  	v6 =	vadd.s32 s1, v4;
	vm0 =	vlt.u32 v5, $0x28;
	v5 =	vadd.s32 v0, v5;
	[sflag:s15] =	ssyncadd.s32 $0xFFFFC000  }
0x3b: {  	v5 =	vsel vm0, v5, v6;
	[bflag:$0x0] =	sbarrier.arrive $0xFFFF  }
0x3c: {  	s1 =	simm.s32 $0x10;
	[tilespmem:s0+$0x0] =	vst v5  }
.LBB2_4:
0x3d: {  	p0 =	sne.s32 s1, $0x40  }
.Ltmp1:
0x3e: {  	_ = 	snop;
	(pc) =	sbr.rel @p0 .LBB2_4-.Ltmp1, $4  }
0x3f: {  	v5 =	vor.u32 s1, v1;
	s4 =	sadd.s32 s11, s1  }
0x40: {  	vm0 =	vlt.u32 v5, $0x28;
	v5 =	vadd.s32 v0, v5;
	v6 =	vadd.s32 s4, v4  }
0x41: {  	s0 =	sadd.s32 $0x10, s0;
	v5 =	vsel vm0, v5, v6  }
0x42: {  	s1 =	sadd.s32 $0x10, s1;
	[tilespmem:s0+$0x0] =	vst v5  }
0x43: {  	s0 =	rddreg [dreg:$0x1];
	s1 =	simm.s32 $0x50  }
0x44: {  	[tilespmem:s17], [sflag:$0x3] =	stream.indirect.gather [hbm4b:s0+s1], $0x80, s3, s1, $0xb8;
	[tilespmem:$0x1E880] =	vst v63  }
0x45: {  	s13 =	simm.s32 $0x1;
	s16 =	simm.s32 $0x0;
	_ =	swait.ge [sflag:s22], $0x2800  }
0x46: {  	s4 =	simm.s32 $0x100;
	s0 =	sand.u32 $0x1, s13;
	[sflag:s22] =	ssyncset.done $0x0  }
0x47: {  	s1 =	sand.u32 $0x1, s16;
	s30 =	sshll.u32 s0, $0xE;
	[sflag:s22] =	ssyncadd.s32 $0xFFFFD800  }
0x48: {  	[tilespmem:s14], [sflag:$0x1] =	stream.indirect.gather [hbm4b:s5+s17], $0x80, s17, s17, $0xb8;
	[tilespmem:$0x1E880] =	vst v63  }
0x49: {  	s0 =	sadd.s32 $0x1, s0;
	s31 =	sadd.s32 $0x1, s1;
	s30 =	sor.u32 $0x2880, s30  }
0x4a: {  	[tilespmem:s30], [sflag:s0] =	stream.indirect.gather [hbm4b:s5+s17], $0x80, s4, s17, $0xb8;
	[tilespmem:$0x1E880] =	vst v63  }
0x4b: {  	s19 =	simm.s32 $0x1480;
	s18 =	sshll.u32 s1, $0xE;
	_ =	swait.ge [sflag:s31], $0x4000  }
0x4c: {  	s0 =	sor.u32 $0x2880, s18;
	s4 =	simm.s32 $0x3;
	[sflag:s31] =	ssyncset.done $0x0  }
0x4d: {  	s30 =	simm.s32 $0x1500;
	[sflag:s31] =	ssyncadd.s32 $0xFFFFC000;
	s31 =	simm.s32 $0x2  }
0x4e: {  	[spmem:s2] =	stream.indirect.scatter.add.f32 [tilespmem:s0], [sflag:$0x4], $0x80, s19, s17, $0xb8;
	[tilespmem:$0x1E880] =	vst v63  }
0x4f: {  	s1 =	sand.u32 $0x1, s31;
	s0 =	simm.s32 $0x180;
	_ =	swait.ge [sflag:s15], $0x4000  }
.LBB2_6:
0x50: {  	s16 =	sadd.s32 $0xFFFFFFFF, s31;
	s13 =	sshll.u32 s1, $0xE;
	[sflag:s15] =	ssyncset.done $0x0  }
0x51: {  	s31 =	smov.u32 s4;
	s18 =	smov.u32 s30;
	s1 =	sadd.s32 $0x1, s1  }
0x52: {  	p0 =	sne.s32 s4, $0x27;
	s16 =	sand.u32 $0x1, s16;
	s13 =	sor.u32 $0x2880, s13  }
0x53: {  	s19 =	sshll.u32 s16, $0xE;
	s16 =	sadd.s32 $0x1, s16;
	[sflag:s15] =	ssyncadd.s32 $0xFFFFC000  }
0x54: {  	[tilespmem:s13], [sflag:s1] =	stream.indirect.gather [hbm4b:s5+s17], $0x80, s0, s17, $0xb8;
	[tilespmem:$0x1E880] =	vst v63  }
.Ltmp2:
0x55: {  	s13 =	sadd.s32 $0x1, s4;
	_ =	swait.ge [sflag:s16], $0x4000;
	(pc) =	sbr.rel @p0 .LBB2_6-.Ltmp2, $4  }
0x56: {  	s0 =	sor.u32 $0x2880, s19;
	[sflag:s16] =	ssyncset.done $0x0  }
0x57: {  	s30 =	sadd.s32 $0x80, s30;
	s1 =	sand.u32 $0x1, s31;
	[sflag:s16] =	ssyncadd.s32 $0xFFFFC000  }
0x58: {  	[spmem:s2] =	stream.indirect.scatter.add.f32 [tilespmem:s0], [sflag:$0x4], $0x80, s18, s17, $0xb8;
	[tilespmem:$0x1E880] =	vst v63  }
0x59: {  	s4 =	smov.u32 s13;
	s0 =	sadd.s32 $0xFFFFEC80, s30;
	_ =	swait.ge [sflag:s15], $0x4000  }
0x5a: {  	s4 =	sadd.s32 $0xFFFFFFFF, s31;
	s13 =	sshll.u32 s1, $0xE  }
0x5b: {  	[sflag:s15] =	ssyncset.done $0x0;
	s18 =	sadd.s32 $0x1, s1;
	s4 =	sand.u32 $0x1, s4  }
0x5c: {  	s13 =	sor.u32 $0x2880, s13;
	[sflag:s15] =	ssyncadd.s32 $0xFFFFC000;
	s16 =	sadd.s32 $0x1, s4  }
0x5d: {  	[tilespmem:s13], [sflag:s18] =	stream.indirect.gather [hbm4b:s5+s17], $0x80, s0, s17, $0xb8;
	[tilespmem:$0x1E880] =	vst v63  }
0x5e: {  	_ =	swait.ge [sflag:s16], $0x4000  }
0x5f: {  	s19 =	sshll.u32 s4, $0xE;
	[sflag:s16] =	ssyncset.done $0x0  }
0x60: {  	s0 =	sor.u32 $0x2880, s19;
	[sflag:s16] =	ssyncadd.s32 $0xFFFFC000  }
0x61: {  	[spmem:s2] =	stream.indirect.scatter.add.f32 [tilespmem:s0], [sflag:$0x4], $0x80, s30, s17, $0xb8;
	[tilespmem:$0x1E880] =	vst v63  }
0x62: {  	_ =	swait.ge [sflag:s15], $0x4000  }
0x63: {  	[sflag:s15] =	ssyncset.done $0x0  }
0x64: {  	[sflag:s15] =	ssyncadd.s32 $0xFFFFC000  }
0x65: {  	[tilespmem:s14], [sflag:$0x1] =	stream.indirect.gather [hbm4b:s5+s17], $0x80, s17, s17, $0xb8;
	[tilespmem:$0x1E880] =	vst v63  }
0x66: {  	_ =	swait.ge [sflag:s24], $0x4000  }
0x67: {  	[sflag:s24] =	ssyncset.done $0x0  }
0x68: {  	[sflag:s24] =	ssyncadd.s32 $0xFFFFC000  }
0x69: {  	[spmem:s2] =	stream.indirect.scatter.add.f32 [tilespmem:s26], [sflag:$0x4], $0x80, s25, s17, $0xb8;
	[tilespmem:$0x1E880] =	vst v63  }
0x6a: {  	_ =	swait.ge [sflag:s15], $0x4000  }
0x6b: {  	[sflag:s15] =	ssyncset.done $0x0  }
0x6c: {  	s0 =	simm.s32 $0x0;
	[sflag:s15] =	ssyncadd.s32 $0xFFFFC000  }
0x6d: {  	s31 =	sadd.s32 $0x0, s12;
	v5 =	vor.u32 s0, v1;
	_ =	swait.ge [sflag:s28], $0x4000  }
0x6e: {  	v6 =	vadd.s32 s31, v4;
	vm0 =	vlt.u32 v5, $0x28;
	v5 =	vadd.s32 v2, v5;
	[sflag:s28] =	ssyncset.done $0x0  }
0x6f: {  	v5 =	vsel vm0, v5, v6;
	[sflag:s28] =	ssyncadd.s32 $0xFFFFC000  }
0x70: {  	s1 =	simm.s32 $0x10;
	[tilespmem:s0+$0x0] =	vst v5  }
.LBB2_8:
0x71: {  	p0 =	sne.s32 s1, $0x40  }
.Ltmp3:
0x72: {  	_ = 	snop;
	(pc) =	sbr.rel @p0 .LBB2_8-.Ltmp3, $4  }
0x73: {  	v5 =	vor.u32 s1, v1;
	s4 =	sadd.s32 s12, s1  }
0x74: {  	vm0 =	vlt.u32 v5, $0x28;
	v5 =	vadd.s32 v2, v5;
	v6 =	vadd.s32 s4, v4  }
0x75: {  	s0 =	sadd.s32 $0x10, s0;
	v5 =	vsel vm0, v5, v6  }
0x76: {  	s1 =	sadd.s32 $0x10, s1;
	[tilespmem:s0+$0x0] =	vst v5  }
0x77: {  	s0 =	rddreg [dreg:$0x1];
	s1 =	simm.s32 $0x50  }
0x78: {  	[tilespmem:s17], [sflag:$0x3] =	stream.indirect.gather [hbm4b:s0+s1], $0x80, s3, s1, $0xb8;
	[tilespmem:$0x1E880] =	vst v63  }
0x79: {  	s13 =	simm.s32 $0x1;
	s16 =	simm.s32 $0x0;
	_ =	swait.ge [sflag:s22], $0x2800  }
0x7a: {  	s4 =	simm.s32 $0x100;
	s0 =	sand.u32 $0x1, s13;
	[sflag:s22] =	ssyncset.done $0x0  }
0x7b: {  	s1 =	sand.u32 $0x1, s16;
	s13 =	sshll.u32 s0, $0xE;
	[sflag:s22] =	ssyncadd.s32 $0xFFFFD800  }
0x7c: {  	[tilespmem:s14], [sflag:$0x1] =	stream.indirect.gather [hbm4b:s5+s17], $0x80, s17, s17, $0xb8;
	[tilespmem:$0x1E880] =	vst v63  }
0x7d: {  	s0 =	sadd.s32 $0x1, s0;
	s16 =	sadd.s32 $0x1, s1;
	s13 =	sor.u32 $0x2880, s13  }
0x7e: {  	[tilespmem:s13], [sflag:s0] =	stream.indirect.gather [hbm4b:s5+s17], $0x80, s4, s17, $0xb8;
	[tilespmem:$0x1E880] =	vst v63  }
0x7f: {  	s19 =	simm.s32 $0x1480;
	s31 =	simm.s32 $0x2;
	_ =	swait.ge [sflag:s16], $0x4000  }
0x80: {  	s30 =	simm.s32 $0x1500;
	s18 =	sshll.u32 s1, $0xE;
	[sflag:s16] =	ssyncset.done $0x0  }
0x81: {  	s1 =	sand.u32 $0x1, s31;
	s0 =	sor.u32 $0x2880, s18;
	[sflag:s16] =	ssyncadd.s32 $0xFFFFC000  }
0x82: {  	[spmem:s2] =	stream.indirect.scatter.add.f32 [tilespmem:s0], [sflag:$0x4], $0x80, s19, s17, $0xb8;
	[tilespmem:$0x1E880] =	vst v63  }
0x83: {  	s4 =	simm.s32 $0x3;
	s0 =	simm.s32 $0x180;
	_ =	swait.ge [sflag:s15], $0x4000  }
.LBB2_10:
0x84: {  	s13 =	sadd.s32 $0xFFFFFFFF, s31;
	s16 =	sshll.u32 s1, $0xE;
	[sflag:s15] =	ssyncset.done $0x0  }
0x85: {  	s31 =	smov.u32 s4;
	s18 =	smov.u32 s30;
	s1 =	sadd.s32 $0x1, s1  }
0x86: {  	p0 =	sne.s32 s4, $0x27;
	s13 =	sand.u32 $0x1, s13;
	s16 =	sor.u32 $0x2880, s16  }
0x87: {  	s19 =	sshll.u32 s13, $0xE;
	s13 =	sadd.s32 $0x1, s13;
	[sflag:s15] =	ssyncadd.s32 $0xFFFFC000  }
0x88: {  	[tilespmem:s16], [sflag:s1] =	stream.indirect.gather [hbm4b:s5+s17], $0x80, s0, s17, $0xb8;
	[tilespmem:$0x1E880] =	vst v63  }
.Ltmp4:
0x89: {  	s16 =	sadd.s32 $0x1, s4;
	_ =	swait.ge [sflag:s13], $0x4000;
	(pc) =	sbr.rel @p0 .LBB2_10-.Ltmp4, $4  }
0x8a: {  	s0 =	sor.u32 $0x2880, s19;
	[sflag:s13] =	ssyncset.done $0x0  }
0x8b: {  	s30 =	sadd.s32 $0x80, s30;
	s1 =	sand.u32 $0x1, s31;
	[sflag:s13] =	ssyncadd.s32 $0xFFFFC000  }
0x8c: {  	[spmem:s2] =	stream.indirect.scatter.add.f32 [tilespmem:s0], [sflag:$0x4], $0x80, s18, s17, $0xb8;
	[tilespmem:$0x1E880] =	vst v63  }
0x8d: {  	s4 =	smov.u32 s16;
	s0 =	sadd.s32 $0xFFFFEC80, s30;
	_ =	swait.ge [sflag:s15], $0x4000  }
0x8e: {  	s4 =	sshll.u32 s1, $0xE;
	[sflag:s15] =	ssyncset.done $0x0;
	s13 =	sadd.s32 $0x1, s1  }
0x8f: {  	s16 =	sadd.s32 $0xFFFFFFFF, s31;
	s4 =	sor.u32 $0x2880, s4;
	[sflag:s15] =	ssyncadd.s32 $0xFFFFC000  }
0x90: {  	[tilespmem:s4], [sflag:s13] =	stream.indirect.gather [hbm4b:s5+s17], $0x80, s0, s17, $0xb8;
	[tilespmem:$0x1E880] =	vst v63  }
0x91: {  	s0 =	sand.u32 $0x1, s16  }
0x92: {  	s18 =	sadd.s32 $0x1, s0  }
0x93: {  	_ =	swait.ge [sflag:s18], $0x4000  }
0x94: {  	s0 =	sshll.u32 s0, $0xE;
	[sflag:s18] =	ssyncset.done $0x0  }
0x95: {  	s0 =	sor.u32 $0x2880, s0;
	[sflag:s18] =	ssyncadd.s32 $0xFFFFC000  }
0x96: {  	[spmem:s2] =	stream.indirect.scatter.add.f32 [tilespmem:s0], [sflag:$0x4], $0x80, s30, s17, $0xb8;
	[tilespmem:$0x1E880] =	vst v63  }
0x97: {  	_ =	swait.ge [sflag:s15], $0x4000  }
0x98: {  	[sflag:s15] =	ssyncset.done $0x0  }
0x99: {  	[sflag:s15] =	ssyncadd.s32 $0xFFFFC000  }
0x9a: {  	[tilespmem:s14], [sflag:$0x1] =	stream.indirect.gather [hbm4b:s5+s17], $0x80, s17, s17, $0xb8;
	[tilespmem:$0x1E880] =	vst v63  }
0x9b: {  	_ =	swait.ge [sflag:s24], $0x4000  }
0x9c: {  	[sflag:s24] =	ssyncset.done $0x0  }
0x9d: {  	[sflag:s24] =	ssyncadd.s32 $0xFFFFC000  }
0x9e: {  	[spmem:s2] =	stream.indirect.scatter.add.f32 [tilespmem:s26], [sflag:$0x4], $0x80, s25, s17, $0xb8;
	[tilespmem:$0x1E880] =	vst v63  }
0x9f: {  	_ =	swait.ge [sflag:s15], $0x4000  }
0xa0: {  	[sflag:s15] =	ssyncset.done $0x0  }
0xa1: {  	[sflag:s15] =	ssyncadd.s32 $0xFFFFC000  }
0xa2: {  	_ =	swait.ge [sflag:s28], $0x4000  }
0xa3: {  	[sflag:s28] =	ssyncset.done $0x0  }
0xa4: {  	[sflag:s28] =	ssyncadd.s32 $0xFFFFC000  }
0xa5: {  	[bflag:$0x0] =	sbarrier.arrive $0xFFFF  }
0xa6: {  	[tilespmem:s14], [sflag:$0x4] =	stream.linear.gather [spmem:s6], $0x4000, $0x38;
	[tilespmem:$0x1E880] =	vst v63  }
0xa7: {  	_ =	swait.ge [sflag:s15], $0x4000  }
0xa8: {  	[sflag:s15] =	ssyncset.done $0x0  }
0xa9: {  	s19 =	rddreg [dreg:$0x5];
	[sflag:s15] =	ssyncadd.s32 $0xFFFFC000  }
0xaa: {  	[hbm4b:s19+s3] =	stream.linear.scatter [tilespmem:s14], [sflag:$0x4], $0x4000, $0x38;
	[tilespmem:$0x1E880] =	vst v63  }
0xab: {  	_ =	swait.ge [sflag:s15], $0x4000  }
0xac: {  	[sflag:s15] =	ssyncset.done $0x0  }
0xad: {  	[sflag:s15] =	ssyncadd.s32 $0xFFFFC000  }
0xae: {  	[tilespmem:s26], [sflag:$0x4] =	stream.linear.gather [spmem:s7], $0x4000, $0x38;
	[tilespmem:$0x1E880] =	vst v63  }
0xaf: {  	_ =	swait.ge [sflag:s15], $0x4000  }
0xb0: {  	[sflag:s15] =	ssyncset.done $0x0  }
0xb1: {  	s30 =	rddreg [dreg:$0x6];
	[sflag:s15] =	ssyncadd.s32 $0xFFFFC000  }
0xb2: {  	[hbm4b:s30+s3] =	stream.linear.scatter [tilespmem:s26], [sflag:$0x4], $0x4000, $0x38;
	[tilespmem:$0x1E880] =	vst v63  }
0xb3: {  	_ =	swait.ge [sflag:s15], $0x4000  }
0xb4: {  	[sflag:s15] =	ssyncset.done $0x0  }
0xb5: {  	[sflag:s15] =	ssyncadd.s32 $0xFFFFC000  }
0xb6: {  	[tilespmem:s14], [sflag:$0x4] =	stream.linear.gather [spmem:s8], $0x4000, $0x38;
	[tilespmem:$0x1E880] =	vst v63  }
0xb7: {  	_ =	swait.ge [sflag:s15], $0x4000  }
0xb8: {  	[sflag:s15] =	ssyncset.done $0x0  }
0xb9: {  	[sflag:s15] =	ssyncadd.s32 $0xFFFFC000  }
0xba: {  	[hbm4b:s20+s3] =	stream.linear.scatter [tilespmem:s14], [sflag:$0x4], $0x4000, $0x38;
	[tilespmem:$0x1E880] =	vst v63  }
0xbb: {  	_ =	swait.ge [sflag:s15], $0x4000  }
0xbc: {  	[sflag:s15] =	ssyncset.done $0x0  }
0xbd: {  	[sflag:s15] =	ssyncadd.s32 $0xFFFFC000  }
0xbe: {  	[tilespmem:s26], [sflag:$0x4] =	stream.linear.gather [spmem:s9], $0x4000, $0x38;
	[tilespmem:$0x1E880] =	vst v63  }
0xbf: {  	_ =	swait.ge [sflag:s15], $0x4000  }
0xc0: {  	[sflag:s15] =	ssyncset.done $0x0  }
0xc1: {  	[sflag:s15] =	ssyncadd.s32 $0xFFFFC000  }
0xc2: {  	[hbm4b:s21+s3] =	stream.linear.scatter [tilespmem:s26], [sflag:$0x4], $0x4000, $0x38;
	[tilespmem:$0x1E880] =	vst v63  }
0xc3: {  	_ =	swait.ge [sflag:s15], $0x4000  }
0xc4: {  	[sflag:s15] =	ssyncset.done $0x0  }
0xc5: {  	[sflag:s15] =	ssyncadd.s32 $0xFFFFC000  }
0xc6: {  	[tilespmem:s14], [sflag:$0x4] =	stream.linear.gather [spmem:s10], $0x4000, $0x38;
	[tilespmem:$0x1E880] =	vst v63  }
0xc7: {  	_ =	swait.ge [sflag:s15], $0x4000  }
0xc8: {  	[sflag:s15] =	ssyncset.done $0x0  }
0xc9: {  	[sflag:s15] =	ssyncadd.s32 $0xFFFFC000  }
0xca: {  	[hbm4b:s23+s3] =	stream.linear.scatter [tilespmem:s14], [sflag:$0x4], $0x4000, $0x38;
	[tilespmem:$0x1E880] =	vst v63  }
0xcb: {  	_ =	swait.ge [sflag:s15], $0x4000  }
0xcc: {  	s29 =	sadd.s32 $0x1, s29;
	s31 =	rddreg [dreg:$0x4]  }
0xcd: {  	p0 =	sne.s32 s29, s31  }
.Ltmp5:
0xce: {  	_ = 	snop;
	(pc) =	sbr.rel @p0 .LBB2_1-.Ltmp5, $3  }
0xcf: {  	_ =	sdelay $0x1  }
0xd0: {  	[sflag:s15] =	ssyncset.done $0x0  }
0xd1: {  	[sflag:s15] =	ssyncadd.s32 $0xFFFFC000  }
0xd2: {  	_ =	sfence.sel $0x180000  }
0xd3: {  	[bflag:$0x0] =	sbarrier.arrive $0xFFFF  }
0xd4: {  	_ =	strace $0x9000004A  }
0xd5: {  	s0 =	stileid.u32;
	[bflag:$0x2] =	sbarrier.arrive $0xFFFF  }
0xd6: {  	p0 =	sne.s32 s0, $0x0;
	s0 =	rddreg [dreg:$0x3]  }
0xd7: {  	s0 =	sadd.s32 @!p0 $0x100000, s0  }
0xd8: {  	[sflag:s0] =	ssyncadd.tile.s32 @!p0 $0x1;
	_ =	shalt  }
.Lfunc_end2:
_tile_overlayer_lowered:
.L_overlay_start_2:
0xd9: {  	(tag) =	ssettag $0x2  }
0xda: {  	s0 =	rddreg [dreg:$0x0];
	s2 =	stileid.u32  }
0xdb: {  	s1 =	rddreg [dreg:$0x1];
	p0 =	sne.s32 s2, $0x0  }
0xdc: {  	s3 =	rddreg [dreg:$0x2];
	[bflag:$0x3] =	sbarrier.arrive $0xFFFF;
	s2 =	simm.s32 @!p0 $0x1C04  }
0xdd: {  	[timem:s3], [sflag:s2] =	dma.local @!p0 [hbm:s0], s1  }
0xde: {  	s0 =	simm.s32 @!p0 $0x4  }
0xdf: {  	_ =	swait.ge @!p0 [sflag:s0], s1  }
0xe0: {  	s1 =	ssub.s32 @!p0 $0x0, s1;
	[sflag:s0] =	ssyncset.done @!p0 $0x0  }
0xe1: {  	[sflag:s0] =	ssyncadd.s32 @!p0 s1  }
0xe2: {  	[bflag:$0x3] =	sbarrier.arrive $0xFFFF  }
0xe3: {  	_ =	shalt  }

// kernel: kernel.16.cloned.1.call-start
scs
__scs_entry_jumppad:
0x0: {  	(pc) =	sbr.rel $0x88, $3  }
0x1: {  	(tag) =	ssettag $0x0;
	lr =	simm.s32 $0x1  }
0x2: {  	[smem:$0x3F99] =	sst lr;
	_ =	strace $0xD0000000  }
0x3: {  	_ = 	snop  }
0x4: {  	_ = 	snop  }
0x5: {  	_ = 	snop  }
0x6: {  	_ = 	snop  }
0x7: {  	_ = 	snop  }
__scs_overlays_trampoline_lowered:
0x8: {  	[smem:$0x3FA8] =	sst s0  }
0x9: {  	[smem:$0x3FA9] =	sst s1  }
0xa: {  	[smem:$0x3FAA] =	sst s2  }
0xb: {  	[smem:$0x3FAB] =	sst s3  }
0xc: {  	[smem:$0x3FAC] =	sst s4  }
0xd: {  	[smem:$0x3FAD] =	sst s5  }
0xe: {  	[smem:$0x3FAE] =	sst s6  }
0xf: {  	[smem:$0x3FAF] =	sst s7  }
0x10: {  	[smem:$0x3FB0] =	sst s8  }
0x11: {  	[smem:$0x3FB1] =	sst s9;
	s0 =	simm.s32 @!p0 $0x0  }
0x12: {  	s1 =	sld [smem:$0x3F97];
	s0 =	simm.s32 @p0 $0x1  }
0x13: {  	[smem:$0x3FB2] =	sst s0;
	s0 =	simm.s32 @!p1 $0x0  }
0x14: {  	s2 =	sld [smem:$0x3F96];
	s0 =	simm.s32 @p1 $0x1  }
0x15: {  	[smem:$0x3FB3] =	sst s0;
	s0 =	simm.s32 @!p2 $0x0  }
0x16: {  	s3 =	sld [smem:$0x3FDB];
	s0 =	simm.s32 @p2 $0x1  }
0x17: {  	s4 =	simm.s32 $0x1BF5;
	[smem:$0x3FB5] =	sst s0  }
0x18: {  	s0 =	sld [smem:$0x3F98];
	_ =	swait.ge [sflag:s4], $0x0  }
0x19: {  	s7 =	sld [smem:$0x3F99]  }
0x1a: {  	s8 =	sadd.s32 $0xFFFFE003, lr  }
0x1b: {  	s9 =	sadd.s32 $0xFFFFFEF7, lr;
	s5 =	simm.s32 $0xFFFFFFFF;
	p2 =	slt.u32 s8, $0xFFFFF086  }
0x1c: {  	p1 =	slt.u32 s9, $0xF7A;
	s5 =	simm.s32 @!p2 $0x0  }
0x1d: {  	s5 =	simm.s32 @p1 $0x1;
	p0 =	seq.s32 s7, s2  }
0x1e: {  	s7 =	smul.u32 @!p0 $0xF7A, s2;
	p2 =	seq.s32 @!p0 s5, $0x0  }
0x1f: {  	s9 =	smul.u32 $0xF7A, s1;
	s8 =	simm.s32 @!p0 $0x1BF5;
	p2 =	por !p2, p0  }
0x20: {  	[sflag:s8] =	ssyncset.s32 @!p0 $0xFFFFF086;
	s6 =	sadd.s32 @!p0 s3, s7;
	s7 =	simm.s32 @!p0 $0x108  }
0x21: {  	s3 =	sadd.s32 s3, s9;
	s6 =	sadd.s32 @!p0 $0x88, s6;
	s7 =	simm.s32 @p2 $0x1082  }
0x22: {  	[simem:s7], [sflag:s8] =	dma.local @!p0 [hbm:s6], $0xF7A  }
0x23: {  	s9 =	sor.u32 $0xD0000000, s2;
	s6 =	simm.s32 $0x108;
	_ =	swait.ge @!p0 [sflag:s8], $0x0  }
0x24: {  	s3 =	sadd.s32 $0x88, s3;
	s6 =	simm.s32 @!p1 $0x1082;
	[sflag:s4] =	ssyncset.s32 $0xFFFFF086  }
0x25: {  	[simem:s6], [sflag:s4] =	dma.local [hbm:s3], $0xF7A  }
0x26: {  	[smem:$0x3F99] =	sst s1;
	(tag) =	ssettag s2;
	_ =	strace s9  }
0x27: {  	s1 =	sld [smem:$0x3FA9]  }
0x28: {  	s2 =	sld [smem:$0x3FAA]  }
0x29: {  	s4 =	sld [smem:$0x3FAC]  }
0x2a: {  	p0 =	seq.s32 s5, $0x0;
	s5 =	sld [smem:$0x3FAD]  }
0x2b: {  	s6 =	sld [smem:$0x3FAE]  }
0x2c: {  	s7 =	sld [smem:$0x3FAF]  }
0x2d: {  	s3 =	simm.s32 $0x108;
	s8 =	sld [smem:$0x3FB0]  }
0x2e: {  	s3 =	simm.s32 @!p0 $0x1082;
	s9 =	sld [smem:$0x3FB1]  }
0x2f: {  	lr =	sadd.s32 s0, s3;
	s0 =	sld [smem:$0x3FA8]  }
0x30: {  	s3 =	sld [smem:$0x3FAB]  }
0x31: {  	[smem:$0x3FB4] =	sst s10  }
0x32: {  	s10 =	sld [smem:$0x3FB2];
	_ =	sdelay $0x3  }
0x33: {  	p0 =	seq.s32 s10, $0x1;
	s10 =	sld [smem:$0x3FB4];
	_ =	sdelay $0x3  }
0x34: {  	[smem:$0x3FB4] =	sst s10  }
0x35: {  	s10 =	sld [smem:$0x3FB3];
	_ =	sdelay $0x3  }
0x36: {  	p1 =	seq.s32 s10, $0x1;
	s10 =	sld [smem:$0x3FB4];
	_ =	sdelay $0x3  }
0x37: {  	[smem:$0x3FB4] =	sst s10  }
0x38: {  	s10 =	sld [smem:$0x3FB5]  }
0x39: {  	_ = 	snop;
	(pc) =	sbr.ind lr, $3  }
0x3a: {  	_ = 	snop  }
0x3b: {  	_ = 	snop  }
0x3c: {  	p2 =	seq.s32 s10, $0x1;
	s10 =	sld [smem:$0x3FB4]  }
0x3d: {  	_ =	shalt  }
0x3e: {  	_ =	shalt  }
0x3f: {  	_ =	shalt  }
0x40: {  	_ =	shalt  }
0x41: {  	_ =	shalt  }
0x42: {  	_ =	shalt  }
0x43: {  	_ =	shalt  }
0x44: {  	_ =	shalt  }
0x45: {  	_ =	shalt  }
0x46: {  	_ =	shalt  }
0x47: {  	_ =	shalt  }
0x48: {  	_ =	shalt  }
0x49: {  	_ =	shalt  }
0x4a: {  	_ =	shalt  }
0x4b: {  	_ =	shalt  }
0x4c: {  	_ =	shalt  }
0x4d: {  	_ =	shalt  }
0x4e: {  	_ =	shalt  }
0x4f: {  	_ =	shalt  }
0x50: {  	_ =	shalt  }
0x51: {  	_ =	shalt  }
0x52: {  	_ =	shalt  }
0x53: {  	_ =	shalt  }
0x54: {  	_ =	shalt  }
0x55: {  	_ =	shalt  }
0x56: {  	_ =	shalt  }
0x57: {  	_ =	shalt  }
0x58: {  	_ =	shalt  }
0x59: {  	_ =	shalt  }
0x5a: {  	_ =	shalt  }
0x5b: {  	_ =	shalt  }
0x5c: {  	_ =	shalt  }
0x5d: {  	_ =	shalt  }
0x5e: {  	_ =	shalt  }
0x5f: {  	_ =	shalt  }
0x60: {  	_ =	shalt  }
0x61: {  	_ =	shalt  }
0x62: {  	_ =	shalt  }
0x63: {  	_ =	shalt  }
0x64: {  	_ =	shalt  }
0x65: {  	_ =	shalt  }
0x66: {  	_ =	shalt  }
0x67: {  	_ =	shalt  }
0x68: {  	_ =	shalt  }
0x69: {  	_ =	shalt  }
0x6a: {  	_ =	shalt  }
0x6b: {  	_ =	shalt  }
0x6c: {  	_ =	shalt  }
0x6d: {  	_ =	shalt  }
0x6e: {  	_ =	shalt  }
0x6f: {  	_ =	shalt  }
0x70: {  	_ =	shalt  }
0x71: {  	_ =	shalt  }
0x72: {  	_ =	shalt  }
0x73: {  	_ =	shalt  }
0x74: {  	_ =	shalt  }
0x75: {  	_ =	shalt  }
0x76: {  	_ =	shalt  }
0x77: {  	_ =	shalt  }
0x78: {  	_ =	shalt  }
0x79: {  	_ =	shalt  }
0x7a: {  	_ =	shalt  }
0x7b: {  	_ =	shalt  }
0x7c: {  	_ =	shalt  }
0x7d: {  	_ =	shalt  }
0x7e: {  	_ =	shalt  }
0x7f: {  	_ =	shalt  }
0x80: {  	_ =	shalt  }
0x81: {  	_ =	shalt  }
0x82: {  	_ =	shalt  }
0x83: {  	_ =	shalt  }
0x84: {  	_ =	shalt  }
0x85: {  	_ =	shalt  }
0x86: {  	_ =	shalt  }
0x87: {  	_ =	shalt  }
.Lfunc_end0:
.L_simem_size_0:
called_computation.2_lowered:
.L_overlay_start_0:
0x88: {  	s2 =	sld [smem:$0x3FD9]  }
0x89: {  	s3 =	sld [smem:$0x3FFE];
	_ =	sdelay $0x1  }
0x8a: {  	s1 =	srdreg.scid  }
0x8b: {  	s0 =	sand.u32 $0x1, s1  }
0x8c: {  	s14 =	sshll.u32 s0, $0xA;
	s2 =	sadd.s32 s3, s2  }
0x8d: {  	s2 =	sadd.s32 s2, s14  }
0x8e: {  	[smem:$0x3FC0] =	sst s2  }
0x8f: {  	_ = 	snop  }
0x90: {  	s2 =	sld [smem:$0x3FD0];
	_ =	sdelay $0x2  }
0x91: {  	s15 =	simm.s32 $0xA;
	s4 =	simm.s32 $0x10  }
0x92: {  	[smem:s4], [sflag:s15] =	dma.local [hbm:s2], $0x1  }
0x93: {  	_ =	swait.eq [sflag:s15], $0x1  }
0x94: {  	[sflag:s15] =	ssyncset.done $0x0  }
0x95: {  	[sflag:s15] =	ssyncadd.s32 $0xFFFFFFFF  }
0x96: {  	s16 =	sld [smem:$0x13];
	(tm) =	ssettm $0x1  }
0x97: {  	s17 =	sld [smem:$0x3FFB];
	_ =	sdelay $0x3  }
0x98: {  	_ =	strace s17  }
0x99: {  	s3 =	sld [smem:$0x3FFC];
	_ =	sdelay $0x3  }
0x9a: {  	_ =	strace s3  }
0x9b: {  	s3 =	sld [smem:$0x3FFD];
	_ =	sdelay $0x3  }
0x9c: {  	_ =	strace s3  }
0x9d: {  	_ =	strace $0x8FFFFFFF  }
0x9e: {  	s18 =	sld [smem:$0x3FDB];
	_ =	sdelay $0x1  }
0x9f: {  	s19 =	simm.s32 $_scs_section_size  }
0xa0: {  	s5 =	simm.s32 $_size__tile_overlayer_lowered;
	s6 =	simm.s32 $_tile_overlayer_lowered  }
0xa1: {  	s22 =	simm.s32 $0x1BFF;
	s21 =	sshll.u32 s6, $0x1;
	s3 =	sadd.s32 s19, s18  }
0xa2: {  	s7 =	simm.s32 $0x0;
	s20 =	sshll.u32 s5, $0x1;
	s5 =	sadd.s32 s21, s3  }
0xa3: {  	[timem:s7], [sflag:s22] =	dma.local [hbm:s5], s20  }
0xa4: {  	_ =	swait.ge [sflag:s22], s20  }
0xa5: {  	s4 =	ssub.s32 $0x0, s20;
	[sflag:s22] =	ssyncset.done $0x0  }
0xa6: {  	[sflag:s22] =	ssyncadd.s32 s4;
	_ =	sdelay $0x1  }
0xa7: {  	s23 =	simm.s32 $0x1B8B  }
0xa8: {  	_ =	swait.ge [sflag:s23], $0x1  }
0xa9: {  	[sflag:s23] =	ssyncset.done $0x0  }
0xaa: {  	s25 =	simm.s32 $0x1B8E;
	s24 =	sld [smem:$0x3FFE];
	[sflag:s23] =	ssyncadd.s32 $0xFFFFFFFF  }
0xab: {  	s26 =	simm.s32 $execute0_lowered;
	[smem:$0x3FD2] =	sst s25  }
0xac: {  	s5 =	sshll.u32 s26, $0x1;
	_ =	strace $0x8000004C;
	[dreg:$0x1] =	wrdreg $0xFFFFFFFF  }
0xad: {  	s28 =	simm.s32 $_size_execute0_lowered;
	s3 =	sadd.s32 s3, s5;
	[dreg:$0x0] =	wrdreg $0x0  }
0xae: {  	s5 =	sshll.u32 s28, $0x1;
	[dreg:$0x2] =	wrdreg s3  }
0xaf: {  	[dreg:$0x3] =	wrdreg s5  }
0xb0: {  	[dreg:$0x4] =	wrdreg $0xC0  }
0xb1: {  	_ =	task [dreg:s7], $0x5FFFF  }
0xb2: {  	[dreg:$0x1] =	wrdreg $0xFFFFFFFF  }
0xb3: {  	[dreg:$0x0] =	wrdreg $0x60  }
0xb4: {  	[dreg:$0x2] =	wrdreg s24  }
0xb5: {  	[dreg:$0x3] =	wrdreg s16  }
0xb6: {  	[dreg:$0x4] =	wrdreg $0xA8800  }
0xb7: {  	[dreg:$0x5] =	wrdreg $0x9  }
0xb8: {  	_ =	task.clear_ibuf [dreg:s7], $0x6FFFF;
	_ =	strace $0x9000004C  }
0xb9: {  	s29 =	simm.s32 $0x9;
	_ =	strace $0x8000004E  }
0xba: {  	_ =	swait.ge [sflag:s29], $0x1  }
0xbb: {  	[sflag:s29] =	ssyncadd.s32 $0xFFFFFFFF  }
0xbc: {  	_ =	strace $0x9000004E  }
0xbd: {  	_ =	sfence  }
0xbe: {  	s30 =	sld [smem:$0x0];
	_ =	sdelay $0x2  }
0xbf: {  	s31 =	sshll.u32 s1, $0xD;
	s1 =	sshrl.u32 s1, $0x2  }
0xc0: {  	s3 =	sand.u32 $0x4000, s31;
	s1 =	sadd.s32 s1, s30  }
0xc1: {  	s0 =	sor.u32 s3, s0;
	s1 =	sshll.u32 s1, $0x11  }
0xc2: {  	s0 =	sor.u32 s1, s0  }
0xc3: {  	s0 =	sadd.s32 $0x8F2B, s0  }
0xc4: {  	[sflag:s0] =	ssyncadd.remote.s32 $0x1  }
0xc5: {  	_ =	sfence.sel $0xFFFF  }
0xc6: {  	[dreg:$0x0] =	wrdreg $0xFFFFFFFF;
	(pc) =	sbr.abs _section_cstart, $3  }
0xc7: {  	[dreg:$0x1] =	wrdreg $0xFFFFFFFF  }
0xc8: {  	_ =	task.clear_ibuf [dreg:s7], $0x2FFFF;
	_ =	strace $0x9FFFFFFF  }
0xc9: {  	(tm) =	ssettm $0x7FFFFFFF  }
tec
execute0_lowered:
.L_overlay_start_1:
0x0: {  	(tag) =	ssettag $0x1  }
0x1: {  	s0 =	rddreg [dreg:$0x0]  }
0x2: {  	s2 =	rddreg [dreg:$0x2];
	s17 =	stileid.u32  }
0x3: {  	s1 =	srdreg.scid;
	s3 =	simm.s32 $0x0;
	s8 =	smul.u32 $0x280, s17  }
0x4: {  	s22 =	simm.s32 $0x3;
	s28 =	simm.s32 $0x1;
	s7 =	smul.u32 $0x50000, s17  }
0x5: {  	s29 =	simm.s32 $0x0;
	s1 =	sand.u32 $0x1, s1;
	s18 =	smul.u32 $0x2800, s17  }
0x6: {  	[smem:$0x7FF] =	sst s3;
	s5 =	sadd.s32 $0x2E00, s0;
	s4 =	smul.u32 $0x28000, s1  }
0x7: {  	_ =	strace $0x8000004D;
	s23 =	ssub.s32 $0x2, s1;
	s1 =	sshll.u32 s1, $0x4  }
0x8: {  	s6 =	sshrl.u32 s23, $0x1;
	s1 =	sor.u32 s17, s1;
	s13 =	sadd.s32 $0x80, s8  }
0x9: {  	s24 =	sshrl.u32 s7, $0x2;
	s14 =	sadd.s32 $0x100, s8;
	s15 =	sadd.s32 $0x180, s8  }
0xa: {  	s16 =	sadd.s32 $0x200, s8;
	s17 =	simm.s32 $0x80;
	s0 =	sadd.s32 s4, s0  }
0xb: {  	s4 =	ssub.s32 s23, s6;
	s25 =	sshll.u32 s13, $0x7;
	s6 =	sadd.s32 s24, s2  }
0xc: {  	s9 =	sshll.u32 s14, $0x7;
	s1 =	smul.u32 $0x50, s1;
	s26 =	sshll.u32 s15, $0x7  }
0xd: {  	s10 =	sshll.u32 s16, $0x7;
	s19 =	sshll.u32 s13, $0x4;
	s20 =	sshll.u32 s14, $0x4  }
0xe: {  	s21 =	sshll.u32 s15, $0x4;
	s23 =	sshll.u32 s16, $0x4;
	s14 =	simm.s32 $0x2880  }
0xf: {  	s15 =	simm.s32 $0x4;
	s24 =	simm.s32 $0x2;
	s7 =	sadd.s32 s25, s2  }
0x10: {  	s8 =	sadd.s32 s9, s2;
	s9 =	sadd.s32 s26, s2;
	s10 =	sadd.s32 s10, s2  }
0x11: {  	s0 =	sadd.s32 $0x2AE00, s0;
	s4 =	smax.u32 s4, $0x1;
	s25 =	simm.s32 $0x2800  }
0x12: {  	s11 =	sadd.s32 $0xA00, s1;
	s26 =	sadd.s32 $0x28, s1;
	s12 =	sadd.s32 $0xA28, s1  }
0x13: {  	[dreg:$0x4] =	wrdreg s4;
	s30 =	sadd.s32 s18, s0;
	s31 =	sadd.s32 s19, s0  }
0x14: {  	v1 =	vlaneseq.u32;
	v3 =	vimm.f32 $0.0e+00;
	s20 =	sadd.s32 s20, s0;
	s21 =	sadd.s32 s21, s0;
	[dreg:$0x5] =	wrdreg s30  }
0x15: {  	v4 =	vadd.s32 $0xFFFFFFD8, v1;
	v0 =	vmov s1;
	s23 =	sadd.s32 s23, s0;
	[dreg:$0x6] =	wrdreg s31;
	v2 =	vmov s26;
	s26 =	simm.s32 $0x6880  }
.LBB2_1:
0x16: {  	s0 =	simm.s32 $0x0;
	s1 =	simm.s32 $0x200  }
.LBB2_2:
0x17: {  	p0 =	sne.s32 s1, $0xFE00;
	[tilespmem:s0+$0x28F0] =	vst v3  }
0x18: {  	[tilespmem:s0+$0x2880] =	vst v3  }
0x19: {  	[tilespmem:s0+$0x2890] =	vst v3  }
.Ltmp0:
0x1a: {  	[tilespmem:s0+$0x28A0] =	vst v3;
	(pc) =	sbr.rel @p0 .LBB2_2-.Ltmp0, $4  }
0x1b: {  	[tilespmem:s0+$0x28B0] =	vst v3  }
0x1c: {  	[tilespmem:s0+$0x28C0] =	vst v3  }
0x1d: {  	[tilespmem:s0+$0x28D0] =	vst v3  }
0x1e: {  	[tilespmem:s0+$0x28E0] =	vst v3;
	s0 =	sshra.s32 s1, $0x2;
	s1 =	sadd.s32 $0x200, s1  }
0x1f: {  	[tilespmem:s0+$0x28F0] =	vst v3  }
0x20: {  	[tilespmem:s0+$0x2880] =	vst v3  }
0x21: {  	[tilespmem:s0+$0x2890] =	vst v3  }
0x22: {  	[tilespmem:s0+$0x28A0] =	vst v3  }
0x23: {  	[tilespmem:s0+$0x28B0] =	vst v3  }
0x24: {  	[tilespmem:s0+$0x28C0] =	vst v3  }
0x25: {  	[tilespmem:s0+$0x28D0] =	vst v3  }
0x26: {  	[tilespmem:s0+$0x28E0] =	vst v3  }
0x27: {  	[spmem:s6] =	stream.linear.scatter [tilespmem:s14], [sflag:$0x4], $0x4000, $0x38;
	[tilespmem:$0x1E880] =	vst v63  }
0x28: {  	_ =	swait.ge [sflag:s15], $0x4000  }
0x29: {  	[sflag:s15] =	ssyncset.done $0x0  }
0x2a: {  	[sflag:s15] =	ssyncadd.s32 $0xFFFFC000  }
0x2b: {  	[spmem:s7] =	stream.linear.scatter [tilespmem:s14], [sflag:$0x4], $0x4000, $0x38;
	[tilespmem:$0x1E880] =	vst v63  }
0x2c: {  	_ =	swait.ge [sflag:s15], $0x4000  }
0x2d: {  	[sflag:s15] =	ssyncset.done $0x0  }
0x2e: {  	[sflag:s15] =	ssyncadd.s32 $0xFFFFC000  }
0x2f: {  	[spmem:s8] =	stream.linear.scatter [tilespmem:s14], [sflag:$0x4], $0x4000, $0x38;
	[tilespmem:$0x1E880] =	vst v63  }
0x30: {  	_ =	swait.ge [sflag:s15], $0x4000  }
0x31: {  	[sflag:s15] =	ssyncset.done $0x0  }
0x32: {  	[sflag:s15] =	ssyncadd.s32 $0xFFFFC000  }
0x33: {  	[spmem:s9] =	stream.linear.scatter [tilespmem:s14], [sflag:$0x4], $0x4000, $0x38;
	[tilespmem:$0x1E880] =	vst v63  }
0x34: {  	_ =	swait.ge [sflag:s15], $0x4000  }
0x35: {  	[sflag:s15] =	ssyncset.done $0x0  }
0x36: {  	[sflag:s15] =	ssyncadd.s32 $0xFFFFC000  }
0x37: {  	[spmem:s10] =	stream.linear.scatter [tilespmem:s14], [sflag:$0x4], $0x4000, $0x38;
	[tilespmem:$0x1E880] =	vst v63  }
0x38: {  	s0 =	simm.s32 $0x0;
	_ =	swait.ge [sflag:s15], $0x4000  }
0x39: {  	s1 =	sadd.s32 $0x0, s11;
	v5 =	vor.u32 s0, v1;
	[sflag:s15] =	ssyncset.done $0x0  }
0x3a: {  	v6 =	vadd.s32 s1, v4;
	vm0 =	vlt.u32 v5, $0x28;
	v5 =	vadd.s32 v0, v5;
	[sflag:s15] =	ssyncadd.s32 $0xFFFFC000  }
0x3b: {  	v5 =	vsel vm0, v5, v6;
	[bflag:$0x0] =	sbarrier.arrive $0xFFFF  }
0x3c: {  	s1 =	simm.s32 $0x10;
	[tilespmem:s0+$0x0] =	vst v5  }
.LBB2_4:
0x3d: {  	p0 =	sne.s32 s1, $0x40  }
.Ltmp1:
0x3e: {  	_ = 	snop;
	(pc) =	sbr.rel @p0 .LBB2_4-.Ltmp1, $4  }
0x3f: {  	v5 =	vor.u32 s1, v1;
	s4 =	sadd.s32 s11, s1  }
0x40: {  	vm0 =	vlt.u32 v5, $0x28;
	v5 =	vadd.s32 v0, v5;
	v6 =	vadd.s32 s4, v4  }
0x41: {  	s0 =	sadd.s32 $0x10, s0;
	v5 =	vsel vm0, v5, v6  }
0x42: {  	s1 =	sadd.s32 $0x10, s1;
	[tilespmem:s0+$0x0] =	vst v5  }
0x43: {  	s0 =	rddreg [dreg:$0x1];
	s1 =	simm.s32 $0x50  }
0x44: {  	[tilespmem:s17], [sflag:$0x3] =	stream.indirect.gather [hbm4b:s0+s1], $0x80, s3, s1, $0xb8;
	[tilespmem:$0x1E880] =	vst v63  }
0x45: {  	s13 =	simm.s32 $0x1;
	s16 =	simm.s32 $0x0;
	_ =	swait.ge [sflag:s22], $0x2800  }
0x46: {  	s4 =	simm.s32 $0x100;
	s0 =	sand.u32 $0x1, s13;
	[sflag:s22] =	ssyncset.done $0x0  }
0x47: {  	s1 =	sand.u32 $0x1, s16;
	s30 =	sshll.u32 s0, $0xE;
	[sflag:s22] =	ssyncadd.s32 $0xFFFFD800  }
0x48: {  	[tilespmem:s14], [sflag:$0x1] =	stream.indirect.gather [hbm4b:s5+s17], $0x80, s17, s17, $0xb8;
	[tilespmem:$0x1E880] =	vst v63  }
0x49: {  	s0 =	sadd.s32 $0x1, s0;
	s31 =	sadd.s32 $0x1, s1;
	s30 =	sor.u32 $0x2880, s30  }
0x4a: {  	[tilespmem:s30], [sflag:s0] =	stream.indirect.gather [hbm4b:s5+s17], $0x80, s4, s17, $0xb8;
	[tilespmem:$0x1E880] =	vst v63  }
0x4b: {  	s19 =	simm.s32 $0x1480;
	s18 =	sshll.u32 s1, $0xE;
	_ =	swait.ge [sflag:s31], $0x4000  }
0x4c: {  	s0 =	sor.u32 $0x2880, s18;
	s4 =	simm.s32 $0x3;
	[sflag:s31] =	ssyncset.done $0x0  }
0x4d: {  	s30 =	simm.s32 $0x1500;
	[sflag:s31] =	ssyncadd.s32 $0xFFFFC000;
	s31 =	simm.s32 $0x2  }
0x4e: {  	[spmem:s2] =	stream.indirect.scatter.add.f32 [tilespmem:s0], [sflag:$0x4], $0x80, s19, s17, $0xb8;
	[tilespmem:$0x1E880] =	vst v63  }
0x4f: {  	s1 =	sand.u32 $0x1, s31;
	s0 =	simm.s32 $0x180;
	_ =	swait.ge [sflag:s15], $0x4000  }
.LBB2_6:
0x50: {  	s16 =	sadd.s32 $0xFFFFFFFF, s31;
	s13 =	sshll.u32 s1, $0xE;
	[sflag:s15] =	ssyncset.done $0x0  }
0x51: {  	s31 =	smov.u32 s4;
	s18 =	smov.u32 s30;
	s1 =	sadd.s32 $0x1, s1  }
0x52: {  	p0 =	sne.s32 s4, $0x27;
	s16 =	sand.u32 $0x1, s16;
	s13 =	sor.u32 $0x2880, s13  }
0x53: {  	s19 =	sshll.u32 s16, $0xE;
	s16 =	sadd.s32 $0x1, s16;
	[sflag:s15] =	ssyncadd.s32 $0xFFFFC000  }
0x54: {  	[tilespmem:s13], [sflag:s1] =	stream.indirect.gather [hbm4b:s5+s17], $0x80, s0, s17, $0xb8;
	[tilespmem:$0x1E880] =	vst v63  }
.Ltmp2:
0x55: {  	s13 =	sadd.s32 $0x1, s4;
	_ =	swait.ge [sflag:s16], $0x4000;
	(pc) =	sbr.rel @p0 .LBB2_6-.Ltmp2, $4  }
0x56: {  	s0 =	sor.u32 $0x2880, s19;
	[sflag:s16] =	ssyncset.done $0x0  }
0x57: {  	s30 =	sadd.s32 $0x80, s30;
	s1 =	sand.u32 $0x1, s31;
	[sflag:s16] =	ssyncadd.s32 $0xFFFFC000  }
0x58: {  	[spmem:s2] =	stream.indirect.scatter.add.f32 [tilespmem:s0], [sflag:$0x4], $0x80, s18, s17, $0xb8;
	[tilespmem:$0x1E880] =	vst v63  }
0x59: {  	s4 =	smov.u32 s13;
	s0 =	sadd.s32 $0xFFFFEC80, s30;
	_ =	swait.ge [sflag:s15], $0x4000  }
0x5a: {  	s4 =	sadd.s32 $0xFFFFFFFF, s31;
	s13 =	sshll.u32 s1, $0xE  }
0x5b: {  	[sflag:s15] =	ssyncset.done $0x0;
	s18 =	sadd.s32 $0x1, s1;
	s4 =	sand.u32 $0x1, s4  }
0x5c: {  	s13 =	sor.u32 $0x2880, s13;
	[sflag:s15] =	ssyncadd.s32 $0xFFFFC000;
	s16 =	sadd.s32 $0x1, s4  }
0x5d: {  	[tilespmem:s13], [sflag:s18] =	stream.indirect.gather [hbm4b:s5+s17], $0x80, s0, s17, $0xb8;
	[tilespmem:$0x1E880] =	vst v63  }
0x5e: {  	_ =	swait.ge [sflag:s16], $0x4000  }
0x5f: {  	s19 =	sshll.u32 s4, $0xE;
	[sflag:s16] =	ssyncset.done $0x0  }
0x60: {  	s0 =	sor.u32 $0x2880, s19;
	[sflag:s16] =	ssyncadd.s32 $0xFFFFC000  }
0x61: {  	[spmem:s2] =	stream.indirect.scatter.add.f32 [tilespmem:s0], [sflag:$0x4], $0x80, s30, s17, $0xb8;
	[tilespmem:$0x1E880] =	vst v63  }
0x62: {  	_ =	swait.ge [sflag:s15], $0x4000  }
0x63: {  	[sflag:s15] =	ssyncset.done $0x0  }
0x64: {  	[sflag:s15] =	ssyncadd.s32 $0xFFFFC000  }
0x65: {  	[tilespmem:s14], [sflag:$0x1] =	stream.indirect.gather [hbm4b:s5+s17], $0x80, s17, s17, $0xb8;
	[tilespmem:$0x1E880] =	vst v63  }
0x66: {  	_ =	swait.ge [sflag:s24], $0x4000  }
0x67: {  	[sflag:s24] =	ssyncset.done $0x0  }
0x68: {  	[sflag:s24] =	ssyncadd.s32 $0xFFFFC000  }
0x69: {  	[spmem:s2] =	stream.indirect.scatter.add.f32 [tilespmem:s26], [sflag:$0x4], $0x80, s25, s17, $0xb8;
	[tilespmem:$0x1E880] =	vst v63  }
0x6a: {  	_ =	swait.ge [sflag:s15], $0x4000  }
0x6b: {  	[sflag:s15] =	ssyncset.done $0x0  }
0x6c: {  	s0 =	simm.s32 $0x0;
	[sflag:s15] =	ssyncadd.s32 $0xFFFFC000  }
0x6d: {  	s31 =	sadd.s32 $0x0, s12;
	v5 =	vor.u32 s0, v1;
	_ =	swait.ge [sflag:s28], $0x4000  }
0x6e: {  	v6 =	vadd.s32 s31, v4;
	vm0 =	vlt.u32 v5, $0x28;
	v5 =	vadd.s32 v2, v5;
	[sflag:s28] =	ssyncset.done $0x0  }
0x6f: {  	v5 =	vsel vm0, v5, v6;
	[sflag:s28] =	ssyncadd.s32 $0xFFFFC000  }
0x70: {  	s1 =	simm.s32 $0x10;
	[tilespmem:s0+$0x0] =	vst v5  }
.LBB2_8:
0x71: {  	p0 =	sne.s32 s1, $0x40  }
.Ltmp3:
0x72: {  	_ = 	snop;
	(pc) =	sbr.rel @p0 .LBB2_8-.Ltmp3, $4  }
0x73: {  	v5 =	vor.u32 s1, v1;
	s4 =	sadd.s32 s12, s1  }
0x74: {  	vm0 =	vlt.u32 v5, $0x28;
	v5 =	vadd.s32 v2, v5;
	v6 =	vadd.s32 s4, v4  }
0x75: {  	s0 =	sadd.s32 $0x10, s0;
	v5 =	vsel vm0, v5, v6  }
0x76: {  	s1 =	sadd.s32 $0x10, s1;
	[tilespmem:s0+$0x0] =	vst v5  }
0x77: {  	s0 =	rddreg [dreg:$0x1];
	s1 =	simm.s32 $0x50  }
0x78: {  	[tilespmem:s17], [sflag:$0x3] =	stream.indirect.gather [hbm4b:s0+s1], $0x80, s3, s1, $0xb8;
	[tilespmem:$0x1E880] =	vst v63  }
0x79: {  	s13 =	simm.s32 $0x1;
	s16 =	simm.s32 $0x0;
	_ =	swait.ge [sflag:s22], $0x2800  }
0x7a: {  	s4 =	simm.s32 $0x100;
	s0 =	sand.u32 $0x1, s13;
	[sflag:s22] =	ssyncset.done $0x0  }
0x7b: {  	s1 =	sand.u32 $0x1, s16;
	s13 =	sshll.u32 s0, $0xE;
	[sflag:s22] =	ssyncadd.s32 $0xFFFFD800  }
0x7c: {  	[tilespmem:s14], [sflag:$0x1] =	stream.indirect.gather [hbm4b:s5+s17], $0x80, s17, s17, $0xb8;
	[tilespmem:$0x1E880] =	vst v63  }
0x7d: {  	s0 =	sadd.s32 $0x1, s0;
	s16 =	sadd.s32 $0x1, s1;
	s13 =	sor.u32 $0x2880, s13  }
0x7e: {  	[tilespmem:s13], [sflag:s0] =	stream.indirect.gather [hbm4b:s5+s17], $0x80, s4, s17, $0xb8;
	[tilespmem:$0x1E880] =	vst v63  }
0x7f: {  	s19 =	simm.s32 $0x1480;
	s31 =	simm.s32 $0x2;
	_ =	swait.ge [sflag:s16], $0x4000  }
0x80: {  	s30 =	simm.s32 $0x1500;
	s18 =	sshll.u32 s1, $0xE;
	[sflag:s16] =	ssyncset.done $0x0  }
0x81: {  	s1 =	sand.u32 $0x1, s31;
	s0 =	sor.u32 $0x2880, s18;
	[sflag:s16] =	ssyncadd.s32 $0xFFFFC000  }
0x82: {  	[spmem:s2] =	stream.indirect.scatter.add.f32 [tilespmem:s0], [sflag:$0x4], $0x80, s19, s17, $0xb8;
	[tilespmem:$0x1E880] =	vst v63  }
0x83: {  	s4 =	simm.s32 $0x3;
	s0 =	simm.s32 $0x180;
	_ =	swait.ge [sflag:s15], $0x4000  }
.LBB2_10:
0x84: {  	s13 =	sadd.s32 $0xFFFFFFFF, s31;
	s16 =	sshll.u32 s1, $0xE;
	[sflag:s15] =	ssyncset.done $0x0  }
0x85: {  	s31 =	smov.u32 s4;
	s18 =	smov.u32 s30;
	s1 =	sadd.s32 $0x1, s1  }
0x86: {  	p0 =	sne.s32 s4, $0x27;
	s13 =	sand.u32 $0x1, s13;
	s16 =	sor.u32 $0x2880, s16  }
0x87: {  	s19 =	sshll.u32 s13, $0xE;
	s13 =	sadd.s32 $0x1, s13;
	[sflag:s15] =	ssyncadd.s32 $0xFFFFC000  }
0x88: {  	[tilespmem:s16], [sflag:s1] =	stream.indirect.gather [hbm4b:s5+s17], $0x80, s0, s17, $0xb8;
	[tilespmem:$0x1E880] =	vst v63  }
.Ltmp4:
0x89: {  	s16 =	sadd.s32 $0x1, s4;
	_ =	swait.ge [sflag:s13], $0x4000;
	(pc) =	sbr.rel @p0 .LBB2_10-.Ltmp4, $4  }
0x8a: {  	s0 =	sor.u32 $0x2880, s19;
	[sflag:s13] =	ssyncset.done $0x0  }
0x8b: {  	s30 =	sadd.s32 $0x80, s30;
	s1 =	sand.u32 $0x1, s31;
	[sflag:s13] =	ssyncadd.s32 $0xFFFFC000  }
0x8c: {  	[spmem:s2] =	stream.indirect.scatter.add.f32 [tilespmem:s0], [sflag:$0x4], $0x80, s18, s17, $0xb8;
	[tilespmem:$0x1E880] =	vst v63  }
0x8d: {  	s4 =	smov.u32 s16;
	s0 =	sadd.s32 $0xFFFFEC80, s30;
	_ =	swait.ge [sflag:s15], $0x4000  }
0x8e: {  	s4 =	sshll.u32 s1, $0xE;
	[sflag:s15] =	ssyncset.done $0x0;
	s13 =	sadd.s32 $0x1, s1  }
0x8f: {  	s16 =	sadd.s32 $0xFFFFFFFF, s31;
	s4 =	sor.u32 $0x2880, s4;
	[sflag:s15] =	ssyncadd.s32 $0xFFFFC000  }
0x90: {  	[tilespmem:s4], [sflag:s13] =	stream.indirect.gather [hbm4b:s5+s17], $0x80, s0, s17, $0xb8;
	[tilespmem:$0x1E880] =	vst v63  }
0x91: {  	s0 =	sand.u32 $0x1, s16  }
0x92: {  	s18 =	sadd.s32 $0x1, s0  }
0x93: {  	_ =	swait.ge [sflag:s18], $0x4000  }
0x94: {  	s0 =	sshll.u32 s0, $0xE;
	[sflag:s18] =	ssyncset.done $0x0  }
0x95: {  	s0 =	sor.u32 $0x2880, s0;
	[sflag:s18] =	ssyncadd.s32 $0xFFFFC000  }
0x96: {  	[spmem:s2] =	stream.indirect.scatter.add.f32 [tilespmem:s0], [sflag:$0x4], $0x80, s30, s17, $0xb8;
	[tilespmem:$0x1E880] =	vst v63  }
0x97: {  	_ =	swait.ge [sflag:s15], $0x4000  }
0x98: {  	[sflag:s15] =	ssyncset.done $0x0  }
0x99: {  	[sflag:s15] =	ssyncadd.s32 $0xFFFFC000  }
0x9a: {  	[tilespmem:s14], [sflag:$0x1] =	stream.indirect.gather [hbm4b:s5+s17], $0x80, s17, s17, $0xb8;
	[tilespmem:$0x1E880] =	vst v63  }
0x9b: {  	_ =	swait.ge [sflag:s24], $0x4000  }
0x9c: {  	[sflag:s24] =	ssyncset.done $0x0  }
0x9d: {  	[sflag:s24] =	ssyncadd.s32 $0xFFFFC000  }
0x9e: {  	[spmem:s2] =	stream.indirect.scatter.add.f32 [tilespmem:s26], [sflag:$0x4], $0x80, s25, s17, $0xb8;
	[tilespmem:$0x1E880] =	vst v63  }
0x9f: {  	_ =	swait.ge [sflag:s15], $0x4000  }
0xa0: {  	[sflag:s15] =	ssyncset.done $0x0  }
0xa1: {  	[sflag:s15] =	ssyncadd.s32 $0xFFFFC000  }
0xa2: {  	_ =	swait.ge [sflag:s28], $0x4000  }
0xa3: {  	[sflag:s28] =	ssyncset.done $0x0  }
0xa4: {  	[sflag:s28] =	ssyncadd.s32 $0xFFFFC000  }
0xa5: {  	[bflag:$0x0] =	sbarrier.arrive $0xFFFF  }
0xa6: {  	[tilespmem:s14], [sflag:$0x4] =	stream.linear.gather [spmem:s6], $0x4000, $0x38;
	[tilespmem:$0x1E880] =	vst v63  }
0xa7: {  	_ =	swait.ge [sflag:s15], $0x4000  }
0xa8: {  	[sflag:s15] =	ssyncset.done $0x0  }
0xa9: {  	s19 =	rddreg [dreg:$0x5];
	[sflag:s15] =	ssyncadd.s32 $0xFFFFC000  }
0xaa: {  	[hbm4b:s19+s3] =	stream.linear.scatter [tilespmem:s14], [sflag:$0x4], $0x4000, $0x38;
	[tilespmem:$0x1E880] =	vst v63  }
0xab: {  	_ =	swait.ge [sflag:s15], $0x4000  }
0xac: {  	[sflag:s15] =	ssyncset.done $0x0  }
0xad: {  	[sflag:s15] =	ssyncadd.s32 $0xFFFFC000  }
0xae: {  	[tilespmem:s26], [sflag:$0x4] =	stream.linear.gather [spmem:s7], $0x4000, $0x38;
	[tilespmem:$0x1E880] =	vst v63  }
0xaf: {  	_ =	swait.ge [sflag:s15], $0x4000  }
0xb0: {  	[sflag:s15] =	ssyncset.done $0x0  }
0xb1: {  	s30 =	rddreg [dreg:$0x6];
	[sflag:s15] =	ssyncadd.s32 $0xFFFFC000  }
0xb2: {  	[hbm4b:s30+s3] =	stream.linear.scatter [tilespmem:s26], [sflag:$0x4], $0x4000, $0x38;
	[tilespmem:$0x1E880] =	vst v63  }
0xb3: {  	_ =	swait.ge [sflag:s15], $0x4000  }
0xb4: {  	[sflag:s15] =	ssyncset.done $0x0  }
0xb5: {  	[sflag:s15] =	ssyncadd.s32 $0xFFFFC000  }
0xb6: {  	[tilespmem:s14], [sflag:$0x4] =	stream.linear.gather [spmem:s8], $0x4000, $0x38;
	[tilespmem:$0x1E880] =	vst v63  }
0xb7: {  	_ =	swait.ge [sflag:s15], $0x4000  }
0xb8: {  	[sflag:s15] =	ssyncset.done $0x0  }
0xb9: {  	[sflag:s15] =	ssyncadd.s32 $0xFFFFC000  }
0xba: {  	[hbm4b:s20+s3] =	stream.linear.scatter [tilespmem:s14], [sflag:$0x4], $0x4000, $0x38;
	[tilespmem:$0x1E880] =	vst v63  }
0xbb: {  	_ =	swait.ge [sflag:s15], $0x4000  }
0xbc: {  	[sflag:s15] =	ssyncset.done $0x0  }
0xbd: {  	[sflag:s15] =	ssyncadd.s32 $0xFFFFC000  }
0xbe: {  	[tilespmem:s26], [sflag:$0x4] =	stream.linear.gather [spmem:s9], $0x4000, $0x38;
	[tilespmem:$0x1E880] =	vst v63  }
0xbf: {  	_ =	swait.ge [sflag:s15], $0x4000  }
0xc0: {  	[sflag:s15] =	ssyncset.done $0x0  }
0xc1: {  	[sflag:s15] =	ssyncadd.s32 $0xFFFFC000  }
0xc2: {  	[hbm4b:s21+s3] =	stream.linear.scatter [tilespmem:s26], [sflag:$0x4], $0x4000, $0x38;
	[tilespmem:$0x1E880] =	vst v63  }
0xc3: {  	_ =	swait.ge [sflag:s15], $0x4000  }
0xc4: {  	[sflag:s15] =	ssyncset.done $0x0  }
0xc5: {  	[sflag:s15] =	ssyncadd.s32 $0xFFFFC000  }
0xc6: {  	[tilespmem:s14], [sflag:$0x4] =	stream.linear.gather [spmem:s10], $0x4000, $0x38;
	[tilespmem:$0x1E880] =	vst v63  }
0xc7: {  	_ =	swait.ge [sflag:s15], $0x4000  }
0xc8: {  	[sflag:s15] =	ssyncset.done $0x0  }
0xc9: {  	[sflag:s15] =	ssyncadd.s32 $0xFFFFC000  }
0xca: {  	[hbm4b:s23+s3] =	stream.linear.scatter [tilespmem:s14], [sflag:$0x4], $0x4000, $0x38;
	[tilespmem:$0x1E880] =	vst v63  }
0xcb: {  	_ =	swait.ge [sflag:s15], $0x4000  }
0xcc: {  	s29 =	sadd.s32 $0x1, s29;
	s31 =	rddreg [dreg:$0x4]  }
0xcd: {  	p0 =	sne.s32 s29, s31  }
.Ltmp5:
0xce: {  	_ = 	snop;
	(pc) =	sbr.rel @p0 .LBB2_1-.Ltmp5, $3  }
0xcf: {  	_ =	sdelay $0x1  }
0xd0: {  	[sflag:s15] =	ssyncset.done $0x0  }
0xd1: {  	[sflag:s15] =	ssyncadd.s32 $0xFFFFC000  }
0xd2: {  	_ =	sfence.sel $0x180000  }
0xd3: {  	[bflag:$0x0] =	sbarrier.arrive $0xFFFF  }
0xd4: {  	_ =	strace $0x9000004D  }
0xd5: {  	s0 =	stileid.u32;
	[bflag:$0x2] =	sbarrier.arrive $0xFFFF  }
0xd6: {  	p0 =	sne.s32 s0, $0x0;
	s0 =	rddreg [dreg:$0x3]  }
0xd7: {  	s0 =	sadd.s32 @!p0 $0x100000, s0  }
0xd8: {  	[sflag:s0] =	ssyncadd.tile.s32 @!p0 $0x1;
	_ =	shalt  }
.Lfunc_end2:
_tile_overlayer_lowered:
.L_overlay_start_2:
0xd9: {  	(tag) =	ssettag $0x2  }
0xda: {  	s0 =	rddreg [dreg:$0x0];
	s2 =	stileid.u32  }
0xdb: {  	s1 =	rddreg [dreg:$0x1];
	p0 =	sne.s32 s2, $0x0  }
0xdc: {  	s3 =	rddreg [dreg:$0x2];
	[bflag:$0x3] =	sbarrier.arrive $0xFFFF;
	s2 =	simm.s32 @!p0 $0x1C04  }
0xdd: {  	[timem:s3], [sflag:s2] =	dma.local @!p0 [hbm:s0], s1  }
0xde: {  	s0 =	simm.s32 @!p0 $0x4  }
0xdf: {  	_ =	swait.ge @!p0 [sflag:s0], s1  }
0xe0: {  	s1 =	ssub.s32 @!p0 $0x0, s1;
	[sflag:s0] =	ssyncset.done @!p0 $0x0  }
0xe1: {  	[sflag:s0] =	ssyncadd.s32 @!p0 s1  }
0xe2: {  	[bflag:$0x3] =	sbarrier.arrive $0xFFFF  }
0xe3: {  	_ =	shalt  }

// kernel: kernel.19.cloned.1.call-start
scs
__scs_entry_jumppad:
0x0: {  	(pc) =	sbr.rel $0x88, $3  }
0x1: {  	(tag) =	ssettag $0x0;
	lr =	simm.s32 $0x1  }
0x2: {  	[smem:$0x3F99] =	sst lr;
	_ =	strace $0xD0000000  }
0x3: {  	_ = 	snop  }
0x4: {  	_ = 	snop  }
0x5: {  	_ = 	snop  }
0x6: {  	_ = 	snop  }
0x7: {  	_ = 	snop  }
__scs_overlays_trampoline_lowered:
0x8: {  	[smem:$0x3FA8] =	sst s0  }
0x9: {  	[smem:$0x3FA9] =	sst s1  }
0xa: {  	[smem:$0x3FAA] =	sst s2  }
0xb: {  	[smem:$0x3FAB] =	sst s3  }
0xc: {  	[smem:$0x3FAC] =	sst s4  }
0xd: {  	[smem:$0x3FAD] =	sst s5  }
0xe: {  	[smem:$0x3FAE] =	sst s6  }
0xf: {  	[smem:$0x3FAF] =	sst s7  }
0x10: {  	[smem:$0x3FB0] =	sst s8  }
0x11: {  	[smem:$0x3FB1] =	sst s9;
	s0 =	simm.s32 @!p0 $0x0  }
0x12: {  	s1 =	sld [smem:$0x3F97];
	s0 =	simm.s32 @p0 $0x1  }
0x13: {  	[smem:$0x3FB2] =	sst s0;
	s0 =	simm.s32 @!p1 $0x0  }
0x14: {  	s2 =	sld [smem:$0x3F96];
	s0 =	simm.s32 @p1 $0x1  }
0x15: {  	[smem:$0x3FB3] =	sst s0;
	s0 =	simm.s32 @!p2 $0x0  }
0x16: {  	s3 =	sld [smem:$0x3FDB];
	s0 =	simm.s32 @p2 $0x1  }
0x17: {  	s4 =	simm.s32 $0x1BF5;
	[smem:$0x3FB5] =	sst s0  }
0x18: {  	s0 =	sld [smem:$0x3F98];
	_ =	swait.ge [sflag:s4], $0x0  }
0x19: {  	s7 =	sld [smem:$0x3F99]  }
0x1a: {  	s8 =	sadd.s32 $0xFFFFE003, lr  }
0x1b: {  	s9 =	sadd.s32 $0xFFFFFEF7, lr;
	s5 =	simm.s32 $0xFFFFFFFF;
	p2 =	slt.u32 s8, $0xFFFFF086  }
0x1c: {  	p1 =	slt.u32 s9, $0xF7A;
	s5 =	simm.s32 @!p2 $0x0  }
0x1d: {  	s5 =	simm.s32 @p1 $0x1;
	p0 =	seq.s32 s7, s2  }
0x1e: {  	s7 =	smul.u32 @!p0 $0xF7A, s2;
	p2 =	seq.s32 @!p0 s5, $0x0  }
0x1f: {  	s9 =	smul.u32 $0xF7A, s1;
	s8 =	simm.s32 @!p0 $0x1BF5;
	p2 =	por !p2, p0  }
0x20: {  	[sflag:s8] =	ssyncset.s32 @!p0 $0xFFFFF086;
	s6 =	sadd.s32 @!p0 s3, s7;
	s7 =	simm.s32 @!p0 $0x108  }
0x21: {  	s3 =	sadd.s32 s3, s9;
	s6 =	sadd.s32 @!p0 $0x88, s6;
	s7 =	simm.s32 @p2 $0x1082  }
0x22: {  	[simem:s7], [sflag:s8] =	dma.local @!p0 [hbm:s6], $0xF7A  }
0x23: {  	s9 =	sor.u32 $0xD0000000, s2;
	s6 =	simm.s32 $0x108;
	_ =	swait.ge @!p0 [sflag:s8], $0x0  }
0x24: {  	s3 =	sadd.s32 $0x88, s3;
	s6 =	simm.s32 @!p1 $0x1082;
	[sflag:s4] =	ssyncset.s32 $0xFFFFF086  }
0x25: {  	[simem:s6], [sflag:s4] =	dma.local [hbm:s3], $0xF7A  }
0x26: {  	[smem:$0x3F99] =	sst s1;
	(tag) =	ssettag s2;
	_ =	strace s9  }
0x27: {  	s1 =	sld [smem:$0x3FA9]  }
0x28: {  	s2 =	sld [smem:$0x3FAA]  }
0x29: {  	s4 =	sld [smem:$0x3FAC]  }
0x2a: {  	p0 =	seq.s32 s5, $0x0;
	s5 =	sld [smem:$0x3FAD]  }
0x2b: {  	s6 =	sld [smem:$0x3FAE]  }
0x2c: {  	s7 =	sld [smem:$0x3FAF]  }
0x2d: {  	s3 =	simm.s32 $0x108;
	s8 =	sld [smem:$0x3FB0]  }
0x2e: {  	s3 =	simm.s32 @!p0 $0x1082;
	s9 =	sld [smem:$0x3FB1]  }
0x2f: {  	lr =	sadd.s32 s0, s3;
	s0 =	sld [smem:$0x3FA8]  }
0x30: {  	s3 =	sld [smem:$0x3FAB]  }
0x31: {  	[smem:$0x3FB4] =	sst s10  }
0x32: {  	s10 =	sld [smem:$0x3FB2];
	_ =	sdelay $0x3  }
0x33: {  	p0 =	seq.s32 s10, $0x1;
	s10 =	sld [smem:$0x3FB4];
	_ =	sdelay $0x3  }
0x34: {  	[smem:$0x3FB4] =	sst s10  }
0x35: {  	s10 =	sld [smem:$0x3FB3];
	_ =	sdelay $0x3  }
0x36: {  	p1 =	seq.s32 s10, $0x1;
	s10 =	sld [smem:$0x3FB4];
	_ =	sdelay $0x3  }
0x37: {  	[smem:$0x3FB4] =	sst s10  }
0x38: {  	s10 =	sld [smem:$0x3FB5]  }
0x39: {  	_ = 	snop;
	(pc) =	sbr.ind lr, $3  }
0x3a: {  	_ = 	snop  }
0x3b: {  	_ = 	snop  }
0x3c: {  	p2 =	seq.s32 s10, $0x1;
	s10 =	sld [smem:$0x3FB4]  }
0x3d: {  	_ =	shalt  }
0x3e: {  	_ =	shalt  }
0x3f: {  	_ =	shalt  }
0x40: {  	_ =	shalt  }
0x41: {  	_ =	shalt  }
0x42: {  	_ =	shalt  }
0x43: {  	_ =	shalt  }
0x44: {  	_ =	shalt  }
0x45: {  	_ =	shalt  }
0x46: {  	_ =	shalt  }
0x47: {  	_ =	shalt  }
0x48: {  	_ =	shalt  }
0x49: {  	_ =	shalt  }
0x4a: {  	_ =	shalt  }
0x4b: {  	_ =	shalt  }
0x4c: {  	_ =	shalt  }
0x4d: {  	_ =	shalt  }
0x4e: {  	_ =	shalt  }
0x4f: {  	_ =	shalt  }
0x50: {  	_ =	shalt  }
0x51: {  	_ =	shalt  }
0x52: {  	_ =	shalt  }
0x53: {  	_ =	shalt  }
0x54: {  	_ =	shalt  }
0x55: {  	_ =	shalt  }
0x56: {  	_ =	shalt  }
0x57: {  	_ =	shalt  }
0x58: {  	_ =	shalt  }
0x59: {  	_ =	shalt  }
0x5a: {  	_ =	shalt  }
0x5b: {  	_ =	shalt  }
0x5c: {  	_ =	shalt  }
0x5d: {  	_ =	shalt  }
0x5e: {  	_ =	shalt  }
0x5f: {  	_ =	shalt  }
0x60: {  	_ =	shalt  }
0x61: {  	_ =	shalt  }
0x62: {  	_ =	shalt  }
0x63: {  	_ =	shalt  }
0x64: {  	_ =	shalt  }
0x65: {  	_ =	shalt  }
0x66: {  	_ =	shalt  }
0x67: {  	_ =	shalt  }
0x68: {  	_ =	shalt  }
0x69: {  	_ =	shalt  }
0x6a: {  	_ =	shalt  }
0x6b: {  	_ =	shalt  }
0x6c: {  	_ =	shalt  }
0x6d: {  	_ =	shalt  }
0x6e: {  	_ =	shalt  }
0x6f: {  	_ =	shalt  }
0x70: {  	_ =	shalt  }
0x71: {  	_ =	shalt  }
0x72: {  	_ =	shalt  }
0x73: {  	_ =	shalt  }
0x74: {  	_ =	shalt  }
0x75: {  	_ =	shalt  }
0x76: {  	_ =	shalt  }
0x77: {  	_ =	shalt  }
0x78: {  	_ =	shalt  }
0x79: {  	_ =	shalt  }
0x7a: {  	_ =	shalt  }
0x7b: {  	_ =	shalt  }
0x7c: {  	_ =	shalt  }
0x7d: {  	_ =	shalt  }
0x7e: {  	_ =	shalt  }
0x7f: {  	_ =	shalt  }
0x80: {  	_ =	shalt  }
0x81: {  	_ =	shalt  }
0x82: {  	_ =	shalt  }
0x83: {  	_ =	shalt  }
0x84: {  	_ =	shalt  }
0x85: {  	_ =	shalt  }
0x86: {  	_ =	shalt  }
0x87: {  	_ =	shalt  }
.Lfunc_end0:
.L_simem_size_0:
called_computation.3_lowered:
.L_overlay_start_0:
0x88: {  	s2 =	sld [smem:$0x3FD9]  }
0x89: {  	s3 =	sld [smem:$0x3FFE];
	_ =	sdelay $0x1  }
0x8a: {  	s1 =	srdreg.scid  }
0x8b: {  	s0 =	sand.u32 $0x1, s1  }
0x8c: {  	s14 =	sshll.u32 s0, $0xA;
	s2 =	sadd.s32 s3, s2  }
0x8d: {  	s2 =	sadd.s32 s2, s14  }
0x8e: {  	[smem:$0x3FC0] =	sst s2  }
0x8f: {  	_ = 	snop  }
0x90: {  	s2 =	sld [smem:$0x3FD0];
	_ =	sdelay $0x2  }
0x91: {  	s15 =	simm.s32 $0xA;
	s4 =	simm.s32 $0x10  }
0x92: {  	[smem:s4], [sflag:s15] =	dma.local [hbm:s2], $0x1  }
0x93: {  	_ =	swait.eq [sflag:s15], $0x1  }
0x94: {  	[sflag:s15] =	ssyncset.done $0x0  }
0x95: {  	[sflag:s15] =	ssyncadd.s32 $0xFFFFFFFF  }
0x96: {  	s16 =	sld [smem:$0x13];
	(tm) =	ssettm $0x1  }
0x97: {  	s17 =	sld [smem:$0x3FFB];
	_ =	sdelay $0x3  }
0x98: {  	_ =	strace s17  }
0x99: {  	s3 =	sld [smem:$0x3FFC];
	_ =	sdelay $0x3  }
0x9a: {  	_ =	strace s3  }
0x9b: {  	s3 =	sld [smem:$0x3FFD];
	_ =	sdelay $0x3  }
0x9c: {  	_ =	strace s3  }
0x9d: {  	_ =	strace $0x8FFFFFFF  }
0x9e: {  	s18 =	sld [smem:$0x3FDB];
	_ =	sdelay $0x1  }
0x9f: {  	s19 =	simm.s32 $_scs_section_size  }
0xa0: {  	s5 =	simm.s32 $_size__tile_overlayer_lowered;
	s6 =	simm.s32 $_tile_overlayer_lowered  }
0xa1: {  	s22 =	simm.s32 $0x1BFF;
	s21 =	sshll.u32 s6, $0x1;
	s3 =	sadd.s32 s19, s18  }
0xa2: {  	s7 =	simm.s32 $0x0;
	s20 =	sshll.u32 s5, $0x1;
	s5 =	sadd.s32 s21, s3  }
0xa3: {  	[timem:s7], [sflag:s22] =	dma.local [hbm:s5], s20  }
0xa4: {  	_ =	swait.ge [sflag:s22], s20  }
0xa5: {  	s4 =	ssub.s32 $0x0, s20;
	[sflag:s22] =	ssyncset.done $0x0  }
0xa6: {  	[sflag:s22] =	ssyncadd.s32 s4;
	_ =	sdelay $0x1  }
0xa7: {  	s23 =	simm.s32 $0x1B8B  }
0xa8: {  	_ =	swait.ge [sflag:s23], $0x1  }
0xa9: {  	[sflag:s23] =	ssyncset.done $0x0  }
0xaa: {  	s25 =	simm.s32 $0x1B8E;
	s24 =	sld [smem:$0x3FFE];
	[sflag:s23] =	ssyncadd.s32 $0xFFFFFFFF  }
0xab: {  	s26 =	simm.s32 $execute0_lowered;
	[smem:$0x3FD2] =	sst s25  }
0xac: {  	s5 =	sshll.u32 s26, $0x1;
	_ =	strace $0x8000004F;
	[dreg:$0x1] =	wrdreg $0xFFFFFFFF  }
0xad: {  	s28 =	simm.s32 $_size_execute0_lowered;
	s3 =	sadd.s32 s3, s5;
	[dreg:$0x0] =	wrdreg $0x0  }
0xae: {  	s5 =	sshll.u32 s28, $0x1;
	[dreg:$0x2] =	wrdreg s3  }
0xaf: {  	[dreg:$0x3] =	wrdreg s5  }
0xb0: {  	[dreg:$0x4] =	wrdreg $0xC0  }
0xb1: {  	_ =	task [dreg:s7], $0x5FFFF  }
0xb2: {  	[dreg:$0x1] =	wrdreg $0xFFFFFFFF  }
0xb3: {  	[dreg:$0x0] =	wrdreg $0x60  }
0xb4: {  	[dreg:$0x2] =	wrdreg s24  }
0xb5: {  	[dreg:$0x3] =	wrdreg s16  }
0xb6: {  	[dreg:$0x4] =	wrdreg $0xA8800  }
0xb7: {  	[dreg:$0x5] =	wrdreg $0x9  }
0xb8: {  	_ =	task.clear_ibuf [dreg:s7], $0x6FFFF;
	_ =	strace $0x9000004F  }
0xb9: {  	s29 =	simm.s32 $0x9;
	_ =	strace $0x80000051  }
0xba: {  	_ =	swait.ge [sflag:s29], $0x1  }
0xbb: {  	[sflag:s29] =	ssyncadd.s32 $0xFFFFFFFF  }
0xbc: {  	_ =	strace $0x90000051  }
0xbd: {  	_ =	sfence  }
0xbe: {  	s30 =	sld [smem:$0x0];
	_ =	sdelay $0x2  }
0xbf: {  	s31 =	sshll.u32 s1, $0xD;
	s1 =	sshrl.u32 s1, $0x2  }
0xc0: {  	s3 =	sand.u32 $0x4000, s31;
	s1 =	sadd.s32 s1, s30  }
0xc1: {  	s0 =	sor.u32 s3, s0;
	s1 =	sshll.u32 s1, $0x11  }
0xc2: {  	s0 =	sor.u32 s1, s0  }
0xc3: {  	s0 =	sadd.s32 $0x8F2B, s0  }
0xc4: {  	[sflag:s0] =	ssyncadd.remote.s32 $0x1  }
0xc5: {  	_ =	sfence.sel $0xFFFF  }
0xc6: {  	[dreg:$0x0] =	wrdreg $0xFFFFFFFF;
	(pc) =	sbr.abs _section_cstart, $3  }
0xc7: {  	[dreg:$0x1] =	wrdreg $0xFFFFFFFF  }
0xc8: {  	_ =	task.clear_ibuf [dreg:s7], $0x2FFFF;
	_ =	strace $0x9FFFFFFF  }
0xc9: {  	(tm) =	ssettm $0x7FFFFFFF  }
tec
execute0_lowered:
.L_overlay_start_1:
0x0: {  	(tag) =	ssettag $0x1  }
0x1: {  	s0 =	rddreg [dreg:$0x0]  }
0x2: {  	s2 =	rddreg [dreg:$0x2];
	s17 =	stileid.u32  }
0x3: {  	s1 =	srdreg.scid;
	s3 =	simm.s32 $0x0;
	s8 =	smul.u32 $0x280, s17  }
0x4: {  	s22 =	simm.s32 $0x3;
	s28 =	simm.s32 $0x1;
	s7 =	smul.u32 $0x50000, s17  }
0x5: {  	s29 =	simm.s32 $0x0;
	s1 =	sand.u32 $0x1, s1;
	s18 =	smul.u32 $0x2800, s17  }
0x6: {  	[smem:$0x7FF] =	sst s3;
	s5 =	sadd.s32 $0x2E00, s0;
	s4 =	smul.u32 $0x28000, s1  }
0x7: {  	_ =	strace $0x80000050;
	s23 =	ssub.s32 $0x2, s1;
	s1 =	sshll.u32 s1, $0x4  }
0x8: {  	s6 =	sshrl.u32 s23, $0x1;
	s1 =	sor.u32 s17, s1;
	s13 =	sadd.s32 $0x80, s8  }
0x9: {  	s24 =	sshrl.u32 s7, $0x2;
	s14 =	sadd.s32 $0x100, s8;
	s15 =	sadd.s32 $0x180, s8  }
0xa: {  	s16 =	sadd.s32 $0x200, s8;
	s17 =	simm.s32 $0x80;
	s0 =	sadd.s32 s4, s0  }
0xb: {  	s4 =	ssub.s32 s23, s6;
	s25 =	sshll.u32 s13, $0x7;
	s6 =	sadd.s32 s24, s2  }
0xc: {  	s9 =	sshll.u32 s14, $0x7;
	s1 =	smul.u32 $0x50, s1;
	s26 =	sshll.u32 s15, $0x7  }
0xd: {  	s10 =	sshll.u32 s16, $0x7;
	s19 =	sshll.u32 s13, $0x4;
	s20 =	sshll.u32 s14, $0x4  }
0xe: {  	s21 =	sshll.u32 s15, $0x4;
	s23 =	sshll.u32 s16, $0x4;
	s14 =	simm.s32 $0x2880  }
0xf: {  	s15 =	simm.s32 $0x4;
	s24 =	simm.s32 $0x2;
	s7 =	sadd.s32 s25, s2  }
0x10: {  	s8 =	sadd.s32 s9, s2;
	s9 =	sadd.s32 s26, s2;
	s10 =	sadd.s32 s10, s2  }
0x11: {  	s0 =	sadd.s32 $0x2AE00, s0;
	s4 =	smax.u32 s4, $0x1;
	s25 =	simm.s32 $0x2800  }
0x12: {  	s11 =	sadd.s32 $0xA00, s1;
	s26 =	sadd.s32 $0x28, s1;
	s12 =	sadd.s32 $0xA28, s1  }
0x13: {  	[dreg:$0x4] =	wrdreg s4;
	s30 =	sadd.s32 s18, s0;
	s31 =	sadd.s32 s19, s0  }
0x14: {  	v1 =	vlaneseq.u32;
	v3 =	vimm.f32 $0.0e+00;
	s20 =	sadd.s32 s20, s0;
	s21 =	sadd.s32 s21, s0;
	[dreg:$0x5] =	wrdreg s30  }
0x15: {  	v4 =	vadd.s32 $0xFFFFFFD8, v1;
	v0 =	vmov s1;
	s23 =	sadd.s32 s23, s0;
	[dreg:$0x6] =	wrdreg s31;
	v2 =	vmov s26;
	s26 =	simm.s32 $0x6880  }
.LBB2_1:
0x16: {  	s0 =	simm.s32 $0x0;
	s1 =	simm.s32 $0x200  }
.LBB2_2:
0x17: {  	p0 =	sne.s32 s1, $0xFE00;
	[tilespmem:s0+$0x28F0] =	vst v3  }
0x18: {  	[tilespmem:s0+$0x2880] =	vst v3  }
0x19: {  	[tilespmem:s0+$0x2890] =	vst v3  }
.Ltmp0:
0x1a: {  	[tilespmem:s0+$0x28A0] =	vst v3;
	(pc) =	sbr.rel @p0 .LBB2_2-.Ltmp0, $4  }
0x1b: {  	[tilespmem:s0+$0x28B0] =	vst v3  }
0x1c: {  	[tilespmem:s0+$0x28C0] =	vst v3  }
0x1d: {  	[tilespmem:s0+$0x28D0] =	vst v3  }
0x1e: {  	[tilespmem:s0+$0x28E0] =	vst v3;
	s0 =	sshra.s32 s1, $0x2;
	s1 =	sadd.s32 $0x200, s1  }
0x1f: {  	[tilespmem:s0+$0x28F0] =	vst v3  }
0x20: {  	[tilespmem:s0+$0x2880] =	vst v3  }
0x21: {  	[tilespmem:s0+$0x2890] =	vst v3  }
0x22: {  	[tilespmem:s0+$0x28A0] =	vst v3  }
0x23: {  	[tilespmem:s0+$0x28B0] =	vst v3  }
0x24: {  	[tilespmem:s0+$0x28C0] =	vst v3  }
0x25: {  	[tilespmem:s0+$0x28D0] =	vst v3  }
0x26: {  	[tilespmem:s0+$0x28E0] =	vst v3  }
0x27: {  	[spmem:s6] =	stream.linear.scatter [tilespmem:s14], [sflag:$0x4], $0x4000, $0x38;
	[tilespmem:$0x1E880] =	vst v63  }
0x28: {  	_ =	swait.ge [sflag:s15], $0x4000  }
0x29: {  	[sflag:s15] =	ssyncset.done $0x0  }
0x2a: {  	[sflag:s15] =	ssyncadd.s32 $0xFFFFC000  }
0x2b: {  	[spmem:s7] =	stream.linear.scatter [tilespmem:s14], [sflag:$0x4], $0x4000, $0x38;
	[tilespmem:$0x1E880] =	vst v63  }
0x2c: {  	_ =	swait.ge [sflag:s15], $0x4000  }
0x2d: {  	[sflag:s15] =	ssyncset.done $0x0  }
0x2e: {  	[sflag:s15] =	ssyncadd.s32 $0xFFFFC000  }
0x2f: {  	[spmem:s8] =	stream.linear.scatter [tilespmem:s14], [sflag:$0x4], $0x4000, $0x38;
	[tilespmem:$0x1E880] =	vst v63  }
0x30: {  	_ =	swait.ge [sflag:s15], $0x4000  }
0x31: {  	[sflag:s15] =	ssyncset.done $0x0  }
0x32: {  	[sflag:s15] =	ssyncadd.s32 $0xFFFFC000  }
0x33: {  	[spmem:s9] =	stream.linear.scatter [tilespmem:s14], [sflag:$0x4], $0x4000, $0x38;
	[tilespmem:$0x1E880] =	vst v63  }
0x34: {  	_ =	swait.ge [sflag:s15], $0x4000  }
0x35: {  	[sflag:s15] =	ssyncset.done $0x0  }
0x36: {  	[sflag:s15] =	ssyncadd.s32 $0xFFFFC000  }
0x37: {  	[spmem:s10] =	stream.linear.scatter [tilespmem:s14], [sflag:$0x4], $0x4000, $0x38;
	[tilespmem:$0x1E880] =	vst v63  }
0x38: {  	s0 =	simm.s32 $0x0;
	_ =	swait.ge [sflag:s15], $0x4000  }
0x39: {  	s1 =	sadd.s32 $0x0, s11;
	v5 =	vor.u32 s0, v1;
	[sflag:s15] =	ssyncset.done $0x0  }
0x3a: {  	v6 =	vadd.s32 s1, v4;
	vm0 =	vlt.u32 v5, $0x28;
	v5 =	vadd.s32 v0, v5;
	[sflag:s15] =	ssyncadd.s32 $0xFFFFC000  }
0x3b: {  	v5 =	vsel vm0, v5, v6;
	[bflag:$0x0] =	sbarrier.arrive $0xFFFF  }
0x3c: {  	s1 =	simm.s32 $0x10;
	[tilespmem:s0+$0x0] =	vst v5  }
.LBB2_4:
0x3d: {  	p0 =	sne.s32 s1, $0x40  }
.Ltmp1:
0x3e: {  	_ = 	snop;
	(pc) =	sbr.rel @p0 .LBB2_4-.Ltmp1, $4  }
0x3f: {  	v5 =	vor.u32 s1, v1;
	s4 =	sadd.s32 s11, s1  }
0x40: {  	vm0 =	vlt.u32 v5, $0x28;
	v5 =	vadd.s32 v0, v5;
	v6 =	vadd.s32 s4, v4  }
0x41: {  	s0 =	sadd.s32 $0x10, s0;
	v5 =	vsel vm0, v5, v6  }
0x42: {  	s1 =	sadd.s32 $0x10, s1;
	[tilespmem:s0+$0x0] =	vst v5  }
0x43: {  	s0 =	rddreg [dreg:$0x1];
	s1 =	simm.s32 $0x50  }
0x44: {  	[tilespmem:s17], [sflag:$0x3] =	stream.indirect.gather [hbm4b:s0+s1], $0x80, s3, s1, $0xb8;
	[tilespmem:$0x1E880] =	vst v63  }
0x45: {  	s13 =	simm.s32 $0x1;
	s16 =	simm.s32 $0x0;
	_ =	swait.ge [sflag:s22], $0x2800  }
0x46: {  	s4 =	simm.s32 $0x100;
	s0 =	sand.u32 $0x1, s13;
	[sflag:s22] =	ssyncset.done $0x0  }
0x47: {  	s1 =	sand.u32 $0x1, s16;
	s30 =	sshll.u32 s0, $0xE;
	[sflag:s22] =	ssyncadd.s32 $0xFFFFD800  }
0x48: {  	[tilespmem:s14], [sflag:$0x1] =	stream.indirect.gather [hbm4b:s5+s17], $0x80, s17, s17, $0xb8;
	[tilespmem:$0x1E880] =	vst v63  }
0x49: {  	s0 =	sadd.s32 $0x1, s0;
	s31 =	sadd.s32 $0x1, s1;
	s30 =	sor.u32 $0x2880, s30  }
0x4a: {  	[tilespmem:s30], [sflag:s0] =	stream.indirect.gather [hbm4b:s5+s17], $0x80, s4, s17, $0xb8;
	[tilespmem:$0x1E880] =	vst v63  }
0x4b: {  	s19 =	simm.s32 $0x1480;
	s18 =	sshll.u32 s1, $0xE;
	_ =	swait.ge [sflag:s31], $0x4000  }
0x4c: {  	s0 =	sor.u32 $0x2880, s18;
	s4 =	simm.s32 $0x3;
	[sflag:s31] =	ssyncset.done $0x0  }
0x4d: {  	s30 =	simm.s32 $0x1500;
	[sflag:s31] =	ssyncadd.s32 $0xFFFFC000;
	s31 =	simm.s32 $0x2  }
0x4e: {  	[spmem:s2] =	stream.indirect.scatter.add.f32 [tilespmem:s0], [sflag:$0x4], $0x80, s19, s17, $0xb8;
	[tilespmem:$0x1E880] =	vst v63  }
0x4f: {  	s1 =	sand.u32 $0x1, s31;
	s0 =	simm.s32 $0x180;
	_ =	swait.ge [sflag:s15], $0x4000  }
.LBB2_6:
0x50: {  	s16 =	sadd.s32 $0xFFFFFFFF, s31;
	s13 =	sshll.u32 s1, $0xE;
	[sflag:s15] =	ssyncset.done $0x0  }
0x51: {  	s31 =	smov.u32 s4;
	s18 =	smov.u32 s30;
	s1 =	sadd.s32 $0x1, s1  }
0x52: {  	p0 =	sne.s32 s4, $0x27;
	s16 =	sand.u32 $0x1, s16;
	s13 =	sor.u32 $0x2880, s13  }
0x53: {  	s19 =	sshll.u32 s16, $0xE;
	s16 =	sadd.s32 $0x1, s16;
	[sflag:s15] =	ssyncadd.s32 $0xFFFFC000  }
0x54: {  	[tilespmem:s13], [sflag:s1] =	stream.indirect.gather [hbm4b:s5+s17], $0x80, s0, s17, $0xb8;
	[tilespmem:$0x1E880] =	vst v63  }
.Ltmp2:
0x55: {  	s13 =	sadd.s32 $0x1, s4;
	_ =	swait.ge [sflag:s16], $0x4000;
	(pc) =	sbr.rel @p0 .LBB2_6-.Ltmp2, $4  }
0x56: {  	s0 =	sor.u32 $0x2880, s19;
	[sflag:s16] =	ssyncset.done $0x0  }
0x57: {  	s30 =	sadd.s32 $0x80, s30;
	s1 =	sand.u32 $0x1, s31;
	[sflag:s16] =	ssyncadd.s32 $0xFFFFC000  }
0x58: {  	[spmem:s2] =	stream.indirect.scatter.add.f32 [tilespmem:s0], [sflag:$0x4], $0x80, s18, s17, $0xb8;
	[tilespmem:$0x1E880] =	vst v63  }
0x59: {  	s4 =	smov.u32 s13;
	s0 =	sadd.s32 $0xFFFFEC80, s30;
	_ =	swait.ge [sflag:s15], $0x4000  }
0x5a: {  	s4 =	sadd.s32 $0xFFFFFFFF, s31;
	s13 =	sshll.u32 s1, $0xE  }
0x5b: {  	[sflag:s15] =	ssyncset.done $0x0;
	s18 =	sadd.s32 $0x1, s1;
	s4 =	sand.u32 $0x1, s4  }
0x5c: {  	s13 =	sor.u32 $0x2880, s13;
	[sflag:s15] =	ssyncadd.s32 $0xFFFFC000;
	s16 =	sadd.s32 $0x1, s4  }
0x5d: {  	[tilespmem:s13], [sflag:s18] =	stream.indirect.gather [hbm4b:s5+s17], $0x80, s0, s17, $0xb8;
	[tilespmem:$0x1E880] =	vst v63  }
0x5e: {  	_ =	swait.ge [sflag:s16], $0x4000  }
0x5f: {  	s19 =	sshll.u32 s4, $0xE;
	[sflag:s16] =	ssyncset.done $0x0  }
0x60: {  	s0 =	sor.u32 $0x2880, s19;
	[sflag:s16] =	ssyncadd.s32 $0xFFFFC000  }
0x61: {  	[spmem:s2] =	stream.indirect.scatter.add.f32 [tilespmem:s0], [sflag:$0x4], $0x80, s30, s17, $0xb8;
	[tilespmem:$0x1E880] =	vst v63  }
0x62: {  	_ =	swait.ge [sflag:s15], $0x4000  }
0x63: {  	[sflag:s15] =	ssyncset.done $0x0  }
0x64: {  	[sflag:s15] =	ssyncadd.s32 $0xFFFFC000  }
0x65: {  	[tilespmem:s14], [sflag:$0x1] =	stream.indirect.gather [hbm4b:s5+s17], $0x80, s17, s17, $0xb8;
	[tilespmem:$0x1E880] =	vst v63  }
0x66: {  	_ =	swait.ge [sflag:s24], $0x4000  }
0x67: {  	[sflag:s24] =	ssyncset.done $0x0  }
0x68: {  	[sflag:s24] =	ssyncadd.s32 $0xFFFFC000  }
0x69: {  	[spmem:s2] =	stream.indirect.scatter.add.f32 [tilespmem:s26], [sflag:$0x4], $0x80, s25, s17, $0xb8;
	[tilespmem:$0x1E880] =	vst v63  }
0x6a: {  	_ =	swait.ge [sflag:s15], $0x4000  }
0x6b: {  	[sflag:s15] =	ssyncset.done $0x0  }
0x6c: {  	s0 =	simm.s32 $0x0;
	[sflag:s15] =	ssyncadd.s32 $0xFFFFC000  }
0x6d: {  	s31 =	sadd.s32 $0x0, s12;
	v5 =	vor.u32 s0, v1;
	_ =	swait.ge [sflag:s28], $0x4000  }
0x6e: {  	v6 =	vadd.s32 s31, v4;
	vm0 =	vlt.u32 v5, $0x28;
	v5 =	vadd.s32 v2, v5;
	[sflag:s28] =	ssyncset.done $0x0  }
0x6f: {  	v5 =	vsel vm0, v5, v6;
	[sflag:s28] =	ssyncadd.s32 $0xFFFFC000  }
0x70: {  	s1 =	simm.s32 $0x10;
	[tilespmem:s0+$0x0] =	vst v5  }
.LBB2_8:
0x71: {  	p0 =	sne.s32 s1, $0x40  }
.Ltmp3:
0x72: {  	_ = 	snop;
	(pc) =	sbr.rel @p0 .LBB2_8-.Ltmp3, $4  }
0x73: {  	v5 =	vor.u32 s1, v1;
	s4 =	sadd.s32 s12, s1  }
0x74: {  	vm0 =	vlt.u32 v5, $0x28;
	v5 =	vadd.s32 v2, v5;
	v6 =	vadd.s32 s4, v4  }
0x75: {  	s0 =	sadd.s32 $0x10, s0;
	v5 =	vsel vm0, v5, v6  }
0x76: {  	s1 =	sadd.s32 $0x10, s1;
	[tilespmem:s0+$0x0] =	vst v5  }
0x77: {  	s0 =	rddreg [dreg:$0x1];
	s1 =	simm.s32 $0x50  }
0x78: {  	[tilespmem:s17], [sflag:$0x3] =	stream.indirect.gather [hbm4b:s0+s1], $0x80, s3, s1, $0xb8;
	[tilespmem:$0x1E880] =	vst v63  }
0x79: {  	s13 =	simm.s32 $0x1;
	s16 =	simm.s32 $0x0;
	_ =	swait.ge [sflag:s22], $0x2800  }
0x7a: {  	s4 =	simm.s32 $0x100;
	s0 =	sand.u32 $0x1, s13;
	[sflag:s22] =	ssyncset.done $0x0  }
0x7b: {  	s1 =	sand.u32 $0x1, s16;
	s13 =	sshll.u32 s0, $0xE;
	[sflag:s22] =	ssyncadd.s32 $0xFFFFD800  }
0x7c: {  	[tilespmem:s14], [sflag:$0x1] =	stream.indirect.gather [hbm4b:s5+s17], $0x80, s17, s17, $0xb8;
	[tilespmem:$0x1E880] =	vst v63  }
0x7d: {  	s0 =	sadd.s32 $0x1, s0;
	s16 =	sadd.s32 $0x1, s1;
	s13 =	sor.u32 $0x2880, s13  }
0x7e: {  	[tilespmem:s13], [sflag:s0] =	stream.indirect.gather [hbm4b:s5+s17], $0x80, s4, s17, $0xb8;
	[tilespmem:$0x1E880] =	vst v63  }
0x7f: {  	s19 =	simm.s32 $0x1480;
	s31 =	simm.s32 $0x2;
	_ =	swait.ge [sflag:s16], $0x4000  }
0x80: {  	s30 =	simm.s32 $0x1500;
	s18 =	sshll.u32 s1, $0xE;
	[sflag:s16] =	ssyncset.done $0x0  }
0x81: {  	s1 =	sand.u32 $0x1, s31;
	s0 =	sor.u32 $0x2880, s18;
	[sflag:s16] =	ssyncadd.s32 $0xFFFFC000  }
0x82: {  	[spmem:s2] =	stream.indirect.scatter.add.f32 [tilespmem:s0], [sflag:$0x4], $0x80, s19, s17, $0xb8;
	[tilespmem:$0x1E880] =	vst v63  }
0x83: {  	s4 =	simm.s32 $0x3;
	s0 =	simm.s32 $0x180;
	_ =	swait.ge [sflag:s15], $0x4000  }
.LBB2_10:
0x84: {  	s13 =	sadd.s32 $0xFFFFFFFF, s31;
	s16 =	sshll.u32 s1, $0xE;
	[sflag:s15] =	ssyncset.done $0x0  }
0x85: {  	s31 =	smov.u32 s4;
	s18 =	smov.u32 s30;
	s1 =	sadd.s32 $0x1, s1  }
0x86: {  	p0 =	sne.s32 s4, $0x27;
	s13 =	sand.u32 $0x1, s13;
	s16 =	sor.u32 $0x2880, s16  }
0x87: {  	s19 =	sshll.u32 s13, $0xE;
	s13 =	sadd.s32 $0x1, s13;
	[sflag:s15] =	ssyncadd.s32 $0xFFFFC000  }
0x88: {  	[tilespmem:s16], [sflag:s1] =	stream.indirect.gather [hbm4b:s5+s17], $0x80, s0, s17, $0xb8;
	[tilespmem:$0x1E880] =	vst v63  }
.Ltmp4:
0x89: {  	s16 =	sadd.s32 $0x1, s4;
	_ =	swait.ge [sflag:s13], $0x4000;
	(pc) =	sbr.rel @p0 .LBB2_10-.Ltmp4, $4  }
0x8a: {  	s0 =	sor.u32 $0x2880, s19;
	[sflag:s13] =	ssyncset.done $0x0  }
0x8b: {  	s30 =	sadd.s32 $0x80, s30;
	s1 =	sand.u32 $0x1, s31;
	[sflag:s13] =	ssyncadd.s32 $0xFFFFC000  }
0x8c: {  	[spmem:s2] =	stream.indirect.scatter.add.f32 [tilespmem:s0], [sflag:$0x4], $0x80, s18, s17, $0xb8;
	[tilespmem:$0x1E880] =	vst v63  }
0x8d: {  	s4 =	smov.u32 s16;
	s0 =	sadd.s32 $0xFFFFEC80, s30;
	_ =	swait.ge [sflag:s15], $0x4000  }
0x8e: {  	s4 =	sshll.u32 s1, $0xE;
	[sflag:s15] =	ssyncset.done $0x0;
	s13 =	sadd.s32 $0x1, s1  }
0x8f: {  	s16 =	sadd.s32 $0xFFFFFFFF, s31;
	s4 =	sor.u32 $0x2880, s4;
	[sflag:s15] =	ssyncadd.s32 $0xFFFFC000  }
0x90: {  	[tilespmem:s4], [sflag:s13] =	stream.indirect.gather [hbm4b:s5+s17], $0x80, s0, s17, $0xb8;
	[tilespmem:$0x1E880] =	vst v63  }
0x91: {  	s0 =	sand.u32 $0x1, s16  }
0x92: {  	s18 =	sadd.s32 $0x1, s0  }
0x93: {  	_ =	swait.ge [sflag:s18], $0x4000  }
0x94: {  	s0 =	sshll.u32 s0, $0xE;
	[sflag:s18] =	ssyncset.done $0x0  }
0x95: {  	s0 =	sor.u32 $0x2880, s0;
	[sflag:s18] =	ssyncadd.s32 $0xFFFFC000  }
0x96: {  	[spmem:s2] =	stream.indirect.scatter.add.f32 [tilespmem:s0], [sflag:$0x4], $0x80, s30, s17, $0xb8;
	[tilespmem:$0x1E880] =	vst v63  }
0x97: {  	_ =	swait.ge [sflag:s15], $0x4000  }
0x98: {  	[sflag:s15] =	ssyncset.done $0x0  }
0x99: {  	[sflag:s15] =	ssyncadd.s32 $0xFFFFC000  }
0x9a: {  	[tilespmem:s14], [sflag:$0x1] =	stream.indirect.gather [hbm4b:s5+s17], $0x80, s17, s17, $0xb8;
	[tilespmem:$0x1E880] =	vst v63  }
0x9b: {  	_ =	swait.ge [sflag:s24], $0x4000  }
0x9c: {  	[sflag:s24] =	ssyncset.done $0x0  }
0x9d: {  	[sflag:s24] =	ssyncadd.s32 $0xFFFFC000  }
0x9e: {  	[spmem:s2] =	stream.indirect.scatter.add.f32 [tilespmem:s26], [sflag:$0x4], $0x80, s25, s17, $0xb8;
	[tilespmem:$0x1E880] =	vst v63  }
0x9f: {  	_ =	swait.ge [sflag:s15], $0x4000  }
0xa0: {  	[sflag:s15] =	ssyncset.done $0x0  }
0xa1: {  	[sflag:s15] =	ssyncadd.s32 $0xFFFFC000  }
0xa2: {  	_ =	swait.ge [sflag:s28], $0x4000  }
0xa3: {  	[sflag:s28] =	ssyncset.done $0x0  }
0xa4: {  	[sflag:s28] =	ssyncadd.s32 $0xFFFFC000  }
0xa5: {  	[bflag:$0x0] =	sbarrier.arrive $0xFFFF  }
0xa6: {  	[tilespmem:s14], [sflag:$0x4] =	stream.linear.gather [spmem:s6], $0x4000, $0x38;
	[tilespmem:$0x1E880] =	vst v63  }
0xa7: {  	_ =	swait.ge [sflag:s15], $0x4000  }
0xa8: {  	[sflag:s15] =	ssyncset.done $0x0  }
0xa9: {  	s19 =	rddreg [dreg:$0x5];
	[sflag:s15] =	ssyncadd.s32 $0xFFFFC000  }
0xaa: {  	[hbm4b:s19+s3] =	stream.linear.scatter [tilespmem:s14], [sflag:$0x4], $0x4000, $0x38;
	[tilespmem:$0x1E880] =	vst v63  }
0xab: {  	_ =	swait.ge [sflag:s15], $0x4000  }
0xac: {  	[sflag:s15] =	ssyncset.done $0x0  }
0xad: {  	[sflag:s15] =	ssyncadd.s32 $0xFFFFC000  }
0xae: {  	[tilespmem:s26], [sflag:$0x4] =	stream.linear.gather [spmem:s7], $0x4000, $0x38;
	[tilespmem:$0x1E880] =	vst v63  }
0xaf: {  	_ =	swait.ge [sflag:s15], $0x4000  }
0xb0: {  	[sflag:s15] =	ssyncset.done $0x0  }
0xb1: {  	s30 =	rddreg [dreg:$0x6];
	[sflag:s15] =	ssyncadd.s32 $0xFFFFC000  }
0xb2: {  	[hbm4b:s30+s3] =	stream.linear.scatter [tilespmem:s26], [sflag:$0x4], $0x4000, $0x38;
	[tilespmem:$0x1E880] =	vst v63  }
0xb3: {  	_ =	swait.ge [sflag:s15], $0x4000  }
0xb4: {  	[sflag:s15] =	ssyncset.done $0x0  }
0xb5: {  	[sflag:s15] =	ssyncadd.s32 $0xFFFFC000  }
0xb6: {  	[tilespmem:s14], [sflag:$0x4] =	stream.linear.gather [spmem:s8], $0x4000, $0x38;
	[tilespmem:$0x1E880] =	vst v63  }
0xb7: {  	_ =	swait.ge [sflag:s15], $0x4000  }
0xb8: {  	[sflag:s15] =	ssyncset.done $0x0  }
0xb9: {  	[sflag:s15] =	ssyncadd.s32 $0xFFFFC000  }
0xba: {  	[hbm4b:s20+s3] =	stream.linear.scatter [tilespmem:s14], [sflag:$0x4], $0x4000, $0x38;
	[tilespmem:$0x1E880] =	vst v63  }
0xbb: {  	_ =	swait.ge [sflag:s15], $0x4000  }
0xbc: {  	[sflag:s15] =	ssyncset.done $0x0  }
0xbd: {  	[sflag:s15] =	ssyncadd.s32 $0xFFFFC000  }
0xbe: {  	[tilespmem:s26], [sflag:$0x4] =	stream.linear.gather [spmem:s9], $0x4000, $0x38;
	[tilespmem:$0x1E880] =	vst v63  }
0xbf: {  	_ =	swait.ge [sflag:s15], $0x4000  }
0xc0: {  	[sflag:s15] =	ssyncset.done $0x0  }
0xc1: {  	[sflag:s15] =	ssyncadd.s32 $0xFFFFC000  }
0xc2: {  	[hbm4b:s21+s3] =	stream.linear.scatter [tilespmem:s26], [sflag:$0x4], $0x4000, $0x38;
	[tilespmem:$0x1E880] =	vst v63  }
0xc3: {  	_ =	swait.ge [sflag:s15], $0x4000  }
0xc4: {  	[sflag:s15] =	ssyncset.done $0x0  }
0xc5: {  	[sflag:s15] =	ssyncadd.s32 $0xFFFFC000  }
0xc6: {  	[tilespmem:s14], [sflag:$0x4] =	stream.linear.gather [spmem:s10], $0x4000, $0x38;
	[tilespmem:$0x1E880] =	vst v63  }
0xc7: {  	_ =	swait.ge [sflag:s15], $0x4000  }
0xc8: {  	[sflag:s15] =	ssyncset.done $0x0  }
0xc9: {  	[sflag:s15] =	ssyncadd.s32 $0xFFFFC000  }
0xca: {  	[hbm4b:s23+s3] =	stream.linear.scatter [tilespmem:s14], [sflag:$0x4], $0x4000, $0x38;
	[tilespmem:$0x1E880] =	vst v63  }
0xcb: {  	_ =	swait.ge [sflag:s15], $0x4000  }
0xcc: {  	s29 =	sadd.s32 $0x1, s29;
	s31 =	rddreg [dreg:$0x4]  }
0xcd: {  	p0 =	sne.s32 s29, s31  }
.Ltmp5:
0xce: {  	_ = 	snop;
	(pc) =	sbr.rel @p0 .LBB2_1-.Ltmp5, $3  }
0xcf: {  	_ =	sdelay $0x1  }
0xd0: {  	[sflag:s15] =	ssyncset.done $0x0  }
0xd1: {  	[sflag:s15] =	ssyncadd.s32 $0xFFFFC000  }
0xd2: {  	_ =	sfence.sel $0x180000  }
0xd3: {  	[bflag:$0x0] =	sbarrier.arrive $0xFFFF  }
0xd4: {  	_ =	strace $0x90000050  }
0xd5: {  	s0 =	stileid.u32;
	[bflag:$0x2] =	sbarrier.arrive $0xFFFF  }
0xd6: {  	p0 =	sne.s32 s0, $0x0;
	s0 =	rddreg [dreg:$0x3]  }
0xd7: {  	s0 =	sadd.s32 @!p0 $0x100000, s0  }
0xd8: {  	[sflag:s0] =	ssyncadd.tile.s32 @!p0 $0x1;
	_ =	shalt  }
.Lfunc_end2:
_tile_overlayer_lowered:
.L_overlay_start_2:
0xd9: {  	(tag) =	ssettag $0x2  }
0xda: {  	s0 =	rddreg [dreg:$0x0];
	s2 =	stileid.u32  }
0xdb: {  	s1 =	rddreg [dreg:$0x1];
	p0 =	sne.s32 s2, $0x0  }
0xdc: {  	s3 =	rddreg [dreg:$0x2];
	[bflag:$0x3] =	sbarrier.arrive $0xFFFF;
	s2 =	simm.s32 @!p0 $0x1C04  }
0xdd: {  	[timem:s3], [sflag:s2] =	dma.local @!p0 [hbm:s0], s1  }
0xde: {  	s0 =	simm.s32 @!p0 $0x4  }
0xdf: {  	_ =	swait.ge @!p0 [sflag:s0], s1  }
0xe0: {  	s1 =	ssub.s32 @!p0 $0x0, s1;
	[sflag:s0] =	ssyncset.done @!p0 $0x0  }
0xe1: {  	[sflag:s0] =	ssyncadd.s32 @!p0 s1  }
0xe2: {  	[bflag:$0x3] =	sbarrier.arrive $0xFFFF  }
0xe3: {  	_ =	shalt  }

</sc_bundles>
